<compile_context>
chip_gen: v7x
topology: tpu7x:2x2x1
jax: 0.10.2.dev20260603
libtpu: 0.0.44.dev20260713+nightly
codegen_flags: <defaults>
</compile_context>

<pallas_src>
import functools

import jax
import jax.numpy as jnp
from jax import lax
from jax.experimental import pallas as pl
from jax.experimental.pallas import tpu as pltpu
from jax.experimental.pallas import tpu_sc as plsc

N = 10000
NF = 128
H = 64
G = 64
OUT = 1
NC = 2
NS = 16
NW = NC * NS
CH = 128
K = 80
EP = NW * K * CH
NP = 10240
DUMMY = N
RPW = NP // NS

_mesh = plsc.VectorSubcoreMesh(
    core_axis_name="c", subcore_axis_name="s", num_cores=NC, num_subcores=NS
)


@functools.partial(
    pl.kernel,
    out_type=jax.ShapeDtypeStruct((NC, NP, 16), jnp.float32),
    mesh=_mesh,
    compiler_params=pltpu.CompilerParams(use_tc_tiling_on_sc=False),
    scratch_types=[
        pltpu.VMEM((K, CH), jnp.int32),
        pltpu.VMEM((CH, 16), jnp.float32),
        pltpu.SemaphoreType.DMA((4,)),
        pltpu.VMEM_SHARED((NP, 16), jnp.float32),
    ],
)
def _sc_degree(ei_hbm, ones_hbm, zero_hbm, deg_out, dst_v, ones_v, ss, acc_s):
    cid = lax.axis_index("c")
    sid = lax.axis_index("s")
    wid = sid * NC + cid

    base = sid * RPW
    pltpu.sync_copy(ones_hbm, ones_v)
    pltpu.sync_copy(zero_hbm.at[pl.ds(base, RPW)], acc_s.at[pl.ds(base, RPW)])
    plsc.subcore_barrier()

    pltpu.sync_copy(ei_hbm.at[1, wid], dst_v)

    for b in range(4):
        pltpu.async_copy(ones_v, acc_s.at[dst_v.at[b]], ss.at[b], add=True)

    def _step(i, carry):
        k0 = i * 4
        for b in range(4):
            k = k0 + b
            pltpu.make_async_copy(ones_v, acc_s.at[dst_v.at[k]],
                                  ss.at[b]).wait()

            @pl.when(k + 4 < K)
            def _():
                pltpu.async_copy(ones_v, acc_s.at[dst_v.at[k + 4]], ss.at[b],
                                 add=True)
        return carry

    lax.fori_loop(0, K // 4, _step, 0)
    plsc.subcore_barrier()
    pltpu.sync_copy(acc_s.at[pl.ds(base, RPW)],
                    deg_out.at[cid, pl.ds(base, RPW)])


@functools.partial(
    pl.kernel,
    out_type=jax.ShapeDtypeStruct((NC, NP, H), jnp.float32),
    mesh=_mesh,
    compiler_params=pltpu.CompilerParams(use_tc_tiling_on_sc=False),
    scratch_types=[
        pltpu.VMEM((K, CH), jnp.int32),
        pltpu.VMEM((K, CH), jnp.int32),
        pltpu.VMEM((8, CH, H), jnp.float32),
        pltpu.SemaphoreType.DMA((8,)),
        pltpu.SemaphoreType.DMA((8,)),
        pltpu.VMEM_SHARED((NP, H), jnp.float32),
    ],
)
def _sc_scatter(g_hbm, ei_hbm, zero_hbm, acc_out, src_v, dst_v,
                bufs, gs, ss, acc_s):
    cid = lax.axis_index("c")
    sid = lax.axis_index("s")
    wid = sid * NC + cid
    nbuf = 8
    look = 6

    base = sid * RPW
    pltpu.sync_copy(zero_hbm.at[pl.ds(base, RPW)], acc_s.at[pl.ds(base, RPW)])
    plsc.subcore_barrier()

    pltpu.sync_copy(ei_hbm.at[0, wid], src_v)
    pltpu.sync_copy(ei_hbm.at[1, wid], dst_v)

    for b in range(look):
        pltpu.async_copy(g_hbm.at[src_v.at[b]], bufs.at[b], gs.at[b])

    def _step(i, carry):
        k0 = i * nbuf
        for b in range(nbuf):
            k = k0 + b
            c = (b + look) % nbuf

            @pl.when(k + look < K)
            def _():
                @pl.when(k + look >= nbuf)
                def _():
                    pltpu.make_async_copy(
                        bufs.at[c], acc_s.at[dst_v.at[k]], ss.at[c]).wait()
                pltpu.async_copy(g_hbm.at[src_v.at[k + look]], bufs.at[c],
                                 gs.at[c])

            pltpu.make_async_copy(g_hbm.at[src_v.at[k]], bufs.at[b],
                                  gs.at[b]).wait()
            pltpu.async_copy(bufs.at[b], acc_s.at[dst_v.at[k]], ss.at[b],
                             add=True)
        return carry

    lax.fori_loop(0, K // nbuf, _step, 0)

    for b in range(nbuf):
        pltpu.make_async_copy(bufs.at[b], acc_s.at[dst_v.at[K - nbuf + b]],
                              ss.at[b]).wait()
    plsc.subcore_barrier()

    pltpu.sync_copy(acc_s.at[pl.ds(base, RPW)],
                    acc_out.at[cid, pl.ds(base, RPW)])


def _tc_prep_body(x_ref, w1_ref, degp_ref, g1_ref, dinv_ref):
    deg = degp_ref[0, :, 0:1] + degp_ref[1, :, 0:1] + 1.0
    dinv = jnp.broadcast_to(lax.rsqrt(jnp.maximum(deg, 1.0)), (NP, H))
    dinv_ref[...] = dinv
    h1 = jnp.dot(x_ref[...], w1_ref[...], preferred_element_type=jnp.float32)
    g1_ref[0:N, :] = h1 * dinv[0:N]
    g1_ref[N:NP, :] = jnp.zeros((NP - N, H), jnp.float32)


def _bn_relu(accp, g, dinv, b, bn_g, bn_b):
    s = (accp[0] + accp[1] + g) * dinv + b
    rows = lax.broadcasted_iota(jnp.int32, (NP, 1), 0)
    valid = rows < N
    sv = jnp.where(valid, s, 0.0)
    mean = jnp.sum(sv, axis=0, keepdims=True) * (1.0 / N)
    d = jnp.where(valid, s - mean, 0.0)
    var = jnp.sum(d * d, axis=0, keepdims=True) * (1.0 / N)
    y = d * lax.rsqrt(var + 1e-5) * bn_g + jnp.where(valid, bn_b, 0.0)
    return jnp.maximum(y, 0.0)


def _tc_mid_body(accp_ref, g1_ref, dinv_ref, b1_ref, bng_ref, bnb_ref, w2_ref,
                 g2_ref):
    dinv = dinv_ref[...]
    y = _bn_relu(accp_ref[...], g1_ref[...], dinv, b1_ref[...], bng_ref[...],
                 bnb_ref[...])
    h2 = jnp.dot(y, w2_ref[...], preferred_element_type=jnp.float32)
    g2_ref[...] = h2 * dinv


def _tc_final_body(accp_ref, g2_ref, dinv_ref, b2_ref, bng_ref, bnb_ref,
                   batch_ref, f1w_ref, f1b_ref, f2w_ref, f2b_ref, out_ref):
    y = _bn_relu(accp_ref[...], g2_ref[...], dinv_ref[...], b2_ref[...],
                 bng_ref[...], bnb_ref[...])
    gid = lax.broadcasted_iota(jnp.int32, (G, NP), 0)
    p = (gid == batch_ref[...]).astype(jnp.float32)
    sums = jnp.dot(p, y, preferred_element_type=jnp.float32)
    cnts = jnp.sum(p, axis=1, keepdims=True)
    pooled = sums / jnp.maximum(cnts, 1.0)
    z = jnp.maximum(
        jnp.dot(pooled, f1w_ref[...], preferred_element_type=jnp.float32)
        + f1b_ref[...], 0.0)
    out_ref[...] = (
        jnp.dot(z, f2w_ref[...], preferred_element_type=jnp.float32)
        + f2b_ref[...])


_tc_prep = pl.pallas_call(
    _tc_prep_body,
    out_shape=[
        jax.ShapeDtypeStruct((NP, H), jnp.float32),
        jax.ShapeDtypeStruct((NP, H), jnp.float32),
    ],
)

_tc_mid = pl.pallas_call(
    _tc_mid_body,
    out_shape=jax.ShapeDtypeStruct((NP, H), jnp.float32),
)

_tc_final = pl.pallas_call(
    _tc_final_body,
    out_shape=jax.ShapeDtypeStruct((G, OUT), jnp.float32),
)


@jax.jit
def kernel(x, edge_index, batch, W1, b1, W2, b2, bn1_g, bn1_b, bn2_g, bn2_b,
           fc1_W, fc1_b, fc2_W, fc2_b):
    e = edge_index.shape[1]
    pad = EP - e
    padv = DUMMY + (jnp.arange(pad, dtype=jnp.int32) % (NP - N))
    ei = jnp.concatenate(
        [edge_index, jnp.broadcast_to(padv, (2, pad))],
        axis=1).reshape(2, NW, K, CH)
    batchp = jnp.concatenate(
        [batch, jnp.full((NP - N,), G, jnp.int32)]).reshape(1, NP)
    zero_h = jnp.zeros((NP, H), jnp.float32)
    zero_16 = jnp.zeros((NP, 16), jnp.float32)
    ones_16 = jnp.ones((CH, 16), jnp.float32)

    degp = _sc_degree(ei, ones_16, zero_16)
    g1, dinv = _tc_prep(x, W1, degp)
    accp1 = _sc_scatter(g1, ei, zero_h)
    g2 = _tc_mid(accp1, g1, dinv, b1.reshape(1, H), bn1_g.reshape(1, H),
                 bn1_b.reshape(1, H), W2)
    accp2 = _sc_scatter(g2, ei, zero_h)
    return _tc_final(accp2, g2, dinv, b2.reshape(1, H), bn2_g.reshape(1, H),
                     bn2_b.reshape(1, H), batchp, fc1_W,
                     fc1_b.reshape(1, H // 2), fc2_W, fc2_b.reshape(1, OUT))

# --- scband reference (transcript-rebuilt; emitter-appended) ---
"""Pipeline reference for scband-reaction-gcn-62732292326003 (READ-ONLY COPY).

The authoritative reference and input builder live on the scoring server;
editing this copy changes nothing except your own understanding.
"""

import jax, jax.numpy as jnp
import numpy as np

N = 10000
E = 320000
NF = 128
H = 64
OUT = 1
G = 64


def setup_inputs(seed: int = 0) -> dict:
    key = jax.random.key(seed)
    ks = jax.random.split(key, 16)
    x = jax.random.normal(ks[0], (N, NF), dtype=jnp.float32)
    edge_index = jax.random.randint(ks[1], (2, E), 0, N, dtype=jnp.int32)
    batch = jnp.sort(jax.random.randint(ks[2], (N,), 0, G, dtype=jnp.int32))
    W1 = jax.random.normal(ks[3], (NF, H), dtype=jnp.float32) * 0.05
    b1 = jnp.zeros((H,), dtype=jnp.float32)
    W2 = jax.random.normal(ks[4], (H, H), dtype=jnp.float32) * 0.05
    b2 = jnp.zeros((H,), dtype=jnp.float32)
    bn1_g = jnp.ones((H,), dtype=jnp.float32)
    bn1_b = jnp.zeros((H,), dtype=jnp.float32)
    bn2_g = jnp.ones((H,), dtype=jnp.float32)
    bn2_b = jnp.zeros((H,), dtype=jnp.float32)
    fc1_W = jax.random.normal(ks[5], (H, H // 2), dtype=jnp.float32) * 0.05
    fc1_b = jnp.zeros((H // 2,), dtype=jnp.float32)
    fc2_W = jax.random.normal(ks[6], (H // 2, OUT), dtype=jnp.float32) * 0.05
    fc2_b = jnp.zeros((OUT,), dtype=jnp.float32)
    return {"x": x, "edge_index": edge_index, "batch": batch,
            "W1": W1, "b1": b1, "W2": W2, "b2": b2,
            "bn1_g": bn1_g, "bn1_b": bn1_b, "bn2_g": bn2_g, "bn2_b": bn2_b,
            "fc1_W": fc1_W, "fc1_b": fc1_b, "fc2_W": fc2_W, "fc2_b": fc2_b}


def _gcn_conv(x, src, dst, W, b):
    # PyG GCNConv: symmetric normalization with self-loops (added by caller)
    h = x @ W
    deg = jax.ops.segment_sum(jnp.ones_like(dst, dtype=h.dtype), dst, num_segments=N)
    dinv = jax.lax.rsqrt(jnp.clip(deg, 1.0))
    norm = dinv[src] * dinv[dst]
    msg = h[src] * norm[:, None]
    out = jax.ops.segment_sum(msg, dst, num_segments=N)
    return out + b


def _batch_norm(x, g, b):
    mean = jnp.mean(x, axis=0)
    var = jnp.var(x, axis=0)
    return (x - mean) * jax.lax.rsqrt(var + 1e-5) * g + b


def reference(x, edge_index, batch, W1, b1, W2, b2, bn1_g, bn1_b, bn2_g, bn2_b, fc1_W, fc1_b, fc2_W, fc2_b):
    loops = jnp.arange(N, dtype=edge_index.dtype)
    src = jnp.concatenate([edge_index[0], loops])
    dst = jnp.concatenate([edge_index[1], loops])
    h = _gcn_conv(x, src, dst, W1, b1)
    h = jax.nn.relu(_batch_norm(h, bn1_g, bn1_b))
    # dropout is identity in eval / deterministic reference
    h = _gcn_conv(h, src, dst, W2, b2)
    h = jax.nn.relu(_batch_norm(h, bn2_g, bn2_b))
    sums = jax.ops.segment_sum(h, batch, num_segments=G)
    cnts = jax.ops.segment_sum(jnp.ones((N,), h.dtype), batch, num_segments=G)
    pooled = sums / jnp.clip(cnts, 1.0)[:, None]
    z = jax.nn.relu(pooled @ fc1_W + fc1_b)
    return z @ fc2_W + fc2_b

if __name__ == "__main__":
    import jax
    _d = setup_inputs()
    print(jax.jit(kernel)(*tuple(_d.values())))

</pallas_src>

<mosaic_0001>
#map = affine_map<(d0, d1) -> (0, 0, 0, 0)>
#map1 = affine_map<(d0, d1) -> (0, 0)>
#map2 = affine_map<(d0, d1) -> (0, 0, 0)>
module attributes {stable_mosaic.version = 14 : i64} {
  func.func @_sc_degree(%arg0: i32, %arg1: i32, %arg2: memref<2x32x80x128xi32, #tpu.memory_space<hbm>>, %arg3: memref<128x16xf32, #tpu.memory_space<hbm>>, %arg4: memref<10240x16xf32, #tpu.memory_space<hbm>>, %arg5: memref<2x10240x16xf32, #tpu.memory_space<hbm>>, %arg6: memref<80x128xi32, #tpu.memory_space<vmem>>, %arg7: memref<128x16xf32, #tpu.memory_space<vmem>>, %arg8: memref<4x!tpu.dma_semaphore, #tpu.memory_space<semaphore_mem>>, %arg9: memref<10240x16xf32, #tpu.memory_space<vmem_shared>>) attributes {dimension_semantics = [#tpu.dimension_semantics<core_parallel>, #tpu.dimension_semantics<subcore_parallel>], iteration_bounds = array<i64: 2, 16>, scalar_prefetch = 0 : i64, scratch_operands = 4 : i64, tpu.core_type = #tpu.core_type<sc_vector_subcore>, window_params = [{transform_indices = #map}, {transform_indices = #map1}, {transform_indices = #map1}, {transform_indices = #map2}]} {
    %mul3A = arith.constant 2 : i32
    %mul3A_0 = arith.muli %arg1, %mul3A : i32
    %add3A = arith.addi %mul3A_0, %arg0 : i32
    %mul3A_1 = arith.constant 640 : i32
    %mul3A_2 = arith.muli %arg1, %mul3A_1 : i32
    "tpu.region"() ({
      %run_scoped3A_48 = tpu.sem_alloc : memref<!tpu.dma_semaphore, #tpu.memory_space<semaphore_mem>>
      tpu.enqueue_dma source(%arg3 : memref<128x16xf32, #tpu.memory_space<hbm>>) target(%arg7 : memref<128x16xf32, #tpu.memory_space<vmem>>) target_semaphore(%run_scoped3A_48 : memref<!tpu.dma_semaphore, #tpu.memory_space<semaphore_mem>>)
      tpu.wait_dma2 semaphore(%run_scoped3A_48 : memref<!tpu.dma_semaphore, #tpu.memory_space<semaphore_mem>>) src(%arg3 : memref<128x16xf32, #tpu.memory_space<hbm>>) dst(%arg7 : memref<128x16xf32, #tpu.memory_space<vmem>>)
      tpu.yield
    }) : () -> ()
    "tpu.region"() ({
      %run_scoped3A_48 = tpu.sem_alloc : memref<!tpu.dma_semaphore, #tpu.memory_space<semaphore_mem>>
      %dma_start3A_49 = arith.constant 0 : i32
      %dma_start3A_50 = tpu.memref_slice %arg9[%mul3A_2, %dma_start3A_49] : memref<10240x16xf32, #tpu.memory_space<vmem_shared>> -> memref<640x16xf32, #tpu.memory_space<vmem_shared>>
      %dma_start3A_51 = arith.constant 0 : i32
      %dma_start3A_52 = tpu.memref_slice %arg4[%mul3A_2, %dma_start3A_51] : memref<10240x16xf32, #tpu.memory_space<hbm>> -> memref<640x16xf32, #tpu.memory_space<hbm>>
      tpu.enqueue_dma source(%dma_start3A_52 : memref<640x16xf32, #tpu.memory_space<hbm>>) target(%dma_start3A_50 : memref<640x16xf32, #tpu.memory_space<vmem_shared>>) target_semaphore(%run_scoped3A_48 : memref<!tpu.dma_semaphore, #tpu.memory_space<semaphore_mem>>)
      %dma_wait3A = arith.constant 0 : i32
      %dma_wait3A_53 = tpu.memref_slice %arg9[%mul3A_2, %dma_wait3A] : memref<10240x16xf32, #tpu.memory_space<vmem_shared>> -> memref<640x16xf32, #tpu.memory_space<vmem_shared>>
      %dma_wait3A_54 = arith.constant 0 : i32
      %dma_wait3A_55 = tpu.memref_slice %arg4[%mul3A_2, %dma_wait3A_54] : memref<10240x16xf32, #tpu.memory_space<hbm>> -> memref<640x16xf32, #tpu.memory_space<hbm>>
      tpu.wait_dma2 semaphore(%run_scoped3A_48 : memref<!tpu.dma_semaphore, #tpu.memory_space<semaphore_mem>>) src(%dma_wait3A_55 : memref<640x16xf32, #tpu.memory_space<hbm>>) dst(%dma_wait3A_53 : memref<640x16xf32, #tpu.memory_space<vmem_shared>>)
      tpu.yield
    }) : () -> ()
    %barrier3A = arith.constant 0 : index
    tpu.barrier barrier_id(%barrier3A)
    %run_scoped3A = arith.constant 1 : i32
    "tpu.region"() ({
      %run_scoped3A_48 = tpu.sem_alloc : memref<!tpu.dma_semaphore, #tpu.memory_space<semaphore_mem>>
      %dma_start3A_49 = arith.constant 0 : i32
      %dma_start3A_50 = arith.constant 0 : i32
      %dma_start3A_51 = tpu.memref_slice %arg2[%run_scoped3A, %add3A, %dma_start3A_49, %dma_start3A_50] : memref<2x32x80x128xi32, #tpu.memory_space<hbm>> -> memref<1x1x80x128xi32, #tpu.memory_space<hbm>>
      %dma_start3A_52 = tpu.memref_squeeze %dma_start3A_51 : memref<1x1x80x128xi32, #tpu.memory_space<hbm>> -> memref<80x128xi32, #tpu.memory_space<hbm>>
      %dma_start3A_53 = arith.constant 0 : i32
      %dma_start3A_54 = arith.constant 0 : i32
      %dma_start3A_55 = tpu.memref_slice %arg2[%run_scoped3A, %add3A, %dma_start3A_53, %dma_start3A_54] : memref<2x32x80x128xi32, #tpu.memory_space<hbm>> -> memref<1x1x80x128xi32, #tpu.memory_space<hbm>>
      %dma_start3A_56 = tpu.memref_squeeze %dma_start3A_55 : memref<1x1x80x128xi32, #tpu.memory_space<hbm>> -> memref<80x128xi32, #tpu.memory_space<hbm>>
      tpu.enqueue_dma source(%dma_start3A_56 : memref<80x128xi32, #tpu.memory_space<hbm>>) target(%arg6 : memref<80x128xi32, #tpu.memory_space<vmem>>) target_semaphore(%run_scoped3A_48 : memref<!tpu.dma_semaphore, #tpu.memory_space<semaphore_mem>>)
      %dma_wait3A = arith.constant 0 : i32
      %dma_wait3A_57 = arith.constant 0 : i32
      %dma_wait3A_58 = tpu.memref_slice %arg2[%run_scoped3A, %add3A, %dma_wait3A, %dma_wait3A_57] : memref<2x32x80x128xi32, #tpu.memory_space<hbm>> -> memref<1x1x80x128xi32, #tpu.memory_space<hbm>>
      %dma_wait3A_59 = tpu.memref_squeeze %dma_wait3A_58 : memref<1x1x80x128xi32, #tpu.memory_space<hbm>> -> memref<80x128xi32, #tpu.memory_space<hbm>>
      %dma_wait3A_60 = arith.constant 0 : i32
      %dma_wait3A_61 = arith.constant 0 : i32
      %dma_wait3A_62 = tpu.memref_slice %arg2[%run_scoped3A, %add3A, %dma_wait3A_60, %dma_wait3A_61] : memref<2x32x80x128xi32, #tpu.memory_space<hbm>> -> memref<1x1x80x128xi32, #tpu.memory_space<hbm>>
      %dma_wait3A_63 = tpu.memref_squeeze %dma_wait3A_62 : memref<1x1x80x128xi32, #tpu.memory_space<hbm>> -> memref<80x128xi32, #tpu.memory_space<hbm>>
      tpu.wait_dma2 semaphore(%run_scoped3A_48 : memref<!tpu.dma_semaphore, #tpu.memory_space<semaphore_mem>>) src(%dma_wait3A_63 : memref<80x128xi32, #tpu.memory_space<hbm>>) dst(%arg6 : memref<80x128xi32, #tpu.memory_space<vmem>>)
      tpu.yield
    }) : () -> ()
    %dma_start3A = arith.constant 0 : i32
    %dma_start3A_3 = arith.constant 0 : i32
    %dma_start3A_4 = arith.constant 0 : i32
    %dma_start3A_5 = tpu.memref_slice %arg6[%dma_start3A, %dma_start3A_4] : memref<80x128xi32, #tpu.memory_space<vmem>> -> memref<1x128xi32, #tpu.memory_space<vmem>>
    %dma_start3A_6 = tpu.memref_squeeze %dma_start3A_5 : memref<1x128xi32, #tpu.memory_space<vmem>> -> memref<128xi32, #tpu.memory_space<vmem>>
    %dma_start3A_7 = arith.constant 0 : i32
    %dma_start3A_8 = arith.constant 0 : i32
    %dma_start3A_9 = tpu.memref_slice %arg9[%dma_start3A_7, %dma_start3A_8] : memref<10240x16xf32, #tpu.memory_space<vmem_shared>> -> memref<10240x16xf32, #tpu.memory_space<vmem_shared>>
    %dma_start3A_10 = tpu.memref_slice %arg8[%dma_start3A_3] : memref<4x!tpu.dma_semaphore, #tpu.memory_space<semaphore_mem>> -> memref<1x!tpu.dma_semaphore, #tpu.memory_space<semaphore_mem>>
    %dma_start3A_11 = tpu.memref_squeeze %dma_start3A_10 : memref<1x!tpu.dma_semaphore, #tpu.memory_space<semaphore_mem>> -> memref<!tpu.dma_semaphore, #tpu.memory_space<semaphore_mem>>
    tpu.enqueue_indirect_dma source(%arg7 : memref<128x16xf32, #tpu.memory_space<vmem>>) target(%dma_start3A_9 : memref<10240x16xf32, #tpu.memory_space<vmem_shared>>) offsets(%dma_start3A_6 : memref<128xi32, #tpu.memory_space<vmem>>) semaphore(%dma_start3A_11 : memref<!tpu.dma_semaphore, #tpu.memory_space<semaphore_mem>>) {add = true}
    %dma_start3A_12 = arith.constant 1 : i32
    %dma_start3A_13 = arith.constant 1 : i32
    %dma_start3A_14 = arith.constant 0 : i32
    %dma_start3A_15 = tpu.memref_slice %arg6[%dma_start3A_12, %dma_start3A_14] : memref<80x128xi32, #tpu.memory_space<vmem>> -> memref<1x128xi32, #tpu.memory_space<vmem>>
    %dma_start3A_16 = tpu.memref_squeeze %dma_start3A_15 : memref<1x128xi32, #tpu.memory_space<vmem>> -> memref<128xi32, #tpu.memory_space<vmem>>
    %dma_start3A_17 = arith.constant 0 : i32
    %dma_start3A_18 = arith.constant 0 : i32
    %dma_start3A_19 = tpu.memref_slice %arg9[%dma_start3A_17, %dma_start3A_18] : memref<10240x16xf32, #tpu.memory_space<vmem_shared>> -> memref<10240x16xf32, #tpu.memory_space<vmem_shared>>
    %dma_start3A_20 = tpu.memref_slice %arg8[%dma_start3A_13] : memref<4x!tpu.dma_semaphore, #tpu.memory_space<semaphore_mem>> -> memref<1x!tpu.dma_semaphore, #tpu.memory_space<semaphore_mem>>
    %dma_start3A_21 = tpu.memref_squeeze %dma_start3A_20 : memref<1x!tpu.dma_semaphore, #tpu.memory_space<semaphore_mem>> -> memref<!tpu.dma_semaphore, #tpu.memory_space<semaphore_mem>>
    tpu.enqueue_indirect_dma source(%arg7 : memref<128x16xf32, #tpu.memory_space<vmem>>) target(%dma_start3A_19 : memref<10240x16xf32, #tpu.memory_space<vmem_shared>>) offsets(%dma_start3A_16 : memref<128xi32, #tpu.memory_space<vmem>>) semaphore(%dma_start3A_21 : memref<!tpu.dma_semaphore, #tpu.memory_space<semaphore_mem>>) {add = true}
    %dma_start3A_22 = arith.constant 2 : i32
    %dma_start3A_23 = arith.constant 2 : i32
    %dma_start3A_24 = arith.constant 0 : i32
    %dma_start3A_25 = tpu.memref_slice %arg6[%dma_start3A_22, %dma_start3A_24] : memref<80x128xi32, #tpu.memory_space<vmem>> -> memref<1x128xi32, #tpu.memory_space<vmem>>
    %dma_start3A_26 = tpu.memref_squeeze %dma_start3A_25 : memref<1x128xi32, #tpu.memory_space<vmem>> -> memref<128xi32, #tpu.memory_space<vmem>>
    %dma_start3A_27 = arith.constant 0 : i32
    %dma_start3A_28 = arith.constant 0 : i32
    %dma_start3A_29 = tpu.memref_slice %arg9[%dma_start3A_27, %dma_start3A_28] : memref<10240x16xf32, #tpu.memory_space<vmem_shared>> -> memref<10240x16xf32, #tpu.memory_space<vmem_shared>>
    %dma_start3A_30 = tpu.memref_slice %arg8[%dma_start3A_23] : memref<4x!tpu.dma_semaphore, #tpu.memory_space<semaphore_mem>> -> memref<1x!tpu.dma_semaphore, #tpu.memory_space<semaphore_mem>>
    %dma_start3A_31 = tpu.memref_squeeze %dma_start3A_30 : memref<1x!tpu.dma_semaphore, #tpu.memory_space<semaphore_mem>> -> memref<!tpu.dma_semaphore, #tpu.memory_space<semaphore_mem>>
    tpu.enqueue_indirect_dma source(%arg7 : memref<128x16xf32, #tpu.memory_space<vmem>>) target(%dma_start3A_29 : memref<10240x16xf32, #tpu.memory_space<vmem_shared>>) offsets(%dma_start3A_26 : memref<128xi32, #tpu.memory_space<vmem>>) semaphore(%dma_start3A_31 : memref<!tpu.dma_semaphore, #tpu.memory_space<semaphore_mem>>) {add = true}
    %dma_start3A_32 = arith.constant 3 : i32
    %dma_start3A_33 = arith.constant 3 : i32
    %dma_start3A_34 = arith.constant 0 : i32
    %dma_start3A_35 = tpu.memref_slice %arg6[%dma_start3A_32, %dma_start3A_34] : memref<80x128xi32, #tpu.memory_space<vmem>> -> memref<1x128xi32, #tpu.memory_space<vmem>>
    %dma_start3A_36 = tpu.memref_squeeze %dma_start3A_35 : memref<1x128xi32, #tpu.memory_space<vmem>> -> memref<128xi32, #tpu.memory_space<vmem>>
    %dma_start3A_37 = arith.constant 0 : i32
    %dma_start3A_38 = arith.constant 0 : i32
    %dma_start3A_39 = tpu.memref_slice %arg9[%dma_start3A_37, %dma_start3A_38] : memref<10240x16xf32, #tpu.memory_space<vmem_shared>> -> memref<10240x16xf32, #tpu.memory_space<vmem_shared>>
    %dma_start3A_40 = tpu.memref_slice %arg8[%dma_start3A_33] : memref<4x!tpu.dma_semaphore, #tpu.memory_space<semaphore_mem>> -> memref<1x!tpu.dma_semaphore, #tpu.memory_space<semaphore_mem>>
    %dma_start3A_41 = tpu.memref_squeeze %dma_start3A_40 : memref<1x!tpu.dma_semaphore, #tpu.memory_space<semaphore_mem>> -> memref<!tpu.dma_semaphore, #tpu.memory_space<semaphore_mem>>
    tpu.enqueue_indirect_dma source(%arg7 : memref<128x16xf32, #tpu.memory_space<vmem>>) target(%dma_start3A_39 : memref<10240x16xf32, #tpu.memory_space<vmem_shared>>) offsets(%dma_start3A_36 : memref<128xi32, #tpu.memory_space<vmem>>) semaphore(%dma_start3A_41 : memref<!tpu.dma_semaphore, #tpu.memory_space<semaphore_mem>>) {add = true}
    %scan3A = arith.constant 0 : i32
    %scan3A_42 = arith.constant 0 : i32
    %scan3A_43 = arith.constant 20 : i32
    %scan3A_44 = arith.addi %scan3A_42, %scan3A_43 : i32
    %scan3A_45 = arith.constant 1 : i32
    scf.for %scan3A_48 = %scan3A_42 to %scan3A_44 step %scan3A_45  : i32 {
      %mul3A_49 = arith.constant 4 : i32
      %mul3A_50 = arith.muli %scan3A_48, %mul3A_49 : i32
      %add3A_51 = arith.constant 0 : i32
      %add3A_52 = arith.addi %mul3A_50, %add3A_51 : i32
      %dma_wait3A = arith.constant 0 : i32
      %dma_wait3A_53 = arith.constant 0 : i32
      %dma_wait3A_54 = tpu.memref_slice %arg6[%add3A_52, %dma_wait3A_53] : memref<80x128xi32, #tpu.memory_space<vmem>> -> memref<1x128xi32, #tpu.memory_space<vmem>>
      %dma_wait3A_55 = tpu.memref_squeeze %dma_wait3A_54 : memref<1x128xi32, #tpu.memory_space<vmem>> -> memref<128xi32, #tpu.memory_space<vmem>>
      %dma_wait3A_56 = arith.constant 0 : i32
      %dma_wait3A_57 = arith.constant 0 : i32
      %dma_wait3A_58 = tpu.memref_slice %arg9[%dma_wait3A_56, %dma_wait3A_57] : memref<10240x16xf32, #tpu.memory_space<vmem_shared>> -> memref<10240x16xf32, #tpu.memory_space<vmem_shared>>
      %dma_wait3A_59 = tpu.memref_slice %arg8[%dma_wait3A] : memref<4x!tpu.dma_semaphore, #tpu.memory_space<semaphore_mem>> -> memref<1x!tpu.dma_semaphore, #tpu.memory_space<semaphore_mem>>
      %dma_wait3A_60 = tpu.memref_squeeze %dma_wait3A_59 : memref<1x!tpu.dma_semaphore, #tpu.memory_space<semaphore_mem>> -> memref<!tpu.dma_semaphore, #tpu.memory_space<semaphore_mem>>
      tpu.wait_indirect_dma semaphore(%dma_wait3A_60 : memref<!tpu.dma_semaphore, #tpu.memory_space<semaphore_mem>>) src(%arg7 : memref<128x16xf32, #tpu.memory_space<vmem>>) dst(%dma_wait3A_58 : memref<10240x16xf32, #tpu.memory_space<vmem_shared>>)
      %add3A_61 = arith.constant 4 : i32
      %add3A_62 = arith.addi %add3A_52, %add3A_61 : i32
      %lt3A = arith.constant 80 : i32
      %lt3A_63 = arith.cmpi slt, %add3A_62, %lt3A : i32
      %convert_element_type3A = arith.extui %lt3A_63 : i1 to i32
      %cond3A = arith.constant 0 : i32
      %cond3A_64 = arith.cmpi ne, %convert_element_type3A, %cond3A : i32
      scf.if %cond3A_64 {
        %add3A_119 = arith.constant 4 : i32
        %add3A_120 = arith.addi %add3A_52, %add3A_119 : i32
        %dma_start3A_121 = arith.constant 0 : i32
        %dma_start3A_122 = arith.constant 0 : i32
        %dma_start3A_123 = tpu.memref_slice %arg6[%add3A_120, %dma_start3A_122] : memref<80x128xi32, #tpu.memory_space<vmem>> -> memref<1x128xi32, #tpu.memory_space<vmem>>
        %dma_start3A_124 = tpu.memref_squeeze %dma_start3A_123 : memref<1x128xi32, #tpu.memory_space<vmem>> -> memref<128xi32, #tpu.memory_space<vmem>>
        %dma_start3A_125 = arith.constant 0 : i32
        %dma_start3A_126 = arith.constant 0 : i32
        %dma_start3A_127 = tpu.memref_slice %arg9[%dma_start3A_125, %dma_start3A_126] : memref<10240x16xf32, #tpu.memory_space<vmem_shared>> -> memref<10240x16xf32, #tpu.memory_space<vmem_shared>>
        %dma_start3A_128 = tpu.memref_slice %arg8[%dma_start3A_121] : memref<4x!tpu.dma_semaphore, #tpu.memory_space<semaphore_mem>> -> memref<1x!tpu.dma_semaphore, #tpu.memory_space<semaphore_mem>>
        %dma_start3A_129 = tpu.memref_squeeze %dma_start3A_128 : memref<1x!tpu.dma_semaphore, #tpu.memory_space<semaphore_mem>> -> memref<!tpu.dma_semaphore, #tpu.memory_space<semaphore_mem>>
        tpu.enqueue_indirect_dma source(%arg7 : memref<128x16xf32, #tpu.memory_space<vmem>>) target(%dma_start3A_127 : memref<10240x16xf32, #tpu.memory_space<vmem_shared>>) offsets(%dma_start3A_124 : memref<128xi32, #tpu.memory_space<vmem>>) semaphore(%dma_start3A_129 : memref<!tpu.dma_semaphore, #tpu.memory_space<semaphore_mem>>) {add = true}
      } else {
      }
      %add3A_65 = arith.constant 1 : i32
      %add3A_66 = arith.addi %mul3A_50, %add3A_65 : i32
      %dma_wait3A_67 = arith.constant 1 : i32
      %dma_wait3A_68 = arith.constant 0 : i32
      %dma_wait3A_69 = tpu.memref_slice %arg6[%add3A_66, %dma_wait3A_68] : memref<80x128xi32, #tpu.memory_space<vmem>> -> memref<1x128xi32, #tpu.memory_space<vmem>>
      %dma_wait3A_70 = tpu.memref_squeeze %dma_wait3A_69 : memref<1x128xi32, #tpu.memory_space<vmem>> -> memref<128xi32, #tpu.memory_space<vmem>>
      %dma_wait3A_71 = arith.constant 0 : i32
      %dma_wait3A_72 = arith.constant 0 : i32
      %dma_wait3A_73 = tpu.memref_slice %arg9[%dma_wait3A_71, %dma_wait3A_72] : memref<10240x16xf32, #tpu.memory_space<vmem_shared>> -> memref<10240x16xf32, #tpu.memory_space<vmem_shared>>
      %dma_wait3A_74 = tpu.memref_slice %arg8[%dma_wait3A_67] : memref<4x!tpu.dma_semaphore, #tpu.memory_space<semaphore_mem>> -> memref<1x!tpu.dma_semaphore, #tpu.memory_space<semaphore_mem>>
      %dma_wait3A_75 = tpu.memref_squeeze %dma_wait3A_74 : memref<1x!tpu.dma_semaphore, #tpu.memory_space<semaphore_mem>> -> memref<!tpu.dma_semaphore, #tpu.memory_space<semaphore_mem>>
      tpu.wait_indirect_dma semaphore(%dma_wait3A_75 : memref<!tpu.dma_semaphore, #tpu.memory_space<semaphore_mem>>) src(%arg7 : memref<128x16xf32, #tpu.memory_space<vmem>>) dst(%dma_wait3A_73 : memref<10240x16xf32, #tpu.memory_space<vmem_shared>>)
      %add3A_76 = arith.constant 4 : i32
      %add3A_77 = arith.addi %add3A_66, %add3A_76 : i32
      %lt3A_78 = arith.constant 80 : i32
      %lt3A_79 = arith.cmpi slt, %add3A_77, %lt3A_78 : i32
      %convert_element_type3A_80 = arith.extui %lt3A_79 : i1 to i32
      %cond3A_81 = arith.constant 0 : i32
      %cond3A_82 = arith.cmpi ne, %convert_element_type3A_80, %cond3A_81 : i32
      scf.if %cond3A_82 {
        %add3A_119 = arith.constant 4 : i32
        %add3A_120 = arith.addi %add3A_66, %add3A_119 : i32
        %dma_start3A_121 = arith.constant 1 : i32
        %dma_start3A_122 = arith.constant 0 : i32
        %dma_start3A_123 = tpu.memref_slice %arg6[%add3A_120, %dma_start3A_122] : memref<80x128xi32, #tpu.memory_space<vmem>> -> memref<1x128xi32, #tpu.memory_space<vmem>>
        %dma_start3A_124 = tpu.memref_squeeze %dma_start3A_123 : memref<1x128xi32, #tpu.memory_space<vmem>> -> memref<128xi32, #tpu.memory_space<vmem>>
        %dma_start3A_125 = arith.constant 0 : i32
        %dma_start3A_126 = arith.constant 0 : i32
        %dma_start3A_127 = tpu.memref_slice %arg9[%dma_start3A_125, %dma_start3A_126] : memref<10240x16xf32, #tpu.memory_space<vmem_shared>> -> memref<10240x16xf32, #tpu.memory_space<vmem_shared>>
        %dma_start3A_128 = tpu.memref_slice %arg8[%dma_start3A_121] : memref<4x!tpu.dma_semaphore, #tpu.memory_space<semaphore_mem>> -> memref<1x!tpu.dma_semaphore, #tpu.memory_space<semaphore_mem>>
        %dma_start3A_129 = tpu.memref_squeeze %dma_start3A_128 : memref<1x!tpu.dma_semaphore, #tpu.memory_space<semaphore_mem>> -> memref<!tpu.dma_semaphore, #tpu.memory_space<semaphore_mem>>
        tpu.enqueue_indirect_dma source(%arg7 : memref<128x16xf32, #tpu.memory_space<vmem>>) target(%dma_start3A_127 : memref<10240x16xf32, #tpu.memory_space<vmem_shared>>) offsets(%dma_start3A_124 : memref<128xi32, #tpu.memory_space<vmem>>) semaphore(%dma_start3A_129 : memref<!tpu.dma_semaphore, #tpu.memory_space<semaphore_mem>>) {add = true}
      } else {
      }
      %add3A_83 = arith.constant 2 : i32
      %add3A_84 = arith.addi %mul3A_50, %add3A_83 : i32
      %dma_wait3A_85 = arith.constant 2 : i32
      %dma_wait3A_86 = arith.constant 0 : i32
      %dma_wait3A_87 = tpu.memref_slice %arg6[%add3A_84, %dma_wait3A_86] : memref<80x128xi32, #tpu.memory_space<vmem>> -> memref<1x128xi32, #tpu.memory_space<vmem>>
      %dma_wait3A_88 = tpu.memref_squeeze %dma_wait3A_87 : memref<1x128xi32, #tpu.memory_space<vmem>> -> memref<128xi32, #tpu.memory_space<vmem>>
      %dma_wait3A_89 = arith.constant 0 : i32
      %dma_wait3A_90 = arith.constant 0 : i32
      %dma_wait3A_91 = tpu.memref_slice %arg9[%dma_wait3A_89, %dma_wait3A_90] : memref<10240x16xf32, #tpu.memory_space<vmem_shared>> -> memref<10240x16xf32, #tpu.memory_space<vmem_shared>>
      %dma_wait3A_92 = tpu.memref_slice %arg8[%dma_wait3A_85] : memref<4x!tpu.dma_semaphore, #tpu.memory_space<semaphore_mem>> -> memref<1x!tpu.dma_semaphore, #tpu.memory_space<semaphore_mem>>
      %dma_wait3A_93 = tpu.memref_squeeze %dma_wait3A_92 : memref<1x!tpu.dma_semaphore, #tpu.memory_space<semaphore_mem>> -> memref<!tpu.dma_semaphore, #tpu.memory_space<semaphore_mem>>
      tpu.wait_indirect_dma semaphore(%dma_wait3A_93 : memref<!tpu.dma_semaphore, #tpu.memory_space<semaphore_mem>>) src(%arg7 : memref<128x16xf32, #tpu.memory_space<vmem>>) dst(%dma_wait3A_91 : memref<10240x16xf32, #tpu.memory_space<vmem_shared>>)
      %add3A_94 = arith.constant 4 : i32
      %add3A_95 = arith.addi %add3A_84, %add3A_94 : i32
      %lt3A_96 = arith.constant 80 : i32
      %lt3A_97 = arith.cmpi slt, %add3A_95, %lt3A_96 : i32
      %convert_element_type3A_98 = arith.extui %lt3A_97 : i1 to i32
      %cond3A_99 = arith.constant 0 : i32
      %cond3A_100 = arith.cmpi ne, %convert_element_type3A_98, %cond3A_99 : i32
      scf.if %cond3A_100 {
        %add3A_119 = arith.constant 4 : i32
        %add3A_120 = arith.addi %add3A_84, %add3A_119 : i32
        %dma_start3A_121 = arith.constant 2 : i32
        %dma_start3A_122 = arith.constant 0 : i32
        %dma_start3A_123 = tpu.memref_slice %arg6[%add3A_120, %dma_start3A_122] : memref<80x128xi32, #tpu.memory_space<vmem>> -> memref<1x128xi32, #tpu.memory_space<vmem>>
        %dma_start3A_124 = tpu.memref_squeeze %dma_start3A_123 : memref<1x128xi32, #tpu.memory_space<vmem>> -> memref<128xi32, #tpu.memory_space<vmem>>
        %dma_start3A_125 = arith.constant 0 : i32
        %dma_start3A_126 = arith.constant 0 : i32
        %dma_start3A_127 = tpu.memref_slice %arg9[%dma_start3A_125, %dma_start3A_126] : memref<10240x16xf32, #tpu.memory_space<vmem_shared>> -> memref<10240x16xf32, #tpu.memory_space<vmem_shared>>
        %dma_start3A_128 = tpu.memref_slice %arg8[%dma_start3A_121] : memref<4x!tpu.dma_semaphore, #tpu.memory_space<semaphore_mem>> -> memref<1x!tpu.dma_semaphore, #tpu.memory_space<semaphore_mem>>
        %dma_start3A_129 = tpu.memref_squeeze %dma_start3A_128 : memref<1x!tpu.dma_semaphore, #tpu.memory_space<semaphore_mem>> -> memref<!tpu.dma_semaphore, #tpu.memory_space<semaphore_mem>>
        tpu.enqueue_indirect_dma source(%arg7 : memref<128x16xf32, #tpu.memory_space<vmem>>) target(%dma_start3A_127 : memref<10240x16xf32, #tpu.memory_space<vmem_shared>>) offsets(%dma_start3A_124 : memref<128xi32, #tpu.memory_space<vmem>>) semaphore(%dma_start3A_129 : memref<!tpu.dma_semaphore, #tpu.memory_space<semaphore_mem>>) {add = true}
      } else {
      }
      %add3A_101 = arith.constant 3 : i32
      %add3A_102 = arith.addi %mul3A_50, %add3A_101 : i32
      %dma_wait3A_103 = arith.constant 3 : i32
      %dma_wait3A_104 = arith.constant 0 : i32
      %dma_wait3A_105 = tpu.memref_slice %arg6[%add3A_102, %dma_wait3A_104] : memref<80x128xi32, #tpu.memory_space<vmem>> -> memref<1x128xi32, #tpu.memory_space<vmem>>
      %dma_wait3A_106 = tpu.memref_squeeze %dma_wait3A_105 : memref<1x128xi32, #tpu.memory_space<vmem>> -> memref<128xi32, #tpu.memory_space<vmem>>
      %dma_wait3A_107 = arith.constant 0 : i32
      %dma_wait3A_108 = arith.constant 0 : i32
      %dma_wait3A_109 = tpu.memref_slice %arg9[%dma_wait3A_107, %dma_wait3A_108] : memref<10240x16xf32, #tpu.memory_space<vmem_shared>> -> memref<10240x16xf32, #tpu.memory_space<vmem_shared>>
      %dma_wait3A_110 = tpu.memref_slice %arg8[%dma_wait3A_103] : memref<4x!tpu.dma_semaphore, #tpu.memory_space<semaphore_mem>> -> memref<1x!tpu.dma_semaphore, #tpu.memory_space<semaphore_mem>>
      %dma_wait3A_111 = tpu.memref_squeeze %dma_wait3A_110 : memref<1x!tpu.dma_semaphore, #tpu.memory_space<semaphore_mem>> -> memref<!tpu.dma_semaphore, #tpu.memory_space<semaphore_mem>>
      tpu.wait_indirect_dma semaphore(%dma_wait3A_111 : memref<!tpu.dma_semaphore, #tpu.memory_space<semaphore_mem>>) src(%arg7 : memref<128x16xf32, #tpu.memory_space<vmem>>) dst(%dma_wait3A_109 : memref<10240x16xf32, #tpu.memory_space<vmem_shared>>)
      %add3A_112 = arith.constant 4 : i32
      %add3A_113 = arith.addi %add3A_102, %add3A_112 : i32
      %lt3A_114 = arith.constant 80 : i32
      %lt3A_115 = arith.cmpi slt, %add3A_113, %lt3A_114 : i32
      %convert_element_type3A_116 = arith.extui %lt3A_115 : i1 to i32
      %cond3A_117 = arith.constant 0 : i32
      %cond3A_118 = arith.cmpi ne, %convert_element_type3A_116, %cond3A_117 : i32
      scf.if %cond3A_118 {
        %add3A_119 = arith.constant 4 : i32
        %add3A_120 = arith.addi %add3A_102, %add3A_119 : i32
        %dma_start3A_121 = arith.constant 3 : i32
        %dma_start3A_122 = arith.constant 0 : i32
        %dma_start3A_123 = tpu.memref_slice %arg6[%add3A_120, %dma_start3A_122] : memref<80x128xi32, #tpu.memory_space<vmem>> -> memref<1x128xi32, #tpu.memory_space<vmem>>
        %dma_start3A_124 = tpu.memref_squeeze %dma_start3A_123 : memref<1x128xi32, #tpu.memory_space<vmem>> -> memref<128xi32, #tpu.memory_space<vmem>>
        %dma_start3A_125 = arith.constant 0 : i32
        %dma_start3A_126 = arith.constant 0 : i32
        %dma_start3A_127 = tpu.memref_slice %arg9[%dma_start3A_125, %dma_start3A_126] : memref<10240x16xf32, #tpu.memory_space<vmem_shared>> -> memref<10240x16xf32, #tpu.memory_space<vmem_shared>>
        %dma_start3A_128 = tpu.memref_slice %arg8[%dma_start3A_121] : memref<4x!tpu.dma_semaphore, #tpu.memory_space<semaphore_mem>> -> memref<1x!tpu.dma_semaphore, #tpu.memory_space<semaphore_mem>>
        %dma_start3A_129 = tpu.memref_squeeze %dma_start3A_128 : memref<1x!tpu.dma_semaphore, #tpu.memory_space<semaphore_mem>> -> memref<!tpu.dma_semaphore, #tpu.memory_space<semaphore_mem>>
        tpu.enqueue_indirect_dma source(%arg7 : memref<128x16xf32, #tpu.memory_space<vmem>>) target(%dma_start3A_127 : memref<10240x16xf32, #tpu.memory_space<vmem_shared>>) offsets(%dma_start3A_124 : memref<128xi32, #tpu.memory_space<vmem>>) semaphore(%dma_start3A_129 : memref<!tpu.dma_semaphore, #tpu.memory_space<semaphore_mem>>) {add = true}
      } else {
      }
    }
    %scan3A_46 = arith.constant 20 : i32
    %barrier3A_47 = arith.constant 0 : index
    tpu.barrier barrier_id(%barrier3A_47)
    "tpu.region"() ({
      %run_scoped3A_48 = tpu.sem_alloc : memref<!tpu.dma_semaphore, #tpu.memory_space<semaphore_mem>>
      %dma_start3A_49 = arith.constant 0 : i32
      %dma_start3A_50 = tpu.memref_slice %arg5[%arg0, %mul3A_2, %dma_start3A_49] : memref<2x10240x16xf32, #tpu.memory_space<hbm>> -> memref<1x640x16xf32, #tpu.memory_space<hbm>>
      %dma_start3A_51 = tpu.memref_squeeze %dma_start3A_50 : memref<1x640x16xf32, #tpu.memory_space<hbm>> -> memref<640x16xf32, #tpu.memory_space<hbm>>
      %dma_start3A_52 = arith.constant 0 : i32
      %dma_start3A_53 = tpu.memref_slice %arg9[%mul3A_2, %dma_start3A_52] : memref<10240x16xf32, #tpu.memory_space<vmem_shared>> -> memref<640x16xf32, #tpu.memory_space<vmem_shared>>
      tpu.enqueue_dma source(%dma_start3A_53 : memref<640x16xf32, #tpu.memory_space<vmem_shared>>) target(%dma_start3A_51 : memref<640x16xf32, #tpu.memory_space<hbm>>) target_semaphore(%run_scoped3A_48 : memref<!tpu.dma_semaphore, #tpu.memory_space<semaphore_mem>>)
      %dma_wait3A = arith.constant 0 : i32
      %dma_wait3A_54 = tpu.memref_slice %arg5[%arg0, %mul3A_2, %dma_wait3A] : memref<2x10240x16xf32, #tpu.memory_space<hbm>> -> memref<1x640x16xf32, #tpu.memory_space<hbm>>
      %dma_wait3A_55 = tpu.memref_squeeze %dma_wait3A_54 : memref<1x640x16xf32, #tpu.memory_space<hbm>> -> memref<640x16xf32, #tpu.memory_space<hbm>>
      %dma_wait3A_56 = arith.constant 0 : i32
      %dma_wait3A_57 = tpu.memref_slice %arg9[%mul3A_2, %dma_wait3A_56] : memref<10240x16xf32, #tpu.memory_space<vmem_shared>> -> memref<640x16xf32, #tpu.memory_space<vmem_shared>>
      tpu.wait_dma2 semaphore(%run_scoped3A_48 : memref<!tpu.dma_semaphore, #tpu.memory_space<semaphore_mem>>) src(%dma_wait3A_57 : memref<640x16xf32, #tpu.memory_space<vmem_shared>>) dst(%dma_wait3A_55 : memref<640x16xf32, #tpu.memory_space<hbm>>)
      tpu.yield
    }) : () -> ()
    return
  }
}

#map = affine_map<(d0, d1) -> (0, 0)>
#map1 = affine_map<(d0, d1) -> (0, 0, 0, 0)>
#map2 = affine_map<(d0, d1) -> (0, 0, 0)>
module attributes {stable_mosaic.version = 14 : i64} {
  func.func @_sc_scatter(%arg0: i32, %arg1: i32, %arg2: memref<10240x64xf32, #tpu.memory_space<hbm>>, %arg3: memref<2x32x80x128xi32, #tpu.memory_space<hbm>>, %arg4: memref<10240x64xf32, #tpu.memory_space<hbm>>, %arg5: memref<2x10240x64xf32, #tpu.memory_space<hbm>>, %arg6: memref<80x128xi32, #tpu.memory_space<vmem>>, %arg7: memref<80x128xi32, #tpu.memory_space<vmem>>, %arg8: memref<8x128x64xf32, #tpu.memory_space<vmem>>, %arg9: memref<8x!tpu.dma_semaphore, #tpu.memory_space<semaphore_mem>>, %arg10: memref<8x!tpu.dma_semaphore, #tpu.memory_space<semaphore_mem>>, %arg11: memref<10240x64xf32, #tpu.memory_space<vmem_shared>>) attributes {dimension_semantics = [#tpu.dimension_semantics<core_parallel>, #tpu.dimension_semantics<subcore_parallel>], iteration_bounds = array<i64: 2, 16>, scalar_prefetch = 0 : i64, scratch_operands = 6 : i64, tpu.core_type = #tpu.core_type<sc_vector_subcore>, window_params = [{transform_indices = #map}, {transform_indices = #map1}, {transform_indices = #map}, {transform_indices = #map2}]} {
    %mul3A = arith.constant 2 : i32
    %mul3A_0 = arith.muli %arg1, %mul3A : i32
    %add3A = arith.addi %mul3A_0, %arg0 : i32
    %mul3A_1 = arith.constant 640 : i32
    %mul3A_2 = arith.muli %arg1, %mul3A_1 : i32
    "tpu.region"() ({
      %run_scoped3A_218 = tpu.sem_alloc : memref<!tpu.dma_semaphore, #tpu.memory_space<semaphore_mem>>
      %dma_start3A_219 = arith.constant 0 : i32
      %dma_start3A_220 = tpu.memref_slice %arg11[%mul3A_2, %dma_start3A_219] : memref<10240x64xf32, #tpu.memory_space<vmem_shared>> -> memref<640x64xf32, #tpu.memory_space<vmem_shared>>
      %dma_start3A_221 = arith.constant 0 : i32
      %dma_start3A_222 = tpu.memref_slice %arg4[%mul3A_2, %dma_start3A_221] : memref<10240x64xf32, #tpu.memory_space<hbm>> -> memref<640x64xf32, #tpu.memory_space<hbm>>
      tpu.enqueue_dma source(%dma_start3A_222 : memref<640x64xf32, #tpu.memory_space<hbm>>) target(%dma_start3A_220 : memref<640x64xf32, #tpu.memory_space<vmem_shared>>) target_semaphore(%run_scoped3A_218 : memref<!tpu.dma_semaphore, #tpu.memory_space<semaphore_mem>>)
      %dma_wait3A_223 = arith.constant 0 : i32
      %dma_wait3A_224 = tpu.memref_slice %arg11[%mul3A_2, %dma_wait3A_223] : memref<10240x64xf32, #tpu.memory_space<vmem_shared>> -> memref<640x64xf32, #tpu.memory_space<vmem_shared>>
      %dma_wait3A_225 = arith.constant 0 : i32
      %dma_wait3A_226 = tpu.memref_slice %arg4[%mul3A_2, %dma_wait3A_225] : memref<10240x64xf32, #tpu.memory_space<hbm>> -> memref<640x64xf32, #tpu.memory_space<hbm>>
      tpu.wait_dma2 semaphore(%run_scoped3A_218 : memref<!tpu.dma_semaphore, #tpu.memory_space<semaphore_mem>>) src(%dma_wait3A_226 : memref<640x64xf32, #tpu.memory_space<hbm>>) dst(%dma_wait3A_224 : memref<640x64xf32, #tpu.memory_space<vmem_shared>>)
      tpu.yield
    }) : () -> ()
    %barrier3A = arith.constant 0 : index
    tpu.barrier barrier_id(%barrier3A)
    %run_scoped3A = arith.constant 0 : i32
    "tpu.region"() ({
      %run_scoped3A_218 = tpu.sem_alloc : memref<!tpu.dma_semaphore, #tpu.memory_space<semaphore_mem>>
      %dma_start3A_219 = arith.constant 0 : i32
      %dma_start3A_220 = arith.constant 0 : i32
      %dma_start3A_221 = tpu.memref_slice %arg3[%run_scoped3A, %add3A, %dma_start3A_219, %dma_start3A_220] : memref<2x32x80x128xi32, #tpu.memory_space<hbm>> -> memref<1x1x80x128xi32, #tpu.memory_space<hbm>>
      %dma_start3A_222 = tpu.memref_squeeze %dma_start3A_221 : memref<1x1x80x128xi32, #tpu.memory_space<hbm>> -> memref<80x128xi32, #tpu.memory_space<hbm>>
      %dma_start3A_223 = arith.constant 0 : i32
      %dma_start3A_224 = arith.constant 0 : i32
      %dma_start3A_225 = tpu.memref_slice %arg3[%run_scoped3A, %add3A, %dma_start3A_223, %dma_start3A_224] : memref<2x32x80x128xi32, #tpu.memory_space<hbm>> -> memref<1x1x80x128xi32, #tpu.memory_space<hbm>>
      %dma_start3A_226 = tpu.memref_squeeze %dma_start3A_225 : memref<1x1x80x128xi32, #tpu.memory_space<hbm>> -> memref<80x128xi32, #tpu.memory_space<hbm>>
      tpu.enqueue_dma source(%dma_start3A_226 : memref<80x128xi32, #tpu.memory_space<hbm>>) target(%arg6 : memref<80x128xi32, #tpu.memory_space<vmem>>) target_semaphore(%run_scoped3A_218 : memref<!tpu.dma_semaphore, #tpu.memory_space<semaphore_mem>>)
      %dma_wait3A_227 = arith.constant 0 : i32
      %dma_wait3A_228 = arith.constant 0 : i32
      %dma_wait3A_229 = tpu.memref_slice %arg3[%run_scoped3A, %add3A, %dma_wait3A_227, %dma_wait3A_228] : memref<2x32x80x128xi32, #tpu.memory_space<hbm>> -> memref<1x1x80x128xi32, #tpu.memory_space<hbm>>
      %dma_wait3A_230 = tpu.memref_squeeze %dma_wait3A_229 : memref<1x1x80x128xi32, #tpu.memory_space<hbm>> -> memref<80x128xi32, #tpu.memory_space<hbm>>
      %dma_wait3A_231 = arith.constant 0 : i32
      %dma_wait3A_232 = arith.constant 0 : i32
      %dma_wait3A_233 = tpu.memref_slice %arg3[%run_scoped3A, %add3A, %dma_wait3A_231, %dma_wait3A_232] : memref<2x32x80x128xi32, #tpu.memory_space<hbm>> -> memref<1x1x80x128xi32, #tpu.memory_space<hbm>>
      %dma_wait3A_234 = tpu.memref_squeeze %dma_wait3A_233 : memref<1x1x80x128xi32, #tpu.memory_space<hbm>> -> memref<80x128xi32, #tpu.memory_space<hbm>>
      tpu.wait_dma2 semaphore(%run_scoped3A_218 : memref<!tpu.dma_semaphore, #tpu.memory_space<semaphore_mem>>) src(%dma_wait3A_234 : memref<80x128xi32, #tpu.memory_space<hbm>>) dst(%arg6 : memref<80x128xi32, #tpu.memory_space<vmem>>)
      tpu.yield
    }) : () -> ()
    %run_scoped3A_3 = arith.constant 1 : i32
    "tpu.region"() ({
      %run_scoped3A_218 = tpu.sem_alloc : memref<!tpu.dma_semaphore, #tpu.memory_space<semaphore_mem>>
      %dma_start3A_219 = arith.constant 0 : i32
      %dma_start3A_220 = arith.constant 0 : i32
      %dma_start3A_221 = tpu.memref_slice %arg3[%run_scoped3A_3, %add3A, %dma_start3A_219, %dma_start3A_220] : memref<2x32x80x128xi32, #tpu.memory_space<hbm>> -> memref<1x1x80x128xi32, #tpu.memory_space<hbm>>
      %dma_start3A_222 = tpu.memref_squeeze %dma_start3A_221 : memref<1x1x80x128xi32, #tpu.memory_space<hbm>> -> memref<80x128xi32, #tpu.memory_space<hbm>>
      %dma_start3A_223 = arith.constant 0 : i32
      %dma_start3A_224 = arith.constant 0 : i32
      %dma_start3A_225 = tpu.memref_slice %arg3[%run_scoped3A_3, %add3A, %dma_start3A_223, %dma_start3A_224] : memref<2x32x80x128xi32, #tpu.memory_space<hbm>> -> memref<1x1x80x128xi32, #tpu.memory_space<hbm>>
      %dma_start3A_226 = tpu.memref_squeeze %dma_start3A_225 : memref<1x1x80x128xi32, #tpu.memory_space<hbm>> -> memref<80x128xi32, #tpu.memory_space<hbm>>
      tpu.enqueue_dma source(%dma_start3A_226 : memref<80x128xi32, #tpu.memory_space<hbm>>) target(%arg7 : memref<80x128xi32, #tpu.memory_space<vmem>>) target_semaphore(%run_scoped3A_218 : memref<!tpu.dma_semaphore, #tpu.memory_space<semaphore_mem>>)
      %dma_wait3A_227 = arith.constant 0 : i32
      %dma_wait3A_228 = arith.constant 0 : i32
      %dma_wait3A_229 = tpu.memref_slice %arg3[%run_scoped3A_3, %add3A, %dma_wait3A_227, %dma_wait3A_228] : memref<2x32x80x128xi32, #tpu.memory_space<hbm>> -> memref<1x1x80x128xi32, #tpu.memory_space<hbm>>
      %dma_wait3A_230 = tpu.memref_squeeze %dma_wait3A_229 : memref<1x1x80x128xi32, #tpu.memory_space<hbm>> -> memref<80x128xi32, #tpu.memory_space<hbm>>
      %dma_wait3A_231 = arith.constant 0 : i32
      %dma_wait3A_232 = arith.constant 0 : i32
      %dma_wait3A_233 = tpu.memref_slice %arg3[%run_scoped3A_3, %add3A, %dma_wait3A_231, %dma_wait3A_232] : memref<2x32x80x128xi32, #tpu.memory_space<hbm>> -> memref<1x1x80x128xi32, #tpu.memory_space<hbm>>
      %dma_wait3A_234 = tpu.memref_squeeze %dma_wait3A_233 : memref<1x1x80x128xi32, #tpu.memory_space<hbm>> -> memref<80x128xi32, #tpu.memory_space<hbm>>
      tpu.wait_dma2 semaphore(%run_scoped3A_218 : memref<!tpu.dma_semaphore, #tpu.memory_space<semaphore_mem>>) src(%dma_wait3A_234 : memref<80x128xi32, #tpu.memory_space<hbm>>) dst(%arg7 : memref<80x128xi32, #tpu.memory_space<vmem>>)
      tpu.yield
    }) : () -> ()
    %dma_start3A = arith.constant 0 : i32
    %dma_start3A_4 = arith.constant 0 : i32
    %dma_start3A_5 = arith.constant 0 : i32
    %dma_start3A_6 = arith.constant 0 : i32
    %dma_start3A_7 = arith.constant 0 : i32
    %dma_start3A_8 = tpu.memref_slice %arg8[%dma_start3A_4, %dma_start3A_6, %dma_start3A_7] : memref<8x128x64xf32, #tpu.memory_space<vmem>> -> memref<1x128x64xf32, #tpu.memory_space<vmem>>
    %dma_start3A_9 = tpu.memref_squeeze %dma_start3A_8 : memref<1x128x64xf32, #tpu.memory_space<vmem>> -> memref<128x64xf32, #tpu.memory_space<vmem>>
    %dma_start3A_10 = arith.constant 0 : i32
    %dma_start3A_11 = tpu.memref_slice %arg6[%dma_start3A, %dma_start3A_10] : memref<80x128xi32, #tpu.memory_space<vmem>> -> memref<1x128xi32, #tpu.memory_space<vmem>>
    %dma_start3A_12 = tpu.memref_squeeze %dma_start3A_11 : memref<1x128xi32, #tpu.memory_space<vmem>> -> memref<128xi32, #tpu.memory_space<vmem>>
    %dma_start3A_13 = arith.constant 0 : i32
    %dma_start3A_14 = arith.constant 0 : i32
    %dma_start3A_15 = tpu.memref_slice %arg2[%dma_start3A_13, %dma_start3A_14] : memref<10240x64xf32, #tpu.memory_space<hbm>> -> memref<10240x64xf32, #tpu.memory_space<hbm>>
    %dma_start3A_16 = tpu.memref_slice %arg9[%dma_start3A_5] : memref<8x!tpu.dma_semaphore, #tpu.memory_space<semaphore_mem>> -> memref<1x!tpu.dma_semaphore, #tpu.memory_space<semaphore_mem>>
    %dma_start3A_17 = tpu.memref_squeeze %dma_start3A_16 : memref<1x!tpu.dma_semaphore, #tpu.memory_space<semaphore_mem>> -> memref<!tpu.dma_semaphore, #tpu.memory_space<semaphore_mem>>
    tpu.enqueue_indirect_dma source(%dma_start3A_15 : memref<10240x64xf32, #tpu.memory_space<hbm>>) target(%dma_start3A_9 : memref<128x64xf32, #tpu.memory_space<vmem>>) offsets(%dma_start3A_12 : memref<128xi32, #tpu.memory_space<vmem>>) semaphore(%dma_start3A_17 : memref<!tpu.dma_semaphore, #tpu.memory_space<semaphore_mem>>)
    %dma_start3A_18 = arith.constant 1 : i32
    %dma_start3A_19 = arith.constant 1 : i32
    %dma_start3A_20 = arith.constant 1 : i32
    %dma_start3A_21 = arith.constant 0 : i32
    %dma_start3A_22 = arith.constant 0 : i32
    %dma_start3A_23 = tpu.memref_slice %arg8[%dma_start3A_19, %dma_start3A_21, %dma_start3A_22] : memref<8x128x64xf32, #tpu.memory_space<vmem>> -> memref<1x128x64xf32, #tpu.memory_space<vmem>>
    %dma_start3A_24 = tpu.memref_squeeze %dma_start3A_23 : memref<1x128x64xf32, #tpu.memory_space<vmem>> -> memref<128x64xf32, #tpu.memory_space<vmem>>
    %dma_start3A_25 = arith.constant 0 : i32
    %dma_start3A_26 = tpu.memref_slice %arg6[%dma_start3A_18, %dma_start3A_25] : memref<80x128xi32, #tpu.memory_space<vmem>> -> memref<1x128xi32, #tpu.memory_space<vmem>>
    %dma_start3A_27 = tpu.memref_squeeze %dma_start3A_26 : memref<1x128xi32, #tpu.memory_space<vmem>> -> memref<128xi32, #tpu.memory_space<vmem>>
    %dma_start3A_28 = arith.constant 0 : i32
    %dma_start3A_29 = arith.constant 0 : i32
    %dma_start3A_30 = tpu.memref_slice %arg2[%dma_start3A_28, %dma_start3A_29] : memref<10240x64xf32, #tpu.memory_space<hbm>> -> memref<10240x64xf32, #tpu.memory_space<hbm>>
    %dma_start3A_31 = tpu.memref_slice %arg9[%dma_start3A_20] : memref<8x!tpu.dma_semaphore, #tpu.memory_space<semaphore_mem>> -> memref<1x!tpu.dma_semaphore, #tpu.memory_space<semaphore_mem>>
    %dma_start3A_32 = tpu.memref_squeeze %dma_start3A_31 : memref<1x!tpu.dma_semaphore, #tpu.memory_space<semaphore_mem>> -> memref<!tpu.dma_semaphore, #tpu.memory_space<semaphore_mem>>
    tpu.enqueue_indirect_dma source(%dma_start3A_30 : memref<10240x64xf32, #tpu.memory_space<hbm>>) target(%dma_start3A_24 : memref<128x64xf32, #tpu.memory_space<vmem>>) offsets(%dma_start3A_27 : memref<128xi32, #tpu.memory_space<vmem>>) semaphore(%dma_start3A_32 : memref<!tpu.dma_semaphore, #tpu.memory_space<semaphore_mem>>)
    %dma_start3A_33 = arith.constant 2 : i32
    %dma_start3A_34 = arith.constant 2 : i32
    %dma_start3A_35 = arith.constant 2 : i32
    %dma_start3A_36 = arith.constant 0 : i32
    %dma_start3A_37 = arith.constant 0 : i32
    %dma_start3A_38 = tpu.memref_slice %arg8[%dma_start3A_34, %dma_start3A_36, %dma_start3A_37] : memref<8x128x64xf32, #tpu.memory_space<vmem>> -> memref<1x128x64xf32, #tpu.memory_space<vmem>>
    %dma_start3A_39 = tpu.memref_squeeze %dma_start3A_38 : memref<1x128x64xf32, #tpu.memory_space<vmem>> -> memref<128x64xf32, #tpu.memory_space<vmem>>
    %dma_start3A_40 = arith.constant 0 : i32
    %dma_start3A_41 = tpu.memref_slice %arg6[%dma_start3A_33, %dma_start3A_40] : memref<80x128xi32, #tpu.memory_space<vmem>> -> memref<1x128xi32, #tpu.memory_space<vmem>>
    %dma_start3A_42 = tpu.memref_squeeze %dma_start3A_41 : memref<1x128xi32, #tpu.memory_space<vmem>> -> memref<128xi32, #tpu.memory_space<vmem>>
    %dma_start3A_43 = arith.constant 0 : i32
    %dma_start3A_44 = arith.constant 0 : i32
    %dma_start3A_45 = tpu.memref_slice %arg2[%dma_start3A_43, %dma_start3A_44] : memref<10240x64xf32, #tpu.memory_space<hbm>> -> memref<10240x64xf32, #tpu.memory_space<hbm>>
    %dma_start3A_46 = tpu.memref_slice %arg9[%dma_start3A_35] : memref<8x!tpu.dma_semaphore, #tpu.memory_space<semaphore_mem>> -> memref<1x!tpu.dma_semaphore, #tpu.memory_space<semaphore_mem>>
    %dma_start3A_47 = tpu.memref_squeeze %dma_start3A_46 : memref<1x!tpu.dma_semaphore, #tpu.memory_space<semaphore_mem>> -> memref<!tpu.dma_semaphore, #tpu.memory_space<semaphore_mem>>
    tpu.enqueue_indirect_dma source(%dma_start3A_45 : memref<10240x64xf32, #tpu.memory_space<hbm>>) target(%dma_start3A_39 : memref<128x64xf32, #tpu.memory_space<vmem>>) offsets(%dma_start3A_42 : memref<128xi32, #tpu.memory_space<vmem>>) semaphore(%dma_start3A_47 : memref<!tpu.dma_semaphore, #tpu.memory_space<semaphore_mem>>)
    %dma_start3A_48 = arith.constant 3 : i32
    %dma_start3A_49 = arith.constant 3 : i32
    %dma_start3A_50 = arith.constant 3 : i32
    %dma_start3A_51 = arith.constant 0 : i32
    %dma_start3A_52 = arith.constant 0 : i32
    %dma_start3A_53 = tpu.memref_slice %arg8[%dma_start3A_49, %dma_start3A_51, %dma_start3A_52] : memref<8x128x64xf32, #tpu.memory_space<vmem>> -> memref<1x128x64xf32, #tpu.memory_space<vmem>>
    %dma_start3A_54 = tpu.memref_squeeze %dma_start3A_53 : memref<1x128x64xf32, #tpu.memory_space<vmem>> -> memref<128x64xf32, #tpu.memory_space<vmem>>
    %dma_start3A_55 = arith.constant 0 : i32
    %dma_start3A_56 = tpu.memref_slice %arg6[%dma_start3A_48, %dma_start3A_55] : memref<80x128xi32, #tpu.memory_space<vmem>> -> memref<1x128xi32, #tpu.memory_space<vmem>>
    %dma_start3A_57 = tpu.memref_squeeze %dma_start3A_56 : memref<1x128xi32, #tpu.memory_space<vmem>> -> memref<128xi32, #tpu.memory_space<vmem>>
    %dma_start3A_58 = arith.constant 0 : i32
    %dma_start3A_59 = arith.constant 0 : i32
    %dma_start3A_60 = tpu.memref_slice %arg2[%dma_start3A_58, %dma_start3A_59] : memref<10240x64xf32, #tpu.memory_space<hbm>> -> memref<10240x64xf32, #tpu.memory_space<hbm>>
    %dma_start3A_61 = tpu.memref_slice %arg9[%dma_start3A_50] : memref<8x!tpu.dma_semaphore, #tpu.memory_space<semaphore_mem>> -> memref<1x!tpu.dma_semaphore, #tpu.memory_space<semaphore_mem>>
    %dma_start3A_62 = tpu.memref_squeeze %dma_start3A_61 : memref<1x!tpu.dma_semaphore, #tpu.memory_space<semaphore_mem>> -> memref<!tpu.dma_semaphore, #tpu.memory_space<semaphore_mem>>
    tpu.enqueue_indirect_dma source(%dma_start3A_60 : memref<10240x64xf32, #tpu.memory_space<hbm>>) target(%dma_start3A_54 : memref<128x64xf32, #tpu.memory_space<vmem>>) offsets(%dma_start3A_57 : memref<128xi32, #tpu.memory_space<vmem>>) semaphore(%dma_start3A_62 : memref<!tpu.dma_semaphore, #tpu.memory_space<semaphore_mem>>)
    %dma_start3A_63 = arith.constant 4 : i32
    %dma_start3A_64 = arith.constant 4 : i32
    %dma_start3A_65 = arith.constant 4 : i32
    %dma_start3A_66 = arith.constant 0 : i32
    %dma_start3A_67 = arith.constant 0 : i32
    %dma_start3A_68 = tpu.memref_slice %arg8[%dma_start3A_64, %dma_start3A_66, %dma_start3A_67] : memref<8x128x64xf32, #tpu.memory_space<vmem>> -> memref<1x128x64xf32, #tpu.memory_space<vmem>>
    %dma_start3A_69 = tpu.memref_squeeze %dma_start3A_68 : memref<1x128x64xf32, #tpu.memory_space<vmem>> -> memref<128x64xf32, #tpu.memory_space<vmem>>
    %dma_start3A_70 = arith.constant 0 : i32
    %dma_start3A_71 = tpu.memref_slice %arg6[%dma_start3A_63, %dma_start3A_70] : memref<80x128xi32, #tpu.memory_space<vmem>> -> memref<1x128xi32, #tpu.memory_space<vmem>>
    %dma_start3A_72 = tpu.memref_squeeze %dma_start3A_71 : memref<1x128xi32, #tpu.memory_space<vmem>> -> memref<128xi32, #tpu.memory_space<vmem>>
    %dma_start3A_73 = arith.constant 0 : i32
    %dma_start3A_74 = arith.constant 0 : i32
    %dma_start3A_75 = tpu.memref_slice %arg2[%dma_start3A_73, %dma_start3A_74] : memref<10240x64xf32, #tpu.memory_space<hbm>> -> memref<10240x64xf32, #tpu.memory_space<hbm>>
    %dma_start3A_76 = tpu.memref_slice %arg9[%dma_start3A_65] : memref<8x!tpu.dma_semaphore, #tpu.memory_space<semaphore_mem>> -> memref<1x!tpu.dma_semaphore, #tpu.memory_space<semaphore_mem>>
    %dma_start3A_77 = tpu.memref_squeeze %dma_start3A_76 : memref<1x!tpu.dma_semaphore, #tpu.memory_space<semaphore_mem>> -> memref<!tpu.dma_semaphore, #tpu.memory_space<semaphore_mem>>
    tpu.enqueue_indirect_dma source(%dma_start3A_75 : memref<10240x64xf32, #tpu.memory_space<hbm>>) target(%dma_start3A_69 : memref<128x64xf32, #tpu.memory_space<vmem>>) offsets(%dma_start3A_72 : memref<128xi32, #tpu.memory_space<vmem>>) semaphore(%dma_start3A_77 : memref<!tpu.dma_semaphore, #tpu.memory_space<semaphore_mem>>)
    %dma_start3A_78 = arith.constant 5 : i32
    %dma_start3A_79 = arith.constant 5 : i32
    %dma_start3A_80 = arith.constant 5 : i32
    %dma_start3A_81 = arith.constant 0 : i32
    %dma_start3A_82 = arith.constant 0 : i32
    %dma_start3A_83 = tpu.memref_slice %arg8[%dma_start3A_79, %dma_start3A_81, %dma_start3A_82] : memref<8x128x64xf32, #tpu.memory_space<vmem>> -> memref<1x128x64xf32, #tpu.memory_space<vmem>>
    %dma_start3A_84 = tpu.memref_squeeze %dma_start3A_83 : memref<1x128x64xf32, #tpu.memory_space<vmem>> -> memref<128x64xf32, #tpu.memory_space<vmem>>
    %dma_start3A_85 = arith.constant 0 : i32
    %dma_start3A_86 = tpu.memref_slice %arg6[%dma_start3A_78, %dma_start3A_85] : memref<80x128xi32, #tpu.memory_space<vmem>> -> memref<1x128xi32, #tpu.memory_space<vmem>>
    %dma_start3A_87 = tpu.memref_squeeze %dma_start3A_86 : memref<1x128xi32, #tpu.memory_space<vmem>> -> memref<128xi32, #tpu.memory_space<vmem>>
    %dma_start3A_88 = arith.constant 0 : i32
    %dma_start3A_89 = arith.constant 0 : i32
    %dma_start3A_90 = tpu.memref_slice %arg2[%dma_start3A_88, %dma_start3A_89] : memref<10240x64xf32, #tpu.memory_space<hbm>> -> memref<10240x64xf32, #tpu.memory_space<hbm>>
    %dma_start3A_91 = tpu.memref_slice %arg9[%dma_start3A_80] : memref<8x!tpu.dma_semaphore, #tpu.memory_space<semaphore_mem>> -> memref<1x!tpu.dma_semaphore, #tpu.memory_space<semaphore_mem>>
    %dma_start3A_92 = tpu.memref_squeeze %dma_start3A_91 : memref<1x!tpu.dma_semaphore, #tpu.memory_space<semaphore_mem>> -> memref<!tpu.dma_semaphore, #tpu.memory_space<semaphore_mem>>
    tpu.enqueue_indirect_dma source(%dma_start3A_90 : memref<10240x64xf32, #tpu.memory_space<hbm>>) target(%dma_start3A_84 : memref<128x64xf32, #tpu.memory_space<vmem>>) offsets(%dma_start3A_87 : memref<128xi32, #tpu.memory_space<vmem>>) semaphore(%dma_start3A_92 : memref<!tpu.dma_semaphore, #tpu.memory_space<semaphore_mem>>)
    %scan3A = arith.constant 0 : i32
    %scan3A_93 = arith.constant 0 : i32
    %scan3A_94 = arith.constant 10 : i32
    %scan3A_95 = arith.addi %scan3A_93, %scan3A_94 : i32
    %scan3A_96 = arith.constant 1 : i32
    scf.for %scan3A_218 = %scan3A_93 to %scan3A_95 step %scan3A_96  : i32 {
      %mul3A_219 = arith.constant 8 : i32
      %mul3A_220 = arith.muli %scan3A_218, %mul3A_219 : i32
      %add3A_221 = arith.constant 0 : i32
      %add3A_222 = arith.addi %mul3A_220, %add3A_221 : i32
      %add3A_223 = arith.constant 6 : i32
      %add3A_224 = arith.addi %add3A_222, %add3A_223 : i32
      %lt3A = arith.constant 80 : i32
      %lt3A_225 = arith.cmpi slt, %add3A_224, %lt3A : i32
      %convert_element_type3A = arith.extui %lt3A_225 : i1 to i32
      %cond3A = arith.constant 0 : i32
      %cond3A_226 = arith.cmpi ne, %convert_element_type3A, %cond3A : i32
      scf.if %cond3A_226 {
        %add3A_514 = arith.constant 6 : i32
        %add3A_515 = arith.addi %add3A_222, %add3A_514 : i32
        %ge3A = arith.constant 8 : i32
        %ge3A_516 = arith.cmpi sge, %add3A_515, %ge3A : i32
        %convert_element_type3A_517 = arith.extui %ge3A_516 : i1 to i32
        %cond3A_518 = arith.constant 0 : i32
        %cond3A_519 = arith.cmpi ne, %convert_element_type3A_517, %cond3A_518 : i32
        scf.if %cond3A_519 {
          %dma_wait3A_536 = arith.constant 6 : i32
          %dma_wait3A_537 = arith.constant 6 : i32
          %dma_wait3A_538 = arith.constant 0 : i32
          %dma_wait3A_539 = arith.constant 0 : i32
          %dma_wait3A_540 = tpu.memref_slice %arg8[%dma_wait3A_536, %dma_wait3A_538, %dma_wait3A_539] : memref<8x128x64xf32, #tpu.memory_space<vmem>> -> memref<1x128x64xf32, #tpu.memory_space<vmem>>
          %dma_wait3A_541 = tpu.memref_squeeze %dma_wait3A_540 : memref<1x128x64xf32, #tpu.memory_space<vmem>> -> memref<128x64xf32, #tpu.memory_space<vmem>>
          %dma_wait3A_542 = arith.constant 0 : i32
          %dma_wait3A_543 = tpu.memref_slice %arg7[%add3A_222, %dma_wait3A_542] : memref<80x128xi32, #tpu.memory_space<vmem>> -> memref<1x128xi32, #tpu.memory_space<vmem>>
          %dma_wait3A_544 = tpu.memref_squeeze %dma_wait3A_543 : memref<1x128xi32, #tpu.memory_space<vmem>> -> memref<128xi32, #tpu.memory_space<vmem>>
          %dma_wait3A_545 = arith.constant 0 : i32
          %dma_wait3A_546 = arith.constant 0 : i32
          %dma_wait3A_547 = tpu.memref_slice %arg11[%dma_wait3A_545, %dma_wait3A_546] : memref<10240x64xf32, #tpu.memory_space<vmem_shared>> -> memref<10240x64xf32, #tpu.memory_space<vmem_shared>>
          %dma_wait3A_548 = tpu.memref_slice %arg10[%dma_wait3A_537] : memref<8x!tpu.dma_semaphore, #tpu.memory_space<semaphore_mem>> -> memref<1x!tpu.dma_semaphore, #tpu.memory_space<semaphore_mem>>
          %dma_wait3A_549 = tpu.memref_squeeze %dma_wait3A_548 : memref<1x!tpu.dma_semaphore, #tpu.memory_space<semaphore_mem>> -> memref<!tpu.dma_semaphore, #tpu.memory_space<semaphore_mem>>
          tpu.wait_indirect_dma semaphore(%dma_wait3A_549 : memref<!tpu.dma_semaphore, #tpu.memory_space<semaphore_mem>>) src(%dma_wait3A_541 : memref<128x64xf32, #tpu.memory_space<vmem>>) dst(%dma_wait3A_547 : memref<10240x64xf32, #tpu.memory_space<vmem_shared>>)
        } else {
        }
        %add3A_520 = arith.constant 6 : i32
        %add3A_521 = arith.addi %add3A_222, %add3A_520 : i32
        %dma_start3A_522 = arith.constant 6 : i32
        %dma_start3A_523 = arith.constant 6 : i32
        %dma_start3A_524 = arith.constant 0 : i32
        %dma_start3A_525 = arith.constant 0 : i32
        %dma_start3A_526 = tpu.memref_slice %arg8[%dma_start3A_522, %dma_start3A_524, %dma_start3A_525] : memref<8x128x64xf32, #tpu.memory_space<vmem>> -> memref<1x128x64xf32, #tpu.memory_space<vmem>>
        %dma_start3A_527 = tpu.memref_squeeze %dma_start3A_526 : memref<1x128x64xf32, #tpu.memory_space<vmem>> -> memref<128x64xf32, #tpu.memory_space<vmem>>
        %dma_start3A_528 = arith.constant 0 : i32
        %dma_start3A_529 = tpu.memref_slice %arg6[%add3A_521, %dma_start3A_528] : memref<80x128xi32, #tpu.memory_space<vmem>> -> memref<1x128xi32, #tpu.memory_space<vmem>>
        %dma_start3A_530 = tpu.memref_squeeze %dma_start3A_529 : memref<1x128xi32, #tpu.memory_space<vmem>> -> memref<128xi32, #tpu.memory_space<vmem>>
        %dma_start3A_531 = arith.constant 0 : i32
        %dma_start3A_532 = arith.constant 0 : i32
        %dma_start3A_533 = tpu.memref_slice %arg2[%dma_start3A_531, %dma_start3A_532] : memref<10240x64xf32, #tpu.memory_space<hbm>> -> memref<10240x64xf32, #tpu.memory_space<hbm>>
        %dma_start3A_534 = tpu.memref_slice %arg9[%dma_start3A_523] : memref<8x!tpu.dma_semaphore, #tpu.memory_space<semaphore_mem>> -> memref<1x!tpu.dma_semaphore, #tpu.memory_space<semaphore_mem>>
        %dma_start3A_535 = tpu.memref_squeeze %dma_start3A_534 : memref<1x!tpu.dma_semaphore, #tpu.memory_space<semaphore_mem>> -> memref<!tpu.dma_semaphore, #tpu.memory_space<semaphore_mem>>
        tpu.enqueue_indirect_dma source(%dma_start3A_533 : memref<10240x64xf32, #tpu.memory_space<hbm>>) target(%dma_start3A_527 : memref<128x64xf32, #tpu.memory_space<vmem>>) offsets(%dma_start3A_530 : memref<128xi32, #tpu.memory_space<vmem>>) semaphore(%dma_start3A_535 : memref<!tpu.dma_semaphore, #tpu.memory_space<semaphore_mem>>)
      } else {
      }
      %dma_wait3A_227 = arith.constant 0 : i32
      %dma_wait3A_228 = arith.constant 0 : i32
      %dma_wait3A_229 = arith.constant 0 : i32
      %dma_wait3A_230 = arith.constant 0 : i32
      %dma_wait3A_231 = tpu.memref_slice %arg8[%dma_wait3A_227, %dma_wait3A_229, %dma_wait3A_230] : memref<8x128x64xf32, #tpu.memory_space<vmem>> -> memref<1x128x64xf32, #tpu.memory_space<vmem>>
      %dma_wait3A_232 = tpu.memref_squeeze %dma_wait3A_231 : memref<1x128x64xf32, #tpu.memory_space<vmem>> -> memref<128x64xf32, #tpu.memory_space<vmem>>
      %dma_wait3A_233 = arith.constant 0 : i32
      %dma_wait3A_234 = tpu.memref_slice %arg6[%add3A_222, %dma_wait3A_233] : memref<80x128xi32, #tpu.memory_space<vmem>> -> memref<1x128xi32, #tpu.memory_space<vmem>>
      %dma_wait3A_235 = tpu.memref_squeeze %dma_wait3A_234 : memref<1x128xi32, #tpu.memory_space<vmem>> -> memref<128xi32, #tpu.memory_space<vmem>>
      %dma_wait3A_236 = arith.constant 0 : i32
      %dma_wait3A_237 = arith.constant 0 : i32
      %dma_wait3A_238 = tpu.memref_slice %arg2[%dma_wait3A_236, %dma_wait3A_237] : memref<10240x64xf32, #tpu.memory_space<hbm>> -> memref<10240x64xf32, #tpu.memory_space<hbm>>
      %dma_wait3A_239 = tpu.memref_slice %arg9[%dma_wait3A_228] : memref<8x!tpu.dma_semaphore, #tpu.memory_space<semaphore_mem>> -> memref<1x!tpu.dma_semaphore, #tpu.memory_space<semaphore_mem>>
      %dma_wait3A_240 = tpu.memref_squeeze %dma_wait3A_239 : memref<1x!tpu.dma_semaphore, #tpu.memory_space<semaphore_mem>> -> memref<!tpu.dma_semaphore, #tpu.memory_space<semaphore_mem>>
      tpu.wait_indirect_dma semaphore(%dma_wait3A_240 : memref<!tpu.dma_semaphore, #tpu.memory_space<semaphore_mem>>) src(%dma_wait3A_238 : memref<10240x64xf32, #tpu.memory_space<hbm>>) dst(%dma_wait3A_232 : memref<128x64xf32, #tpu.memory_space<vmem>>)
      %dma_start3A_241 = arith.constant 0 : i32
      %dma_start3A_242 = arith.constant 0 : i32
      %dma_start3A_243 = arith.constant 0 : i32
      %dma_start3A_244 = arith.constant 0 : i32
      %dma_start3A_245 = tpu.memref_slice %arg8[%dma_start3A_241, %dma_start3A_243, %dma_start3A_244] : memref<8x128x64xf32, #tpu.memory_space<vmem>> -> memref<1x128x64xf32, #tpu.memory_space<vmem>>
      %dma_start3A_246 = tpu.memref_squeeze %dma_start3A_245 : memref<1x128x64xf32, #tpu.memory_space<vmem>> -> memref<128x64xf32, #tpu.memory_space<vmem>>
      %dma_start3A_247 = arith.constant 0 : i32
      %dma_start3A_248 = tpu.memref_slice %arg7[%add3A_222, %dma_start3A_247] : memref<80x128xi32, #tpu.memory_space<vmem>> -> memref<1x128xi32, #tpu.memory_space<vmem>>
      %dma_start3A_249 = tpu.memref_squeeze %dma_start3A_248 : memref<1x128xi32, #tpu.memory_space<vmem>> -> memref<128xi32, #tpu.memory_space<vmem>>
      %dma_start3A_250 = arith.constant 0 : i32
      %dma_start3A_251 = arith.constant 0 : i32
      %dma_start3A_252 = tpu.memref_slice %arg11[%dma_start3A_250, %dma_start3A_251] : memref<10240x64xf32, #tpu.memory_space<vmem_shared>> -> memref<10240x64xf32, #tpu.memory_space<vmem_shared>>
      %dma_start3A_253 = tpu.memref_slice %arg10[%dma_start3A_242] : memref<8x!tpu.dma_semaphore, #tpu.memory_space<semaphore_mem>> -> memref<1x!tpu.dma_semaphore, #tpu.memory_space<semaphore_mem>>
      %dma_start3A_254 = tpu.memref_squeeze %dma_start3A_253 : memref<1x!tpu.dma_semaphore, #tpu.memory_space<semaphore_mem>> -> memref<!tpu.dma_semaphore, #tpu.memory_space<semaphore_mem>>
      tpu.enqueue_indirect_dma source(%dma_start3A_246 : memref<128x64xf32, #tpu.memory_space<vmem>>) target(%dma_start3A_252 : memref<10240x64xf32, #tpu.memory_space<vmem_shared>>) offsets(%dma_start3A_249 : memref<128xi32, #tpu.memory_space<vmem>>) semaphore(%dma_start3A_254 : memref<!tpu.dma_semaphore, #tpu.memory_space<semaphore_mem>>) {add = true}
      %add3A_255 = arith.constant 1 : i32
      %add3A_256 = arith.addi %mul3A_220, %add3A_255 : i32
      %add3A_257 = arith.constant 6 : i32
      %add3A_258 = arith.addi %add3A_256, %add3A_257 : i32
      %lt3A_259 = arith.constant 80 : i32
      %lt3A_260 = arith.cmpi slt, %add3A_258, %lt3A_259 : i32
      %convert_element_type3A_261 = arith.extui %lt3A_260 : i1 to i32
      %cond3A_262 = arith.constant 0 : i32
      %cond3A_263 = arith.cmpi ne, %convert_element_type3A_261, %cond3A_262 : i32
      scf.if %cond3A_263 {
        %add3A_514 = arith.constant 6 : i32
        %add3A_515 = arith.addi %add3A_256, %add3A_514 : i32
        %ge3A = arith.constant 8 : i32
        %ge3A_516 = arith.cmpi sge, %add3A_515, %ge3A : i32
        %convert_element_type3A_517 = arith.extui %ge3A_516 : i1 to i32
        %cond3A_518 = arith.constant 0 : i32
        %cond3A_519 = arith.cmpi ne, %convert_element_type3A_517, %cond3A_518 : i32
        scf.if %cond3A_519 {
          %dma_wait3A_536 = arith.constant 7 : i32
          %dma_wait3A_537 = arith.constant 7 : i32
          %dma_wait3A_538 = arith.constant 0 : i32
          %dma_wait3A_539 = arith.constant 0 : i32
          %dma_wait3A_540 = tpu.memref_slice %arg8[%dma_wait3A_536, %dma_wait3A_538, %dma_wait3A_539] : memref<8x128x64xf32, #tpu.memory_space<vmem>> -> memref<1x128x64xf32, #tpu.memory_space<vmem>>
          %dma_wait3A_541 = tpu.memref_squeeze %dma_wait3A_540 : memref<1x128x64xf32, #tpu.memory_space<vmem>> -> memref<128x64xf32, #tpu.memory_space<vmem>>
          %dma_wait3A_542 = arith.constant 0 : i32
          %dma_wait3A_543 = tpu.memref_slice %arg7[%add3A_256, %dma_wait3A_542] : memref<80x128xi32, #tpu.memory_space<vmem>> -> memref<1x128xi32, #tpu.memory_space<vmem>>
          %dma_wait3A_544 = tpu.memref_squeeze %dma_wait3A_543 : memref<1x128xi32, #tpu.memory_space<vmem>> -> memref<128xi32, #tpu.memory_space<vmem>>
          %dma_wait3A_545 = arith.constant 0 : i32
          %dma_wait3A_546 = arith.constant 0 : i32
          %dma_wait3A_547 = tpu.memref_slice %arg11[%dma_wait3A_545, %dma_wait3A_546] : memref<10240x64xf32, #tpu.memory_space<vmem_shared>> -> memref<10240x64xf32, #tpu.memory_space<vmem_shared>>
          %dma_wait3A_548 = tpu.memref_slice %arg10[%dma_wait3A_537] : memref<8x!tpu.dma_semaphore, #tpu.memory_space<semaphore_mem>> -> memref<1x!tpu.dma_semaphore, #tpu.memory_space<semaphore_mem>>
          %dma_wait3A_549 = tpu.memref_squeeze %dma_wait3A_548 : memref<1x!tpu.dma_semaphore, #tpu.memory_space<semaphore_mem>> -> memref<!tpu.dma_semaphore, #tpu.memory_space<semaphore_mem>>
          tpu.wait_indirect_dma semaphore(%dma_wait3A_549 : memref<!tpu.dma_semaphore, #tpu.memory_space<semaphore_mem>>) src(%dma_wait3A_541 : memref<128x64xf32, #tpu.memory_space<vmem>>) dst(%dma_wait3A_547 : memref<10240x64xf32, #tpu.memory_space<vmem_shared>>)
        } else {
        }
        %add3A_520 = arith.constant 6 : i32
        %add3A_521 = arith.addi %add3A_256, %add3A_520 : i32
        %dma_start3A_522 = arith.constant 7 : i32
        %dma_start3A_523 = arith.constant 7 : i32
        %dma_start3A_524 = arith.constant 0 : i32
        %dma_start3A_525 = arith.constant 0 : i32
        %dma_start3A_526 = tpu.memref_slice %arg8[%dma_start3A_522, %dma_start3A_524, %dma_start3A_525] : memref<8x128x64xf32, #tpu.memory_space<vmem>> -> memref<1x128x64xf32, #tpu.memory_space<vmem>>
        %dma_start3A_527 = tpu.memref_squeeze %dma_start3A_526 : memref<1x128x64xf32, #tpu.memory_space<vmem>> -> memref<128x64xf32, #tpu.memory_space<vmem>>
        %dma_start3A_528 = arith.constant 0 : i32
        %dma_start3A_529 = tpu.memref_slice %arg6[%add3A_521, %dma_start3A_528] : memref<80x128xi32, #tpu.memory_space<vmem>> -> memref<1x128xi32, #tpu.memory_space<vmem>>
        %dma_start3A_530 = tpu.memref_squeeze %dma_start3A_529 : memref<1x128xi32, #tpu.memory_space<vmem>> -> memref<128xi32, #tpu.memory_space<vmem>>
        %dma_start3A_531 = arith.constant 0 : i32
        %dma_start3A_532 = arith.constant 0 : i32
        %dma_start3A_533 = tpu.memref_slice %arg2[%dma_start3A_531, %dma_start3A_532] : memref<10240x64xf32, #tpu.memory_space<hbm>> -> memref<10240x64xf32, #tpu.memory_space<hbm>>
        %dma_start3A_534 = tpu.memref_slice %arg9[%dma_start3A_523] : memref<8x!tpu.dma_semaphore, #tpu.memory_space<semaphore_mem>> -> memref<1x!tpu.dma_semaphore, #tpu.memory_space<semaphore_mem>>
        %dma_start3A_535 = tpu.memref_squeeze %dma_start3A_534 : memref<1x!tpu.dma_semaphore, #tpu.memory_space<semaphore_mem>> -> memref<!tpu.dma_semaphore, #tpu.memory_space<semaphore_mem>>
        tpu.enqueue_indirect_dma source(%dma_start3A_533 : memref<10240x64xf32, #tpu.memory_space<hbm>>) target(%dma_start3A_527 : memref<128x64xf32, #tpu.memory_space<vmem>>) offsets(%dma_start3A_530 : memref<128xi32, #tpu.memory_space<vmem>>) semaphore(%dma_start3A_535 : memref<!tpu.dma_semaphore, #tpu.memory_space<semaphore_mem>>)
      } else {
      }
      %dma_wait3A_264 = arith.constant 1 : i32
      %dma_wait3A_265 = arith.constant 1 : i32
      %dma_wait3A_266 = arith.constant 0 : i32
      %dma_wait3A_267 = arith.constant 0 : i32
      %dma_wait3A_268 = tpu.memref_slice %arg8[%dma_wait3A_264, %dma_wait3A_266, %dma_wait3A_267] : memref<8x128x64xf32, #tpu.memory_space<vmem>> -> memref<1x128x64xf32, #tpu.memory_space<vmem>>
      %dma_wait3A_269 = tpu.memref_squeeze %dma_wait3A_268 : memref<1x128x64xf32, #tpu.memory_space<vmem>> -> memref<128x64xf32, #tpu.memory_space<vmem>>
      %dma_wait3A_270 = arith.constant 0 : i32
      %dma_wait3A_271 = tpu.memref_slice %arg6[%add3A_256, %dma_wait3A_270] : memref<80x128xi32, #tpu.memory_space<vmem>> -> memref<1x128xi32, #tpu.memory_space<vmem>>
      %dma_wait3A_272 = tpu.memref_squeeze %dma_wait3A_271 : memref<1x128xi32, #tpu.memory_space<vmem>> -> memref<128xi32, #tpu.memory_space<vmem>>
      %dma_wait3A_273 = arith.constant 0 : i32
      %dma_wait3A_274 = arith.constant 0 : i32
      %dma_wait3A_275 = tpu.memref_slice %arg2[%dma_wait3A_273, %dma_wait3A_274] : memref<10240x64xf32, #tpu.memory_space<hbm>> -> memref<10240x64xf32, #tpu.memory_space<hbm>>
      %dma_wait3A_276 = tpu.memref_slice %arg9[%dma_wait3A_265] : memref<8x!tpu.dma_semaphore, #tpu.memory_space<semaphore_mem>> -> memref<1x!tpu.dma_semaphore, #tpu.memory_space<semaphore_mem>>
      %dma_wait3A_277 = tpu.memref_squeeze %dma_wait3A_276 : memref<1x!tpu.dma_semaphore, #tpu.memory_space<semaphore_mem>> -> memref<!tpu.dma_semaphore, #tpu.memory_space<semaphore_mem>>
      tpu.wait_indirect_dma semaphore(%dma_wait3A_277 : memref<!tpu.dma_semaphore, #tpu.memory_space<semaphore_mem>>) src(%dma_wait3A_275 : memref<10240x64xf32, #tpu.memory_space<hbm>>) dst(%dma_wait3A_269 : memref<128x64xf32, #tpu.memory_space<vmem>>)
      %dma_start3A_278 = arith.constant 1 : i32
      %dma_start3A_279 = arith.constant 1 : i32
      %dma_start3A_280 = arith.constant 0 : i32
      %dma_start3A_281 = arith.constant 0 : i32
      %dma_start3A_282 = tpu.memref_slice %arg8[%dma_start3A_278, %dma_start3A_280, %dma_start3A_281] : memref<8x128x64xf32, #tpu.memory_space<vmem>> -> memref<1x128x64xf32, #tpu.memory_space<vmem>>
      %dma_start3A_283 = tpu.memref_squeeze %dma_start3A_282 : memref<1x128x64xf32, #tpu.memory_space<vmem>> -> memref<128x64xf32, #tpu.memory_space<vmem>>
      %dma_start3A_284 = arith.constant 0 : i32
      %dma_start3A_285 = tpu.memref_slice %arg7[%add3A_256, %dma_start3A_284] : memref<80x128xi32, #tpu.memory_space<vmem>> -> memref<1x128xi32, #tpu.memory_space<vmem>>
      %dma_start3A_286 = tpu.memref_squeeze %dma_start3A_285 : memref<1x128xi32, #tpu.memory_space<vmem>> -> memref<128xi32, #tpu.memory_space<vmem>>
      %dma_start3A_287 = arith.constant 0 : i32
      %dma_start3A_288 = arith.constant 0 : i32
      %dma_start3A_289 = tpu.memref_slice %arg11[%dma_start3A_287, %dma_start3A_288] : memref<10240x64xf32, #tpu.memory_space<vmem_shared>> -> memref<10240x64xf32, #tpu.memory_space<vmem_shared>>
      %dma_start3A_290 = tpu.memref_slice %arg10[%dma_start3A_279] : memref<8x!tpu.dma_semaphore, #tpu.memory_space<semaphore_mem>> -> memref<1x!tpu.dma_semaphore, #tpu.memory_space<semaphore_mem>>
      %dma_start3A_291 = tpu.memref_squeeze %dma_start3A_290 : memref<1x!tpu.dma_semaphore, #tpu.memory_space<semaphore_mem>> -> memref<!tpu.dma_semaphore, #tpu.memory_space<semaphore_mem>>
      tpu.enqueue_indirect_dma source(%dma_start3A_283 : memref<128x64xf32, #tpu.memory_space<vmem>>) target(%dma_start3A_289 : memref<10240x64xf32, #tpu.memory_space<vmem_shared>>) offsets(%dma_start3A_286 : memref<128xi32, #tpu.memory_space<vmem>>) semaphore(%dma_start3A_291 : memref<!tpu.dma_semaphore, #tpu.memory_space<semaphore_mem>>) {add = true}
      %add3A_292 = arith.constant 2 : i32
      %add3A_293 = arith.addi %mul3A_220, %add3A_292 : i32
      %add3A_294 = arith.constant 6 : i32
      %add3A_295 = arith.addi %add3A_293, %add3A_294 : i32
      %lt3A_296 = arith.constant 80 : i32
      %lt3A_297 = arith.cmpi slt, %add3A_295, %lt3A_296 : i32
      %convert_element_type3A_298 = arith.extui %lt3A_297 : i1 to i32
      %cond3A_299 = arith.constant 0 : i32
      %cond3A_300 = arith.cmpi ne, %convert_element_type3A_298, %cond3A_299 : i32
      scf.if %cond3A_300 {
        %add3A_514 = arith.constant 6 : i32
        %add3A_515 = arith.addi %add3A_293, %add3A_514 : i32
        %ge3A = arith.constant 8 : i32
        %ge3A_516 = arith.cmpi sge, %add3A_515, %ge3A : i32
        %convert_element_type3A_517 = arith.extui %ge3A_516 : i1 to i32
        %cond3A_518 = arith.constant 0 : i32
        %cond3A_519 = arith.cmpi ne, %convert_element_type3A_517, %cond3A_518 : i32
        scf.if %cond3A_519 {
          %dma_wait3A_536 = arith.constant 0 : i32
          %dma_wait3A_537 = arith.constant 0 : i32
          %dma_wait3A_538 = arith.constant 0 : i32
          %dma_wait3A_539 = arith.constant 0 : i32
          %dma_wait3A_540 = tpu.memref_slice %arg8[%dma_wait3A_536, %dma_wait3A_538, %dma_wait3A_539] : memref<8x128x64xf32, #tpu.memory_space<vmem>> -> memref<1x128x64xf32, #tpu.memory_space<vmem>>
          %dma_wait3A_541 = tpu.memref_squeeze %dma_wait3A_540 : memref<1x128x64xf32, #tpu.memory_space<vmem>> -> memref<128x64xf32, #tpu.memory_space<vmem>>
          %dma_wait3A_542 = arith.constant 0 : i32
          %dma_wait3A_543 = tpu.memref_slice %arg7[%add3A_293, %dma_wait3A_542] : memref<80x128xi32, #tpu.memory_space<vmem>> -> memref<1x128xi32, #tpu.memory_space<vmem>>
          %dma_wait3A_544 = tpu.memref_squeeze %dma_wait3A_543 : memref<1x128xi32, #tpu.memory_space<vmem>> -> memref<128xi32, #tpu.memory_space<vmem>>
          %dma_wait3A_545 = arith.constant 0 : i32
          %dma_wait3A_546 = arith.constant 0 : i32
          %dma_wait3A_547 = tpu.memref_slice %arg11[%dma_wait3A_545, %dma_wait3A_546] : memref<10240x64xf32, #tpu.memory_space<vmem_shared>> -> memref<10240x64xf32, #tpu.memory_space<vmem_shared>>
          %dma_wait3A_548 = tpu.memref_slice %arg10[%dma_wait3A_537] : memref<8x!tpu.dma_semaphore, #tpu.memory_space<semaphore_mem>> -> memref<1x!tpu.dma_semaphore, #tpu.memory_space<semaphore_mem>>
          %dma_wait3A_549 = tpu.memref_squeeze %dma_wait3A_548 : memref<1x!tpu.dma_semaphore, #tpu.memory_space<semaphore_mem>> -> memref<!tpu.dma_semaphore, #tpu.memory_space<semaphore_mem>>
          tpu.wait_indirect_dma semaphore(%dma_wait3A_549 : memref<!tpu.dma_semaphore, #tpu.memory_space<semaphore_mem>>) src(%dma_wait3A_541 : memref<128x64xf32, #tpu.memory_space<vmem>>) dst(%dma_wait3A_547 : memref<10240x64xf32, #tpu.memory_space<vmem_shared>>)
        } else {
        }
        %add3A_520 = arith.constant 6 : i32
        %add3A_521 = arith.addi %add3A_293, %add3A_520 : i32
        %dma_start3A_522 = arith.constant 0 : i32
        %dma_start3A_523 = arith.constant 0 : i32
        %dma_start3A_524 = arith.constant 0 : i32
        %dma_start3A_525 = arith.constant 0 : i32
        %dma_start3A_526 = tpu.memref_slice %arg8[%dma_start3A_522, %dma_start3A_524, %dma_start3A_525] : memref<8x128x64xf32, #tpu.memory_space<vmem>> -> memref<1x128x64xf32, #tpu.memory_space<vmem>>
        %dma_start3A_527 = tpu.memref_squeeze %dma_start3A_526 : memref<1x128x64xf32, #tpu.memory_space<vmem>> -> memref<128x64xf32, #tpu.memory_space<vmem>>
        %dma_start3A_528 = arith.constant 0 : i32
        %dma_start3A_529 = tpu.memref_slice %arg6[%add3A_521, %dma_start3A_528] : memref<80x128xi32, #tpu.memory_space<vmem>> -> memref<1x128xi32, #tpu.memory_space<vmem>>
        %dma_start3A_530 = tpu.memref_squeeze %dma_start3A_529 : memref<1x128xi32, #tpu.memory_space<vmem>> -> memref<128xi32, #tpu.memory_space<vmem>>
        %dma_start3A_531 = arith.constant 0 : i32
        %dma_start3A_532 = arith.constant 0 : i32
        %dma_start3A_533 = tpu.memref_slice %arg2[%dma_start3A_531, %dma_start3A_532] : memref<10240x64xf32, #tpu.memory_space<hbm>> -> memref<10240x64xf32, #tpu.memory_space<hbm>>
        %dma_start3A_534 = tpu.memref_slice %arg9[%dma_start3A_523] : memref<8x!tpu.dma_semaphore, #tpu.memory_space<semaphore_mem>> -> memref<1x!tpu.dma_semaphore, #tpu.memory_space<semaphore_mem>>
        %dma_start3A_535 = tpu.memref_squeeze %dma_start3A_534 : memref<1x!tpu.dma_semaphore, #tpu.memory_space<semaphore_mem>> -> memref<!tpu.dma_semaphore, #tpu.memory_space<semaphore_mem>>
        tpu.enqueue_indirect_dma source(%dma_start3A_533 : memref<10240x64xf32, #tpu.memory_space<hbm>>) target(%dma_start3A_527 : memref<128x64xf32, #tpu.memory_space<vmem>>) offsets(%dma_start3A_530 : memref<128xi32, #tpu.memory_space<vmem>>) semaphore(%dma_start3A_535 : memref<!tpu.dma_semaphore, #tpu.memory_space<semaphore_mem>>)
      } else {
      }
      %dma_wait3A_301 = arith.constant 2 : i32
      %dma_wait3A_302 = arith.constant 2 : i32
      %dma_wait3A_303 = arith.constant 0 : i32
      %dma_wait3A_304 = arith.constant 0 : i32
      %dma_wait3A_305 = tpu.memref_slice %arg8[%dma_wait3A_301, %dma_wait3A_303, %dma_wait3A_304] : memref<8x128x64xf32, #tpu.memory_space<vmem>> -> memref<1x128x64xf32, #tpu.memory_space<vmem>>
      %dma_wait3A_306 = tpu.memref_squeeze %dma_wait3A_305 : memref<1x128x64xf32, #tpu.memory_space<vmem>> -> memref<128x64xf32, #tpu.memory_space<vmem>>
      %dma_wait3A_307 = arith.constant 0 : i32
      %dma_wait3A_308 = tpu.memref_slice %arg6[%add3A_293, %dma_wait3A_307] : memref<80x128xi32, #tpu.memory_space<vmem>> -> memref<1x128xi32, #tpu.memory_space<vmem>>
      %dma_wait3A_309 = tpu.memref_squeeze %dma_wait3A_308 : memref<1x128xi32, #tpu.memory_space<vmem>> -> memref<128xi32, #tpu.memory_space<vmem>>
      %dma_wait3A_310 = arith.constant 0 : i32
      %dma_wait3A_311 = arith.constant 0 : i32
      %dma_wait3A_312 = tpu.memref_slice %arg2[%dma_wait3A_310, %dma_wait3A_311] : memref<10240x64xf32, #tpu.memory_space<hbm>> -> memref<10240x64xf32, #tpu.memory_space<hbm>>
      %dma_wait3A_313 = tpu.memref_slice %arg9[%dma_wait3A_302] : memref<8x!tpu.dma_semaphore, #tpu.memory_space<semaphore_mem>> -> memref<1x!tpu.dma_semaphore, #tpu.memory_space<semaphore_mem>>
      %dma_wait3A_314 = tpu.memref_squeeze %dma_wait3A_313 : memref<1x!tpu.dma_semaphore, #tpu.memory_space<semaphore_mem>> -> memref<!tpu.dma_semaphore, #tpu.memory_space<semaphore_mem>>
      tpu.wait_indirect_dma semaphore(%dma_wait3A_314 : memref<!tpu.dma_semaphore, #tpu.memory_space<semaphore_mem>>) src(%dma_wait3A_312 : memref<10240x64xf32, #tpu.memory_space<hbm>>) dst(%dma_wait3A_306 : memref<128x64xf32, #tpu.memory_space<vmem>>)
      %dma_start3A_315 = arith.constant 2 : i32
      %dma_start3A_316 = arith.constant 2 : i32
      %dma_start3A_317 = arith.constant 0 : i32
      %dma_start3A_318 = arith.constant 0 : i32
      %dma_start3A_319 = tpu.memref_slice %arg8[%dma_start3A_315, %dma_start3A_317, %dma_start3A_318] : memref<8x128x64xf32, #tpu.memory_space<vmem>> -> memref<1x128x64xf32, #tpu.memory_space<vmem>>
      %dma_start3A_320 = tpu.memref_squeeze %dma_start3A_319 : memref<1x128x64xf32, #tpu.memory_space<vmem>> -> memref<128x64xf32, #tpu.memory_space<vmem>>
      %dma_start3A_321 = arith.constant 0 : i32
      %dma_start3A_322 = tpu.memref_slice %arg7[%add3A_293, %dma_start3A_321] : memref<80x128xi32, #tpu.memory_space<vmem>> -> memref<1x128xi32, #tpu.memory_space<vmem>>
      %dma_start3A_323 = tpu.memref_squeeze %dma_start3A_322 : memref<1x128xi32, #tpu.memory_space<vmem>> -> memref<128xi32, #tpu.memory_space<vmem>>
      %dma_start3A_324 = arith.constant 0 : i32
      %dma_start3A_325 = arith.constant 0 : i32
      %dma_start3A_326 = tpu.memref_slice %arg11[%dma_start3A_324, %dma_start3A_325] : memref<10240x64xf32, #tpu.memory_space<vmem_shared>> -> memref<10240x64xf32, #tpu.memory_space<vmem_shared>>
      %dma_start3A_327 = tpu.memref_slice %arg10[%dma_start3A_316] : memref<8x!tpu.dma_semaphore, #tpu.memory_space<semaphore_mem>> -> memref<1x!tpu.dma_semaphore, #tpu.memory_space<semaphore_mem>>
      %dma_start3A_328 = tpu.memref_squeeze %dma_start3A_327 : memref<1x!tpu.dma_semaphore, #tpu.memory_space<semaphore_mem>> -> memref<!tpu.dma_semaphore, #tpu.memory_space<semaphore_mem>>
      tpu.enqueue_indirect_dma source(%dma_start3A_320 : memref<128x64xf32, #tpu.memory_space<vmem>>) target(%dma_start3A_326 : memref<10240x64xf32, #tpu.memory_space<vmem_shared>>) offsets(%dma_start3A_323 : memref<128xi32, #tpu.memory_space<vmem>>) semaphore(%dma_start3A_328 : memref<!tpu.dma_semaphore, #tpu.memory_space<semaphore_mem>>) {add = true}
      %add3A_329 = arith.constant 3 : i32
      %add3A_330 = arith.addi %mul3A_220, %add3A_329 : i32
      %add3A_331 = arith.constant 6 : i32
      %add3A_332 = arith.addi %add3A_330, %add3A_331 : i32
      %lt3A_333 = arith.constant 80 : i32
      %lt3A_334 = arith.cmpi slt, %add3A_332, %lt3A_333 : i32
      %convert_element_type3A_335 = arith.extui %lt3A_334 : i1 to i32
      %cond3A_336 = arith.constant 0 : i32
      %cond3A_337 = arith.cmpi ne, %convert_element_type3A_335, %cond3A_336 : i32
      scf.if %cond3A_337 {
        %add3A_514 = arith.constant 6 : i32
        %add3A_515 = arith.addi %add3A_330, %add3A_514 : i32
        %ge3A = arith.constant 8 : i32
        %ge3A_516 = arith.cmpi sge, %add3A_515, %ge3A : i32
        %convert_element_type3A_517 = arith.extui %ge3A_516 : i1 to i32
        %cond3A_518 = arith.constant 0 : i32
        %cond3A_519 = arith.cmpi ne, %convert_element_type3A_517, %cond3A_518 : i32
        scf.if %cond3A_519 {
          %dma_wait3A_536 = arith.constant 1 : i32
          %dma_wait3A_537 = arith.constant 1 : i32
          %dma_wait3A_538 = arith.constant 0 : i32
          %dma_wait3A_539 = arith.constant 0 : i32
          %dma_wait3A_540 = tpu.memref_slice %arg8[%dma_wait3A_536, %dma_wait3A_538, %dma_wait3A_539] : memref<8x128x64xf32, #tpu.memory_space<vmem>> -> memref<1x128x64xf32, #tpu.memory_space<vmem>>
          %dma_wait3A_541 = tpu.memref_squeeze %dma_wait3A_540 : memref<1x128x64xf32, #tpu.memory_space<vmem>> -> memref<128x64xf32, #tpu.memory_space<vmem>>
          %dma_wait3A_542 = arith.constant 0 : i32
          %dma_wait3A_543 = tpu.memref_slice %arg7[%add3A_330, %dma_wait3A_542] : memref<80x128xi32, #tpu.memory_space<vmem>> -> memref<1x128xi32, #tpu.memory_space<vmem>>
          %dma_wait3A_544 = tpu.memref_squeeze %dma_wait3A_543 : memref<1x128xi32, #tpu.memory_space<vmem>> -> memref<128xi32, #tpu.memory_space<vmem>>
          %dma_wait3A_545 = arith.constant 0 : i32
          %dma_wait3A_546 = arith.constant 0 : i32
          %dma_wait3A_547 = tpu.memref_slice %arg11[%dma_wait3A_545, %dma_wait3A_546] : memref<10240x64xf32, #tpu.memory_space<vmem_shared>> -> memref<10240x64xf32, #tpu.memory_space<vmem_shared>>
          %dma_wait3A_548 = tpu.memref_slice %arg10[%dma_wait3A_537] : memref<8x!tpu.dma_semaphore, #tpu.memory_space<semaphore_mem>> -> memref<1x!tpu.dma_semaphore, #tpu.memory_space<semaphore_mem>>
          %dma_wait3A_549 = tpu.memref_squeeze %dma_wait3A_548 : memref<1x!tpu.dma_semaphore, #tpu.memory_space<semaphore_mem>> -> memref<!tpu.dma_semaphore, #tpu.memory_space<semaphore_mem>>
          tpu.wait_indirect_dma semaphore(%dma_wait3A_549 : memref<!tpu.dma_semaphore, #tpu.memory_space<semaphore_mem>>) src(%dma_wait3A_541 : memref<128x64xf32, #tpu.memory_space<vmem>>) dst(%dma_wait3A_547 : memref<10240x64xf32, #tpu.memory_space<vmem_shared>>)
        } else {
        }
        %add3A_520 = arith.constant 6 : i32
        %add3A_521 = arith.addi %add3A_330, %add3A_520 : i32
        %dma_start3A_522 = arith.constant 1 : i32
        %dma_start3A_523 = arith.constant 1 : i32
        %dma_start3A_524 = arith.constant 0 : i32
        %dma_start3A_525 = arith.constant 0 : i32
        %dma_start3A_526 = tpu.memref_slice %arg8[%dma_start3A_522, %dma_start3A_524, %dma_start3A_525] : memref<8x128x64xf32, #tpu.memory_space<vmem>> -> memref<1x128x64xf32, #tpu.memory_space<vmem>>
        %dma_start3A_527 = tpu.memref_squeeze %dma_start3A_526 : memref<1x128x64xf32, #tpu.memory_space<vmem>> -> memref<128x64xf32, #tpu.memory_space<vmem>>
        %dma_start3A_528 = arith.constant 0 : i32
        %dma_start3A_529 = tpu.memref_slice %arg6[%add3A_521, %dma_start3A_528] : memref<80x128xi32, #tpu.memory_space<vmem>> -> memref<1x128xi32, #tpu.memory_space<vmem>>
        %dma_start3A_530 = tpu.memref_squeeze %dma_start3A_529 : memref<1x128xi32, #tpu.memory_space<vmem>> -> memref<128xi32, #tpu.memory_space<vmem>>
        %dma_start3A_531 = arith.constant 0 : i32
        %dma_start3A_532 = arith.constant 0 : i32
        %dma_start3A_533 = tpu.memref_slice %arg2[%dma_start3A_531, %dma_start3A_532] : memref<10240x64xf32, #tpu.memory_space<hbm>> -> memref<10240x64xf32, #tpu.memory_space<hbm>>
        %dma_start3A_534 = tpu.memref_slice %arg9[%dma_start3A_523] : memref<8x!tpu.dma_semaphore, #tpu.memory_space<semaphore_mem>> -> memref<1x!tpu.dma_semaphore, #tpu.memory_space<semaphore_mem>>
        %dma_start3A_535 = tpu.memref_squeeze %dma_start3A_534 : memref<1x!tpu.dma_semaphore, #tpu.memory_space<semaphore_mem>> -> memref<!tpu.dma_semaphore, #tpu.memory_space<semaphore_mem>>
        tpu.enqueue_indirect_dma source(%dma_start3A_533 : memref<10240x64xf32, #tpu.memory_space<hbm>>) target(%dma_start3A_527 : memref<128x64xf32, #tpu.memory_space<vmem>>) offsets(%dma_start3A_530 : memref<128xi32, #tpu.memory_space<vmem>>) semaphore(%dma_start3A_535 : memref<!tpu.dma_semaphore, #tpu.memory_space<semaphore_mem>>)
      } else {
      }
      %dma_wait3A_338 = arith.constant 3 : i32
      %dma_wait3A_339 = arith.constant 3 : i32
      %dma_wait3A_340 = arith.constant 0 : i32
      %dma_wait3A_341 = arith.constant 0 : i32
      %dma_wait3A_342 = tpu.memref_slice %arg8[%dma_wait3A_338, %dma_wait3A_340, %dma_wait3A_341] : memref<8x128x64xf32, #tpu.memory_space<vmem>> -> memref<1x128x64xf32, #tpu.memory_space<vmem>>
      %dma_wait3A_343 = tpu.memref_squeeze %dma_wait3A_342 : memref<1x128x64xf32, #tpu.memory_space<vmem>> -> memref<128x64xf32, #tpu.memory_space<vmem>>
      %dma_wait3A_344 = arith.constant 0 : i32
      %dma_wait3A_345 = tpu.memref_slice %arg6[%add3A_330, %dma_wait3A_344] : memref<80x128xi32, #tpu.memory_space<vmem>> -> memref<1x128xi32, #tpu.memory_space<vmem>>
      %dma_wait3A_346 = tpu.memref_squeeze %dma_wait3A_345 : memref<1x128xi32, #tpu.memory_space<vmem>> -> memref<128xi32, #tpu.memory_space<vmem>>
      %dma_wait3A_347 = arith.constant 0 : i32
      %dma_wait3A_348 = arith.constant 0 : i32
      %dma_wait3A_349 = tpu.memref_slice %arg2[%dma_wait3A_347, %dma_wait3A_348] : memref<10240x64xf32, #tpu.memory_space<hbm>> -> memref<10240x64xf32, #tpu.memory_space<hbm>>
      %dma_wait3A_350 = tpu.memref_slice %arg9[%dma_wait3A_339] : memref<8x!tpu.dma_semaphore, #tpu.memory_space<semaphore_mem>> -> memref<1x!tpu.dma_semaphore, #tpu.memory_space<semaphore_mem>>
      %dma_wait3A_351 = tpu.memref_squeeze %dma_wait3A_350 : memref<1x!tpu.dma_semaphore, #tpu.memory_space<semaphore_mem>> -> memref<!tpu.dma_semaphore, #tpu.memory_space<semaphore_mem>>
      tpu.wait_indirect_dma semaphore(%dma_wait3A_351 : memref<!tpu.dma_semaphore, #tpu.memory_space<semaphore_mem>>) src(%dma_wait3A_349 : memref<10240x64xf32, #tpu.memory_space<hbm>>) dst(%dma_wait3A_343 : memref<128x64xf32, #tpu.memory_space<vmem>>)
      %dma_start3A_352 = arith.constant 3 : i32
      %dma_start3A_353 = arith.constant 3 : i32
      %dma_start3A_354 = arith.constant 0 : i32
      %dma_start3A_355 = arith.constant 0 : i32
      %dma_start3A_356 = tpu.memref_slice %arg8[%dma_start3A_352, %dma_start3A_354, %dma_start3A_355] : memref<8x128x64xf32, #tpu.memory_space<vmem>> -> memref<1x128x64xf32, #tpu.memory_space<vmem>>
      %dma_start3A_357 = tpu.memref_squeeze %dma_start3A_356 : memref<1x128x64xf32, #tpu.memory_space<vmem>> -> memref<128x64xf32, #tpu.memory_space<vmem>>
      %dma_start3A_358 = arith.constant 0 : i32
      %dma_start3A_359 = tpu.memref_slice %arg7[%add3A_330, %dma_start3A_358] : memref<80x128xi32, #tpu.memory_space<vmem>> -> memref<1x128xi32, #tpu.memory_space<vmem>>
      %dma_start3A_360 = tpu.memref_squeeze %dma_start3A_359 : memref<1x128xi32, #tpu.memory_space<vmem>> -> memref<128xi32, #tpu.memory_space<vmem>>
      %dma_start3A_361 = arith.constant 0 : i32
      %dma_start3A_362 = arith.constant 0 : i32
      %dma_start3A_363 = tpu.memref_slice %arg11[%dma_start3A_361, %dma_start3A_362] : memref<10240x64xf32, #tpu.memory_space<vmem_shared>> -> memref<10240x64xf32, #tpu.memory_space<vmem_shared>>
      %dma_start3A_364 = tpu.memref_slice %arg10[%dma_start3A_353] : memref<8x!tpu.dma_semaphore, #tpu.memory_space<semaphore_mem>> -> memref<1x!tpu.dma_semaphore, #tpu.memory_space<semaphore_mem>>
      %dma_start3A_365 = tpu.memref_squeeze %dma_start3A_364 : memref<1x!tpu.dma_semaphore, #tpu.memory_space<semaphore_mem>> -> memref<!tpu.dma_semaphore, #tpu.memory_space<semaphore_mem>>
      tpu.enqueue_indirect_dma source(%dma_start3A_357 : memref<128x64xf32, #tpu.memory_space<vmem>>) target(%dma_start3A_363 : memref<10240x64xf32, #tpu.memory_space<vmem_shared>>) offsets(%dma_start3A_360 : memref<128xi32, #tpu.memory_space<vmem>>) semaphore(%dma_start3A_365 : memref<!tpu.dma_semaphore, #tpu.memory_space<semaphore_mem>>) {add = true}
      %add3A_366 = arith.constant 4 : i32
      %add3A_367 = arith.addi %mul3A_220, %add3A_366 : i32
      %add3A_368 = arith.constant 6 : i32
      %add3A_369 = arith.addi %add3A_367, %add3A_368 : i32
      %lt3A_370 = arith.constant 80 : i32
      %lt3A_371 = arith.cmpi slt, %add3A_369, %lt3A_370 : i32
      %convert_element_type3A_372 = arith.extui %lt3A_371 : i1 to i32
      %cond3A_373 = arith.constant 0 : i32
      %cond3A_374 = arith.cmpi ne, %convert_element_type3A_372, %cond3A_373 : i32
      scf.if %cond3A_374 {
        %add3A_514 = arith.constant 6 : i32
        %add3A_515 = arith.addi %add3A_367, %add3A_514 : i32
        %ge3A = arith.constant 8 : i32
        %ge3A_516 = arith.cmpi sge, %add3A_515, %ge3A : i32
        %convert_element_type3A_517 = arith.extui %ge3A_516 : i1 to i32
        %cond3A_518 = arith.constant 0 : i32
        %cond3A_519 = arith.cmpi ne, %convert_element_type3A_517, %cond3A_518 : i32
        scf.if %cond3A_519 {
          %dma_wait3A_536 = arith.constant 2 : i32
          %dma_wait3A_537 = arith.constant 2 : i32
          %dma_wait3A_538 = arith.constant 0 : i32
          %dma_wait3A_539 = arith.constant 0 : i32
          %dma_wait3A_540 = tpu.memref_slice %arg8[%dma_wait3A_536, %dma_wait3A_538, %dma_wait3A_539] : memref<8x128x64xf32, #tpu.memory_space<vmem>> -> memref<1x128x64xf32, #tpu.memory_space<vmem>>
          %dma_wait3A_541 = tpu.memref_squeeze %dma_wait3A_540 : memref<1x128x64xf32, #tpu.memory_space<vmem>> -> memref<128x64xf32, #tpu.memory_space<vmem>>
          %dma_wait3A_542 = arith.constant 0 : i32
          %dma_wait3A_543 = tpu.memref_slice %arg7[%add3A_367, %dma_wait3A_542] : memref<80x128xi32, #tpu.memory_space<vmem>> -> memref<1x128xi32, #tpu.memory_space<vmem>>
          %dma_wait3A_544 = tpu.memref_squeeze %dma_wait3A_543 : memref<1x128xi32, #tpu.memory_space<vmem>> -> memref<128xi32, #tpu.memory_space<vmem>>
          %dma_wait3A_545 = arith.constant 0 : i32
          %dma_wait3A_546 = arith.constant 0 : i32
          %dma_wait3A_547 = tpu.memref_slice %arg11[%dma_wait3A_545, %dma_wait3A_546] : memref<10240x64xf32, #tpu.memory_space<vmem_shared>> -> memref<10240x64xf32, #tpu.memory_space<vmem_shared>>
          %dma_wait3A_548 = tpu.memref_slice %arg10[%dma_wait3A_537] : memref<8x!tpu.dma_semaphore, #tpu.memory_space<semaphore_mem>> -> memref<1x!tpu.dma_semaphore, #tpu.memory_space<semaphore_mem>>
          %dma_wait3A_549 = tpu.memref_squeeze %dma_wait3A_548 : memref<1x!tpu.dma_semaphore, #tpu.memory_space<semaphore_mem>> -> memref<!tpu.dma_semaphore, #tpu.memory_space<semaphore_mem>>
          tpu.wait_indirect_dma semaphore(%dma_wait3A_549 : memref<!tpu.dma_semaphore, #tpu.memory_space<semaphore_mem>>) src(%dma_wait3A_541 : memref<128x64xf32, #tpu.memory_space<vmem>>) dst(%dma_wait3A_547 : memref<10240x64xf32, #tpu.memory_space<vmem_shared>>)
        } else {
        }
        %add3A_520 = arith.constant 6 : i32
        %add3A_521 = arith.addi %add3A_367, %add3A_520 : i32
        %dma_start3A_522 = arith.constant 2 : i32
        %dma_start3A_523 = arith.constant 2 : i32
        %dma_start3A_524 = arith.constant 0 : i32
        %dma_start3A_525 = arith.constant 0 : i32
        %dma_start3A_526 = tpu.memref_slice %arg8[%dma_start3A_522, %dma_start3A_524, %dma_start3A_525] : memref<8x128x64xf32, #tpu.memory_space<vmem>> -> memref<1x128x64xf32, #tpu.memory_space<vmem>>
        %dma_start3A_527 = tpu.memref_squeeze %dma_start3A_526 : memref<1x128x64xf32, #tpu.memory_space<vmem>> -> memref<128x64xf32, #tpu.memory_space<vmem>>
        %dma_start3A_528 = arith.constant 0 : i32
        %dma_start3A_529 = tpu.memref_slice %arg6[%add3A_521, %dma_start3A_528] : memref<80x128xi32, #tpu.memory_space<vmem>> -> memref<1x128xi32, #tpu.memory_space<vmem>>
        %dma_start3A_530 = tpu.memref_squeeze %dma_start3A_529 : memref<1x128xi32, #tpu.memory_space<vmem>> -> memref<128xi32, #tpu.memory_space<vmem>>
        %dma_start3A_531 = arith.constant 0 : i32
        %dma_start3A_532 = arith.constant 0 : i32
        %dma_start3A_533 = tpu.memref_slice %arg2[%dma_start3A_531, %dma_start3A_532] : memref<10240x64xf32, #tpu.memory_space<hbm>> -> memref<10240x64xf32, #tpu.memory_space<hbm>>
        %dma_start3A_534 = tpu.memref_slice %arg9[%dma_start3A_523] : memref<8x!tpu.dma_semaphore, #tpu.memory_space<semaphore_mem>> -> memref<1x!tpu.dma_semaphore, #tpu.memory_space<semaphore_mem>>
        %dma_start3A_535 = tpu.memref_squeeze %dma_start3A_534 : memref<1x!tpu.dma_semaphore, #tpu.memory_space<semaphore_mem>> -> memref<!tpu.dma_semaphore, #tpu.memory_space<semaphore_mem>>
        tpu.enqueue_indirect_dma source(%dma_start3A_533 : memref<10240x64xf32, #tpu.memory_space<hbm>>) target(%dma_start3A_527 : memref<128x64xf32, #tpu.memory_space<vmem>>) offsets(%dma_start3A_530 : memref<128xi32, #tpu.memory_space<vmem>>) semaphore(%dma_start3A_535 : memref<!tpu.dma_semaphore, #tpu.memory_space<semaphore_mem>>)
      } else {
      }
      %dma_wait3A_375 = arith.constant 4 : i32
      %dma_wait3A_376 = arith.constant 4 : i32
      %dma_wait3A_377 = arith.constant 0 : i32
      %dma_wait3A_378 = arith.constant 0 : i32
      %dma_wait3A_379 = tpu.memref_slice %arg8[%dma_wait3A_375, %dma_wait3A_377, %dma_wait3A_378] : memref<8x128x64xf32, #tpu.memory_space<vmem>> -> memref<1x128x64xf32, #tpu.memory_space<vmem>>
      %dma_wait3A_380 = tpu.memref_squeeze %dma_wait3A_379 : memref<1x128x64xf32, #tpu.memory_space<vmem>> -> memref<128x64xf32, #tpu.memory_space<vmem>>
      %dma_wait3A_381 = arith.constant 0 : i32
      %dma_wait3A_382 = tpu.memref_slice %arg6[%add3A_367, %dma_wait3A_381] : memref<80x128xi32, #tpu.memory_space<vmem>> -> memref<1x128xi32, #tpu.memory_space<vmem>>
      %dma_wait3A_383 = tpu.memref_squeeze %dma_wait3A_382 : memref<1x128xi32, #tpu.memory_space<vmem>> -> memref<128xi32, #tpu.memory_space<vmem>>
      %dma_wait3A_384 = arith.constant 0 : i32
      %dma_wait3A_385 = arith.constant 0 : i32
      %dma_wait3A_386 = tpu.memref_slice %arg2[%dma_wait3A_384, %dma_wait3A_385] : memref<10240x64xf32, #tpu.memory_space<hbm>> -> memref<10240x64xf32, #tpu.memory_space<hbm>>
      %dma_wait3A_387 = tpu.memref_slice %arg9[%dma_wait3A_376] : memref<8x!tpu.dma_semaphore, #tpu.memory_space<semaphore_mem>> -> memref<1x!tpu.dma_semaphore, #tpu.memory_space<semaphore_mem>>
      %dma_wait3A_388 = tpu.memref_squeeze %dma_wait3A_387 : memref<1x!tpu.dma_semaphore, #tpu.memory_space<semaphore_mem>> -> memref<!tpu.dma_semaphore, #tpu.memory_space<semaphore_mem>>
      tpu.wait_indirect_dma semaphore(%dma_wait3A_388 : memref<!tpu.dma_semaphore, #tpu.memory_space<semaphore_mem>>) src(%dma_wait3A_386 : memref<10240x64xf32, #tpu.memory_space<hbm>>) dst(%dma_wait3A_380 : memref<128x64xf32, #tpu.memory_space<vmem>>)
      %dma_start3A_389 = arith.constant 4 : i32
      %dma_start3A_390 = arith.constant 4 : i32
      %dma_start3A_391 = arith.constant 0 : i32
      %dma_start3A_392 = arith.constant 0 : i32
      %dma_start3A_393 = tpu.memref_slice %arg8[%dma_start3A_389, %dma_start3A_391, %dma_start3A_392] : memref<8x128x64xf32, #tpu.memory_space<vmem>> -> memref<1x128x64xf32, #tpu.memory_space<vmem>>
      %dma_start3A_394 = tpu.memref_squeeze %dma_start3A_393 : memref<1x128x64xf32, #tpu.memory_space<vmem>> -> memref<128x64xf32, #tpu.memory_space<vmem>>
      %dma_start3A_395 = arith.constant 0 : i32
      %dma_start3A_396 = tpu.memref_slice %arg7[%add3A_367, %dma_start3A_395] : memref<80x128xi32, #tpu.memory_space<vmem>> -> memref<1x128xi32, #tpu.memory_space<vmem>>
      %dma_start3A_397 = tpu.memref_squeeze %dma_start3A_396 : memref<1x128xi32, #tpu.memory_space<vmem>> -> memref<128xi32, #tpu.memory_space<vmem>>
      %dma_start3A_398 = arith.constant 0 : i32
      %dma_start3A_399 = arith.constant 0 : i32
      %dma_start3A_400 = tpu.memref_slice %arg11[%dma_start3A_398, %dma_start3A_399] : memref<10240x64xf32, #tpu.memory_space<vmem_shared>> -> memref<10240x64xf32, #tpu.memory_space<vmem_shared>>
      %dma_start3A_401 = tpu.memref_slice %arg10[%dma_start3A_390] : memref<8x!tpu.dma_semaphore, #tpu.memory_space<semaphore_mem>> -> memref<1x!tpu.dma_semaphore, #tpu.memory_space<semaphore_mem>>
      %dma_start3A_402 = tpu.memref_squeeze %dma_start3A_401 : memref<1x!tpu.dma_semaphore, #tpu.memory_space<semaphore_mem>> -> memref<!tpu.dma_semaphore, #tpu.memory_space<semaphore_mem>>
      tpu.enqueue_indirect_dma source(%dma_start3A_394 : memref<128x64xf32, #tpu.memory_space<vmem>>) target(%dma_start3A_400 : memref<10240x64xf32, #tpu.memory_space<vmem_shared>>) offsets(%dma_start3A_397 : memref<128xi32, #tpu.memory_space<vmem>>) semaphore(%dma_start3A_402 : memref<!tpu.dma_semaphore, #tpu.memory_space<semaphore_mem>>) {add = true}
      %add3A_403 = arith.constant 5 : i32
      %add3A_404 = arith.addi %mul3A_220, %add3A_403 : i32
      %add3A_405 = arith.constant 6 : i32
      %add3A_406 = arith.addi %add3A_404, %add3A_405 : i32
      %lt3A_407 = arith.constant 80 : i32
      %lt3A_408 = arith.cmpi slt, %add3A_406, %lt3A_407 : i32
      %convert_element_type3A_409 = arith.extui %lt3A_408 : i1 to i32
      %cond3A_410 = arith.constant 0 : i32
      %cond3A_411 = arith.cmpi ne, %convert_element_type3A_409, %cond3A_410 : i32
      scf.if %cond3A_411 {
        %add3A_514 = arith.constant 6 : i32
        %add3A_515 = arith.addi %add3A_404, %add3A_514 : i32
        %ge3A = arith.constant 8 : i32
        %ge3A_516 = arith.cmpi sge, %add3A_515, %ge3A : i32
        %convert_element_type3A_517 = arith.extui %ge3A_516 : i1 to i32
        %cond3A_518 = arith.constant 0 : i32
        %cond3A_519 = arith.cmpi ne, %convert_element_type3A_517, %cond3A_518 : i32
        scf.if %cond3A_519 {
          %dma_wait3A_536 = arith.constant 3 : i32
          %dma_wait3A_537 = arith.constant 3 : i32
          %dma_wait3A_538 = arith.constant 0 : i32
          %dma_wait3A_539 = arith.constant 0 : i32
          %dma_wait3A_540 = tpu.memref_slice %arg8[%dma_wait3A_536, %dma_wait3A_538, %dma_wait3A_539] : memref<8x128x64xf32, #tpu.memory_space<vmem>> -> memref<1x128x64xf32, #tpu.memory_space<vmem>>
          %dma_wait3A_541 = tpu.memref_squeeze %dma_wait3A_540 : memref<1x128x64xf32, #tpu.memory_space<vmem>> -> memref<128x64xf32, #tpu.memory_space<vmem>>
          %dma_wait3A_542 = arith.constant 0 : i32
          %dma_wait3A_543 = tpu.memref_slice %arg7[%add3A_404, %dma_wait3A_542] : memref<80x128xi32, #tpu.memory_space<vmem>> -> memref<1x128xi32, #tpu.memory_space<vmem>>
          %dma_wait3A_544 = tpu.memref_squeeze %dma_wait3A_543 : memref<1x128xi32, #tpu.memory_space<vmem>> -> memref<128xi32, #tpu.memory_space<vmem>>
          %dma_wait3A_545 = arith.constant 0 : i32
          %dma_wait3A_546 = arith.constant 0 : i32
          %dma_wait3A_547 = tpu.memref_slice %arg11[%dma_wait3A_545, %dma_wait3A_546] : memref<10240x64xf32, #tpu.memory_space<vmem_shared>> -> memref<10240x64xf32, #tpu.memory_space<vmem_shared>>
          %dma_wait3A_548 = tpu.memref_slice %arg10[%dma_wait3A_537] : memref<8x!tpu.dma_semaphore, #tpu.memory_space<semaphore_mem>> -> memref<1x!tpu.dma_semaphore, #tpu.memory_space<semaphore_mem>>
          %dma_wait3A_549 = tpu.memref_squeeze %dma_wait3A_548 : memref<1x!tpu.dma_semaphore, #tpu.memory_space<semaphore_mem>> -> memref<!tpu.dma_semaphore, #tpu.memory_space<semaphore_mem>>
          tpu.wait_indirect_dma semaphore(%dma_wait3A_549 : memref<!tpu.dma_semaphore, #tpu.memory_space<semaphore_mem>>) src(%dma_wait3A_541 : memref<128x64xf32, #tpu.memory_space<vmem>>) dst(%dma_wait3A_547 : memref<10240x64xf32, #tpu.memory_space<vmem_shared>>)
        } else {
        }
        %add3A_520 = arith.constant 6 : i32
        %add3A_521 = arith.addi %add3A_404, %add3A_520 : i32
        %dma_start3A_522 = arith.constant 3 : i32
        %dma_start3A_523 = arith.constant 3 : i32
        %dma_start3A_524 = arith.constant 0 : i32
        %dma_start3A_525 = arith.constant 0 : i32
        %dma_start3A_526 = tpu.memref_slice %arg8[%dma_start3A_522, %dma_start3A_524, %dma_start3A_525] : memref<8x128x64xf32, #tpu.memory_space<vmem>> -> memref<1x128x64xf32, #tpu.memory_space<vmem>>
        %dma_start3A_527 = tpu.memref_squeeze %dma_start3A_526 : memref<1x128x64xf32, #tpu.memory_space<vmem>> -> memref<128x64xf32, #tpu.memory_space<vmem>>
        %dma_start3A_528 = arith.constant 0 : i32
        %dma_start3A_529 = tpu.memref_slice %arg6[%add3A_521, %dma_start3A_528] : memref<80x128xi32, #tpu.memory_space<vmem>> -> memref<1x128xi32, #tpu.memory_space<vmem>>
        %dma_start3A_530 = tpu.memref_squeeze %dma_start3A_529 : memref<1x128xi32, #tpu.memory_space<vmem>> -> memref<128xi32, #tpu.memory_space<vmem>>
        %dma_start3A_531 = arith.constant 0 : i32
        %dma_start3A_532 = arith.constant 0 : i32
        %dma_start3A_533 = tpu.memref_slice %arg2[%dma_start3A_531, %dma_start3A_532] : memref<10240x64xf32, #tpu.memory_space<hbm>> -> memref<10240x64xf32, #tpu.memory_space<hbm>>
        %dma_start3A_534 = tpu.memref_slice %arg9[%dma_start3A_523] : memref<8x!tpu.dma_semaphore, #tpu.memory_space<semaphore_mem>> -> memref<1x!tpu.dma_semaphore, #tpu.memory_space<semaphore_mem>>
        %dma_start3A_535 = tpu.memref_squeeze %dma_start3A_534 : memref<1x!tpu.dma_semaphore, #tpu.memory_space<semaphore_mem>> -> memref<!tpu.dma_semaphore, #tpu.memory_space<semaphore_mem>>
        tpu.enqueue_indirect_dma source(%dma_start3A_533 : memref<10240x64xf32, #tpu.memory_space<hbm>>) target(%dma_start3A_527 : memref<128x64xf32, #tpu.memory_space<vmem>>) offsets(%dma_start3A_530 : memref<128xi32, #tpu.memory_space<vmem>>) semaphore(%dma_start3A_535 : memref<!tpu.dma_semaphore, #tpu.memory_space<semaphore_mem>>)
      } else {
      }
      %dma_wait3A_412 = arith.constant 5 : i32
      %dma_wait3A_413 = arith.constant 5 : i32
      %dma_wait3A_414 = arith.constant 0 : i32
      %dma_wait3A_415 = arith.constant 0 : i32
      %dma_wait3A_416 = tpu.memref_slice %arg8[%dma_wait3A_412, %dma_wait3A_414, %dma_wait3A_415] : memref<8x128x64xf32, #tpu.memory_space<vmem>> -> memref<1x128x64xf32, #tpu.memory_space<vmem>>
      %dma_wait3A_417 = tpu.memref_squeeze %dma_wait3A_416 : memref<1x128x64xf32, #tpu.memory_space<vmem>> -> memref<128x64xf32, #tpu.memory_space<vmem>>
      %dma_wait3A_418 = arith.constant 0 : i32
      %dma_wait3A_419 = tpu.memref_slice %arg6[%add3A_404, %dma_wait3A_418] : memref<80x128xi32, #tpu.memory_space<vmem>> -> memref<1x128xi32, #tpu.memory_space<vmem>>
      %dma_wait3A_420 = tpu.memref_squeeze %dma_wait3A_419 : memref<1x128xi32, #tpu.memory_space<vmem>> -> memref<128xi32, #tpu.memory_space<vmem>>
      %dma_wait3A_421 = arith.constant 0 : i32
      %dma_wait3A_422 = arith.constant 0 : i32
      %dma_wait3A_423 = tpu.memref_slice %arg2[%dma_wait3A_421, %dma_wait3A_422] : memref<10240x64xf32, #tpu.memory_space<hbm>> -> memref<10240x64xf32, #tpu.memory_space<hbm>>
      %dma_wait3A_424 = tpu.memref_slice %arg9[%dma_wait3A_413] : memref<8x!tpu.dma_semaphore, #tpu.memory_space<semaphore_mem>> -> memref<1x!tpu.dma_semaphore, #tpu.memory_space<semaphore_mem>>
      %dma_wait3A_425 = tpu.memref_squeeze %dma_wait3A_424 : memref<1x!tpu.dma_semaphore, #tpu.memory_space<semaphore_mem>> -> memref<!tpu.dma_semaphore, #tpu.memory_space<semaphore_mem>>
      tpu.wait_indirect_dma semaphore(%dma_wait3A_425 : memref<!tpu.dma_semaphore, #tpu.memory_space<semaphore_mem>>) src(%dma_wait3A_423 : memref<10240x64xf32, #tpu.memory_space<hbm>>) dst(%dma_wait3A_417 : memref<128x64xf32, #tpu.memory_space<vmem>>)
      %dma_start3A_426 = arith.constant 5 : i32
      %dma_start3A_427 = arith.constant 5 : i32
      %dma_start3A_428 = arith.constant 0 : i32
      %dma_start3A_429 = arith.constant 0 : i32
      %dma_start3A_430 = tpu.memref_slice %arg8[%dma_start3A_426, %dma_start3A_428, %dma_start3A_429] : memref<8x128x64xf32, #tpu.memory_space<vmem>> -> memref<1x128x64xf32, #tpu.memory_space<vmem>>
      %dma_start3A_431 = tpu.memref_squeeze %dma_start3A_430 : memref<1x128x64xf32, #tpu.memory_space<vmem>> -> memref<128x64xf32, #tpu.memory_space<vmem>>
      %dma_start3A_432 = arith.constant 0 : i32
      %dma_start3A_433 = tpu.memref_slice %arg7[%add3A_404, %dma_start3A_432] : memref<80x128xi32, #tpu.memory_space<vmem>> -> memref<1x128xi32, #tpu.memory_space<vmem>>
      %dma_start3A_434 = tpu.memref_squeeze %dma_start3A_433 : memref<1x128xi32, #tpu.memory_space<vmem>> -> memref<128xi32, #tpu.memory_space<vmem>>
      %dma_start3A_435 = arith.constant 0 : i32
      %dma_start3A_436 = arith.constant 0 : i32
      %dma_start3A_437 = tpu.memref_slice %arg11[%dma_start3A_435, %dma_start3A_436] : memref<10240x64xf32, #tpu.memory_space<vmem_shared>> -> memref<10240x64xf32, #tpu.memory_space<vmem_shared>>
      %dma_start3A_438 = tpu.memref_slice %arg10[%dma_start3A_427] : memref<8x!tpu.dma_semaphore, #tpu.memory_space<semaphore_mem>> -> memref<1x!tpu.dma_semaphore, #tpu.memory_space<semaphore_mem>>
      %dma_start3A_439 = tpu.memref_squeeze %dma_start3A_438 : memref<1x!tpu.dma_semaphore, #tpu.memory_space<semaphore_mem>> -> memref<!tpu.dma_semaphore, #tpu.memory_space<semaphore_mem>>
      tpu.enqueue_indirect_dma source(%dma_start3A_431 : memref<128x64xf32, #tpu.memory_space<vmem>>) target(%dma_start3A_437 : memref<10240x64xf32, #tpu.memory_space<vmem_shared>>) offsets(%dma_start3A_434 : memref<128xi32, #tpu.memory_space<vmem>>) semaphore(%dma_start3A_439 : memref<!tpu.dma_semaphore, #tpu.memory_space<semaphore_mem>>) {add = true}
      %add3A_440 = arith.constant 6 : i32
      %add3A_441 = arith.addi %mul3A_220, %add3A_440 : i32
      %add3A_442 = arith.constant 6 : i32
      %add3A_443 = arith.addi %add3A_441, %add3A_442 : i32
      %lt3A_444 = arith.constant 80 : i32
      %lt3A_445 = arith.cmpi slt, %add3A_443, %lt3A_444 : i32
      %convert_element_type3A_446 = arith.extui %lt3A_445 : i1 to i32
      %cond3A_447 = arith.constant 0 : i32
      %cond3A_448 = arith.cmpi ne, %convert_element_type3A_446, %cond3A_447 : i32
      scf.if %cond3A_448 {
        %add3A_514 = arith.constant 6 : i32
        %add3A_515 = arith.addi %add3A_441, %add3A_514 : i32
        %ge3A = arith.constant 8 : i32
        %ge3A_516 = arith.cmpi sge, %add3A_515, %ge3A : i32
        %convert_element_type3A_517 = arith.extui %ge3A_516 : i1 to i32
        %cond3A_518 = arith.constant 0 : i32
        %cond3A_519 = arith.cmpi ne, %convert_element_type3A_517, %cond3A_518 : i32
        scf.if %cond3A_519 {
          %dma_wait3A_536 = arith.constant 4 : i32
          %dma_wait3A_537 = arith.constant 4 : i32
          %dma_wait3A_538 = arith.constant 0 : i32
          %dma_wait3A_539 = arith.constant 0 : i32
          %dma_wait3A_540 = tpu.memref_slice %arg8[%dma_wait3A_536, %dma_wait3A_538, %dma_wait3A_539] : memref<8x128x64xf32, #tpu.memory_space<vmem>> -> memref<1x128x64xf32, #tpu.memory_space<vmem>>
          %dma_wait3A_541 = tpu.memref_squeeze %dma_wait3A_540 : memref<1x128x64xf32, #tpu.memory_space<vmem>> -> memref<128x64xf32, #tpu.memory_space<vmem>>
          %dma_wait3A_542 = arith.constant 0 : i32
          %dma_wait3A_543 = tpu.memref_slice %arg7[%add3A_441, %dma_wait3A_542] : memref<80x128xi32, #tpu.memory_space<vmem>> -> memref<1x128xi32, #tpu.memory_space<vmem>>
          %dma_wait3A_544 = tpu.memref_squeeze %dma_wait3A_543 : memref<1x128xi32, #tpu.memory_space<vmem>> -> memref<128xi32, #tpu.memory_space<vmem>>
          %dma_wait3A_545 = arith.constant 0 : i32
          %dma_wait3A_546 = arith.constant 0 : i32
          %dma_wait3A_547 = tpu.memref_slice %arg11[%dma_wait3A_545, %dma_wait3A_546] : memref<10240x64xf32, #tpu.memory_space<vmem_shared>> -> memref<10240x64xf32, #tpu.memory_space<vmem_shared>>
          %dma_wait3A_548 = tpu.memref_slice %arg10[%dma_wait3A_537] : memref<8x!tpu.dma_semaphore, #tpu.memory_space<semaphore_mem>> -> memref<1x!tpu.dma_semaphore, #tpu.memory_space<semaphore_mem>>
          %dma_wait3A_549 = tpu.memref_squeeze %dma_wait3A_548 : memref<1x!tpu.dma_semaphore, #tpu.memory_space<semaphore_mem>> -> memref<!tpu.dma_semaphore, #tpu.memory_space<semaphore_mem>>
          tpu.wait_indirect_dma semaphore(%dma_wait3A_549 : memref<!tpu.dma_semaphore, #tpu.memory_space<semaphore_mem>>) src(%dma_wait3A_541 : memref<128x64xf32, #tpu.memory_space<vmem>>) dst(%dma_wait3A_547 : memref<10240x64xf32, #tpu.memory_space<vmem_shared>>)
        } else {
        }
        %add3A_520 = arith.constant 6 : i32
        %add3A_521 = arith.addi %add3A_441, %add3A_520 : i32
        %dma_start3A_522 = arith.constant 4 : i32
        %dma_start3A_523 = arith.constant 4 : i32
        %dma_start3A_524 = arith.constant 0 : i32
        %dma_start3A_525 = arith.constant 0 : i32
        %dma_start3A_526 = tpu.memref_slice %arg8[%dma_start3A_522, %dma_start3A_524, %dma_start3A_525] : memref<8x128x64xf32, #tpu.memory_space<vmem>> -> memref<1x128x64xf32, #tpu.memory_space<vmem>>
        %dma_start3A_527 = tpu.memref_squeeze %dma_start3A_526 : memref<1x128x64xf32, #tpu.memory_space<vmem>> -> memref<128x64xf32, #tpu.memory_space<vmem>>
        %dma_start3A_528 = arith.constant 0 : i32
        %dma_start3A_529 = tpu.memref_slice %arg6[%add3A_521, %dma_start3A_528] : memref<80x128xi32, #tpu.memory_space<vmem>> -> memref<1x128xi32, #tpu.memory_space<vmem>>
        %dma_start3A_530 = tpu.memref_squeeze %dma_start3A_529 : memref<1x128xi32, #tpu.memory_space<vmem>> -> memref<128xi32, #tpu.memory_space<vmem>>
        %dma_start3A_531 = arith.constant 0 : i32
        %dma_start3A_532 = arith.constant 0 : i32
        %dma_start3A_533 = tpu.memref_slice %arg2[%dma_start3A_531, %dma_start3A_532] : memref<10240x64xf32, #tpu.memory_space<hbm>> -> memref<10240x64xf32, #tpu.memory_space<hbm>>
        %dma_start3A_534 = tpu.memref_slice %arg9[%dma_start3A_523] : memref<8x!tpu.dma_semaphore, #tpu.memory_space<semaphore_mem>> -> memref<1x!tpu.dma_semaphore, #tpu.memory_space<semaphore_mem>>
        %dma_start3A_535 = tpu.memref_squeeze %dma_start3A_534 : memref<1x!tpu.dma_semaphore, #tpu.memory_space<semaphore_mem>> -> memref<!tpu.dma_semaphore, #tpu.memory_space<semaphore_mem>>
        tpu.enqueue_indirect_dma source(%dma_start3A_533 : memref<10240x64xf32, #tpu.memory_space<hbm>>) target(%dma_start3A_527 : memref<128x64xf32, #tpu.memory_space<vmem>>) offsets(%dma_start3A_530 : memref<128xi32, #tpu.memory_space<vmem>>) semaphore(%dma_start3A_535 : memref<!tpu.dma_semaphore, #tpu.memory_space<semaphore_mem>>)
      } else {
      }
      %dma_wait3A_449 = arith.constant 6 : i32
      %dma_wait3A_450 = arith.constant 6 : i32
      %dma_wait3A_451 = arith.constant 0 : i32
      %dma_wait3A_452 = arith.constant 0 : i32
      %dma_wait3A_453 = tpu.memref_slice %arg8[%dma_wait3A_449, %dma_wait3A_451, %dma_wait3A_452] : memref<8x128x64xf32, #tpu.memory_space<vmem>> -> memref<1x128x64xf32, #tpu.memory_space<vmem>>
      %dma_wait3A_454 = tpu.memref_squeeze %dma_wait3A_453 : memref<1x128x64xf32, #tpu.memory_space<vmem>> -> memref<128x64xf32, #tpu.memory_space<vmem>>
      %dma_wait3A_455 = arith.constant 0 : i32
      %dma_wait3A_456 = tpu.memref_slice %arg6[%add3A_441, %dma_wait3A_455] : memref<80x128xi32, #tpu.memory_space<vmem>> -> memref<1x128xi32, #tpu.memory_space<vmem>>
      %dma_wait3A_457 = tpu.memref_squeeze %dma_wait3A_456 : memref<1x128xi32, #tpu.memory_space<vmem>> -> memref<128xi32, #tpu.memory_space<vmem>>
      %dma_wait3A_458 = arith.constant 0 : i32
      %dma_wait3A_459 = arith.constant 0 : i32
      %dma_wait3A_460 = tpu.memref_slice %arg2[%dma_wait3A_458, %dma_wait3A_459] : memref<10240x64xf32, #tpu.memory_space<hbm>> -> memref<10240x64xf32, #tpu.memory_space<hbm>>
      %dma_wait3A_461 = tpu.memref_slice %arg9[%dma_wait3A_450] : memref<8x!tpu.dma_semaphore, #tpu.memory_space<semaphore_mem>> -> memref<1x!tpu.dma_semaphore, #tpu.memory_space<semaphore_mem>>
      %dma_wait3A_462 = tpu.memref_squeeze %dma_wait3A_461 : memref<1x!tpu.dma_semaphore, #tpu.memory_space<semaphore_mem>> -> memref<!tpu.dma_semaphore, #tpu.memory_space<semaphore_mem>>
      tpu.wait_indirect_dma semaphore(%dma_wait3A_462 : memref<!tpu.dma_semaphore, #tpu.memory_space<semaphore_mem>>) src(%dma_wait3A_460 : memref<10240x64xf32, #tpu.memory_space<hbm>>) dst(%dma_wait3A_454 : memref<128x64xf32, #tpu.memory_space<vmem>>)
      %dma_start3A_463 = arith.constant 6 : i32
      %dma_start3A_464 = arith.constant 6 : i32
      %dma_start3A_465 = arith.constant 0 : i32
      %dma_start3A_466 = arith.constant 0 : i32
      %dma_start3A_467 = tpu.memref_slice %arg8[%dma_start3A_463, %dma_start3A_465, %dma_start3A_466] : memref<8x128x64xf32, #tpu.memory_space<vmem>> -> memref<1x128x64xf32, #tpu.memory_space<vmem>>
      %dma_start3A_468 = tpu.memref_squeeze %dma_start3A_467 : memref<1x128x64xf32, #tpu.memory_space<vmem>> -> memref<128x64xf32, #tpu.memory_space<vmem>>
      %dma_start3A_469 = arith.constant 0 : i32
      %dma_start3A_470 = tpu.memref_slice %arg7[%add3A_441, %dma_start3A_469] : memref<80x128xi32, #tpu.memory_space<vmem>> -> memref<1x128xi32, #tpu.memory_space<vmem>>
      %dma_start3A_471 = tpu.memref_squeeze %dma_start3A_470 : memref<1x128xi32, #tpu.memory_space<vmem>> -> memref<128xi32, #tpu.memory_space<vmem>>
      %dma_start3A_472 = arith.constant 0 : i32
      %dma_start3A_473 = arith.constant 0 : i32
      %dma_start3A_474 = tpu.memref_slice %arg11[%dma_start3A_472, %dma_start3A_473] : memref<10240x64xf32, #tpu.memory_space<vmem_shared>> -> memref<10240x64xf32, #tpu.memory_space<vmem_shared>>
      %dma_start3A_475 = tpu.memref_slice %arg10[%dma_start3A_464] : memref<8x!tpu.dma_semaphore, #tpu.memory_space<semaphore_mem>> -> memref<1x!tpu.dma_semaphore, #tpu.memory_space<semaphore_mem>>
      %dma_start3A_476 = tpu.memref_squeeze %dma_start3A_475 : memref<1x!tpu.dma_semaphore, #tpu.memory_space<semaphore_mem>> -> memref<!tpu.dma_semaphore, #tpu.memory_space<semaphore_mem>>
      tpu.enqueue_indirect_dma source(%dma_start3A_468 : memref<128x64xf32, #tpu.memory_space<vmem>>) target(%dma_start3A_474 : memref<10240x64xf32, #tpu.memory_space<vmem_shared>>) offsets(%dma_start3A_471 : memref<128xi32, #tpu.memory_space<vmem>>) semaphore(%dma_start3A_476 : memref<!tpu.dma_semaphore, #tpu.memory_space<semaphore_mem>>) {add = true}
      %add3A_477 = arith.constant 7 : i32
      %add3A_478 = arith.addi %mul3A_220, %add3A_477 : i32
      %add3A_479 = arith.constant 6 : i32
      %add3A_480 = arith.addi %add3A_478, %add3A_479 : i32
      %lt3A_481 = arith.constant 80 : i32
      %lt3A_482 = arith.cmpi slt, %add3A_480, %lt3A_481 : i32
      %convert_element_type3A_483 = arith.extui %lt3A_482 : i1 to i32
      %cond3A_484 = arith.constant 0 : i32
      %cond3A_485 = arith.cmpi ne, %convert_element_type3A_483, %cond3A_484 : i32
      scf.if %cond3A_485 {
        %add3A_514 = arith.constant 6 : i32
        %add3A_515 = arith.addi %add3A_478, %add3A_514 : i32
        %ge3A = arith.constant 8 : i32
        %ge3A_516 = arith.cmpi sge, %add3A_515, %ge3A : i32
        %convert_element_type3A_517 = arith.extui %ge3A_516 : i1 to i32
        %cond3A_518 = arith.constant 0 : i32
        %cond3A_519 = arith.cmpi ne, %convert_element_type3A_517, %cond3A_518 : i32
        scf.if %cond3A_519 {
          %dma_wait3A_536 = arith.constant 5 : i32
          %dma_wait3A_537 = arith.constant 5 : i32
          %dma_wait3A_538 = arith.constant 0 : i32
          %dma_wait3A_539 = arith.constant 0 : i32
          %dma_wait3A_540 = tpu.memref_slice %arg8[%dma_wait3A_536, %dma_wait3A_538, %dma_wait3A_539] : memref<8x128x64xf32, #tpu.memory_space<vmem>> -> memref<1x128x64xf32, #tpu.memory_space<vmem>>
          %dma_wait3A_541 = tpu.memref_squeeze %dma_wait3A_540 : memref<1x128x64xf32, #tpu.memory_space<vmem>> -> memref<128x64xf32, #tpu.memory_space<vmem>>
          %dma_wait3A_542 = arith.constant 0 : i32
          %dma_wait3A_543 = tpu.memref_slice %arg7[%add3A_478, %dma_wait3A_542] : memref<80x128xi32, #tpu.memory_space<vmem>> -> memref<1x128xi32, #tpu.memory_space<vmem>>
          %dma_wait3A_544 = tpu.memref_squeeze %dma_wait3A_543 : memref<1x128xi32, #tpu.memory_space<vmem>> -> memref<128xi32, #tpu.memory_space<vmem>>
          %dma_wait3A_545 = arith.constant 0 : i32
          %dma_wait3A_546 = arith.constant 0 : i32
          %dma_wait3A_547 = tpu.memref_slice %arg11[%dma_wait3A_545, %dma_wait3A_546] : memref<10240x64xf32, #tpu.memory_space<vmem_shared>> -> memref<10240x64xf32, #tpu.memory_space<vmem_shared>>
          %dma_wait3A_548 = tpu.memref_slice %arg10[%dma_wait3A_537] : memref<8x!tpu.dma_semaphore, #tpu.memory_space<semaphore_mem>> -> memref<1x!tpu.dma_semaphore, #tpu.memory_space<semaphore_mem>>
          %dma_wait3A_549 = tpu.memref_squeeze %dma_wait3A_548 : memref<1x!tpu.dma_semaphore, #tpu.memory_space<semaphore_mem>> -> memref<!tpu.dma_semaphore, #tpu.memory_space<semaphore_mem>>
          tpu.wait_indirect_dma semaphore(%dma_wait3A_549 : memref<!tpu.dma_semaphore, #tpu.memory_space<semaphore_mem>>) src(%dma_wait3A_541 : memref<128x64xf32, #tpu.memory_space<vmem>>) dst(%dma_wait3A_547 : memref<10240x64xf32, #tpu.memory_space<vmem_shared>>)
        } else {
        }
        %add3A_520 = arith.constant 6 : i32
        %add3A_521 = arith.addi %add3A_478, %add3A_520 : i32
        %dma_start3A_522 = arith.constant 5 : i32
        %dma_start3A_523 = arith.constant 5 : i32
        %dma_start3A_524 = arith.constant 0 : i32
        %dma_start3A_525 = arith.constant 0 : i32
        %dma_start3A_526 = tpu.memref_slice %arg8[%dma_start3A_522, %dma_start3A_524, %dma_start3A_525] : memref<8x128x64xf32, #tpu.memory_space<vmem>> -> memref<1x128x64xf32, #tpu.memory_space<vmem>>
        %dma_start3A_527 = tpu.memref_squeeze %dma_start3A_526 : memref<1x128x64xf32, #tpu.memory_space<vmem>> -> memref<128x64xf32, #tpu.memory_space<vmem>>
        %dma_start3A_528 = arith.constant 0 : i32
        %dma_start3A_529 = tpu.memref_slice %arg6[%add3A_521, %dma_start3A_528] : memref<80x128xi32, #tpu.memory_space<vmem>> -> memref<1x128xi32, #tpu.memory_space<vmem>>
        %dma_start3A_530 = tpu.memref_squeeze %dma_start3A_529 : memref<1x128xi32, #tpu.memory_space<vmem>> -> memref<128xi32, #tpu.memory_space<vmem>>
        %dma_start3A_531 = arith.constant 0 : i32
        %dma_start3A_532 = arith.constant 0 : i32
        %dma_start3A_533 = tpu.memref_slice %arg2[%dma_start3A_531, %dma_start3A_532] : memref<10240x64xf32, #tpu.memory_space<hbm>> -> memref<10240x64xf32, #tpu.memory_space<hbm>>
        %dma_start3A_534 = tpu.memref_slice %arg9[%dma_start3A_523] : memref<8x!tpu.dma_semaphore, #tpu.memory_space<semaphore_mem>> -> memref<1x!tpu.dma_semaphore, #tpu.memory_space<semaphore_mem>>
        %dma_start3A_535 = tpu.memref_squeeze %dma_start3A_534 : memref<1x!tpu.dma_semaphore, #tpu.memory_space<semaphore_mem>> -> memref<!tpu.dma_semaphore, #tpu.memory_space<semaphore_mem>>
        tpu.enqueue_indirect_dma source(%dma_start3A_533 : memref<10240x64xf32, #tpu.memory_space<hbm>>) target(%dma_start3A_527 : memref<128x64xf32, #tpu.memory_space<vmem>>) offsets(%dma_start3A_530 : memref<128xi32, #tpu.memory_space<vmem>>) semaphore(%dma_start3A_535 : memref<!tpu.dma_semaphore, #tpu.memory_space<semaphore_mem>>)
      } else {
      }
      %dma_wait3A_486 = arith.constant 7 : i32
      %dma_wait3A_487 = arith.constant 7 : i32
      %dma_wait3A_488 = arith.constant 0 : i32
      %dma_wait3A_489 = arith.constant 0 : i32
      %dma_wait3A_490 = tpu.memref_slice %arg8[%dma_wait3A_486, %dma_wait3A_488, %dma_wait3A_489] : memref<8x128x64xf32, #tpu.memory_space<vmem>> -> memref<1x128x64xf32, #tpu.memory_space<vmem>>
      %dma_wait3A_491 = tpu.memref_squeeze %dma_wait3A_490 : memref<1x128x64xf32, #tpu.memory_space<vmem>> -> memref<128x64xf32, #tpu.memory_space<vmem>>
      %dma_wait3A_492 = arith.constant 0 : i32
      %dma_wait3A_493 = tpu.memref_slice %arg6[%add3A_478, %dma_wait3A_492] : memref<80x128xi32, #tpu.memory_space<vmem>> -> memref<1x128xi32, #tpu.memory_space<vmem>>
      %dma_wait3A_494 = tpu.memref_squeeze %dma_wait3A_493 : memref<1x128xi32, #tpu.memory_space<vmem>> -> memref<128xi32, #tpu.memory_space<vmem>>
      %dma_wait3A_495 = arith.constant 0 : i32
      %dma_wait3A_496 = arith.constant 0 : i32
      %dma_wait3A_497 = tpu.memref_slice %arg2[%dma_wait3A_495, %dma_wait3A_496] : memref<10240x64xf32, #tpu.memory_space<hbm>> -> memref<10240x64xf32, #tpu.memory_space<hbm>>
      %dma_wait3A_498 = tpu.memref_slice %arg9[%dma_wait3A_487] : memref<8x!tpu.dma_semaphore, #tpu.memory_space<semaphore_mem>> -> memref<1x!tpu.dma_semaphore, #tpu.memory_space<semaphore_mem>>
      %dma_wait3A_499 = tpu.memref_squeeze %dma_wait3A_498 : memref<1x!tpu.dma_semaphore, #tpu.memory_space<semaphore_mem>> -> memref<!tpu.dma_semaphore, #tpu.memory_space<semaphore_mem>>
      tpu.wait_indirect_dma semaphore(%dma_wait3A_499 : memref<!tpu.dma_semaphore, #tpu.memory_space<semaphore_mem>>) src(%dma_wait3A_497 : memref<10240x64xf32, #tpu.memory_space<hbm>>) dst(%dma_wait3A_491 : memref<128x64xf32, #tpu.memory_space<vmem>>)
      %dma_start3A_500 = arith.constant 7 : i32
      %dma_start3A_501 = arith.constant 7 : i32
      %dma_start3A_502 = arith.constant 0 : i32
      %dma_start3A_503 = arith.constant 0 : i32
      %dma_start3A_504 = tpu.memref_slice %arg8[%dma_start3A_500, %dma_start3A_502, %dma_start3A_503] : memref<8x128x64xf32, #tpu.memory_space<vmem>> -> memref<1x128x64xf32, #tpu.memory_space<vmem>>
      %dma_start3A_505 = tpu.memref_squeeze %dma_start3A_504 : memref<1x128x64xf32, #tpu.memory_space<vmem>> -> memref<128x64xf32, #tpu.memory_space<vmem>>
      %dma_start3A_506 = arith.constant 0 : i32
      %dma_start3A_507 = tpu.memref_slice %arg7[%add3A_478, %dma_start3A_506] : memref<80x128xi32, #tpu.memory_space<vmem>> -> memref<1x128xi32, #tpu.memory_space<vmem>>
      %dma_start3A_508 = tpu.memref_squeeze %dma_start3A_507 : memref<1x128xi32, #tpu.memory_space<vmem>> -> memref<128xi32, #tpu.memory_space<vmem>>
      %dma_start3A_509 = arith.constant 0 : i32
      %dma_start3A_510 = arith.constant 0 : i32
      %dma_start3A_511 = tpu.memref_slice %arg11[%dma_start3A_509, %dma_start3A_510] : memref<10240x64xf32, #tpu.memory_space<vmem_shared>> -> memref<10240x64xf32, #tpu.memory_space<vmem_shared>>
      %dma_start3A_512 = tpu.memref_slice %arg10[%dma_start3A_501] : memref<8x!tpu.dma_semaphore, #tpu.memory_space<semaphore_mem>> -> memref<1x!tpu.dma_semaphore, #tpu.memory_space<semaphore_mem>>
      %dma_start3A_513 = tpu.memref_squeeze %dma_start3A_512 : memref<1x!tpu.dma_semaphore, #tpu.memory_space<semaphore_mem>> -> memref<!tpu.dma_semaphore, #tpu.memory_space<semaphore_mem>>
      tpu.enqueue_indirect_dma source(%dma_start3A_505 : memref<128x64xf32, #tpu.memory_space<vmem>>) target(%dma_start3A_511 : memref<10240x64xf32, #tpu.memory_space<vmem_shared>>) offsets(%dma_start3A_508 : memref<128xi32, #tpu.memory_space<vmem>>) semaphore(%dma_start3A_513 : memref<!tpu.dma_semaphore, #tpu.memory_space<semaphore_mem>>) {add = true}
    }
    %scan3A_97 = arith.constant 10 : i32
    %dma_wait3A = arith.constant 0 : i32
    %dma_wait3A_98 = arith.constant 72 : i32
    %dma_wait3A_99 = arith.constant 0 : i32
    %dma_wait3A_100 = arith.constant 0 : i32
    %dma_wait3A_101 = arith.constant 0 : i32
    %dma_wait3A_102 = tpu.memref_slice %arg8[%dma_wait3A, %dma_wait3A_100, %dma_wait3A_101] : memref<8x128x64xf32, #tpu.memory_space<vmem>> -> memref<1x128x64xf32, #tpu.memory_space<vmem>>
    %dma_wait3A_103 = tpu.memref_squeeze %dma_wait3A_102 : memref<1x128x64xf32, #tpu.memory_space<vmem>> -> memref<128x64xf32, #tpu.memory_space<vmem>>
    %dma_wait3A_104 = arith.constant 0 : i32
    %dma_wait3A_105 = tpu.memref_slice %arg7[%dma_wait3A_98, %dma_wait3A_104] : memref<80x128xi32, #tpu.memory_space<vmem>> -> memref<1x128xi32, #tpu.memory_space<vmem>>
    %dma_wait3A_106 = tpu.memref_squeeze %dma_wait3A_105 : memref<1x128xi32, #tpu.memory_space<vmem>> -> memref<128xi32, #tpu.memory_space<vmem>>
    %dma_wait3A_107 = arith.constant 0 : i32
    %dma_wait3A_108 = arith.constant 0 : i32
    %dma_wait3A_109 = tpu.memref_slice %arg11[%dma_wait3A_107, %dma_wait3A_108] : memref<10240x64xf32, #tpu.memory_space<vmem_shared>> -> memref<10240x64xf32, #tpu.memory_space<vmem_shared>>
    %dma_wait3A_110 = tpu.memref_slice %arg10[%dma_wait3A_99] : memref<8x!tpu.dma_semaphore, #tpu.memory_space<semaphore_mem>> -> memref<1x!tpu.dma_semaphore, #tpu.memory_space<semaphore_mem>>
    %dma_wait3A_111 = tpu.memref_squeeze %dma_wait3A_110 : memref<1x!tpu.dma_semaphore, #tpu.memory_space<semaphore_mem>> -> memref<!tpu.dma_semaphore, #tpu.memory_space<semaphore_mem>>
    tpu.wait_indirect_dma semaphore(%dma_wait3A_111 : memref<!tpu.dma_semaphore, #tpu.memory_space<semaphore_mem>>) src(%dma_wait3A_103 : memref<128x64xf32, #tpu.memory_space<vmem>>) dst(%dma_wait3A_109 : memref<10240x64xf32, #tpu.memory_space<vmem_shared>>)
    %dma_wait3A_112 = arith.constant 1 : i32
    %dma_wait3A_113 = arith.constant 73 : i32
    %dma_wait3A_114 = arith.constant 1 : i32
    %dma_wait3A_115 = arith.constant 0 : i32
    %dma_wait3A_116 = arith.constant 0 : i32
    %dma_wait3A_117 = tpu.memref_slice %arg8[%dma_wait3A_112, %dma_wait3A_115, %dma_wait3A_116] : memref<8x128x64xf32, #tpu.memory_space<vmem>> -> memref<1x128x64xf32, #tpu.memory_space<vmem>>
    %dma_wait3A_118 = tpu.memref_squeeze %dma_wait3A_117 : memref<1x128x64xf32, #tpu.memory_space<vmem>> -> memref<128x64xf32, #tpu.memory_space<vmem>>
    %dma_wait3A_119 = arith.constant 0 : i32
    %dma_wait3A_120 = tpu.memref_slice %arg7[%dma_wait3A_113, %dma_wait3A_119] : memref<80x128xi32, #tpu.memory_space<vmem>> -> memref<1x128xi32, #tpu.memory_space<vmem>>
    %dma_wait3A_121 = tpu.memref_squeeze %dma_wait3A_120 : memref<1x128xi32, #tpu.memory_space<vmem>> -> memref<128xi32, #tpu.memory_space<vmem>>
    %dma_wait3A_122 = arith.constant 0 : i32
    %dma_wait3A_123 = arith.constant 0 : i32
    %dma_wait3A_124 = tpu.memref_slice %arg11[%dma_wait3A_122, %dma_wait3A_123] : memref<10240x64xf32, #tpu.memory_space<vmem_shared>> -> memref<10240x64xf32, #tpu.memory_space<vmem_shared>>
    %dma_wait3A_125 = tpu.memref_slice %arg10[%dma_wait3A_114] : memref<8x!tpu.dma_semaphore, #tpu.memory_space<semaphore_mem>> -> memref<1x!tpu.dma_semaphore, #tpu.memory_space<semaphore_mem>>
    %dma_wait3A_126 = tpu.memref_squeeze %dma_wait3A_125 : memref<1x!tpu.dma_semaphore, #tpu.memory_space<semaphore_mem>> -> memref<!tpu.dma_semaphore, #tpu.memory_space<semaphore_mem>>
    tpu.wait_indirect_dma semaphore(%dma_wait3A_126 : memref<!tpu.dma_semaphore, #tpu.memory_space<semaphore_mem>>) src(%dma_wait3A_118 : memref<128x64xf32, #tpu.memory_space<vmem>>) dst(%dma_wait3A_124 : memref<10240x64xf32, #tpu.memory_space<vmem_shared>>)
    %dma_wait3A_127 = arith.constant 2 : i32
    %dma_wait3A_128 = arith.constant 74 : i32
    %dma_wait3A_129 = arith.constant 2 : i32
    %dma_wait3A_130 = arith.constant 0 : i32
    %dma_wait3A_131 = arith.constant 0 : i32
    %dma_wait3A_132 = tpu.memref_slice %arg8[%dma_wait3A_127, %dma_wait3A_130, %dma_wait3A_131] : memref<8x128x64xf32, #tpu.memory_space<vmem>> -> memref<1x128x64xf32, #tpu.memory_space<vmem>>
    %dma_wait3A_133 = tpu.memref_squeeze %dma_wait3A_132 : memref<1x128x64xf32, #tpu.memory_space<vmem>> -> memref<128x64xf32, #tpu.memory_space<vmem>>
    %dma_wait3A_134 = arith.constant 0 : i32
    %dma_wait3A_135 = tpu.memref_slice %arg7[%dma_wait3A_128, %dma_wait3A_134] : memref<80x128xi32, #tpu.memory_space<vmem>> -> memref<1x128xi32, #tpu.memory_space<vmem>>
    %dma_wait3A_136 = tpu.memref_squeeze %dma_wait3A_135 : memref<1x128xi32, #tpu.memory_space<vmem>> -> memref<128xi32, #tpu.memory_space<vmem>>
    %dma_wait3A_137 = arith.constant 0 : i32
    %dma_wait3A_138 = arith.constant 0 : i32
    %dma_wait3A_139 = tpu.memref_slice %arg11[%dma_wait3A_137, %dma_wait3A_138] : memref<10240x64xf32, #tpu.memory_space<vmem_shared>> -> memref<10240x64xf32, #tpu.memory_space<vmem_shared>>
    %dma_wait3A_140 = tpu.memref_slice %arg10[%dma_wait3A_129] : memref<8x!tpu.dma_semaphore, #tpu.memory_space<semaphore_mem>> -> memref<1x!tpu.dma_semaphore, #tpu.memory_space<semaphore_mem>>
    %dma_wait3A_141 = tpu.memref_squeeze %dma_wait3A_140 : memref<1x!tpu.dma_semaphore, #tpu.memory_space<semaphore_mem>> -> memref<!tpu.dma_semaphore, #tpu.memory_space<semaphore_mem>>
    tpu.wait_indirect_dma semaphore(%dma_wait3A_141 : memref<!tpu.dma_semaphore, #tpu.memory_space<semaphore_mem>>) src(%dma_wait3A_133 : memref<128x64xf32, #tpu.memory_space<vmem>>) dst(%dma_wait3A_139 : memref<10240x64xf32, #tpu.memory_space<vmem_shared>>)
    %dma_wait3A_142 = arith.constant 3 : i32
    %dma_wait3A_143 = arith.constant 75 : i32
    %dma_wait3A_144 = arith.constant 3 : i32
    %dma_wait3A_145 = arith.constant 0 : i32
    %dma_wait3A_146 = arith.constant 0 : i32
    %dma_wait3A_147 = tpu.memref_slice %arg8[%dma_wait3A_142, %dma_wait3A_145, %dma_wait3A_146] : memref<8x128x64xf32, #tpu.memory_space<vmem>> -> memref<1x128x64xf32, #tpu.memory_space<vmem>>
    %dma_wait3A_148 = tpu.memref_squeeze %dma_wait3A_147 : memref<1x128x64xf32, #tpu.memory_space<vmem>> -> memref<128x64xf32, #tpu.memory_space<vmem>>
    %dma_wait3A_149 = arith.constant 0 : i32
    %dma_wait3A_150 = tpu.memref_slice %arg7[%dma_wait3A_143, %dma_wait3A_149] : memref<80x128xi32, #tpu.memory_space<vmem>> -> memref<1x128xi32, #tpu.memory_space<vmem>>
    %dma_wait3A_151 = tpu.memref_squeeze %dma_wait3A_150 : memref<1x128xi32, #tpu.memory_space<vmem>> -> memref<128xi32, #tpu.memory_space<vmem>>
    %dma_wait3A_152 = arith.constant 0 : i32
    %dma_wait3A_153 = arith.constant 0 : i32
    %dma_wait3A_154 = tpu.memref_slice %arg11[%dma_wait3A_152, %dma_wait3A_153] : memref<10240x64xf32, #tpu.memory_space<vmem_shared>> -> memref<10240x64xf32, #tpu.memory_space<vmem_shared>>
    %dma_wait3A_155 = tpu.memref_slice %arg10[%dma_wait3A_144] : memref<8x!tpu.dma_semaphore, #tpu.memory_space<semaphore_mem>> -> memref<1x!tpu.dma_semaphore, #tpu.memory_space<semaphore_mem>>
    %dma_wait3A_156 = tpu.memref_squeeze %dma_wait3A_155 : memref<1x!tpu.dma_semaphore, #tpu.memory_space<semaphore_mem>> -> memref<!tpu.dma_semaphore, #tpu.memory_space<semaphore_mem>>
    tpu.wait_indirect_dma semaphore(%dma_wait3A_156 : memref<!tpu.dma_semaphore, #tpu.memory_space<semaphore_mem>>) src(%dma_wait3A_148 : memref<128x64xf32, #tpu.memory_space<vmem>>) dst(%dma_wait3A_154 : memref<10240x64xf32, #tpu.memory_space<vmem_shared>>)
    %dma_wait3A_157 = arith.constant 4 : i32
    %dma_wait3A_158 = arith.constant 76 : i32
    %dma_wait3A_159 = arith.constant 4 : i32
    %dma_wait3A_160 = arith.constant 0 : i32
    %dma_wait3A_161 = arith.constant 0 : i32
    %dma_wait3A_162 = tpu.memref_slice %arg8[%dma_wait3A_157, %dma_wait3A_160, %dma_wait3A_161] : memref<8x128x64xf32, #tpu.memory_space<vmem>> -> memref<1x128x64xf32, #tpu.memory_space<vmem>>
    %dma_wait3A_163 = tpu.memref_squeeze %dma_wait3A_162 : memref<1x128x64xf32, #tpu.memory_space<vmem>> -> memref<128x64xf32, #tpu.memory_space<vmem>>
    %dma_wait3A_164 = arith.constant 0 : i32
    %dma_wait3A_165 = tpu.memref_slice %arg7[%dma_wait3A_158, %dma_wait3A_164] : memref<80x128xi32, #tpu.memory_space<vmem>> -> memref<1x128xi32, #tpu.memory_space<vmem>>
    %dma_wait3A_166 = tpu.memref_squeeze %dma_wait3A_165 : memref<1x128xi32, #tpu.memory_space<vmem>> -> memref<128xi32, #tpu.memory_space<vmem>>
    %dma_wait3A_167 = arith.constant 0 : i32
    %dma_wait3A_168 = arith.constant 0 : i32
    %dma_wait3A_169 = tpu.memref_slice %arg11[%dma_wait3A_167, %dma_wait3A_168] : memref<10240x64xf32, #tpu.memory_space<vmem_shared>> -> memref<10240x64xf32, #tpu.memory_space<vmem_shared>>
    %dma_wait3A_170 = tpu.memref_slice %arg10[%dma_wait3A_159] : memref<8x!tpu.dma_semaphore, #tpu.memory_space<semaphore_mem>> -> memref<1x!tpu.dma_semaphore, #tpu.memory_space<semaphore_mem>>
    %dma_wait3A_171 = tpu.memref_squeeze %dma_wait3A_170 : memref<1x!tpu.dma_semaphore, #tpu.memory_space<semaphore_mem>> -> memref<!tpu.dma_semaphore, #tpu.memory_space<semaphore_mem>>
    tpu.wait_indirect_dma semaphore(%dma_wait3A_171 : memref<!tpu.dma_semaphore, #tpu.memory_space<semaphore_mem>>) src(%dma_wait3A_163 : memref<128x64xf32, #tpu.memory_space<vmem>>) dst(%dma_wait3A_169 : memref<10240x64xf32, #tpu.memory_space<vmem_shared>>)
    %dma_wait3A_172 = arith.constant 5 : i32
    %dma_wait3A_173 = arith.constant 77 : i32
    %dma_wait3A_174 = arith.constant 5 : i32
    %dma_wait3A_175 = arith.constant 0 : i32
    %dma_wait3A_176 = arith.constant 0 : i32
    %dma_wait3A_177 = tpu.memref_slice %arg8[%dma_wait3A_172, %dma_wait3A_175, %dma_wait3A_176] : memref<8x128x64xf32, #tpu.memory_space<vmem>> -> memref<1x128x64xf32, #tpu.memory_space<vmem>>
    %dma_wait3A_178 = tpu.memref_squeeze %dma_wait3A_177 : memref<1x128x64xf32, #tpu.memory_space<vmem>> -> memref<128x64xf32, #tpu.memory_space<vmem>>
    %dma_wait3A_179 = arith.constant 0 : i32
    %dma_wait3A_180 = tpu.memref_slice %arg7[%dma_wait3A_173, %dma_wait3A_179] : memref<80x128xi32, #tpu.memory_space<vmem>> -> memref<1x128xi32, #tpu.memory_space<vmem>>
    %dma_wait3A_181 = tpu.memref_squeeze %dma_wait3A_180 : memref<1x128xi32, #tpu.memory_space<vmem>> -> memref<128xi32, #tpu.memory_space<vmem>>
    %dma_wait3A_182 = arith.constant 0 : i32
    %dma_wait3A_183 = arith.constant 0 : i32
    %dma_wait3A_184 = tpu.memref_slice %arg11[%dma_wait3A_182, %dma_wait3A_183] : memref<10240x64xf32, #tpu.memory_space<vmem_shared>> -> memref<10240x64xf32, #tpu.memory_space<vmem_shared>>
    %dma_wait3A_185 = tpu.memref_slice %arg10[%dma_wait3A_174] : memref<8x!tpu.dma_semaphore, #tpu.memory_space<semaphore_mem>> -> memref<1x!tpu.dma_semaphore, #tpu.memory_space<semaphore_mem>>
    %dma_wait3A_186 = tpu.memref_squeeze %dma_wait3A_185 : memref<1x!tpu.dma_semaphore, #tpu.memory_space<semaphore_mem>> -> memref<!tpu.dma_semaphore, #tpu.memory_space<semaphore_mem>>
    tpu.wait_indirect_dma semaphore(%dma_wait3A_186 : memref<!tpu.dma_semaphore, #tpu.memory_space<semaphore_mem>>) src(%dma_wait3A_178 : memref<128x64xf32, #tpu.memory_space<vmem>>) dst(%dma_wait3A_184 : memref<10240x64xf32, #tpu.memory_space<vmem_shared>>)
    %dma_wait3A_187 = arith.constant 6 : i32
    %dma_wait3A_188 = arith.constant 78 : i32
    %dma_wait3A_189 = arith.constant 6 : i32
    %dma_wait3A_190 = arith.constant 0 : i32
    %dma_wait3A_191 = arith.constant 0 : i32
    %dma_wait3A_192 = tpu.memref_slice %arg8[%dma_wait3A_187, %dma_wait3A_190, %dma_wait3A_191] : memref<8x128x64xf32, #tpu.memory_space<vmem>> -> memref<1x128x64xf32, #tpu.memory_space<vmem>>
    %dma_wait3A_193 = tpu.memref_squeeze %dma_wait3A_192 : memref<1x128x64xf32, #tpu.memory_space<vmem>> -> memref<128x64xf32, #tpu.memory_space<vmem>>
    %dma_wait3A_194 = arith.constant 0 : i32
    %dma_wait3A_195 = tpu.memref_slice %arg7[%dma_wait3A_188, %dma_wait3A_194] : memref<80x128xi32, #tpu.memory_space<vmem>> -> memref<1x128xi32, #tpu.memory_space<vmem>>
    %dma_wait3A_196 = tpu.memref_squeeze %dma_wait3A_195 : memref<1x128xi32, #tpu.memory_space<vmem>> -> memref<128xi32, #tpu.memory_space<vmem>>
    %dma_wait3A_197 = arith.constant 0 : i32
    %dma_wait3A_198 = arith.constant 0 : i32
    %dma_wait3A_199 = tpu.memref_slice %arg11[%dma_wait3A_197, %dma_wait3A_198] : memref<10240x64xf32, #tpu.memory_space<vmem_shared>> -> memref<10240x64xf32, #tpu.memory_space<vmem_shared>>
    %dma_wait3A_200 = tpu.memref_slice %arg10[%dma_wait3A_189] : memref<8x!tpu.dma_semaphore, #tpu.memory_space<semaphore_mem>> -> memref<1x!tpu.dma_semaphore, #tpu.memory_space<semaphore_mem>>
    %dma_wait3A_201 = tpu.memref_squeeze %dma_wait3A_200 : memref<1x!tpu.dma_semaphore, #tpu.memory_space<semaphore_mem>> -> memref<!tpu.dma_semaphore, #tpu.memory_space<semaphore_mem>>
    tpu.wait_indirect_dma semaphore(%dma_wait3A_201 : memref<!tpu.dma_semaphore, #tpu.memory_space<semaphore_mem>>) src(%dma_wait3A_193 : memref<128x64xf32, #tpu.memory_space<vmem>>) dst(%dma_wait3A_199 : memref<10240x64xf32, #tpu.memory_space<vmem_shared>>)
    %dma_wait3A_202 = arith.constant 7 : i32
    %dma_wait3A_203 = arith.constant 79 : i32
    %dma_wait3A_204 = arith.constant 7 : i32
    %dma_wait3A_205 = arith.constant 0 : i32
    %dma_wait3A_206 = arith.constant 0 : i32
    %dma_wait3A_207 = tpu.memref_slice %arg8[%dma_wait3A_202, %dma_wait3A_205, %dma_wait3A_206] : memref<8x128x64xf32, #tpu.memory_space<vmem>> -> memref<1x128x64xf32, #tpu.memory_space<vmem>>
    %dma_wait3A_208 = tpu.memref_squeeze %dma_wait3A_207 : memref<1x128x64xf32, #tpu.memory_space<vmem>> -> memref<128x64xf32, #tpu.memory_space<vmem>>
    %dma_wait3A_209 = arith.constant 0 : i32
    %dma_wait3A_210 = tpu.memref_slice %arg7[%dma_wait3A_203, %dma_wait3A_209] : memref<80x128xi32, #tpu.memory_space<vmem>> -> memref<1x128xi32, #tpu.memory_space<vmem>>
    %dma_wait3A_211 = tpu.memref_squeeze %dma_wait3A_210 : memref<1x128xi32, #tpu.memory_space<vmem>> -> memref<128xi32, #tpu.memory_space<vmem>>
    %dma_wait3A_212 = arith.constant 0 : i32
    %dma_wait3A_213 = arith.constant 0 : i32
    %dma_wait3A_214 = tpu.memref_slice %arg11[%dma_wait3A_212, %dma_wait3A_213] : memref<10240x64xf32, #tpu.memory_space<vmem_shared>> -> memref<10240x64xf32, #tpu.memory_space<vmem_shared>>
    %dma_wait3A_215 = tpu.memref_slice %arg10[%dma_wait3A_204] : memref<8x!tpu.dma_semaphore, #tpu.memory_space<semaphore_mem>> -> memref<1x!tpu.dma_semaphore, #tpu.memory_space<semaphore_mem>>
    %dma_wait3A_216 = tpu.memref_squeeze %dma_wait3A_215 : memref<1x!tpu.dma_semaphore, #tpu.memory_space<semaphore_mem>> -> memref<!tpu.dma_semaphore, #tpu.memory_space<semaphore_mem>>
    tpu.wait_indirect_dma semaphore(%dma_wait3A_216 : memref<!tpu.dma_semaphore, #tpu.memory_space<semaphore_mem>>) src(%dma_wait3A_208 : memref<128x64xf32, #tpu.memory_space<vmem>>) dst(%dma_wait3A_214 : memref<10240x64xf32, #tpu.memory_space<vmem_shared>>)
    %barrier3A_217 = arith.constant 0 : index
    tpu.barrier barrier_id(%barrier3A_217)
    "tpu.region"() ({
      %run_scoped3A_218 = tpu.sem_alloc : memref<!tpu.dma_semaphore, #tpu.memory_space<semaphore_mem>>
      %dma_start3A_219 = arith.constant 0 : i32
      %dma_start3A_220 = tpu.memref_slice %arg5[%arg0, %mul3A_2, %dma_start3A_219] : memref<2x10240x64xf32, #tpu.memory_space<hbm>> -> memref<1x640x64xf32, #tpu.memory_space<hbm>>
      %dma_start3A_221 = tpu.memref_squeeze %dma_start3A_220 : memref<1x640x64xf32, #tpu.memory_space<hbm>> -> memref<640x64xf32, #tpu.memory_space<hbm>>
      %dma_start3A_222 = arith.constant 0 : i32
      %dma_start3A_223 = tpu.memref_slice %arg11[%mul3A_2, %dma_start3A_222] : memref<10240x64xf32, #tpu.memory_space<vmem_shared>> -> memref<640x64xf32, #tpu.memory_space<vmem_shared>>
      tpu.enqueue_dma source(%dma_start3A_223 : memref<640x64xf32, #tpu.memory_space<vmem_shared>>) target(%dma_start3A_221 : memref<640x64xf32, #tpu.memory_space<hbm>>) target_semaphore(%run_scoped3A_218 : memref<!tpu.dma_semaphore, #tpu.memory_space<semaphore_mem>>)
      %dma_wait3A_224 = arith.constant 0 : i32
      %dma_wait3A_225 = tpu.memref_slice %arg5[%arg0, %mul3A_2, %dma_wait3A_224] : memref<2x10240x64xf32, #tpu.memory_space<hbm>> -> memref<1x640x64xf32, #tpu.memory_space<hbm>>
      %dma_wait3A_226 = tpu.memref_squeeze %dma_wait3A_225 : memref<1x640x64xf32, #tpu.memory_space<hbm>> -> memref<640x64xf32, #tpu.memory_space<hbm>>
      %dma_wait3A_227 = arith.constant 0 : i32
      %dma_wait3A_228 = tpu.memref_slice %arg11[%mul3A_2, %dma_wait3A_227] : memref<10240x64xf32, #tpu.memory_space<vmem_shared>> -> memref<640x64xf32, #tpu.memory_space<vmem_shared>>
      tpu.wait_dma2 semaphore(%run_scoped3A_218 : memref<!tpu.dma_semaphore, #tpu.memory_space<semaphore_mem>>) src(%dma_wait3A_228 : memref<640x64xf32, #tpu.memory_space<vmem_shared>>) dst(%dma_wait3A_226 : memref<640x64xf32, #tpu.memory_space<hbm>>)
      tpu.yield
    }) : () -> ()
    return
  }
}

#map = affine_map<(d0, d1) -> (0, 0)>
#map1 = affine_map<(d0, d1) -> (0, 0, 0, 0)>
#map2 = affine_map<(d0, d1) -> (0, 0, 0)>
module attributes {stable_mosaic.version = 14 : i64} {
  func.func @_sc_scatter(%arg0: i32, %arg1: i32, %arg2: memref<10240x64xf32, #tpu.memory_space<hbm>>, %arg3: memref<2x32x80x128xi32, #tpu.memory_space<hbm>>, %arg4: memref<10240x64xf32, #tpu.memory_space<hbm>>, %arg5: memref<2x10240x64xf32, #tpu.memory_space<hbm>>, %arg6: memref<80x128xi32, #tpu.memory_space<vmem>>, %arg7: memref<80x128xi32, #tpu.memory_space<vmem>>, %arg8: memref<8x128x64xf32, #tpu.memory_space<vmem>>, %arg9: memref<8x!tpu.dma_semaphore, #tpu.memory_space<semaphore_mem>>, %arg10: memref<8x!tpu.dma_semaphore, #tpu.memory_space<semaphore_mem>>, %arg11: memref<10240x64xf32, #tpu.memory_space<vmem_shared>>) attributes {dimension_semantics = [#tpu.dimension_semantics<core_parallel>, #tpu.dimension_semantics<subcore_parallel>], iteration_bounds = array<i64: 2, 16>, scalar_prefetch = 0 : i64, scratch_operands = 6 : i64, tpu.core_type = #tpu.core_type<sc_vector_subcore>, window_params = [{transform_indices = #map}, {transform_indices = #map1}, {transform_indices = #map}, {transform_indices = #map2}]} {
    %mul3A = arith.constant 2 : i32
    %mul3A_0 = arith.muli %arg1, %mul3A : i32
    %add3A = arith.addi %mul3A_0, %arg0 : i32
    %mul3A_1 = arith.constant 640 : i32
    %mul3A_2 = arith.muli %arg1, %mul3A_1 : i32
    "tpu.region"() ({
      %run_scoped3A_218 = tpu.sem_alloc : memref<!tpu.dma_semaphore, #tpu.memory_space<semaphore_mem>>
      %dma_start3A_219 = arith.constant 0 : i32
      %dma_start3A_220 = tpu.memref_slice %arg11[%mul3A_2, %dma_start3A_219] : memref<10240x64xf32, #tpu.memory_space<vmem_shared>> -> memref<640x64xf32, #tpu.memory_space<vmem_shared>>
      %dma_start3A_221 = arith.constant 0 : i32
      %dma_start3A_222 = tpu.memref_slice %arg4[%mul3A_2, %dma_start3A_221] : memref<10240x64xf32, #tpu.memory_space<hbm>> -> memref<640x64xf32, #tpu.memory_space<hbm>>
      tpu.enqueue_dma source(%dma_start3A_222 : memref<640x64xf32, #tpu.memory_space<hbm>>) target(%dma_start3A_220 : memref<640x64xf32, #tpu.memory_space<vmem_shared>>) target_semaphore(%run_scoped3A_218 : memref<!tpu.dma_semaphore, #tpu.memory_space<semaphore_mem>>)
      %dma_wait3A_223 = arith.constant 0 : i32
      %dma_wait3A_224 = tpu.memref_slice %arg11[%mul3A_2, %dma_wait3A_223] : memref<10240x64xf32, #tpu.memory_space<vmem_shared>> -> memref<640x64xf32, #tpu.memory_space<vmem_shared>>
      %dma_wait3A_225 = arith.constant 0 : i32
      %dma_wait3A_226 = tpu.memref_slice %arg4[%mul3A_2, %dma_wait3A_225] : memref<10240x64xf32, #tpu.memory_space<hbm>> -> memref<640x64xf32, #tpu.memory_space<hbm>>
      tpu.wait_dma2 semaphore(%run_scoped3A_218 : memref<!tpu.dma_semaphore, #tpu.memory_space<semaphore_mem>>) src(%dma_wait3A_226 : memref<640x64xf32, #tpu.memory_space<hbm>>) dst(%dma_wait3A_224 : memref<640x64xf32, #tpu.memory_space<vmem_shared>>)
      tpu.yield
    }) : () -> ()
    %barrier3A = arith.constant 0 : index
    tpu.barrier barrier_id(%barrier3A)
    %run_scoped3A = arith.constant 0 : i32
    "tpu.region"() ({
      %run_scoped3A_218 = tpu.sem_alloc : memref<!tpu.dma_semaphore, #tpu.memory_space<semaphore_mem>>
      %dma_start3A_219 = arith.constant 0 : i32
      %dma_start3A_220 = arith.constant 0 : i32
      %dma_start3A_221 = tpu.memref_slice %arg3[%run_scoped3A, %add3A, %dma_start3A_219, %dma_start3A_220] : memref<2x32x80x128xi32, #tpu.memory_space<hbm>> -> memref<1x1x80x128xi32, #tpu.memory_space<hbm>>
      %dma_start3A_222 = tpu.memref_squeeze %dma_start3A_221 : memref<1x1x80x128xi32, #tpu.memory_space<hbm>> -> memref<80x128xi32, #tpu.memory_space<hbm>>
      %dma_start3A_223 = arith.constant 0 : i32
      %dma_start3A_224 = arith.constant 0 : i32
      %dma_start3A_225 = tpu.memref_slice %arg3[%run_scoped3A, %add3A, %dma_start3A_223, %dma_start3A_224] : memref<2x32x80x128xi32, #tpu.memory_space<hbm>> -> memref<1x1x80x128xi32, #tpu.memory_space<hbm>>
      %dma_start3A_226 = tpu.memref_squeeze %dma_start3A_225 : memref<1x1x80x128xi32, #tpu.memory_space<hbm>> -> memref<80x128xi32, #tpu.memory_space<hbm>>
      tpu.enqueue_dma source(%dma_start3A_226 : memref<80x128xi32, #tpu.memory_space<hbm>>) target(%arg6 : memref<80x128xi32, #tpu.memory_space<vmem>>) target_semaphore(%run_scoped3A_218 : memref<!tpu.dma_semaphore, #tpu.memory_space<semaphore_mem>>)
      %dma_wait3A_227 = arith.constant 0 : i32
      %dma_wait3A_228 = arith.constant 0 : i32
      %dma_wait3A_229 = tpu.memref_slice %arg3[%run_scoped3A, %add3A, %dma_wait3A_227, %dma_wait3A_228] : memref<2x32x80x128xi32, #tpu.memory_space<hbm>> -> memref<1x1x80x128xi32, #tpu.memory_space<hbm>>
      %dma_wait3A_230 = tpu.memref_squeeze %dma_wait3A_229 : memref<1x1x80x128xi32, #tpu.memory_space<hbm>> -> memref<80x128xi32, #tpu.memory_space<hbm>>
      %dma_wait3A_231 = arith.constant 0 : i32
      %dma_wait3A_232 = arith.constant 0 : i32
      %dma_wait3A_233 = tpu.memref_slice %arg3[%run_scoped3A, %add3A, %dma_wait3A_231, %dma_wait3A_232] : memref<2x32x80x128xi32, #tpu.memory_space<hbm>> -> memref<1x1x80x128xi32, #tpu.memory_space<hbm>>
      %dma_wait3A_234 = tpu.memref_squeeze %dma_wait3A_233 : memref<1x1x80x128xi32, #tpu.memory_space<hbm>> -> memref<80x128xi32, #tpu.memory_space<hbm>>
      tpu.wait_dma2 semaphore(%run_scoped3A_218 : memref<!tpu.dma_semaphore, #tpu.memory_space<semaphore_mem>>) src(%dma_wait3A_234 : memref<80x128xi32, #tpu.memory_space<hbm>>) dst(%arg6 : memref<80x128xi32, #tpu.memory_space<vmem>>)
      tpu.yield
    }) : () -> ()
    %run_scoped3A_3 = arith.constant 1 : i32
    "tpu.region"() ({
      %run_scoped3A_218 = tpu.sem_alloc : memref<!tpu.dma_semaphore, #tpu.memory_space<semaphore_mem>>
      %dma_start3A_219 = arith.constant 0 : i32
      %dma_start3A_220 = arith.constant 0 : i32
      %dma_start3A_221 = tpu.memref_slice %arg3[%run_scoped3A_3, %add3A, %dma_start3A_219, %dma_start3A_220] : memref<2x32x80x128xi32, #tpu.memory_space<hbm>> -> memref<1x1x80x128xi32, #tpu.memory_space<hbm>>
      %dma_start3A_222 = tpu.memref_squeeze %dma_start3A_221 : memref<1x1x80x128xi32, #tpu.memory_space<hbm>> -> memref<80x128xi32, #tpu.memory_space<hbm>>
      %dma_start3A_223 = arith.constant 0 : i32
      %dma_start3A_224 = arith.constant 0 : i32
      %dma_start3A_225 = tpu.memref_slice %arg3[%run_scoped3A_3, %add3A, %dma_start3A_223, %dma_start3A_224] : memref<2x32x80x128xi32, #tpu.memory_space<hbm>> -> memref<1x1x80x128xi32, #tpu.memory_space<hbm>>
      %dma_start3A_226 = tpu.memref_squeeze %dma_start3A_225 : memref<1x1x80x128xi32, #tpu.memory_space<hbm>> -> memref<80x128xi32, #tpu.memory_space<hbm>>
      tpu.enqueue_dma source(%dma_start3A_226 : memref<80x128xi32, #tpu.memory_space<hbm>>) target(%arg7 : memref<80x128xi32, #tpu.memory_space<vmem>>) target_semaphore(%run_scoped3A_218 : memref<!tpu.dma_semaphore, #tpu.memory_space<semaphore_mem>>)
      %dma_wait3A_227 = arith.constant 0 : i32
      %dma_wait3A_228 = arith.constant 0 : i32
      %dma_wait3A_229 = tpu.memref_slice %arg3[%run_scoped3A_3, %add3A, %dma_wait3A_227, %dma_wait3A_228] : memref<2x32x80x128xi32, #tpu.memory_space<hbm>> -> memref<1x1x80x128xi32, #tpu.memory_space<hbm>>
      %dma_wait3A_230 = tpu.memref_squeeze %dma_wait3A_229 : memref<1x1x80x128xi32, #tpu.memory_space<hbm>> -> memref<80x128xi32, #tpu.memory_space<hbm>>
      %dma_wait3A_231 = arith.constant 0 : i32
      %dma_wait3A_232 = arith.constant 0 : i32
      %dma_wait3A_233 = tpu.memref_slice %arg3[%run_scoped3A_3, %add3A, %dma_wait3A_231, %dma_wait3A_232] : memref<2x32x80x128xi32, #tpu.memory_space<hbm>> -> memref<1x1x80x128xi32, #tpu.memory_space<hbm>>
      %dma_wait3A_234 = tpu.memref_squeeze %dma_wait3A_233 : memref<1x1x80x128xi32, #tpu.memory_space<hbm>> -> memref<80x128xi32, #tpu.memory_space<hbm>>
      tpu.wait_dma2 semaphore(%run_scoped3A_218 : memref<!tpu.dma_semaphore, #tpu.memory_space<semaphore_mem>>) src(%dma_wait3A_234 : memref<80x128xi32, #tpu.memory_space<hbm>>) dst(%arg7 : memref<80x128xi32, #tpu.memory_space<vmem>>)
      tpu.yield
    }) : () -> ()
    %dma_start3A = arith.constant 0 : i32
    %dma_start3A_4 = arith.constant 0 : i32
    %dma_start3A_5 = arith.constant 0 : i32
    %dma_start3A_6 = arith.constant 0 : i32
    %dma_start3A_7 = arith.constant 0 : i32
    %dma_start3A_8 = tpu.memref_slice %arg8[%dma_start3A_4, %dma_start3A_6, %dma_start3A_7] : memref<8x128x64xf32, #tpu.memory_space<vmem>> -> memref<1x128x64xf32, #tpu.memory_space<vmem>>
    %dma_start3A_9 = tpu.memref_squeeze %dma_start3A_8 : memref<1x128x64xf32, #tpu.memory_space<vmem>> -> memref<128x64xf32, #tpu.memory_space<vmem>>
    %dma_start3A_10 = arith.constant 0 : i32
    %dma_start3A_11 = tpu.memref_slice %arg6[%dma_start3A, %dma_start3A_10] : memref<80x128xi32, #tpu.memory_space<vmem>> -> memref<1x128xi32, #tpu.memory_space<vmem>>
    %dma_start3A_12 = tpu.memref_squeeze %dma_start3A_11 : memref<1x128xi32, #tpu.memory_space<vmem>> -> memref<128xi32, #tpu.memory_space<vmem>>
    %dma_start3A_13 = arith.constant 0 : i32
    %dma_start3A_14 = arith.constant 0 : i32
    %dma_start3A_15 = tpu.memref_slice %arg2[%dma_start3A_13, %dma_start3A_14] : memref<10240x64xf32, #tpu.memory_space<hbm>> -> memref<10240x64xf32, #tpu.memory_space<hbm>>
    %dma_start3A_16 = tpu.memref_slice %arg9[%dma_start3A_5] : memref<8x!tpu.dma_semaphore, #tpu.memory_space<semaphore_mem>> -> memref<1x!tpu.dma_semaphore, #tpu.memory_space<semaphore_mem>>
    %dma_start3A_17 = tpu.memref_squeeze %dma_start3A_16 : memref<1x!tpu.dma_semaphore, #tpu.memory_space<semaphore_mem>> -> memref<!tpu.dma_semaphore, #tpu.memory_space<semaphore_mem>>
    tpu.enqueue_indirect_dma source(%dma_start3A_15 : memref<10240x64xf32, #tpu.memory_space<hbm>>) target(%dma_start3A_9 : memref<128x64xf32, #tpu.memory_space<vmem>>) offsets(%dma_start3A_12 : memref<128xi32, #tpu.memory_space<vmem>>) semaphore(%dma_start3A_17 : memref<!tpu.dma_semaphore, #tpu.memory_space<semaphore_mem>>)
    %dma_start3A_18 = arith.constant 1 : i32
    %dma_start3A_19 = arith.constant 1 : i32
    %dma_start3A_20 = arith.constant 1 : i32
    %dma_start3A_21 = arith.constant 0 : i32
    %dma_start3A_22 = arith.constant 0 : i32
    %dma_start3A_23 = tpu.memref_slice %arg8[%dma_start3A_19, %dma_start3A_21, %dma_start3A_22] : memref<8x128x64xf32, #tpu.memory_space<vmem>> -> memref<1x128x64xf32, #tpu.memory_space<vmem>>
    %dma_start3A_24 = tpu.memref_squeeze %dma_start3A_23 : memref<1x128x64xf32, #tpu.memory_space<vmem>> -> memref<128x64xf32, #tpu.memory_space<vmem>>
    %dma_start3A_25 = arith.constant 0 : i32
    %dma_start3A_26 = tpu.memref_slice %arg6[%dma_start3A_18, %dma_start3A_25] : memref<80x128xi32, #tpu.memory_space<vmem>> -> memref<1x128xi32, #tpu.memory_space<vmem>>
    %dma_start3A_27 = tpu.memref_squeeze %dma_start3A_26 : memref<1x128xi32, #tpu.memory_space<vmem>> -> memref<128xi32, #tpu.memory_space<vmem>>
    %dma_start3A_28 = arith.constant 0 : i32
    %dma_start3A_29 = arith.constant 0 : i32
    %dma_start3A_30 = tpu.memref_slice %arg2[%dma_start3A_28, %dma_start3A_29] : memref<10240x64xf32, #tpu.memory_space<hbm>> -> memref<10240x64xf32, #tpu.memory_space<hbm>>
    %dma_start3A_31 = tpu.memref_slice %arg9[%dma_start3A_20] : memref<8x!tpu.dma_semaphore, #tpu.memory_space<semaphore_mem>> -> memref<1x!tpu.dma_semaphore, #tpu.memory_space<semaphore_mem>>
    %dma_start3A_32 = tpu.memref_squeeze %dma_start3A_31 : memref<1x!tpu.dma_semaphore, #tpu.memory_space<semaphore_mem>> -> memref<!tpu.dma_semaphore, #tpu.memory_space<semaphore_mem>>
    tpu.enqueue_indirect_dma source(%dma_start3A_30 : memref<10240x64xf32, #tpu.memory_space<hbm>>) target(%dma_start3A_24 : memref<128x64xf32, #tpu.memory_space<vmem>>) offsets(%dma_start3A_27 : memref<128xi32, #tpu.memory_space<vmem>>) semaphore(%dma_start3A_32 : memref<!tpu.dma_semaphore, #tpu.memory_space<semaphore_mem>>)
    %dma_start3A_33 = arith.constant 2 : i32
    %dma_start3A_34 = arith.constant 2 : i32
    %dma_start3A_35 = arith.constant 2 : i32
    %dma_start3A_36 = arith.constant 0 : i32
    %dma_start3A_37 = arith.constant 0 : i32
    %dma_start3A_38 = tpu.memref_slice %arg8[%dma_start3A_34, %dma_start3A_36, %dma_start3A_37] : memref<8x128x64xf32, #tpu.memory_space<vmem>> -> memref<1x128x64xf32, #tpu.memory_space<vmem>>
    %dma_start3A_39 = tpu.memref_squeeze %dma_start3A_38 : memref<1x128x64xf32, #tpu.memory_space<vmem>> -> memref<128x64xf32, #tpu.memory_space<vmem>>
    %dma_start3A_40 = arith.constant 0 : i32
    %dma_start3A_41 = tpu.memref_slice %arg6[%dma_start3A_33, %dma_start3A_40] : memref<80x128xi32, #tpu.memory_space<vmem>> -> memref<1x128xi32, #tpu.memory_space<vmem>>
    %dma_start3A_42 = tpu.memref_squeeze %dma_start3A_41 : memref<1x128xi32, #tpu.memory_space<vmem>> -> memref<128xi32, #tpu.memory_space<vmem>>
    %dma_start3A_43 = arith.constant 0 : i32
    %dma_start3A_44 = arith.constant 0 : i32
    %dma_start3A_45 = tpu.memref_slice %arg2[%dma_start3A_43, %dma_start3A_44] : memref<10240x64xf32, #tpu.memory_space<hbm>> -> memref<10240x64xf32, #tpu.memory_space<hbm>>
    %dma_start3A_46 = tpu.memref_slice %arg9[%dma_start3A_35] : memref<8x!tpu.dma_semaphore, #tpu.memory_space<semaphore_mem>> -> memref<1x!tpu.dma_semaphore, #tpu.memory_space<semaphore_mem>>
    %dma_start3A_47 = tpu.memref_squeeze %dma_start3A_46 : memref<1x!tpu.dma_semaphore, #tpu.memory_space<semaphore_mem>> -> memref<!tpu.dma_semaphore, #tpu.memory_space<semaphore_mem>>
    tpu.enqueue_indirect_dma source(%dma_start3A_45 : memref<10240x64xf32, #tpu.memory_space<hbm>>) target(%dma_start3A_39 : memref<128x64xf32, #tpu.memory_space<vmem>>) offsets(%dma_start3A_42 : memref<128xi32, #tpu.memory_space<vmem>>) semaphore(%dma_start3A_47 : memref<!tpu.dma_semaphore, #tpu.memory_space<semaphore_mem>>)
    %dma_start3A_48 = arith.constant 3 : i32
    %dma_start3A_49 = arith.constant 3 : i32
    %dma_start3A_50 = arith.constant 3 : i32
    %dma_start3A_51 = arith.constant 0 : i32
    %dma_start3A_52 = arith.constant 0 : i32
    %dma_start3A_53 = tpu.memref_slice %arg8[%dma_start3A_49, %dma_start3A_51, %dma_start3A_52] : memref<8x128x64xf32, #tpu.memory_space<vmem>> -> memref<1x128x64xf32, #tpu.memory_space<vmem>>
    %dma_start3A_54 = tpu.memref_squeeze %dma_start3A_53 : memref<1x128x64xf32, #tpu.memory_space<vmem>> -> memref<128x64xf32, #tpu.memory_space<vmem>>
    %dma_start3A_55 = arith.constant 0 : i32
    %dma_start3A_56 = tpu.memref_slice %arg6[%dma_start3A_48, %dma_start3A_55] : memref<80x128xi32, #tpu.memory_space<vmem>> -> memref<1x128xi32, #tpu.memory_space<vmem>>
    %dma_start3A_57 = tpu.memref_squeeze %dma_start3A_56 : memref<1x128xi32, #tpu.memory_space<vmem>> -> memref<128xi32, #tpu.memory_space<vmem>>
    %dma_start3A_58 = arith.constant 0 : i32
    %dma_start3A_59 = arith.constant 0 : i32
    %dma_start3A_60 = tpu.memref_slice %arg2[%dma_start3A_58, %dma_start3A_59] : memref<10240x64xf32, #tpu.memory_space<hbm>> -> memref<10240x64xf32, #tpu.memory_space<hbm>>
    %dma_start3A_61 = tpu.memref_slice %arg9[%dma_start3A_50] : memref<8x!tpu.dma_semaphore, #tpu.memory_space<semaphore_mem>> -> memref<1x!tpu.dma_semaphore, #tpu.memory_space<semaphore_mem>>
    %dma_start3A_62 = tpu.memref_squeeze %dma_start3A_61 : memref<1x!tpu.dma_semaphore, #tpu.memory_space<semaphore_mem>> -> memref<!tpu.dma_semaphore, #tpu.memory_space<semaphore_mem>>
    tpu.enqueue_indirect_dma source(%dma_start3A_60 : memref<10240x64xf32, #tpu.memory_space<hbm>>) target(%dma_start3A_54 : memref<128x64xf32, #tpu.memory_space<vmem>>) offsets(%dma_start3A_57 : memref<128xi32, #tpu.memory_space<vmem>>) semaphore(%dma_start3A_62 : memref<!tpu.dma_semaphore, #tpu.memory_space<semaphore_mem>>)
    %dma_start3A_63 = arith.constant 4 : i32
    %dma_start3A_64 = arith.constant 4 : i32
    %dma_start3A_65 = arith.constant 4 : i32
    %dma_start3A_66 = arith.constant 0 : i32
    %dma_start3A_67 = arith.constant 0 : i32
    %dma_start3A_68 = tpu.memref_slice %arg8[%dma_start3A_64, %dma_start3A_66, %dma_start3A_67] : memref<8x128x64xf32, #tpu.memory_space<vmem>> -> memref<1x128x64xf32, #tpu.memory_space<vmem>>
    %dma_start3A_69 = tpu.memref_squeeze %dma_start3A_68 : memref<1x128x64xf32, #tpu.memory_space<vmem>> -> memref<128x64xf32, #tpu.memory_space<vmem>>
    %dma_start3A_70 = arith.constant 0 : i32
    %dma_start3A_71 = tpu.memref_slice %arg6[%dma_start3A_63, %dma_start3A_70] : memref<80x128xi32, #tpu.memory_space<vmem>> -> memref<1x128xi32, #tpu.memory_space<vmem>>
    %dma_start3A_72 = tpu.memref_squeeze %dma_start3A_71 : memref<1x128xi32, #tpu.memory_space<vmem>> -> memref<128xi32, #tpu.memory_space<vmem>>
    %dma_start3A_73 = arith.constant 0 : i32
    %dma_start3A_74 = arith.constant 0 : i32
    %dma_start3A_75 = tpu.memref_slice %arg2[%dma_start3A_73, %dma_start3A_74] : memref<10240x64xf32, #tpu.memory_space<hbm>> -> memref<10240x64xf32, #tpu.memory_space<hbm>>
    %dma_start3A_76 = tpu.memref_slice %arg9[%dma_start3A_65] : memref<8x!tpu.dma_semaphore, #tpu.memory_space<semaphore_mem>> -> memref<1x!tpu.dma_semaphore, #tpu.memory_space<semaphore_mem>>
    %dma_start3A_77 = tpu.memref_squeeze %dma_start3A_76 : memref<1x!tpu.dma_semaphore, #tpu.memory_space<semaphore_mem>> -> memref<!tpu.dma_semaphore, #tpu.memory_space<semaphore_mem>>
    tpu.enqueue_indirect_dma source(%dma_start3A_75 : memref<10240x64xf32, #tpu.memory_space<hbm>>) target(%dma_start3A_69 : memref<128x64xf32, #tpu.memory_space<vmem>>) offsets(%dma_start3A_72 : memref<128xi32, #tpu.memory_space<vmem>>) semaphore(%dma_start3A_77 : memref<!tpu.dma_semaphore, #tpu.memory_space<semaphore_mem>>)
    %dma_start3A_78 = arith.constant 5 : i32
    %dma_start3A_79 = arith.constant 5 : i32
    %dma_start3A_80 = arith.constant 5 : i32
    %dma_start3A_81 = arith.constant 0 : i32
    %dma_start3A_82 = arith.constant 0 : i32
    %dma_start3A_83 = tpu.memref_slice %arg8[%dma_start3A_79, %dma_start3A_81, %dma_start3A_82] : memref<8x128x64xf32, #tpu.memory_space<vmem>> -> memref<1x128x64xf32, #tpu.memory_space<vmem>>
    %dma_start3A_84 = tpu.memref_squeeze %dma_start3A_83 : memref<1x128x64xf32, #tpu.memory_space<vmem>> -> memref<128x64xf32, #tpu.memory_space<vmem>>
    %dma_start3A_85 = arith.constant 0 : i32
    %dma_start3A_86 = tpu.memref_slice %arg6[%dma_start3A_78, %dma_start3A_85] : memref<80x128xi32, #tpu.memory_space<vmem>> -> memref<1x128xi32, #tpu.memory_space<vmem>>
    %dma_start3A_87 = tpu.memref_squeeze %dma_start3A_86 : memref<1x128xi32, #tpu.memory_space<vmem>> -> memref<128xi32, #tpu.memory_space<vmem>>
    %dma_start3A_88 = arith.constant 0 : i32
    %dma_start3A_89 = arith.constant 0 : i32
    %dma_start3A_90 = tpu.memref_slice %arg2[%dma_start3A_88, %dma_start3A_89] : memref<10240x64xf32, #tpu.memory_space<hbm>> -> memref<10240x64xf32, #tpu.memory_space<hbm>>
    %dma_start3A_91 = tpu.memref_slice %arg9[%dma_start3A_80] : memref<8x!tpu.dma_semaphore, #tpu.memory_space<semaphore_mem>> -> memref<1x!tpu.dma_semaphore, #tpu.memory_space<semaphore_mem>>
    %dma_start3A_92 = tpu.memref_squeeze %dma_start3A_91 : memref<1x!tpu.dma_semaphore, #tpu.memory_space<semaphore_mem>> -> memref<!tpu.dma_semaphore, #tpu.memory_space<semaphore_mem>>
    tpu.enqueue_indirect_dma source(%dma_start3A_90 : memref<10240x64xf32, #tpu.memory_space<hbm>>) target(%dma_start3A_84 : memref<128x64xf32, #tpu.memory_space<vmem>>) offsets(%dma_start3A_87 : memref<128xi32, #tpu.memory_space<vmem>>) semaphore(%dma_start3A_92 : memref<!tpu.dma_semaphore, #tpu.memory_space<semaphore_mem>>)
    %scan3A = arith.constant 0 : i32
    %scan3A_93 = arith.constant 0 : i32
    %scan3A_94 = arith.constant 10 : i32
    %scan3A_95 = arith.addi %scan3A_93, %scan3A_94 : i32
    %scan3A_96 = arith.constant 1 : i32
    scf.for %scan3A_218 = %scan3A_93 to %scan3A_95 step %scan3A_96  : i32 {
      %mul3A_219 = arith.constant 8 : i32
      %mul3A_220 = arith.muli %scan3A_218, %mul3A_219 : i32
      %add3A_221 = arith.constant 0 : i32
      %add3A_222 = arith.addi %mul3A_220, %add3A_221 : i32
      %add3A_223 = arith.constant 6 : i32
      %add3A_224 = arith.addi %add3A_222, %add3A_223 : i32
      %lt3A = arith.constant 80 : i32
      %lt3A_225 = arith.cmpi slt, %add3A_224, %lt3A : i32
      %convert_element_type3A = arith.extui %lt3A_225 : i1 to i32
      %cond3A = arith.constant 0 : i32
      %cond3A_226 = arith.cmpi ne, %convert_element_type3A, %cond3A : i32
      scf.if %cond3A_226 {
        %add3A_514 = arith.constant 6 : i32
        %add3A_515 = arith.addi %add3A_222, %add3A_514 : i32
        %ge3A = arith.constant 8 : i32
        %ge3A_516 = arith.cmpi sge, %add3A_515, %ge3A : i32
        %convert_element_type3A_517 = arith.extui %ge3A_516 : i1 to i32
        %cond3A_518 = arith.constant 0 : i32
        %cond3A_519 = arith.cmpi ne, %convert_element_type3A_517, %cond3A_518 : i32
        scf.if %cond3A_519 {
          %dma_wait3A_536 = arith.constant 6 : i32
          %dma_wait3A_537 = arith.constant 6 : i32
          %dma_wait3A_538 = arith.constant 0 : i32
          %dma_wait3A_539 = arith.constant 0 : i32
          %dma_wait3A_540 = tpu.memref_slice %arg8[%dma_wait3A_536, %dma_wait3A_538, %dma_wait3A_539] : memref<8x128x64xf32, #tpu.memory_space<vmem>> -> memref<1x128x64xf32, #tpu.memory_space<vmem>>
          %dma_wait3A_541 = tpu.memref_squeeze %dma_wait3A_540 : memref<1x128x64xf32, #tpu.memory_space<vmem>> -> memref<128x64xf32, #tpu.memory_space<vmem>>
          %dma_wait3A_542 = arith.constant 0 : i32
          %dma_wait3A_543 = tpu.memref_slice %arg7[%add3A_222, %dma_wait3A_542] : memref<80x128xi32, #tpu.memory_space<vmem>> -> memref<1x128xi32, #tpu.memory_space<vmem>>
          %dma_wait3A_544 = tpu.memref_squeeze %dma_wait3A_543 : memref<1x128xi32, #tpu.memory_space<vmem>> -> memref<128xi32, #tpu.memory_space<vmem>>
          %dma_wait3A_545 = arith.constant 0 : i32
          %dma_wait3A_546 = arith.constant 0 : i32
          %dma_wait3A_547 = tpu.memref_slice %arg11[%dma_wait3A_545, %dma_wait3A_546] : memref<10240x64xf32, #tpu.memory_space<vmem_shared>> -> memref<10240x64xf32, #tpu.memory_space<vmem_shared>>
          %dma_wait3A_548 = tpu.memref_slice %arg10[%dma_wait3A_537] : memref<8x!tpu.dma_semaphore, #tpu.memory_space<semaphore_mem>> -> memref<1x!tpu.dma_semaphore, #tpu.memory_space<semaphore_mem>>
          %dma_wait3A_549 = tpu.memref_squeeze %dma_wait3A_548 : memref<1x!tpu.dma_semaphore, #tpu.memory_space<semaphore_mem>> -> memref<!tpu.dma_semaphore, #tpu.memory_space<semaphore_mem>>
          tpu.wait_indirect_dma semaphore(%dma_wait3A_549 : memref<!tpu.dma_semaphore, #tpu.memory_space<semaphore_mem>>) src(%dma_wait3A_541 : memref<128x64xf32, #tpu.memory_space<vmem>>) dst(%dma_wait3A_547 : memref<10240x64xf32, #tpu.memory_space<vmem_shared>>)
        } else {
        }
        %add3A_520 = arith.constant 6 : i32
        %add3A_521 = arith.addi %add3A_222, %add3A_520 : i32
        %dma_start3A_522 = arith.constant 6 : i32
        %dma_start3A_523 = arith.constant 6 : i32
        %dma_start3A_524 = arith.constant 0 : i32
        %dma_start3A_525 = arith.constant 0 : i32
        %dma_start3A_526 = tpu.memref_slice %arg8[%dma_start3A_522, %dma_start3A_524, %dma_start3A_525] : memref<8x128x64xf32, #tpu.memory_space<vmem>> -> memref<1x128x64xf32, #tpu.memory_space<vmem>>
        %dma_start3A_527 = tpu.memref_squeeze %dma_start3A_526 : memref<1x128x64xf32, #tpu.memory_space<vmem>> -> memref<128x64xf32, #tpu.memory_space<vmem>>
        %dma_start3A_528 = arith.constant 0 : i32
        %dma_start3A_529 = tpu.memref_slice %arg6[%add3A_521, %dma_start3A_528] : memref<80x128xi32, #tpu.memory_space<vmem>> -> memref<1x128xi32, #tpu.memory_space<vmem>>
        %dma_start3A_530 = tpu.memref_squeeze %dma_start3A_529 : memref<1x128xi32, #tpu.memory_space<vmem>> -> memref<128xi32, #tpu.memory_space<vmem>>
        %dma_start3A_531 = arith.constant 0 : i32
        %dma_start3A_532 = arith.constant 0 : i32
        %dma_start3A_533 = tpu.memref_slice %arg2[%dma_start3A_531, %dma_start3A_532] : memref<10240x64xf32, #tpu.memory_space<hbm>> -> memref<10240x64xf32, #tpu.memory_space<hbm>>
        %dma_start3A_534 = tpu.memref_slice %arg9[%dma_start3A_523] : memref<8x!tpu.dma_semaphore, #tpu.memory_space<semaphore_mem>> -> memref<1x!tpu.dma_semaphore, #tpu.memory_space<semaphore_mem>>
        %dma_start3A_535 = tpu.memref_squeeze %dma_start3A_534 : memref<1x!tpu.dma_semaphore, #tpu.memory_space<semaphore_mem>> -> memref<!tpu.dma_semaphore, #tpu.memory_space<semaphore_mem>>
        tpu.enqueue_indirect_dma source(%dma_start3A_533 : memref<10240x64xf32, #tpu.memory_space<hbm>>) target(%dma_start3A_527 : memref<128x64xf32, #tpu.memory_space<vmem>>) offsets(%dma_start3A_530 : memref<128xi32, #tpu.memory_space<vmem>>) semaphore(%dma_start3A_535 : memref<!tpu.dma_semaphore, #tpu.memory_space<semaphore_mem>>)
      } else {
      }
      %dma_wait3A_227 = arith.constant 0 : i32
      %dma_wait3A_228 = arith.constant 0 : i32
      %dma_wait3A_229 = arith.constant 0 : i32
      %dma_wait3A_230 = arith.constant 0 : i32
      %dma_wait3A_231 = tpu.memref_slice %arg8[%dma_wait3A_227, %dma_wait3A_229, %dma_wait3A_230] : memref<8x128x64xf32, #tpu.memory_space<vmem>> -> memref<1x128x64xf32, #tpu.memory_space<vmem>>
      %dma_wait3A_232 = tpu.memref_squeeze %dma_wait3A_231 : memref<1x128x64xf32, #tpu.memory_space<vmem>> -> memref<128x64xf32, #tpu.memory_space<vmem>>
      %dma_wait3A_233 = arith.constant 0 : i32
      %dma_wait3A_234 = tpu.memref_slice %arg6[%add3A_222, %dma_wait3A_233] : memref<80x128xi32, #tpu.memory_space<vmem>> -> memref<1x128xi32, #tpu.memory_space<vmem>>
      %dma_wait3A_235 = tpu.memref_squeeze %dma_wait3A_234 : memref<1x128xi32, #tpu.memory_space<vmem>> -> memref<128xi32, #tpu.memory_space<vmem>>
      %dma_wait3A_236 = arith.constant 0 : i32
      %dma_wait3A_237 = arith.constant 0 : i32
      %dma_wait3A_238 = tpu.memref_slice %arg2[%dma_wait3A_236, %dma_wait3A_237] : memref<10240x64xf32, #tpu.memory_space<hbm>> -> memref<10240x64xf32, #tpu.memory_space<hbm>>
      %dma_wait3A_239 = tpu.memref_slice %arg9[%dma_wait3A_228] : memref<8x!tpu.dma_semaphore, #tpu.memory_space<semaphore_mem>> -> memref<1x!tpu.dma_semaphore, #tpu.memory_space<semaphore_mem>>
      %dma_wait3A_240 = tpu.memref_squeeze %dma_wait3A_239 : memref<1x!tpu.dma_semaphore, #tpu.memory_space<semaphore_mem>> -> memref<!tpu.dma_semaphore, #tpu.memory_space<semaphore_mem>>
      tpu.wait_indirect_dma semaphore(%dma_wait3A_240 : memref<!tpu.dma_semaphore, #tpu.memory_space<semaphore_mem>>) src(%dma_wait3A_238 : memref<10240x64xf32, #tpu.memory_space<hbm>>) dst(%dma_wait3A_232 : memref<128x64xf32, #tpu.memory_space<vmem>>)
      %dma_start3A_241 = arith.constant 0 : i32
      %dma_start3A_242 = arith.constant 0 : i32
      %dma_start3A_243 = arith.constant 0 : i32
      %dma_start3A_244 = arith.constant 0 : i32
      %dma_start3A_245 = tpu.memref_slice %arg8[%dma_start3A_241, %dma_start3A_243, %dma_start3A_244] : memref<8x128x64xf32, #tpu.memory_space<vmem>> -> memref<1x128x64xf32, #tpu.memory_space<vmem>>
      %dma_start3A_246 = tpu.memref_squeeze %dma_start3A_245 : memref<1x128x64xf32, #tpu.memory_space<vmem>> -> memref<128x64xf32, #tpu.memory_space<vmem>>
      %dma_start3A_247 = arith.constant 0 : i32
      %dma_start3A_248 = tpu.memref_slice %arg7[%add3A_222, %dma_start3A_247] : memref<80x128xi32, #tpu.memory_space<vmem>> -> memref<1x128xi32, #tpu.memory_space<vmem>>
      %dma_start3A_249 = tpu.memref_squeeze %dma_start3A_248 : memref<1x128xi32, #tpu.memory_space<vmem>> -> memref<128xi32, #tpu.memory_space<vmem>>
      %dma_start3A_250 = arith.constant 0 : i32
      %dma_start3A_251 = arith.constant 0 : i32
      %dma_start3A_252 = tpu.memref_slice %arg11[%dma_start3A_250, %dma_start3A_251] : memref<10240x64xf32, #tpu.memory_space<vmem_shared>> -> memref<10240x64xf32, #tpu.memory_space<vmem_shared>>
      %dma_start3A_253 = tpu.memref_slice %arg10[%dma_start3A_242] : memref<8x!tpu.dma_semaphore, #tpu.memory_space<semaphore_mem>> -> memref<1x!tpu.dma_semaphore, #tpu.memory_space<semaphore_mem>>
      %dma_start3A_254 = tpu.memref_squeeze %dma_start3A_253 : memref<1x!tpu.dma_semaphore, #tpu.memory_space<semaphore_mem>> -> memref<!tpu.dma_semaphore, #tpu.memory_space<semaphore_mem>>
      tpu.enqueue_indirect_dma source(%dma_start3A_246 : memref<128x64xf32, #tpu.memory_space<vmem>>) target(%dma_start3A_252 : memref<10240x64xf32, #tpu.memory_space<vmem_shared>>) offsets(%dma_start3A_249 : memref<128xi32, #tpu.memory_space<vmem>>) semaphore(%dma_start3A_254 : memref<!tpu.dma_semaphore, #tpu.memory_space<semaphore_mem>>) {add = true}
      %add3A_255 = arith.constant 1 : i32
      %add3A_256 = arith.addi %mul3A_220, %add3A_255 : i32
      %add3A_257 = arith.constant 6 : i32
      %add3A_258 = arith.addi %add3A_256, %add3A_257 : i32
      %lt3A_259 = arith.constant 80 : i32
      %lt3A_260 = arith.cmpi slt, %add3A_258, %lt3A_259 : i32
      %convert_element_type3A_261 = arith.extui %lt3A_260 : i1 to i32
      %cond3A_262 = arith.constant 0 : i32
      %cond3A_263 = arith.cmpi ne, %convert_element_type3A_261, %cond3A_262 : i32
      scf.if %cond3A_263 {
        %add3A_514 = arith.constant 6 : i32
        %add3A_515 = arith.addi %add3A_256, %add3A_514 : i32
        %ge3A = arith.constant 8 : i32
        %ge3A_516 = arith.cmpi sge, %add3A_515, %ge3A : i32
        %convert_element_type3A_517 = arith.extui %ge3A_516 : i1 to i32
        %cond3A_518 = arith.constant 0 : i32
        %cond3A_519 = arith.cmpi ne, %convert_element_type3A_517, %cond3A_518 : i32
        scf.if %cond3A_519 {
          %dma_wait3A_536 = arith.constant 7 : i32
          %dma_wait3A_537 = arith.constant 7 : i32
          %dma_wait3A_538 = arith.constant 0 : i32
          %dma_wait3A_539 = arith.constant 0 : i32
          %dma_wait3A_540 = tpu.memref_slice %arg8[%dma_wait3A_536, %dma_wait3A_538, %dma_wait3A_539] : memref<8x128x64xf32, #tpu.memory_space<vmem>> -> memref<1x128x64xf32, #tpu.memory_space<vmem>>
          %dma_wait3A_541 = tpu.memref_squeeze %dma_wait3A_540 : memref<1x128x64xf32, #tpu.memory_space<vmem>> -> memref<128x64xf32, #tpu.memory_space<vmem>>
          %dma_wait3A_542 = arith.constant 0 : i32
          %dma_wait3A_543 = tpu.memref_slice %arg7[%add3A_256, %dma_wait3A_542] : memref<80x128xi32, #tpu.memory_space<vmem>> -> memref<1x128xi32, #tpu.memory_space<vmem>>
          %dma_wait3A_544 = tpu.memref_squeeze %dma_wait3A_543 : memref<1x128xi32, #tpu.memory_space<vmem>> -> memref<128xi32, #tpu.memory_space<vmem>>
          %dma_wait3A_545 = arith.constant 0 : i32
          %dma_wait3A_546 = arith.constant 0 : i32
          %dma_wait3A_547 = tpu.memref_slice %arg11[%dma_wait3A_545, %dma_wait3A_546] : memref<10240x64xf32, #tpu.memory_space<vmem_shared>> -> memref<10240x64xf32, #tpu.memory_space<vmem_shared>>
          %dma_wait3A_548 = tpu.memref_slice %arg10[%dma_wait3A_537] : memref<8x!tpu.dma_semaphore, #tpu.memory_space<semaphore_mem>> -> memref<1x!tpu.dma_semaphore, #tpu.memory_space<semaphore_mem>>
          %dma_wait3A_549 = tpu.memref_squeeze %dma_wait3A_548 : memref<1x!tpu.dma_semaphore, #tpu.memory_space<semaphore_mem>> -> memref<!tpu.dma_semaphore, #tpu.memory_space<semaphore_mem>>
          tpu.wait_indirect_dma semaphore(%dma_wait3A_549 : memref<!tpu.dma_semaphore, #tpu.memory_space<semaphore_mem>>) src(%dma_wait3A_541 : memref<128x64xf32, #tpu.memory_space<vmem>>) dst(%dma_wait3A_547 : memref<10240x64xf32, #tpu.memory_space<vmem_shared>>)
        } else {
        }
        %add3A_520 = arith.constant 6 : i32
        %add3A_521 = arith.addi %add3A_256, %add3A_520 : i32
        %dma_start3A_522 = arith.constant 7 : i32
        %dma_start3A_523 = arith.constant 7 : i32
        %dma_start3A_524 = arith.constant 0 : i32
        %dma_start3A_525 = arith.constant 0 : i32
        %dma_start3A_526 = tpu.memref_slice %arg8[%dma_start3A_522, %dma_start3A_524, %dma_start3A_525] : memref<8x128x64xf32, #tpu.memory_space<vmem>> -> memref<1x128x64xf32, #tpu.memory_space<vmem>>
        %dma_start3A_527 = tpu.memref_squeeze %dma_start3A_526 : memref<1x128x64xf32, #tpu.memory_space<vmem>> -> memref<128x64xf32, #tpu.memory_space<vmem>>
        %dma_start3A_528 = arith.constant 0 : i32
        %dma_start3A_529 = tpu.memref_slice %arg6[%add3A_521, %dma_start3A_528] : memref<80x128xi32, #tpu.memory_space<vmem>> -> memref<1x128xi32, #tpu.memory_space<vmem>>
        %dma_start3A_530 = tpu.memref_squeeze %dma_start3A_529 : memref<1x128xi32, #tpu.memory_space<vmem>> -> memref<128xi32, #tpu.memory_space<vmem>>
        %dma_start3A_531 = arith.constant 0 : i32
        %dma_start3A_532 = arith.constant 0 : i32
        %dma_start3A_533 = tpu.memref_slice %arg2[%dma_start3A_531, %dma_start3A_532] : memref<10240x64xf32, #tpu.memory_space<hbm>> -> memref<10240x64xf32, #tpu.memory_space<hbm>>
        %dma_start3A_534 = tpu.memref_slice %arg9[%dma_start3A_523] : memref<8x!tpu.dma_semaphore, #tpu.memory_space<semaphore_mem>> -> memref<1x!tpu.dma_semaphore, #tpu.memory_space<semaphore_mem>>
        %dma_start3A_535 = tpu.memref_squeeze %dma_start3A_534 : memref<1x!tpu.dma_semaphore, #tpu.memory_space<semaphore_mem>> -> memref<!tpu.dma_semaphore, #tpu.memory_space<semaphore_mem>>
        tpu.enqueue_indirect_dma source(%dma_start3A_533 : memref<10240x64xf32, #tpu.memory_space<hbm>>) target(%dma_start3A_527 : memref<128x64xf32, #tpu.memory_space<vmem>>) offsets(%dma_start3A_530 : memref<128xi32, #tpu.memory_space<vmem>>) semaphore(%dma_start3A_535 : memref<!tpu.dma_semaphore, #tpu.memory_space<semaphore_mem>>)
      } else {
      }
      %dma_wait3A_264 = arith.constant 1 : i32
      %dma_wait3A_265 = arith.constant 1 : i32
      %dma_wait3A_266 = arith.constant 0 : i32
      %dma_wait3A_267 = arith.constant 0 : i32
      %dma_wait3A_268 = tpu.memref_slice %arg8[%dma_wait3A_264, %dma_wait3A_266, %dma_wait3A_267] : memref<8x128x64xf32, #tpu.memory_space<vmem>> -> memref<1x128x64xf32, #tpu.memory_space<vmem>>
      %dma_wait3A_269 = tpu.memref_squeeze %dma_wait3A_268 : memref<1x128x64xf32, #tpu.memory_space<vmem>> -> memref<128x64xf32, #tpu.memory_space<vmem>>
      %dma_wait3A_270 = arith.constant 0 : i32
      %dma_wait3A_271 = tpu.memref_slice %arg6[%add3A_256, %dma_wait3A_270] : memref<80x128xi32, #tpu.memory_space<vmem>> -> memref<1x128xi32, #tpu.memory_space<vmem>>
      %dma_wait3A_272 = tpu.memref_squeeze %dma_wait3A_271 : memref<1x128xi32, #tpu.memory_space<vmem>> -> memref<128xi32, #tpu.memory_space<vmem>>
      %dma_wait3A_273 = arith.constant 0 : i32
      %dma_wait3A_274 = arith.constant 0 : i32
      %dma_wait3A_275 = tpu.memref_slice %arg2[%dma_wait3A_273, %dma_wait3A_274] : memref<10240x64xf32, #tpu.memory_space<hbm>> -> memref<10240x64xf32, #tpu.memory_space<hbm>>
      %dma_wait3A_276 = tpu.memref_slice %arg9[%dma_wait3A_265] : memref<8x!tpu.dma_semaphore, #tpu.memory_space<semaphore_mem>> -> memref<1x!tpu.dma_semaphore, #tpu.memory_space<semaphore_mem>>
      %dma_wait3A_277 = tpu.memref_squeeze %dma_wait3A_276 : memref<1x!tpu.dma_semaphore, #tpu.memory_space<semaphore_mem>> -> memref<!tpu.dma_semaphore, #tpu.memory_space<semaphore_mem>>
      tpu.wait_indirect_dma semaphore(%dma_wait3A_277 : memref<!tpu.dma_semaphore, #tpu.memory_space<semaphore_mem>>) src(%dma_wait3A_275 : memref<10240x64xf32, #tpu.memory_space<hbm>>) dst(%dma_wait3A_269 : memref<128x64xf32, #tpu.memory_space<vmem>>)
      %dma_start3A_278 = arith.constant 1 : i32
      %dma_start3A_279 = arith.constant 1 : i32
      %dma_start3A_280 = arith.constant 0 : i32
      %dma_start3A_281 = arith.constant 0 : i32
      %dma_start3A_282 = tpu.memref_slice %arg8[%dma_start3A_278, %dma_start3A_280, %dma_start3A_281] : memref<8x128x64xf32, #tpu.memory_space<vmem>> -> memref<1x128x64xf32, #tpu.memory_space<vmem>>
      %dma_start3A_283 = tpu.memref_squeeze %dma_start3A_282 : memref<1x128x64xf32, #tpu.memory_space<vmem>> -> memref<128x64xf32, #tpu.memory_space<vmem>>
      %dma_start3A_284 = arith.constant 0 : i32
      %dma_start3A_285 = tpu.memref_slice %arg7[%add3A_256, %dma_start3A_284] : memref<80x128xi32, #tpu.memory_space<vmem>> -> memref<1x128xi32, #tpu.memory_space<vmem>>
      %dma_start3A_286 = tpu.memref_squeeze %dma_start3A_285 : memref<1x128xi32, #tpu.memory_space<vmem>> -> memref<128xi32, #tpu.memory_space<vmem>>
      %dma_start3A_287 = arith.constant 0 : i32
      %dma_start3A_288 = arith.constant 0 : i32
      %dma_start3A_289 = tpu.memref_slice %arg11[%dma_start3A_287, %dma_start3A_288] : memref<10240x64xf32, #tpu.memory_space<vmem_shared>> -> memref<10240x64xf32, #tpu.memory_space<vmem_shared>>
      %dma_start3A_290 = tpu.memref_slice %arg10[%dma_start3A_279] : memref<8x!tpu.dma_semaphore, #tpu.memory_space<semaphore_mem>> -> memref<1x!tpu.dma_semaphore, #tpu.memory_space<semaphore_mem>>
      %dma_start3A_291 = tpu.memref_squeeze %dma_start3A_290 : memref<1x!tpu.dma_semaphore, #tpu.memory_space<semaphore_mem>> -> memref<!tpu.dma_semaphore, #tpu.memory_space<semaphore_mem>>
      tpu.enqueue_indirect_dma source(%dma_start3A_283 : memref<128x64xf32, #tpu.memory_space<vmem>>) target(%dma_start3A_289 : memref<10240x64xf32, #tpu.memory_space<vmem_shared>>) offsets(%dma_start3A_286 : memref<128xi32, #tpu.memory_space<vmem>>) semaphore(%dma_start3A_291 : memref<!tpu.dma_semaphore, #tpu.memory_space<semaphore_mem>>) {add = true}
      %add3A_292 = arith.constant 2 : i32
      %add3A_293 = arith.addi %mul3A_220, %add3A_292 : i32
      %add3A_294 = arith.constant 6 : i32
      %add3A_295 = arith.addi %add3A_293, %add3A_294 : i32
      %lt3A_296 = arith.constant 80 : i32
      %lt3A_297 = arith.cmpi slt, %add3A_295, %lt3A_296 : i32
      %convert_element_type3A_298 = arith.extui %lt3A_297 : i1 to i32
      %cond3A_299 = arith.constant 0 : i32
      %cond3A_300 = arith.cmpi ne, %convert_element_type3A_298, %cond3A_299 : i32
      scf.if %cond3A_300 {
        %add3A_514 = arith.constant 6 : i32
        %add3A_515 = arith.addi %add3A_293, %add3A_514 : i32
        %ge3A = arith.constant 8 : i32
        %ge3A_516 = arith.cmpi sge, %add3A_515, %ge3A : i32
        %convert_element_type3A_517 = arith.extui %ge3A_516 : i1 to i32
        %cond3A_518 = arith.constant 0 : i32
        %cond3A_519 = arith.cmpi ne, %convert_element_type3A_517, %cond3A_518 : i32
        scf.if %cond3A_519 {
          %dma_wait3A_536 = arith.constant 0 : i32
          %dma_wait3A_537 = arith.constant 0 : i32
          %dma_wait3A_538 = arith.constant 0 : i32
          %dma_wait3A_539 = arith.constant 0 : i32
          %dma_wait3A_540 = tpu.memref_slice %arg8[%dma_wait3A_536, %dma_wait3A_538, %dma_wait3A_539] : memref<8x128x64xf32, #tpu.memory_space<vmem>> -> memref<1x128x64xf32, #tpu.memory_space<vmem>>
          %dma_wait3A_541 = tpu.memref_squeeze %dma_wait3A_540 : memref<1x128x64xf32, #tpu.memory_space<vmem>> -> memref<128x64xf32, #tpu.memory_space<vmem>>
          %dma_wait3A_542 = arith.constant 0 : i32
          %dma_wait3A_543 = tpu.memref_slice %arg7[%add3A_293, %dma_wait3A_542] : memref<80x128xi32, #tpu.memory_space<vmem>> -> memref<1x128xi32, #tpu.memory_space<vmem>>
          %dma_wait3A_544 = tpu.memref_squeeze %dma_wait3A_543 : memref<1x128xi32, #tpu.memory_space<vmem>> -> memref<128xi32, #tpu.memory_space<vmem>>
          %dma_wait3A_545 = arith.constant 0 : i32
          %dma_wait3A_546 = arith.constant 0 : i32
          %dma_wait3A_547 = tpu.memref_slice %arg11[%dma_wait3A_545, %dma_wait3A_546] : memref<10240x64xf32, #tpu.memory_space<vmem_shared>> -> memref<10240x64xf32, #tpu.memory_space<vmem_shared>>
          %dma_wait3A_548 = tpu.memref_slice %arg10[%dma_wait3A_537] : memref<8x!tpu.dma_semaphore, #tpu.memory_space<semaphore_mem>> -> memref<1x!tpu.dma_semaphore, #tpu.memory_space<semaphore_mem>>
          %dma_wait3A_549 = tpu.memref_squeeze %dma_wait3A_548 : memref<1x!tpu.dma_semaphore, #tpu.memory_space<semaphore_mem>> -> memref<!tpu.dma_semaphore, #tpu.memory_space<semaphore_mem>>
          tpu.wait_indirect_dma semaphore(%dma_wait3A_549 : memref<!tpu.dma_semaphore, #tpu.memory_space<semaphore_mem>>) src(%dma_wait3A_541 : memref<128x64xf32, #tpu.memory_space<vmem>>) dst(%dma_wait3A_547 : memref<10240x64xf32, #tpu.memory_space<vmem_shared>>)
        } else {
        }
        %add3A_520 = arith.constant 6 : i32
        %add3A_521 = arith.addi %add3A_293, %add3A_520 : i32
        %dma_start3A_522 = arith.constant 0 : i32
        %dma_start3A_523 = arith.constant 0 : i32
        %dma_start3A_524 = arith.constant 0 : i32
        %dma_start3A_525 = arith.constant 0 : i32
        %dma_start3A_526 = tpu.memref_slice %arg8[%dma_start3A_522, %dma_start3A_524, %dma_start3A_525] : memref<8x128x64xf32, #tpu.memory_space<vmem>> -> memref<1x128x64xf32, #tpu.memory_space<vmem>>
        %dma_start3A_527 = tpu.memref_squeeze %dma_start3A_526 : memref<1x128x64xf32, #tpu.memory_space<vmem>> -> memref<128x64xf32, #tpu.memory_space<vmem>>
        %dma_start3A_528 = arith.constant 0 : i32
        %dma_start3A_529 = tpu.memref_slice %arg6[%add3A_521, %dma_start3A_528] : memref<80x128xi32, #tpu.memory_space<vmem>> -> memref<1x128xi32, #tpu.memory_space<vmem>>
        %dma_start3A_530 = tpu.memref_squeeze %dma_start3A_529 : memref<1x128xi32, #tpu.memory_space<vmem>> -> memref<128xi32, #tpu.memory_space<vmem>>
        %dma_start3A_531 = arith.constant 0 : i32
        %dma_start3A_532 = arith.constant 0 : i32
        %dma_start3A_533 = tpu.memref_slice %arg2[%dma_start3A_531, %dma_start3A_532] : memref<10240x64xf32, #tpu.memory_space<hbm>> -> memref<10240x64xf32, #tpu.memory_space<hbm>>
        %dma_start3A_534 = tpu.memref_slice %arg9[%dma_start3A_523] : memref<8x!tpu.dma_semaphore, #tpu.memory_space<semaphore_mem>> -> memref<1x!tpu.dma_semaphore, #tpu.memory_space<semaphore_mem>>
        %dma_start3A_535 = tpu.memref_squeeze %dma_start3A_534 : memref<1x!tpu.dma_semaphore, #tpu.memory_space<semaphore_mem>> -> memref<!tpu.dma_semaphore, #tpu.memory_space<semaphore_mem>>
        tpu.enqueue_indirect_dma source(%dma_start3A_533 : memref<10240x64xf32, #tpu.memory_space<hbm>>) target(%dma_start3A_527 : memref<128x64xf32, #tpu.memory_space<vmem>>) offsets(%dma_start3A_530 : memref<128xi32, #tpu.memory_space<vmem>>) semaphore(%dma_start3A_535 : memref<!tpu.dma_semaphore, #tpu.memory_space<semaphore_mem>>)
      } else {
      }
      %dma_wait3A_301 = arith.constant 2 : i32
      %dma_wait3A_302 = arith.constant 2 : i32
      %dma_wait3A_303 = arith.constant 0 : i32
      %dma_wait3A_304 = arith.constant 0 : i32
      %dma_wait3A_305 = tpu.memref_slice %arg8[%dma_wait3A_301, %dma_wait3A_303, %dma_wait3A_304] : memref<8x128x64xf32, #tpu.memory_space<vmem>> -> memref<1x128x64xf32, #tpu.memory_space<vmem>>
      %dma_wait3A_306 = tpu.memref_squeeze %dma_wait3A_305 : memref<1x128x64xf32, #tpu.memory_space<vmem>> -> memref<128x64xf32, #tpu.memory_space<vmem>>
      %dma_wait3A_307 = arith.constant 0 : i32
      %dma_wait3A_308 = tpu.memref_slice %arg6[%add3A_293, %dma_wait3A_307] : memref<80x128xi32, #tpu.memory_space<vmem>> -> memref<1x128xi32, #tpu.memory_space<vmem>>
      %dma_wait3A_309 = tpu.memref_squeeze %dma_wait3A_308 : memref<1x128xi32, #tpu.memory_space<vmem>> -> memref<128xi32, #tpu.memory_space<vmem>>
      %dma_wait3A_310 = arith.constant 0 : i32
      %dma_wait3A_311 = arith.constant 0 : i32
      %dma_wait3A_312 = tpu.memref_slice %arg2[%dma_wait3A_310, %dma_wait3A_311] : memref<10240x64xf32, #tpu.memory_space<hbm>> -> memref<10240x64xf32, #tpu.memory_space<hbm>>
      %dma_wait3A_313 = tpu.memref_slice %arg9[%dma_wait3A_302] : memref<8x!tpu.dma_semaphore, #tpu.memory_space<semaphore_mem>> -> memref<1x!tpu.dma_semaphore, #tpu.memory_space<semaphore_mem>>
      %dma_wait3A_314 = tpu.memref_squeeze %dma_wait3A_313 : memref<1x!tpu.dma_semaphore, #tpu.memory_space<semaphore_mem>> -> memref<!tpu.dma_semaphore, #tpu.memory_space<semaphore_mem>>
      tpu.wait_indirect_dma semaphore(%dma_wait3A_314 : memref<!tpu.dma_semaphore, #tpu.memory_space<semaphore_mem>>) src(%dma_wait3A_312 : memref<10240x64xf32, #tpu.memory_space<hbm>>) dst(%dma_wait3A_306 : memref<128x64xf32, #tpu.memory_space<vmem>>)
      %dma_start3A_315 = arith.constant 2 : i32
      %dma_start3A_316 = arith.constant 2 : i32
      %dma_start3A_317 = arith.constant 0 : i32
      %dma_start3A_318 = arith.constant 0 : i32
      %dma_start3A_319 = tpu.memref_slice %arg8[%dma_start3A_315, %dma_start3A_317, %dma_start3A_318] : memref<8x128x64xf32, #tpu.memory_space<vmem>> -> memref<1x128x64xf32, #tpu.memory_space<vmem>>
      %dma_start3A_320 = tpu.memref_squeeze %dma_start3A_319 : memref<1x128x64xf32, #tpu.memory_space<vmem>> -> memref<128x64xf32, #tpu.memory_space<vmem>>
      %dma_start3A_321 = arith.constant 0 : i32
      %dma_start3A_322 = tpu.memref_slice %arg7[%add3A_293, %dma_start3A_321] : memref<80x128xi32, #tpu.memory_space<vmem>> -> memref<1x128xi32, #tpu.memory_space<vmem>>
      %dma_start3A_323 = tpu.memref_squeeze %dma_start3A_322 : memref<1x128xi32, #tpu.memory_space<vmem>> -> memref<128xi32, #tpu.memory_space<vmem>>
      %dma_start3A_324 = arith.constant 0 : i32
      %dma_start3A_325 = arith.constant 0 : i32
      %dma_start3A_326 = tpu.memref_slice %arg11[%dma_start3A_324, %dma_start3A_325] : memref<10240x64xf32, #tpu.memory_space<vmem_shared>> -> memref<10240x64xf32, #tpu.memory_space<vmem_shared>>
      %dma_start3A_327 = tpu.memref_slice %arg10[%dma_start3A_316] : memref<8x!tpu.dma_semaphore, #tpu.memory_space<semaphore_mem>> -> memref<1x!tpu.dma_semaphore, #tpu.memory_space<semaphore_mem>>
      %dma_start3A_328 = tpu.memref_squeeze %dma_start3A_327 : memref<1x!tpu.dma_semaphore, #tpu.memory_space<semaphore_mem>> -> memref<!tpu.dma_semaphore, #tpu.memory_space<semaphore_mem>>
      tpu.enqueue_indirect_dma source(%dma_start3A_320 : memref<128x64xf32, #tpu.memory_space<vmem>>) target(%dma_start3A_326 : memref<10240x64xf32, #tpu.memory_space<vmem_shared>>) offsets(%dma_start3A_323 : memref<128xi32, #tpu.memory_space<vmem>>) semaphore(%dma_start3A_328 : memref<!tpu.dma_semaphore, #tpu.memory_space<semaphore_mem>>) {add = true}
      %add3A_329 = arith.constant 3 : i32
      %add3A_330 = arith.addi %mul3A_220, %add3A_329 : i32
      %add3A_331 = arith.constant 6 : i32
      %add3A_332 = arith.addi %add3A_330, %add3A_331 : i32
      %lt3A_333 = arith.constant 80 : i32
      %lt3A_334 = arith.cmpi slt, %add3A_332, %lt3A_333 : i32
      %convert_element_type3A_335 = arith.extui %lt3A_334 : i1 to i32
      %cond3A_336 = arith.constant 0 : i32
      %cond3A_337 = arith.cmpi ne, %convert_element_type3A_335, %cond3A_336 : i32
      scf.if %cond3A_337 {
        %add3A_514 = arith.constant 6 : i32
        %add3A_515 = arith.addi %add3A_330, %add3A_514 : i32
        %ge3A = arith.constant 8 : i32
        %ge3A_516 = arith.cmpi sge, %add3A_515, %ge3A : i32
        %convert_element_type3A_517 = arith.extui %ge3A_516 : i1 to i32
        %cond3A_518 = arith.constant 0 : i32
        %cond3A_519 = arith.cmpi ne, %convert_element_type3A_517, %cond3A_518 : i32
        scf.if %cond3A_519 {
          %dma_wait3A_536 = arith.constant 1 : i32
          %dma_wait3A_537 = arith.constant 1 : i32
          %dma_wait3A_538 = arith.constant 0 : i32
          %dma_wait3A_539 = arith.constant 0 : i32
          %dma_wait3A_540 = tpu.memref_slice %arg8[%dma_wait3A_536, %dma_wait3A_538, %dma_wait3A_539] : memref<8x128x64xf32, #tpu.memory_space<vmem>> -> memref<1x128x64xf32, #tpu.memory_space<vmem>>
          %dma_wait3A_541 = tpu.memref_squeeze %dma_wait3A_540 : memref<1x128x64xf32, #tpu.memory_space<vmem>> -> memref<128x64xf32, #tpu.memory_space<vmem>>
          %dma_wait3A_542 = arith.constant 0 : i32
          %dma_wait3A_543 = tpu.memref_slice %arg7[%add3A_330, %dma_wait3A_542] : memref<80x128xi32, #tpu.memory_space<vmem>> -> memref<1x128xi32, #tpu.memory_space<vmem>>
          %dma_wait3A_544 = tpu.memref_squeeze %dma_wait3A_543 : memref<1x128xi32, #tpu.memory_space<vmem>> -> memref<128xi32, #tpu.memory_space<vmem>>
          %dma_wait3A_545 = arith.constant 0 : i32
          %dma_wait3A_546 = arith.constant 0 : i32
          %dma_wait3A_547 = tpu.memref_slice %arg11[%dma_wait3A_545, %dma_wait3A_546] : memref<10240x64xf32, #tpu.memory_space<vmem_shared>> -> memref<10240x64xf32, #tpu.memory_space<vmem_shared>>
          %dma_wait3A_548 = tpu.memref_slice %arg10[%dma_wait3A_537] : memref<8x!tpu.dma_semaphore, #tpu.memory_space<semaphore_mem>> -> memref<1x!tpu.dma_semaphore, #tpu.memory_space<semaphore_mem>>
          %dma_wait3A_549 = tpu.memref_squeeze %dma_wait3A_548 : memref<1x!tpu.dma_semaphore, #tpu.memory_space<semaphore_mem>> -> memref<!tpu.dma_semaphore, #tpu.memory_space<semaphore_mem>>
          tpu.wait_indirect_dma semaphore(%dma_wait3A_549 : memref<!tpu.dma_semaphore, #tpu.memory_space<semaphore_mem>>) src(%dma_wait3A_541 : memref<128x64xf32, #tpu.memory_space<vmem>>) dst(%dma_wait3A_547 : memref<10240x64xf32, #tpu.memory_space<vmem_shared>>)
        } else {
        }
        %add3A_520 = arith.constant 6 : i32
        %add3A_521 = arith.addi %add3A_330, %add3A_520 : i32
        %dma_start3A_522 = arith.constant 1 : i32
        %dma_start3A_523 = arith.constant 1 : i32
        %dma_start3A_524 = arith.constant 0 : i32
        %dma_start3A_525 = arith.constant 0 : i32
        %dma_start3A_526 = tpu.memref_slice %arg8[%dma_start3A_522, %dma_start3A_524, %dma_start3A_525] : memref<8x128x64xf32, #tpu.memory_space<vmem>> -> memref<1x128x64xf32, #tpu.memory_space<vmem>>
        %dma_start3A_527 = tpu.memref_squeeze %dma_start3A_526 : memref<1x128x64xf32, #tpu.memory_space<vmem>> -> memref<128x64xf32, #tpu.memory_space<vmem>>
        %dma_start3A_528 = arith.constant 0 : i32
        %dma_start3A_529 = tpu.memref_slice %arg6[%add3A_521, %dma_start3A_528] : memref<80x128xi32, #tpu.memory_space<vmem>> -> memref<1x128xi32, #tpu.memory_space<vmem>>
        %dma_start3A_530 = tpu.memref_squeeze %dma_start3A_529 : memref<1x128xi32, #tpu.memory_space<vmem>> -> memref<128xi32, #tpu.memory_space<vmem>>
        %dma_start3A_531 = arith.constant 0 : i32
        %dma_start3A_532 = arith.constant 0 : i32
        %dma_start3A_533 = tpu.memref_slice %arg2[%dma_start3A_531, %dma_start3A_532] : memref<10240x64xf32, #tpu.memory_space<hbm>> -> memref<10240x64xf32, #tpu.memory_space<hbm>>
        %dma_start3A_534 = tpu.memref_slice %arg9[%dma_start3A_523] : memref<8x!tpu.dma_semaphore, #tpu.memory_space<semaphore_mem>> -> memref<1x!tpu.dma_semaphore, #tpu.memory_space<semaphore_mem>>
        %dma_start3A_535 = tpu.memref_squeeze %dma_start3A_534 : memref<1x!tpu.dma_semaphore, #tpu.memory_space<semaphore_mem>> -> memref<!tpu.dma_semaphore, #tpu.memory_space<semaphore_mem>>
        tpu.enqueue_indirect_dma source(%dma_start3A_533 : memref<10240x64xf32, #tpu.memory_space<hbm>>) target(%dma_start3A_527 : memref<128x64xf32, #tpu.memory_space<vmem>>) offsets(%dma_start3A_530 : memref<128xi32, #tpu.memory_space<vmem>>) semaphore(%dma_start3A_535 : memref<!tpu.dma_semaphore, #tpu.memory_space<semaphore_mem>>)
      } else {
      }
      %dma_wait3A_338 = arith.constant 3 : i32
      %dma_wait3A_339 = arith.constant 3 : i32
      %dma_wait3A_340 = arith.constant 0 : i32
      %dma_wait3A_341 = arith.constant 0 : i32
      %dma_wait3A_342 = tpu.memref_slice %arg8[%dma_wait3A_338, %dma_wait3A_340, %dma_wait3A_341] : memref<8x128x64xf32, #tpu.memory_space<vmem>> -> memref<1x128x64xf32, #tpu.memory_space<vmem>>
      %dma_wait3A_343 = tpu.memref_squeeze %dma_wait3A_342 : memref<1x128x64xf32, #tpu.memory_space<vmem>> -> memref<128x64xf32, #tpu.memory_space<vmem>>
      %dma_wait3A_344 = arith.constant 0 : i32
      %dma_wait3A_345 = tpu.memref_slice %arg6[%add3A_330, %dma_wait3A_344] : memref<80x128xi32, #tpu.memory_space<vmem>> -> memref<1x128xi32, #tpu.memory_space<vmem>>
      %dma_wait3A_346 = tpu.memref_squeeze %dma_wait3A_345 : memref<1x128xi32, #tpu.memory_space<vmem>> -> memref<128xi32, #tpu.memory_space<vmem>>
      %dma_wait3A_347 = arith.constant 0 : i32
      %dma_wait3A_348 = arith.constant 0 : i32
      %dma_wait3A_349 = tpu.memref_slice %arg2[%dma_wait3A_347, %dma_wait3A_348] : memref<10240x64xf32, #tpu.memory_space<hbm>> -> memref<10240x64xf32, #tpu.memory_space<hbm>>
      %dma_wait3A_350 = tpu.memref_slice %arg9[%dma_wait3A_339] : memref<8x!tpu.dma_semaphore, #tpu.memory_space<semaphore_mem>> -> memref<1x!tpu.dma_semaphore, #tpu.memory_space<semaphore_mem>>
      %dma_wait3A_351 = tpu.memref_squeeze %dma_wait3A_350 : memref<1x!tpu.dma_semaphore, #tpu.memory_space<semaphore_mem>> -> memref<!tpu.dma_semaphore, #tpu.memory_space<semaphore_mem>>
      tpu.wait_indirect_dma semaphore(%dma_wait3A_351 : memref<!tpu.dma_semaphore, #tpu.memory_space<semaphore_mem>>) src(%dma_wait3A_349 : memref<10240x64xf32, #tpu.memory_space<hbm>>) dst(%dma_wait3A_343 : memref<128x64xf32, #tpu.memory_space<vmem>>)
      %dma_start3A_352 = arith.constant 3 : i32
      %dma_start3A_353 = arith.constant 3 : i32
      %dma_start3A_354 = arith.constant 0 : i32
      %dma_start3A_355 = arith.constant 0 : i32
      %dma_start3A_356 = tpu.memref_slice %arg8[%dma_start3A_352, %dma_start3A_354, %dma_start3A_355] : memref<8x128x64xf32, #tpu.memory_space<vmem>> -> memref<1x128x64xf32, #tpu.memory_space<vmem>>
      %dma_start3A_357 = tpu.memref_squeeze %dma_start3A_356 : memref<1x128x64xf32, #tpu.memory_space<vmem>> -> memref<128x64xf32, #tpu.memory_space<vmem>>
      %dma_start3A_358 = arith.constant 0 : i32
      %dma_start3A_359 = tpu.memref_slice %arg7[%add3A_330, %dma_start3A_358] : memref<80x128xi32, #tpu.memory_space<vmem>> -> memref<1x128xi32, #tpu.memory_space<vmem>>
      %dma_start3A_360 = tpu.memref_squeeze %dma_start3A_359 : memref<1x128xi32, #tpu.memory_space<vmem>> -> memref<128xi32, #tpu.memory_space<vmem>>
      %dma_start3A_361 = arith.constant 0 : i32
      %dma_start3A_362 = arith.constant 0 : i32
      %dma_start3A_363 = tpu.memref_slice %arg11[%dma_start3A_361, %dma_start3A_362] : memref<10240x64xf32, #tpu.memory_space<vmem_shared>> -> memref<10240x64xf32, #tpu.memory_space<vmem_shared>>
      %dma_start3A_364 = tpu.memref_slice %arg10[%dma_start3A_353] : memref<8x!tpu.dma_semaphore, #tpu.memory_space<semaphore_mem>> -> memref<1x!tpu.dma_semaphore, #tpu.memory_space<semaphore_mem>>
      %dma_start3A_365 = tpu.memref_squeeze %dma_start3A_364 : memref<1x!tpu.dma_semaphore, #tpu.memory_space<semaphore_mem>> -> memref<!tpu.dma_semaphore, #tpu.memory_space<semaphore_mem>>
      tpu.enqueue_indirect_dma source(%dma_start3A_357 : memref<128x64xf32, #tpu.memory_space<vmem>>) target(%dma_start3A_363 : memref<10240x64xf32, #tpu.memory_space<vmem_shared>>) offsets(%dma_start3A_360 : memref<128xi32, #tpu.memory_space<vmem>>) semaphore(%dma_start3A_365 : memref<!tpu.dma_semaphore, #tpu.memory_space<semaphore_mem>>) {add = true}
      %add3A_366 = arith.constant 4 : i32
      %add3A_367 = arith.addi %mul3A_220, %add3A_366 : i32
      %add3A_368 = arith.constant 6 : i32
      %add3A_369 = arith.addi %add3A_367, %add3A_368 : i32
      %lt3A_370 = arith.constant 80 : i32
      %lt3A_371 = arith.cmpi slt, %add3A_369, %lt3A_370 : i32
      %convert_element_type3A_372 = arith.extui %lt3A_371 : i1 to i32
      %cond3A_373 = arith.constant 0 : i32
      %cond3A_374 = arith.cmpi ne, %convert_element_type3A_372, %cond3A_373 : i32
      scf.if %cond3A_374 {
        %add3A_514 = arith.constant 6 : i32
        %add3A_515 = arith.addi %add3A_367, %add3A_514 : i32
        %ge3A = arith.constant 8 : i32
        %ge3A_516 = arith.cmpi sge, %add3A_515, %ge3A : i32
        %convert_element_type3A_517 = arith.extui %ge3A_516 : i1 to i32
        %cond3A_518 = arith.constant 0 : i32
        %cond3A_519 = arith.cmpi ne, %convert_element_type3A_517, %cond3A_518 : i32
        scf.if %cond3A_519 {
          %dma_wait3A_536 = arith.constant 2 : i32
          %dma_wait3A_537 = arith.constant 2 : i32
          %dma_wait3A_538 = arith.constant 0 : i32
          %dma_wait3A_539 = arith.constant 0 : i32
          %dma_wait3A_540 = tpu.memref_slice %arg8[%dma_wait3A_536, %dma_wait3A_538, %dma_wait3A_539] : memref<8x128x64xf32, #tpu.memory_space<vmem>> -> memref<1x128x64xf32, #tpu.memory_space<vmem>>
          %dma_wait3A_541 = tpu.memref_squeeze %dma_wait3A_540 : memref<1x128x64xf32, #tpu.memory_space<vmem>> -> memref<128x64xf32, #tpu.memory_space<vmem>>
          %dma_wait3A_542 = arith.constant 0 : i32
          %dma_wait3A_543 = tpu.memref_slice %arg7[%add3A_367, %dma_wait3A_542] : memref<80x128xi32, #tpu.memory_space<vmem>> -> memref<1x128xi32, #tpu.memory_space<vmem>>
          %dma_wait3A_544 = tpu.memref_squeeze %dma_wait3A_543 : memref<1x128xi32, #tpu.memory_space<vmem>> -> memref<128xi32, #tpu.memory_space<vmem>>
          %dma_wait3A_545 = arith.constant 0 : i32
          %dma_wait3A_546 = arith.constant 0 : i32
          %dma_wait3A_547 = tpu.memref_slice %arg11[%dma_wait3A_545, %dma_wait3A_546] : memref<10240x64xf32, #tpu.memory_space<vmem_shared>> -> memref<10240x64xf32, #tpu.memory_space<vmem_shared>>
          %dma_wait3A_548 = tpu.memref_slice %arg10[%dma_wait3A_537] : memref<8x!tpu.dma_semaphore, #tpu.memory_space<semaphore_mem>> -> memref<1x!tpu.dma_semaphore, #tpu.memory_space<semaphore_mem>>
          %dma_wait3A_549 = tpu.memref_squeeze %dma_wait3A_548 : memref<1x!tpu.dma_semaphore, #tpu.memory_space<semaphore_mem>> -> memref<!tpu.dma_semaphore, #tpu.memory_space<semaphore_mem>>
          tpu.wait_indirect_dma semaphore(%dma_wait3A_549 : memref<!tpu.dma_semaphore, #tpu.memory_space<semaphore_mem>>) src(%dma_wait3A_541 : memref<128x64xf32, #tpu.memory_space<vmem>>) dst(%dma_wait3A_547 : memref<10240x64xf32, #tpu.memory_space<vmem_shared>>)
        } else {
        }
        %add3A_520 = arith.constant 6 : i32
        %add3A_521 = arith.addi %add3A_367, %add3A_520 : i32
        %dma_start3A_522 = arith.constant 2 : i32
        %dma_start3A_523 = arith.constant 2 : i32
        %dma_start3A_524 = arith.constant 0 : i32
        %dma_start3A_525 = arith.constant 0 : i32
        %dma_start3A_526 = tpu.memref_slice %arg8[%dma_start3A_522, %dma_start3A_524, %dma_start3A_525] : memref<8x128x64xf32, #tpu.memory_space<vmem>> -> memref<1x128x64xf32, #tpu.memory_space<vmem>>
        %dma_start3A_527 = tpu.memref_squeeze %dma_start3A_526 : memref<1x128x64xf32, #tpu.memory_space<vmem>> -> memref<128x64xf32, #tpu.memory_space<vmem>>
        %dma_start3A_528 = arith.constant 0 : i32
        %dma_start3A_529 = tpu.memref_slice %arg6[%add3A_521, %dma_start3A_528] : memref<80x128xi32, #tpu.memory_space<vmem>> -> memref<1x128xi32, #tpu.memory_space<vmem>>
        %dma_start3A_530 = tpu.memref_squeeze %dma_start3A_529 : memref<1x128xi32, #tpu.memory_space<vmem>> -> memref<128xi32, #tpu.memory_space<vmem>>
        %dma_start3A_531 = arith.constant 0 : i32
        %dma_start3A_532 = arith.constant 0 : i32
        %dma_start3A_533 = tpu.memref_slice %arg2[%dma_start3A_531, %dma_start3A_532] : memref<10240x64xf32, #tpu.memory_space<hbm>> -> memref<10240x64xf32, #tpu.memory_space<hbm>>
        %dma_start3A_534 = tpu.memref_slice %arg9[%dma_start3A_523] : memref<8x!tpu.dma_semaphore, #tpu.memory_space<semaphore_mem>> -> memref<1x!tpu.dma_semaphore, #tpu.memory_space<semaphore_mem>>
        %dma_start3A_535 = tpu.memref_squeeze %dma_start3A_534 : memref<1x!tpu.dma_semaphore, #tpu.memory_space<semaphore_mem>> -> memref<!tpu.dma_semaphore, #tpu.memory_space<semaphore_mem>>
        tpu.enqueue_indirect_dma source(%dma_start3A_533 : memref<10240x64xf32, #tpu.memory_space<hbm>>) target(%dma_start3A_527 : memref<128x64xf32, #tpu.memory_space<vmem>>) offsets(%dma_start3A_530 : memref<128xi32, #tpu.memory_space<vmem>>) semaphore(%dma_start3A_535 : memref<!tpu.dma_semaphore, #tpu.memory_space<semaphore_mem>>)
      } else {
      }
      %dma_wait3A_375 = arith.constant 4 : i32
      %dma_wait3A_376 = arith.constant 4 : i32
      %dma_wait3A_377 = arith.constant 0 : i32
      %dma_wait3A_378 = arith.constant 0 : i32
      %dma_wait3A_379 = tpu.memref_slice %arg8[%dma_wait3A_375, %dma_wait3A_377, %dma_wait3A_378] : memref<8x128x64xf32, #tpu.memory_space<vmem>> -> memref<1x128x64xf32, #tpu.memory_space<vmem>>
      %dma_wait3A_380 = tpu.memref_squeeze %dma_wait3A_379 : memref<1x128x64xf32, #tpu.memory_space<vmem>> -> memref<128x64xf32, #tpu.memory_space<vmem>>
      %dma_wait3A_381 = arith.constant 0 : i32
      %dma_wait3A_382 = tpu.memref_slice %arg6[%add3A_367, %dma_wait3A_381] : memref<80x128xi32, #tpu.memory_space<vmem>> -> memref<1x128xi32, #tpu.memory_space<vmem>>
      %dma_wait3A_383 = tpu.memref_squeeze %dma_wait3A_382 : memref<1x128xi32, #tpu.memory_space<vmem>> -> memref<128xi32, #tpu.memory_space<vmem>>
      %dma_wait3A_384 = arith.constant 0 : i32
      %dma_wait3A_385 = arith.constant 0 : i32
      %dma_wait3A_386 = tpu.memref_slice %arg2[%dma_wait3A_384, %dma_wait3A_385] : memref<10240x64xf32, #tpu.memory_space<hbm>> -> memref<10240x64xf32, #tpu.memory_space<hbm>>
      %dma_wait3A_387 = tpu.memref_slice %arg9[%dma_wait3A_376] : memref<8x!tpu.dma_semaphore, #tpu.memory_space<semaphore_mem>> -> memref<1x!tpu.dma_semaphore, #tpu.memory_space<semaphore_mem>>
      %dma_wait3A_388 = tpu.memref_squeeze %dma_wait3A_387 : memref<1x!tpu.dma_semaphore, #tpu.memory_space<semaphore_mem>> -> memref<!tpu.dma_semaphore, #tpu.memory_space<semaphore_mem>>
      tpu.wait_indirect_dma semaphore(%dma_wait3A_388 : memref<!tpu.dma_semaphore, #tpu.memory_space<semaphore_mem>>) src(%dma_wait3A_386 : memref<10240x64xf32, #tpu.memory_space<hbm>>) dst(%dma_wait3A_380 : memref<128x64xf32, #tpu.memory_space<vmem>>)
      %dma_start3A_389 = arith.constant 4 : i32
      %dma_start3A_390 = arith.constant 4 : i32
      %dma_start3A_391 = arith.constant 0 : i32
      %dma_start3A_392 = arith.constant 0 : i32
      %dma_start3A_393 = tpu.memref_slice %arg8[%dma_start3A_389, %dma_start3A_391, %dma_start3A_392] : memref<8x128x64xf32, #tpu.memory_space<vmem>> -> memref<1x128x64xf32, #tpu.memory_space<vmem>>
      %dma_start3A_394 = tpu.memref_squeeze %dma_start3A_393 : memref<1x128x64xf32, #tpu.memory_space<vmem>> -> memref<128x64xf32, #tpu.memory_space<vmem>>
      %dma_start3A_395 = arith.constant 0 : i32
      %dma_start3A_396 = tpu.memref_slice %arg7[%add3A_367, %dma_start3A_395] : memref<80x128xi32, #tpu.memory_space<vmem>> -> memref<1x128xi32, #tpu.memory_space<vmem>>
      %dma_start3A_397 = tpu.memref_squeeze %dma_start3A_396 : memref<1x128xi32, #tpu.memory_space<vmem>> -> memref<128xi32, #tpu.memory_space<vmem>>
      %dma_start3A_398 = arith.constant 0 : i32
      %dma_start3A_399 = arith.constant 0 : i32
      %dma_start3A_400 = tpu.memref_slice %arg11[%dma_start3A_398, %dma_start3A_399] : memref<10240x64xf32, #tpu.memory_space<vmem_shared>> -> memref<10240x64xf32, #tpu.memory_space<vmem_shared>>
      %dma_start3A_401 = tpu.memref_slice %arg10[%dma_start3A_390] : memref<8x!tpu.dma_semaphore, #tpu.memory_space<semaphore_mem>> -> memref<1x!tpu.dma_semaphore, #tpu.memory_space<semaphore_mem>>
      %dma_start3A_402 = tpu.memref_squeeze %dma_start3A_401 : memref<1x!tpu.dma_semaphore, #tpu.memory_space<semaphore_mem>> -> memref<!tpu.dma_semaphore, #tpu.memory_space<semaphore_mem>>
      tpu.enqueue_indirect_dma source(%dma_start3A_394 : memref<128x64xf32, #tpu.memory_space<vmem>>) target(%dma_start3A_400 : memref<10240x64xf32, #tpu.memory_space<vmem_shared>>) offsets(%dma_start3A_397 : memref<128xi32, #tpu.memory_space<vmem>>) semaphore(%dma_start3A_402 : memref<!tpu.dma_semaphore, #tpu.memory_space<semaphore_mem>>) {add = true}
      %add3A_403 = arith.constant 5 : i32
      %add3A_404 = arith.addi %mul3A_220, %add3A_403 : i32
      %add3A_405 = arith.constant 6 : i32
      %add3A_406 = arith.addi %add3A_404, %add3A_405 : i32
      %lt3A_407 = arith.constant 80 : i32
      %lt3A_408 = arith.cmpi slt, %add3A_406, %lt3A_407 : i32
      %convert_element_type3A_409 = arith.extui %lt3A_408 : i1 to i32
      %cond3A_410 = arith.constant 0 : i32
      %cond3A_411 = arith.cmpi ne, %convert_element_type3A_409, %cond3A_410 : i32
      scf.if %cond3A_411 {
        %add3A_514 = arith.constant 6 : i32
        %add3A_515 = arith.addi %add3A_404, %add3A_514 : i32
        %ge3A = arith.constant 8 : i32
        %ge3A_516 = arith.cmpi sge, %add3A_515, %ge3A : i32
        %convert_element_type3A_517 = arith.extui %ge3A_516 : i1 to i32
        %cond3A_518 = arith.constant 0 : i32
        %cond3A_519 = arith.cmpi ne, %convert_element_type3A_517, %cond3A_518 : i32
        scf.if %cond3A_519 {
          %dma_wait3A_536 = arith.constant 3 : i32
          %dma_wait3A_537 = arith.constant 3 : i32
          %dma_wait3A_538 = arith.constant 0 : i32
          %dma_wait3A_539 = arith.constant 0 : i32
          %dma_wait3A_540 = tpu.memref_slice %arg8[%dma_wait3A_536, %dma_wait3A_538, %dma_wait3A_539] : memref<8x128x64xf32, #tpu.memory_space<vmem>> -> memref<1x128x64xf32, #tpu.memory_space<vmem>>
          %dma_wait3A_541 = tpu.memref_squeeze %dma_wait3A_540 : memref<1x128x64xf32, #tpu.memory_space<vmem>> -> memref<128x64xf32, #tpu.memory_space<vmem>>
          %dma_wait3A_542 = arith.constant 0 : i32
          %dma_wait3A_543 = tpu.memref_slice %arg7[%add3A_404, %dma_wait3A_542] : memref<80x128xi32, #tpu.memory_space<vmem>> -> memref<1x128xi32, #tpu.memory_space<vmem>>
          %dma_wait3A_544 = tpu.memref_squeeze %dma_wait3A_543 : memref<1x128xi32, #tpu.memory_space<vmem>> -> memref<128xi32, #tpu.memory_space<vmem>>
          %dma_wait3A_545 = arith.constant 0 : i32
          %dma_wait3A_546 = arith.constant 0 : i32
          %dma_wait3A_547 = tpu.memref_slice %arg11[%dma_wait3A_545, %dma_wait3A_546] : memref<10240x64xf32, #tpu.memory_space<vmem_shared>> -> memref<10240x64xf32, #tpu.memory_space<vmem_shared>>
          %dma_wait3A_548 = tpu.memref_slice %arg10[%dma_wait3A_537] : memref<8x!tpu.dma_semaphore, #tpu.memory_space<semaphore_mem>> -> memref<1x!tpu.dma_semaphore, #tpu.memory_space<semaphore_mem>>
          %dma_wait3A_549 = tpu.memref_squeeze %dma_wait3A_548 : memref<1x!tpu.dma_semaphore, #tpu.memory_space<semaphore_mem>> -> memref<!tpu.dma_semaphore, #tpu.memory_space<semaphore_mem>>
          tpu.wait_indirect_dma semaphore(%dma_wait3A_549 : memref<!tpu.dma_semaphore, #tpu.memory_space<semaphore_mem>>) src(%dma_wait3A_541 : memref<128x64xf32, #tpu.memory_space<vmem>>) dst(%dma_wait3A_547 : memref<10240x64xf32, #tpu.memory_space<vmem_shared>>)
        } else {
        }
        %add3A_520 = arith.constant 6 : i32
        %add3A_521 = arith.addi %add3A_404, %add3A_520 : i32
        %dma_start3A_522 = arith.constant 3 : i32
        %dma_start3A_523 = arith.constant 3 : i32
        %dma_start3A_524 = arith.constant 0 : i32
        %dma_start3A_525 = arith.constant 0 : i32
        %dma_start3A_526 = tpu.memref_slice %arg8[%dma_start3A_522, %dma_start3A_524, %dma_start3A_525] : memref<8x128x64xf32, #tpu.memory_space<vmem>> -> memref<1x128x64xf32, #tpu.memory_space<vmem>>
        %dma_start3A_527 = tpu.memref_squeeze %dma_start3A_526 : memref<1x128x64xf32, #tpu.memory_space<vmem>> -> memref<128x64xf32, #tpu.memory_space<vmem>>
        %dma_start3A_528 = arith.constant 0 : i32
        %dma_start3A_529 = tpu.memref_slice %arg6[%add3A_521, %dma_start3A_528] : memref<80x128xi32, #tpu.memory_space<vmem>> -> memref<1x128xi32, #tpu.memory_space<vmem>>
        %dma_start3A_530 = tpu.memref_squeeze %dma_start3A_529 : memref<1x128xi32, #tpu.memory_space<vmem>> -> memref<128xi32, #tpu.memory_space<vmem>>
        %dma_start3A_531 = arith.constant 0 : i32
        %dma_start3A_532 = arith.constant 0 : i32
        %dma_start3A_533 = tpu.memref_slice %arg2[%dma_start3A_531, %dma_start3A_532] : memref<10240x64xf32, #tpu.memory_space<hbm>> -> memref<10240x64xf32, #tpu.memory_space<hbm>>
        %dma_start3A_534 = tpu.memref_slice %arg9[%dma_start3A_523] : memref<8x!tpu.dma_semaphore, #tpu.memory_space<semaphore_mem>> -> memref<1x!tpu.dma_semaphore, #tpu.memory_space<semaphore_mem>>
        %dma_start3A_535 = tpu.memref_squeeze %dma_start3A_534 : memref<1x!tpu.dma_semaphore, #tpu.memory_space<semaphore_mem>> -> memref<!tpu.dma_semaphore, #tpu.memory_space<semaphore_mem>>
        tpu.enqueue_indirect_dma source(%dma_start3A_533 : memref<10240x64xf32, #tpu.memory_space<hbm>>) target(%dma_start3A_527 : memref<128x64xf32, #tpu.memory_space<vmem>>) offsets(%dma_start3A_530 : memref<128xi32, #tpu.memory_space<vmem>>) semaphore(%dma_start3A_535 : memref<!tpu.dma_semaphore, #tpu.memory_space<semaphore_mem>>)
      } else {
      }
      %dma_wait3A_412 = arith.constant 5 : i32
      %dma_wait3A_413 = arith.constant 5 : i32
      %dma_wait3A_414 = arith.constant 0 : i32
      %dma_wait3A_415 = arith.constant 0 : i32
      %dma_wait3A_416 = tpu.memref_slice %arg8[%dma_wait3A_412, %dma_wait3A_414, %dma_wait3A_415] : memref<8x128x64xf32, #tpu.memory_space<vmem>> -> memref<1x128x64xf32, #tpu.memory_space<vmem>>
      %dma_wait3A_417 = tpu.memref_squeeze %dma_wait3A_416 : memref<1x128x64xf32, #tpu.memory_space<vmem>> -> memref<128x64xf32, #tpu.memory_space<vmem>>
      %dma_wait3A_418 = arith.constant 0 : i32
      %dma_wait3A_419 = tpu.memref_slice %arg6[%add3A_404, %dma_wait3A_418] : memref<80x128xi32, #tpu.memory_space<vmem>> -> memref<1x128xi32, #tpu.memory_space<vmem>>
      %dma_wait3A_420 = tpu.memref_squeeze %dma_wait3A_419 : memref<1x128xi32, #tpu.memory_space<vmem>> -> memref<128xi32, #tpu.memory_space<vmem>>
      %dma_wait3A_421 = arith.constant 0 : i32
      %dma_wait3A_422 = arith.constant 0 : i32
      %dma_wait3A_423 = tpu.memref_slice %arg2[%dma_wait3A_421, %dma_wait3A_422] : memref<10240x64xf32, #tpu.memory_space<hbm>> -> memref<10240x64xf32, #tpu.memory_space<hbm>>
      %dma_wait3A_424 = tpu.memref_slice %arg9[%dma_wait3A_413] : memref<8x!tpu.dma_semaphore, #tpu.memory_space<semaphore_mem>> -> memref<1x!tpu.dma_semaphore, #tpu.memory_space<semaphore_mem>>
      %dma_wait3A_425 = tpu.memref_squeeze %dma_wait3A_424 : memref<1x!tpu.dma_semaphore, #tpu.memory_space<semaphore_mem>> -> memref<!tpu.dma_semaphore, #tpu.memory_space<semaphore_mem>>
      tpu.wait_indirect_dma semaphore(%dma_wait3A_425 : memref<!tpu.dma_semaphore, #tpu.memory_space<semaphore_mem>>) src(%dma_wait3A_423 : memref<10240x64xf32, #tpu.memory_space<hbm>>) dst(%dma_wait3A_417 : memref<128x64xf32, #tpu.memory_space<vmem>>)
      %dma_start3A_426 = arith.constant 5 : i32
      %dma_start3A_427 = arith.constant 5 : i32
      %dma_start3A_428 = arith.constant 0 : i32
      %dma_start3A_429 = arith.constant 0 : i32
      %dma_start3A_430 = tpu.memref_slice %arg8[%dma_start3A_426, %dma_start3A_428, %dma_start3A_429] : memref<8x128x64xf32, #tpu.memory_space<vmem>> -> memref<1x128x64xf32, #tpu.memory_space<vmem>>
      %dma_start3A_431 = tpu.memref_squeeze %dma_start3A_430 : memref<1x128x64xf32, #tpu.memory_space<vmem>> -> memref<128x64xf32, #tpu.memory_space<vmem>>
      %dma_start3A_432 = arith.constant 0 : i32
      %dma_start3A_433 = tpu.memref_slice %arg7[%add3A_404, %dma_start3A_432] : memref<80x128xi32, #tpu.memory_space<vmem>> -> memref<1x128xi32, #tpu.memory_space<vmem>>
      %dma_start3A_434 = tpu.memref_squeeze %dma_start3A_433 : memref<1x128xi32, #tpu.memory_space<vmem>> -> memref<128xi32, #tpu.memory_space<vmem>>
      %dma_start3A_435 = arith.constant 0 : i32
      %dma_start3A_436 = arith.constant 0 : i32
      %dma_start3A_437 = tpu.memref_slice %arg11[%dma_start3A_435, %dma_start3A_436] : memref<10240x64xf32, #tpu.memory_space<vmem_shared>> -> memref<10240x64xf32, #tpu.memory_space<vmem_shared>>
      %dma_start3A_438 = tpu.memref_slice %arg10[%dma_start3A_427] : memref<8x!tpu.dma_semaphore, #tpu.memory_space<semaphore_mem>> -> memref<1x!tpu.dma_semaphore, #tpu.memory_space<semaphore_mem>>
      %dma_start3A_439 = tpu.memref_squeeze %dma_start3A_438 : memref<1x!tpu.dma_semaphore, #tpu.memory_space<semaphore_mem>> -> memref<!tpu.dma_semaphore, #tpu.memory_space<semaphore_mem>>
      tpu.enqueue_indirect_dma source(%dma_start3A_431 : memref<128x64xf32, #tpu.memory_space<vmem>>) target(%dma_start3A_437 : memref<10240x64xf32, #tpu.memory_space<vmem_shared>>) offsets(%dma_start3A_434 : memref<128xi32, #tpu.memory_space<vmem>>) semaphore(%dma_start3A_439 : memref<!tpu.dma_semaphore, #tpu.memory_space<semaphore_mem>>) {add = true}
      %add3A_440 = arith.constant 6 : i32
      %add3A_441 = arith.addi %mul3A_220, %add3A_440 : i32
      %add3A_442 = arith.constant 6 : i32
      %add3A_443 = arith.addi %add3A_441, %add3A_442 : i32
      %lt3A_444 = arith.constant 80 : i32
      %lt3A_445 = arith.cmpi slt, %add3A_443, %lt3A_444 : i32
      %convert_element_type3A_446 = arith.extui %lt3A_445 : i1 to i32
      %cond3A_447 = arith.constant 0 : i32
      %cond3A_448 = arith.cmpi ne, %convert_element_type3A_446, %cond3A_447 : i32
      scf.if %cond3A_448 {
        %add3A_514 = arith.constant 6 : i32
        %add3A_515 = arith.addi %add3A_441, %add3A_514 : i32
        %ge3A = arith.constant 8 : i32
        %ge3A_516 = arith.cmpi sge, %add3A_515, %ge3A : i32
        %convert_element_type3A_517 = arith.extui %ge3A_516 : i1 to i32
        %cond3A_518 = arith.constant 0 : i32
        %cond3A_519 = arith.cmpi ne, %convert_element_type3A_517, %cond3A_518 : i32
        scf.if %cond3A_519 {
          %dma_wait3A_536 = arith.constant 4 : i32
          %dma_wait3A_537 = arith.constant 4 : i32
          %dma_wait3A_538 = arith.constant 0 : i32
          %dma_wait3A_539 = arith.constant 0 : i32
          %dma_wait3A_540 = tpu.memref_slice %arg8[%dma_wait3A_536, %dma_wait3A_538, %dma_wait3A_539] : memref<8x128x64xf32, #tpu.memory_space<vmem>> -> memref<1x128x64xf32, #tpu.memory_space<vmem>>
          %dma_wait3A_541 = tpu.memref_squeeze %dma_wait3A_540 : memref<1x128x64xf32, #tpu.memory_space<vmem>> -> memref<128x64xf32, #tpu.memory_space<vmem>>
          %dma_wait3A_542 = arith.constant 0 : i32
          %dma_wait3A_543 = tpu.memref_slice %arg7[%add3A_441, %dma_wait3A_542] : memref<80x128xi32, #tpu.memory_space<vmem>> -> memref<1x128xi32, #tpu.memory_space<vmem>>
          %dma_wait3A_544 = tpu.memref_squeeze %dma_wait3A_543 : memref<1x128xi32, #tpu.memory_space<vmem>> -> memref<128xi32, #tpu.memory_space<vmem>>
          %dma_wait3A_545 = arith.constant 0 : i32
          %dma_wait3A_546 = arith.constant 0 : i32
          %dma_wait3A_547 = tpu.memref_slice %arg11[%dma_wait3A_545, %dma_wait3A_546] : memref<10240x64xf32, #tpu.memory_space<vmem_shared>> -> memref<10240x64xf32, #tpu.memory_space<vmem_shared>>
          %dma_wait3A_548 = tpu.memref_slice %arg10[%dma_wait3A_537] : memref<8x!tpu.dma_semaphore, #tpu.memory_space<semaphore_mem>> -> memref<1x!tpu.dma_semaphore, #tpu.memory_space<semaphore_mem>>
          %dma_wait3A_549 = tpu.memref_squeeze %dma_wait3A_548 : memref<1x!tpu.dma_semaphore, #tpu.memory_space<semaphore_mem>> -> memref<!tpu.dma_semaphore, #tpu.memory_space<semaphore_mem>>
          tpu.wait_indirect_dma semaphore(%dma_wait3A_549 : memref<!tpu.dma_semaphore, #tpu.memory_space<semaphore_mem>>) src(%dma_wait3A_541 : memref<128x64xf32, #tpu.memory_space<vmem>>) dst(%dma_wait3A_547 : memref<10240x64xf32, #tpu.memory_space<vmem_shared>>)
        } else {
        }
        %add3A_520 = arith.constant 6 : i32
        %add3A_521 = arith.addi %add3A_441, %add3A_520 : i32
        %dma_start3A_522 = arith.constant 4 : i32
        %dma_start3A_523 = arith.constant 4 : i32
        %dma_start3A_524 = arith.constant 0 : i32
        %dma_start3A_525 = arith.constant 0 : i32
        %dma_start3A_526 = tpu.memref_slice %arg8[%dma_start3A_522, %dma_start3A_524, %dma_start3A_525] : memref<8x128x64xf32, #tpu.memory_space<vmem>> -> memref<1x128x64xf32, #tpu.memory_space<vmem>>
        %dma_start3A_527 = tpu.memref_squeeze %dma_start3A_526 : memref<1x128x64xf32, #tpu.memory_space<vmem>> -> memref<128x64xf32, #tpu.memory_space<vmem>>
        %dma_start3A_528 = arith.constant 0 : i32
        %dma_start3A_529 = tpu.memref_slice %arg6[%add3A_521, %dma_start3A_528] : memref<80x128xi32, #tpu.memory_space<vmem>> -> memref<1x128xi32, #tpu.memory_space<vmem>>
        %dma_start3A_530 = tpu.memref_squeeze %dma_start3A_529 : memref<1x128xi32, #tpu.memory_space<vmem>> -> memref<128xi32, #tpu.memory_space<vmem>>
        %dma_start3A_531 = arith.constant 0 : i32
        %dma_start3A_532 = arith.constant 0 : i32
        %dma_start3A_533 = tpu.memref_slice %arg2[%dma_start3A_531, %dma_start3A_532] : memref<10240x64xf32, #tpu.memory_space<hbm>> -> memref<10240x64xf32, #tpu.memory_space<hbm>>
        %dma_start3A_534 = tpu.memref_slice %arg9[%dma_start3A_523] : memref<8x!tpu.dma_semaphore, #tpu.memory_space<semaphore_mem>> -> memref<1x!tpu.dma_semaphore, #tpu.memory_space<semaphore_mem>>
        %dma_start3A_535 = tpu.memref_squeeze %dma_start3A_534 : memref<1x!tpu.dma_semaphore, #tpu.memory_space<semaphore_mem>> -> memref<!tpu.dma_semaphore, #tpu.memory_space<semaphore_mem>>
        tpu.enqueue_indirect_dma source(%dma_start3A_533 : memref<10240x64xf32, #tpu.memory_space<hbm>>) target(%dma_start3A_527 : memref<128x64xf32, #tpu.memory_space<vmem>>) offsets(%dma_start3A_530 : memref<128xi32, #tpu.memory_space<vmem>>) semaphore(%dma_start3A_535 : memref<!tpu.dma_semaphore, #tpu.memory_space<semaphore_mem>>)
      } else {
      }
      %dma_wait3A_449 = arith.constant 6 : i32
      %dma_wait3A_450 = arith.constant 6 : i32
      %dma_wait3A_451 = arith.constant 0 : i32
      %dma_wait3A_452 = arith.constant 0 : i32
      %dma_wait3A_453 = tpu.memref_slice %arg8[%dma_wait3A_449, %dma_wait3A_451, %dma_wait3A_452] : memref<8x128x64xf32, #tpu.memory_space<vmem>> -> memref<1x128x64xf32, #tpu.memory_space<vmem>>
      %dma_wait3A_454 = tpu.memref_squeeze %dma_wait3A_453 : memref<1x128x64xf32, #tpu.memory_space<vmem>> -> memref<128x64xf32, #tpu.memory_space<vmem>>
      %dma_wait3A_455 = arith.constant 0 : i32
      %dma_wait3A_456 = tpu.memref_slice %arg6[%add3A_441, %dma_wait3A_455] : memref<80x128xi32, #tpu.memory_space<vmem>> -> memref<1x128xi32, #tpu.memory_space<vmem>>
      %dma_wait3A_457 = tpu.memref_squeeze %dma_wait3A_456 : memref<1x128xi32, #tpu.memory_space<vmem>> -> memref<128xi32, #tpu.memory_space<vmem>>
      %dma_wait3A_458 = arith.constant 0 : i32
      %dma_wait3A_459 = arith.constant 0 : i32
      %dma_wait3A_460 = tpu.memref_slice %arg2[%dma_wait3A_458, %dma_wait3A_459] : memref<10240x64xf32, #tpu.memory_space<hbm>> -> memref<10240x64xf32, #tpu.memory_space<hbm>>
      %dma_wait3A_461 = tpu.memref_slice %arg9[%dma_wait3A_450] : memref<8x!tpu.dma_semaphore, #tpu.memory_space<semaphore_mem>> -> memref<1x!tpu.dma_semaphore, #tpu.memory_space<semaphore_mem>>
      %dma_wait3A_462 = tpu.memref_squeeze %dma_wait3A_461 : memref<1x!tpu.dma_semaphore, #tpu.memory_space<semaphore_mem>> -> memref<!tpu.dma_semaphore, #tpu.memory_space<semaphore_mem>>
      tpu.wait_indirect_dma semaphore(%dma_wait3A_462 : memref<!tpu.dma_semaphore, #tpu.memory_space<semaphore_mem>>) src(%dma_wait3A_460 : memref<10240x64xf32, #tpu.memory_space<hbm>>) dst(%dma_wait3A_454 : memref<128x64xf32, #tpu.memory_space<vmem>>)
      %dma_start3A_463 = arith.constant 6 : i32
      %dma_start3A_464 = arith.constant 6 : i32
      %dma_start3A_465 = arith.constant 0 : i32
      %dma_start3A_466 = arith.constant 0 : i32
      %dma_start3A_467 = tpu.memref_slice %arg8[%dma_start3A_463, %dma_start3A_465, %dma_start3A_466] : memref<8x128x64xf32, #tpu.memory_space<vmem>> -> memref<1x128x64xf32, #tpu.memory_space<vmem>>
      %dma_start3A_468 = tpu.memref_squeeze %dma_start3A_467 : memref<1x128x64xf32, #tpu.memory_space<vmem>> -> memref<128x64xf32, #tpu.memory_space<vmem>>
      %dma_start3A_469 = arith.constant 0 : i32
      %dma_start3A_470 = tpu.memref_slice %arg7[%add3A_441, %dma_start3A_469] : memref<80x128xi32, #tpu.memory_space<vmem>> -> memref<1x128xi32, #tpu.memory_space<vmem>>
      %dma_start3A_471 = tpu.memref_squeeze %dma_start3A_470 : memref<1x128xi32, #tpu.memory_space<vmem>> -> memref<128xi32, #tpu.memory_space<vmem>>
      %dma_start3A_472 = arith.constant 0 : i32
      %dma_start3A_473 = arith.constant 0 : i32
      %dma_start3A_474 = tpu.memref_slice %arg11[%dma_start3A_472, %dma_start3A_473] : memref<10240x64xf32, #tpu.memory_space<vmem_shared>> -> memref<10240x64xf32, #tpu.memory_space<vmem_shared>>
      %dma_start3A_475 = tpu.memref_slice %arg10[%dma_start3A_464] : memref<8x!tpu.dma_semaphore, #tpu.memory_space<semaphore_mem>> -> memref<1x!tpu.dma_semaphore, #tpu.memory_space<semaphore_mem>>
      %dma_start3A_476 = tpu.memref_squeeze %dma_start3A_475 : memref<1x!tpu.dma_semaphore, #tpu.memory_space<semaphore_mem>> -> memref<!tpu.dma_semaphore, #tpu.memory_space<semaphore_mem>>
      tpu.enqueue_indirect_dma source(%dma_start3A_468 : memref<128x64xf32, #tpu.memory_space<vmem>>) target(%dma_start3A_474 : memref<10240x64xf32, #tpu.memory_space<vmem_shared>>) offsets(%dma_start3A_471 : memref<128xi32, #tpu.memory_space<vmem>>) semaphore(%dma_start3A_476 : memref<!tpu.dma_semaphore, #tpu.memory_space<semaphore_mem>>) {add = true}
      %add3A_477 = arith.constant 7 : i32
      %add3A_478 = arith.addi %mul3A_220, %add3A_477 : i32
      %add3A_479 = arith.constant 6 : i32
      %add3A_480 = arith.addi %add3A_478, %add3A_479 : i32
      %lt3A_481 = arith.constant 80 : i32
      %lt3A_482 = arith.cmpi slt, %add3A_480, %lt3A_481 : i32
      %convert_element_type3A_483 = arith.extui %lt3A_482 : i1 to i32
      %cond3A_484 = arith.constant 0 : i32
      %cond3A_485 = arith.cmpi ne, %convert_element_type3A_483, %cond3A_484 : i32
      scf.if %cond3A_485 {
        %add3A_514 = arith.constant 6 : i32
        %add3A_515 = arith.addi %add3A_478, %add3A_514 : i32
        %ge3A = arith.constant 8 : i32
        %ge3A_516 = arith.cmpi sge, %add3A_515, %ge3A : i32
        %convert_element_type3A_517 = arith.extui %ge3A_516 : i1 to i32
        %cond3A_518 = arith.constant 0 : i32
        %cond3A_519 = arith.cmpi ne, %convert_element_type3A_517, %cond3A_518 : i32
        scf.if %cond3A_519 {
          %dma_wait3A_536 = arith.constant 5 : i32
          %dma_wait3A_537 = arith.constant 5 : i32
          %dma_wait3A_538 = arith.constant 0 : i32
          %dma_wait3A_539 = arith.constant 0 : i32
          %dma_wait3A_540 = tpu.memref_slice %arg8[%dma_wait3A_536, %dma_wait3A_538, %dma_wait3A_539] : memref<8x128x64xf32, #tpu.memory_space<vmem>> -> memref<1x128x64xf32, #tpu.memory_space<vmem>>
          %dma_wait3A_541 = tpu.memref_squeeze %dma_wait3A_540 : memref<1x128x64xf32, #tpu.memory_space<vmem>> -> memref<128x64xf32, #tpu.memory_space<vmem>>
          %dma_wait3A_542 = arith.constant 0 : i32
          %dma_wait3A_543 = tpu.memref_slice %arg7[%add3A_478, %dma_wait3A_542] : memref<80x128xi32, #tpu.memory_space<vmem>> -> memref<1x128xi32, #tpu.memory_space<vmem>>
          %dma_wait3A_544 = tpu.memref_squeeze %dma_wait3A_543 : memref<1x128xi32, #tpu.memory_space<vmem>> -> memref<128xi32, #tpu.memory_space<vmem>>
          %dma_wait3A_545 = arith.constant 0 : i32
          %dma_wait3A_546 = arith.constant 0 : i32
          %dma_wait3A_547 = tpu.memref_slice %arg11[%dma_wait3A_545, %dma_wait3A_546] : memref<10240x64xf32, #tpu.memory_space<vmem_shared>> -> memref<10240x64xf32, #tpu.memory_space<vmem_shared>>
          %dma_wait3A_548 = tpu.memref_slice %arg10[%dma_wait3A_537] : memref<8x!tpu.dma_semaphore, #tpu.memory_space<semaphore_mem>> -> memref<1x!tpu.dma_semaphore, #tpu.memory_space<semaphore_mem>>
          %dma_wait3A_549 = tpu.memref_squeeze %dma_wait3A_548 : memref<1x!tpu.dma_semaphore, #tpu.memory_space<semaphore_mem>> -> memref<!tpu.dma_semaphore, #tpu.memory_space<semaphore_mem>>
          tpu.wait_indirect_dma semaphore(%dma_wait3A_549 : memref<!tpu.dma_semaphore, #tpu.memory_space<semaphore_mem>>) src(%dma_wait3A_541 : memref<128x64xf32, #tpu.memory_space<vmem>>) dst(%dma_wait3A_547 : memref<10240x64xf32, #tpu.memory_space<vmem_shared>>)
        } else {
        }
        %add3A_520 = arith.constant 6 : i32
        %add3A_521 = arith.addi %add3A_478, %add3A_520 : i32
        %dma_start3A_522 = arith.constant 5 : i32
        %dma_start3A_523 = arith.constant 5 : i32
        %dma_start3A_524 = arith.constant 0 : i32
        %dma_start3A_525 = arith.constant 0 : i32
        %dma_start3A_526 = tpu.memref_slice %arg8[%dma_start3A_522, %dma_start3A_524, %dma_start3A_525] : memref<8x128x64xf32, #tpu.memory_space<vmem>> -> memref<1x128x64xf32, #tpu.memory_space<vmem>>
        %dma_start3A_527 = tpu.memref_squeeze %dma_start3A_526 : memref<1x128x64xf32, #tpu.memory_space<vmem>> -> memref<128x64xf32, #tpu.memory_space<vmem>>
        %dma_start3A_528 = arith.constant 0 : i32
        %dma_start3A_529 = tpu.memref_slice %arg6[%add3A_521, %dma_start3A_528] : memref<80x128xi32, #tpu.memory_space<vmem>> -> memref<1x128xi32, #tpu.memory_space<vmem>>
        %dma_start3A_530 = tpu.memref_squeeze %dma_start3A_529 : memref<1x128xi32, #tpu.memory_space<vmem>> -> memref<128xi32, #tpu.memory_space<vmem>>
        %dma_start3A_531 = arith.constant 0 : i32
        %dma_start3A_532 = arith.constant 0 : i32
        %dma_start3A_533 = tpu.memref_slice %arg2[%dma_start3A_531, %dma_start3A_532] : memref<10240x64xf32, #tpu.memory_space<hbm>> -> memref<10240x64xf32, #tpu.memory_space<hbm>>
        %dma_start3A_534 = tpu.memref_slice %arg9[%dma_start3A_523] : memref<8x!tpu.dma_semaphore, #tpu.memory_space<semaphore_mem>> -> memref<1x!tpu.dma_semaphore, #tpu.memory_space<semaphore_mem>>
        %dma_start3A_535 = tpu.memref_squeeze %dma_start3A_534 : memref<1x!tpu.dma_semaphore, #tpu.memory_space<semaphore_mem>> -> memref<!tpu.dma_semaphore, #tpu.memory_space<semaphore_mem>>
        tpu.enqueue_indirect_dma source(%dma_start3A_533 : memref<10240x64xf32, #tpu.memory_space<hbm>>) target(%dma_start3A_527 : memref<128x64xf32, #tpu.memory_space<vmem>>) offsets(%dma_start3A_530 : memref<128xi32, #tpu.memory_space<vmem>>) semaphore(%dma_start3A_535 : memref<!tpu.dma_semaphore, #tpu.memory_space<semaphore_mem>>)
      } else {
      }
      %dma_wait3A_486 = arith.constant 7 : i32
      %dma_wait3A_487 = arith.constant 7 : i32
      %dma_wait3A_488 = arith.constant 0 : i32
      %dma_wait3A_489 = arith.constant 0 : i32
      %dma_wait3A_490 = tpu.memref_slice %arg8[%dma_wait3A_486, %dma_wait3A_488, %dma_wait3A_489] : memref<8x128x64xf32, #tpu.memory_space<vmem>> -> memref<1x128x64xf32, #tpu.memory_space<vmem>>
      %dma_wait3A_491 = tpu.memref_squeeze %dma_wait3A_490 : memref<1x128x64xf32, #tpu.memory_space<vmem>> -> memref<128x64xf32, #tpu.memory_space<vmem>>
      %dma_wait3A_492 = arith.constant 0 : i32
      %dma_wait3A_493 = tpu.memref_slice %arg6[%add3A_478, %dma_wait3A_492] : memref<80x128xi32, #tpu.memory_space<vmem>> -> memref<1x128xi32, #tpu.memory_space<vmem>>
      %dma_wait3A_494 = tpu.memref_squeeze %dma_wait3A_493 : memref<1x128xi32, #tpu.memory_space<vmem>> -> memref<128xi32, #tpu.memory_space<vmem>>
      %dma_wait3A_495 = arith.constant 0 : i32
      %dma_wait3A_496 = arith.constant 0 : i32
      %dma_wait3A_497 = tpu.memref_slice %arg2[%dma_wait3A_495, %dma_wait3A_496] : memref<10240x64xf32, #tpu.memory_space<hbm>> -> memref<10240x64xf32, #tpu.memory_space<hbm>>
      %dma_wait3A_498 = tpu.memref_slice %arg9[%dma_wait3A_487] : memref<8x!tpu.dma_semaphore, #tpu.memory_space<semaphore_mem>> -> memref<1x!tpu.dma_semaphore, #tpu.memory_space<semaphore_mem>>
      %dma_wait3A_499 = tpu.memref_squeeze %dma_wait3A_498 : memref<1x!tpu.dma_semaphore, #tpu.memory_space<semaphore_mem>> -> memref<!tpu.dma_semaphore, #tpu.memory_space<semaphore_mem>>
      tpu.wait_indirect_dma semaphore(%dma_wait3A_499 : memref<!tpu.dma_semaphore, #tpu.memory_space<semaphore_mem>>) src(%dma_wait3A_497 : memref<10240x64xf32, #tpu.memory_space<hbm>>) dst(%dma_wait3A_491 : memref<128x64xf32, #tpu.memory_space<vmem>>)
      %dma_start3A_500 = arith.constant 7 : i32
      %dma_start3A_501 = arith.constant 7 : i32
      %dma_start3A_502 = arith.constant 0 : i32
      %dma_start3A_503 = arith.constant 0 : i32
      %dma_start3A_504 = tpu.memref_slice %arg8[%dma_start3A_500, %dma_start3A_502, %dma_start3A_503] : memref<8x128x64xf32, #tpu.memory_space<vmem>> -> memref<1x128x64xf32, #tpu.memory_space<vmem>>
      %dma_start3A_505 = tpu.memref_squeeze %dma_start3A_504 : memref<1x128x64xf32, #tpu.memory_space<vmem>> -> memref<128x64xf32, #tpu.memory_space<vmem>>
      %dma_start3A_506 = arith.constant 0 : i32
      %dma_start3A_507 = tpu.memref_slice %arg7[%add3A_478, %dma_start3A_506] : memref<80x128xi32, #tpu.memory_space<vmem>> -> memref<1x128xi32, #tpu.memory_space<vmem>>
      %dma_start3A_508 = tpu.memref_squeeze %dma_start3A_507 : memref<1x128xi32, #tpu.memory_space<vmem>> -> memref<128xi32, #tpu.memory_space<vmem>>
      %dma_start3A_509 = arith.constant 0 : i32
      %dma_start3A_510 = arith.constant 0 : i32
      %dma_start3A_511 = tpu.memref_slice %arg11[%dma_start3A_509, %dma_start3A_510] : memref<10240x64xf32, #tpu.memory_space<vmem_shared>> -> memref<10240x64xf32, #tpu.memory_space<vmem_shared>>
      %dma_start3A_512 = tpu.memref_slice %arg10[%dma_start3A_501] : memref<8x!tpu.dma_semaphore, #tpu.memory_space<semaphore_mem>> -> memref<1x!tpu.dma_semaphore, #tpu.memory_space<semaphore_mem>>
      %dma_start3A_513 = tpu.memref_squeeze %dma_start3A_512 : memref<1x!tpu.dma_semaphore, #tpu.memory_space<semaphore_mem>> -> memref<!tpu.dma_semaphore, #tpu.memory_space<semaphore_mem>>
      tpu.enqueue_indirect_dma source(%dma_start3A_505 : memref<128x64xf32, #tpu.memory_space<vmem>>) target(%dma_start3A_511 : memref<10240x64xf32, #tpu.memory_space<vmem_shared>>) offsets(%dma_start3A_508 : memref<128xi32, #tpu.memory_space<vmem>>) semaphore(%dma_start3A_513 : memref<!tpu.dma_semaphore, #tpu.memory_space<semaphore_mem>>) {add = true}
    }
    %scan3A_97 = arith.constant 10 : i32
    %dma_wait3A = arith.constant 0 : i32
    %dma_wait3A_98 = arith.constant 72 : i32
    %dma_wait3A_99 = arith.constant 0 : i32
    %dma_wait3A_100 = arith.constant 0 : i32
    %dma_wait3A_101 = arith.constant 0 : i32
    %dma_wait3A_102 = tpu.memref_slice %arg8[%dma_wait3A, %dma_wait3A_100, %dma_wait3A_101] : memref<8x128x64xf32, #tpu.memory_space<vmem>> -> memref<1x128x64xf32, #tpu.memory_space<vmem>>
    %dma_wait3A_103 = tpu.memref_squeeze %dma_wait3A_102 : memref<1x128x64xf32, #tpu.memory_space<vmem>> -> memref<128x64xf32, #tpu.memory_space<vmem>>
    %dma_wait3A_104 = arith.constant 0 : i32
    %dma_wait3A_105 = tpu.memref_slice %arg7[%dma_wait3A_98, %dma_wait3A_104] : memref<80x128xi32, #tpu.memory_space<vmem>> -> memref<1x128xi32, #tpu.memory_space<vmem>>
    %dma_wait3A_106 = tpu.memref_squeeze %dma_wait3A_105 : memref<1x128xi32, #tpu.memory_space<vmem>> -> memref<128xi32, #tpu.memory_space<vmem>>
    %dma_wait3A_107 = arith.constant 0 : i32
    %dma_wait3A_108 = arith.constant 0 : i32
    %dma_wait3A_109 = tpu.memref_slice %arg11[%dma_wait3A_107, %dma_wait3A_108] : memref<10240x64xf32, #tpu.memory_space<vmem_shared>> -> memref<10240x64xf32, #tpu.memory_space<vmem_shared>>
    %dma_wait3A_110 = tpu.memref_slice %arg10[%dma_wait3A_99] : memref<8x!tpu.dma_semaphore, #tpu.memory_space<semaphore_mem>> -> memref<1x!tpu.dma_semaphore, #tpu.memory_space<semaphore_mem>>
    %dma_wait3A_111 = tpu.memref_squeeze %dma_wait3A_110 : memref<1x!tpu.dma_semaphore, #tpu.memory_space<semaphore_mem>> -> memref<!tpu.dma_semaphore, #tpu.memory_space<semaphore_mem>>
    tpu.wait_indirect_dma semaphore(%dma_wait3A_111 : memref<!tpu.dma_semaphore, #tpu.memory_space<semaphore_mem>>) src(%dma_wait3A_103 : memref<128x64xf32, #tpu.memory_space<vmem>>) dst(%dma_wait3A_109 : memref<10240x64xf32, #tpu.memory_space<vmem_shared>>)
    %dma_wait3A_112 = arith.constant 1 : i32
    %dma_wait3A_113 = arith.constant 73 : i32
    %dma_wait3A_114 = arith.constant 1 : i32
    %dma_wait3A_115 = arith.constant 0 : i32
    %dma_wait3A_116 = arith.constant 0 : i32
    %dma_wait3A_117 = tpu.memref_slice %arg8[%dma_wait3A_112, %dma_wait3A_115, %dma_wait3A_116] : memref<8x128x64xf32, #tpu.memory_space<vmem>> -> memref<1x128x64xf32, #tpu.memory_space<vmem>>
    %dma_wait3A_118 = tpu.memref_squeeze %dma_wait3A_117 : memref<1x128x64xf32, #tpu.memory_space<vmem>> -> memref<128x64xf32, #tpu.memory_space<vmem>>
    %dma_wait3A_119 = arith.constant 0 : i32
    %dma_wait3A_120 = tpu.memref_slice %arg7[%dma_wait3A_113, %dma_wait3A_119] : memref<80x128xi32, #tpu.memory_space<vmem>> -> memref<1x128xi32, #tpu.memory_space<vmem>>
    %dma_wait3A_121 = tpu.memref_squeeze %dma_wait3A_120 : memref<1x128xi32, #tpu.memory_space<vmem>> -> memref<128xi32, #tpu.memory_space<vmem>>
    %dma_wait3A_122 = arith.constant 0 : i32
    %dma_wait3A_123 = arith.constant 0 : i32
    %dma_wait3A_124 = tpu.memref_slice %arg11[%dma_wait3A_122, %dma_wait3A_123] : memref<10240x64xf32, #tpu.memory_space<vmem_shared>> -> memref<10240x64xf32, #tpu.memory_space<vmem_shared>>
    %dma_wait3A_125 = tpu.memref_slice %arg10[%dma_wait3A_114] : memref<8x!tpu.dma_semaphore, #tpu.memory_space<semaphore_mem>> -> memref<1x!tpu.dma_semaphore, #tpu.memory_space<semaphore_mem>>
    %dma_wait3A_126 = tpu.memref_squeeze %dma_wait3A_125 : memref<1x!tpu.dma_semaphore, #tpu.memory_space<semaphore_mem>> -> memref<!tpu.dma_semaphore, #tpu.memory_space<semaphore_mem>>
    tpu.wait_indirect_dma semaphore(%dma_wait3A_126 : memref<!tpu.dma_semaphore, #tpu.memory_space<semaphore_mem>>) src(%dma_wait3A_118 : memref<128x64xf32, #tpu.memory_space<vmem>>) dst(%dma_wait3A_124 : memref<10240x64xf32, #tpu.memory_space<vmem_shared>>)
    %dma_wait3A_127 = arith.constant 2 : i32
    %dma_wait3A_128 = arith.constant 74 : i32
    %dma_wait3A_129 = arith.constant 2 : i32
    %dma_wait3A_130 = arith.constant 0 : i32
    %dma_wait3A_131 = arith.constant 0 : i32
    %dma_wait3A_132 = tpu.memref_slice %arg8[%dma_wait3A_127, %dma_wait3A_130, %dma_wait3A_131] : memref<8x128x64xf32, #tpu.memory_space<vmem>> -> memref<1x128x64xf32, #tpu.memory_space<vmem>>
    %dma_wait3A_133 = tpu.memref_squeeze %dma_wait3A_132 : memref<1x128x64xf32, #tpu.memory_space<vmem>> -> memref<128x64xf32, #tpu.memory_space<vmem>>
    %dma_wait3A_134 = arith.constant 0 : i32
    %dma_wait3A_135 = tpu.memref_slice %arg7[%dma_wait3A_128, %dma_wait3A_134] : memref<80x128xi32, #tpu.memory_space<vmem>> -> memref<1x128xi32, #tpu.memory_space<vmem>>
    %dma_wait3A_136 = tpu.memref_squeeze %dma_wait3A_135 : memref<1x128xi32, #tpu.memory_space<vmem>> -> memref<128xi32, #tpu.memory_space<vmem>>
    %dma_wait3A_137 = arith.constant 0 : i32
    %dma_wait3A_138 = arith.constant 0 : i32
    %dma_wait3A_139 = tpu.memref_slice %arg11[%dma_wait3A_137, %dma_wait3A_138] : memref<10240x64xf32, #tpu.memory_space<vmem_shared>> -> memref<10240x64xf32, #tpu.memory_space<vmem_shared>>
    %dma_wait3A_140 = tpu.memref_slice %arg10[%dma_wait3A_129] : memref<8x!tpu.dma_semaphore, #tpu.memory_space<semaphore_mem>> -> memref<1x!tpu.dma_semaphore, #tpu.memory_space<semaphore_mem>>
    %dma_wait3A_141 = tpu.memref_squeeze %dma_wait3A_140 : memref<1x!tpu.dma_semaphore, #tpu.memory_space<semaphore_mem>> -> memref<!tpu.dma_semaphore, #tpu.memory_space<semaphore_mem>>
    tpu.wait_indirect_dma semaphore(%dma_wait3A_141 : memref<!tpu.dma_semaphore, #tpu.memory_space<semaphore_mem>>) src(%dma_wait3A_133 : memref<128x64xf32, #tpu.memory_space<vmem>>) dst(%dma_wait3A_139 : memref<10240x64xf32, #tpu.memory_space<vmem_shared>>)
    %dma_wait3A_142 = arith.constant 3 : i32
    %dma_wait3A_143 = arith.constant 75 : i32
    %dma_wait3A_144 = arith.constant 3 : i32
    %dma_wait3A_145 = arith.constant 0 : i32
    %dma_wait3A_146 = arith.constant 0 : i32
    %dma_wait3A_147 = tpu.memref_slice %arg8[%dma_wait3A_142, %dma_wait3A_145, %dma_wait3A_146] : memref<8x128x64xf32, #tpu.memory_space<vmem>> -> memref<1x128x64xf32, #tpu.memory_space<vmem>>
    %dma_wait3A_148 = tpu.memref_squeeze %dma_wait3A_147 : memref<1x128x64xf32, #tpu.memory_space<vmem>> -> memref<128x64xf32, #tpu.memory_space<vmem>>
    %dma_wait3A_149 = arith.constant 0 : i32
    %dma_wait3A_150 = tpu.memref_slice %arg7[%dma_wait3A_143, %dma_wait3A_149] : memref<80x128xi32, #tpu.memory_space<vmem>> -> memref<1x128xi32, #tpu.memory_space<vmem>>
    %dma_wait3A_151 = tpu.memref_squeeze %dma_wait3A_150 : memref<1x128xi32, #tpu.memory_space<vmem>> -> memref<128xi32, #tpu.memory_space<vmem>>
    %dma_wait3A_152 = arith.constant 0 : i32
    %dma_wait3A_153 = arith.constant 0 : i32
    %dma_wait3A_154 = tpu.memref_slice %arg11[%dma_wait3A_152, %dma_wait3A_153] : memref<10240x64xf32, #tpu.memory_space<vmem_shared>> -> memref<10240x64xf32, #tpu.memory_space<vmem_shared>>
    %dma_wait3A_155 = tpu.memref_slice %arg10[%dma_wait3A_144] : memref<8x!tpu.dma_semaphore, #tpu.memory_space<semaphore_mem>> -> memref<1x!tpu.dma_semaphore, #tpu.memory_space<semaphore_mem>>
    %dma_wait3A_156 = tpu.memref_squeeze %dma_wait3A_155 : memref<1x!tpu.dma_semaphore, #tpu.memory_space<semaphore_mem>> -> memref<!tpu.dma_semaphore, #tpu.memory_space<semaphore_mem>>
    tpu.wait_indirect_dma semaphore(%dma_wait3A_156 : memref<!tpu.dma_semaphore, #tpu.memory_space<semaphore_mem>>) src(%dma_wait3A_148 : memref<128x64xf32, #tpu.memory_space<vmem>>) dst(%dma_wait3A_154 : memref<10240x64xf32, #tpu.memory_space<vmem_shared>>)
    %dma_wait3A_157 = arith.constant 4 : i32
    %dma_wait3A_158 = arith.constant 76 : i32
    %dma_wait3A_159 = arith.constant 4 : i32
    %dma_wait3A_160 = arith.constant 0 : i32
    %dma_wait3A_161 = arith.constant 0 : i32
    %dma_wait3A_162 = tpu.memref_slice %arg8[%dma_wait3A_157, %dma_wait3A_160, %dma_wait3A_161] : memref<8x128x64xf32, #tpu.memory_space<vmem>> -> memref<1x128x64xf32, #tpu.memory_space<vmem>>
    %dma_wait3A_163 = tpu.memref_squeeze %dma_wait3A_162 : memref<1x128x64xf32, #tpu.memory_space<vmem>> -> memref<128x64xf32, #tpu.memory_space<vmem>>
    %dma_wait3A_164 = arith.constant 0 : i32
    %dma_wait3A_165 = tpu.memref_slice %arg7[%dma_wait3A_158, %dma_wait3A_164] : memref<80x128xi32, #tpu.memory_space<vmem>> -> memref<1x128xi32, #tpu.memory_space<vmem>>
    %dma_wait3A_166 = tpu.memref_squeeze %dma_wait3A_165 : memref<1x128xi32, #tpu.memory_space<vmem>> -> memref<128xi32, #tpu.memory_space<vmem>>
    %dma_wait3A_167 = arith.constant 0 : i32
    %dma_wait3A_168 = arith.constant 0 : i32
    %dma_wait3A_169 = tpu.memref_slice %arg11[%dma_wait3A_167, %dma_wait3A_168] : memref<10240x64xf32, #tpu.memory_space<vmem_shared>> -> memref<10240x64xf32, #tpu.memory_space<vmem_shared>>
    %dma_wait3A_170 = tpu.memref_slice %arg10[%dma_wait3A_159] : memref<8x!tpu.dma_semaphore, #tpu.memory_space<semaphore_mem>> -> memref<1x!tpu.dma_semaphore, #tpu.memory_space<semaphore_mem>>
    %dma_wait3A_171 = tpu.memref_squeeze %dma_wait3A_170 : memref<1x!tpu.dma_semaphore, #tpu.memory_space<semaphore_mem>> -> memref<!tpu.dma_semaphore, #tpu.memory_space<semaphore_mem>>
    tpu.wait_indirect_dma semaphore(%dma_wait3A_171 : memref<!tpu.dma_semaphore, #tpu.memory_space<semaphore_mem>>) src(%dma_wait3A_163 : memref<128x64xf32, #tpu.memory_space<vmem>>) dst(%dma_wait3A_169 : memref<10240x64xf32, #tpu.memory_space<vmem_shared>>)
    %dma_wait3A_172 = arith.constant 5 : i32
    %dma_wait3A_173 = arith.constant 77 : i32
    %dma_wait3A_174 = arith.constant 5 : i32
    %dma_wait3A_175 = arith.constant 0 : i32
    %dma_wait3A_176 = arith.constant 0 : i32
    %dma_wait3A_177 = tpu.memref_slice %arg8[%dma_wait3A_172, %dma_wait3A_175, %dma_wait3A_176] : memref<8x128x64xf32, #tpu.memory_space<vmem>> -> memref<1x128x64xf32, #tpu.memory_space<vmem>>
    %dma_wait3A_178 = tpu.memref_squeeze %dma_wait3A_177 : memref<1x128x64xf32, #tpu.memory_space<vmem>> -> memref<128x64xf32, #tpu.memory_space<vmem>>
    %dma_wait3A_179 = arith.constant 0 : i32
    %dma_wait3A_180 = tpu.memref_slice %arg7[%dma_wait3A_173, %dma_wait3A_179] : memref<80x128xi32, #tpu.memory_space<vmem>> -> memref<1x128xi32, #tpu.memory_space<vmem>>
    %dma_wait3A_181 = tpu.memref_squeeze %dma_wait3A_180 : memref<1x128xi32, #tpu.memory_space<vmem>> -> memref<128xi32, #tpu.memory_space<vmem>>
    %dma_wait3A_182 = arith.constant 0 : i32
    %dma_wait3A_183 = arith.constant 0 : i32
    %dma_wait3A_184 = tpu.memref_slice %arg11[%dma_wait3A_182, %dma_wait3A_183] : memref<10240x64xf32, #tpu.memory_space<vmem_shared>> -> memref<10240x64xf32, #tpu.memory_space<vmem_shared>>
    %dma_wait3A_185 = tpu.memref_slice %arg10[%dma_wait3A_174] : memref<8x!tpu.dma_semaphore, #tpu.memory_space<semaphore_mem>> -> memref<1x!tpu.dma_semaphore, #tpu.memory_space<semaphore_mem>>
    %dma_wait3A_186 = tpu.memref_squeeze %dma_wait3A_185 : memref<1x!tpu.dma_semaphore, #tpu.memory_space<semaphore_mem>> -> memref<!tpu.dma_semaphore, #tpu.memory_space<semaphore_mem>>
    tpu.wait_indirect_dma semaphore(%dma_wait3A_186 : memref<!tpu.dma_semaphore, #tpu.memory_space<semaphore_mem>>) src(%dma_wait3A_178 : memref<128x64xf32, #tpu.memory_space<vmem>>) dst(%dma_wait3A_184 : memref<10240x64xf32, #tpu.memory_space<vmem_shared>>)
    %dma_wait3A_187 = arith.constant 6 : i32
    %dma_wait3A_188 = arith.constant 78 : i32
    %dma_wait3A_189 = arith.constant 6 : i32
    %dma_wait3A_190 = arith.constant 0 : i32
    %dma_wait3A_191 = arith.constant 0 : i32
    %dma_wait3A_192 = tpu.memref_slice %arg8[%dma_wait3A_187, %dma_wait3A_190, %dma_wait3A_191] : memref<8x128x64xf32, #tpu.memory_space<vmem>> -> memref<1x128x64xf32, #tpu.memory_space<vmem>>
    %dma_wait3A_193 = tpu.memref_squeeze %dma_wait3A_192 : memref<1x128x64xf32, #tpu.memory_space<vmem>> -> memref<128x64xf32, #tpu.memory_space<vmem>>
    %dma_wait3A_194 = arith.constant 0 : i32
    %dma_wait3A_195 = tpu.memref_slice %arg7[%dma_wait3A_188, %dma_wait3A_194] : memref<80x128xi32, #tpu.memory_space<vmem>> -> memref<1x128xi32, #tpu.memory_space<vmem>>
    %dma_wait3A_196 = tpu.memref_squeeze %dma_wait3A_195 : memref<1x128xi32, #tpu.memory_space<vmem>> -> memref<128xi32, #tpu.memory_space<vmem>>
    %dma_wait3A_197 = arith.constant 0 : i32
    %dma_wait3A_198 = arith.constant 0 : i32
    %dma_wait3A_199 = tpu.memref_slice %arg11[%dma_wait3A_197, %dma_wait3A_198] : memref<10240x64xf32, #tpu.memory_space<vmem_shared>> -> memref<10240x64xf32, #tpu.memory_space<vmem_shared>>
    %dma_wait3A_200 = tpu.memref_slice %arg10[%dma_wait3A_189] : memref<8x!tpu.dma_semaphore, #tpu.memory_space<semaphore_mem>> -> memref<1x!tpu.dma_semaphore, #tpu.memory_space<semaphore_mem>>
    %dma_wait3A_201 = tpu.memref_squeeze %dma_wait3A_200 : memref<1x!tpu.dma_semaphore, #tpu.memory_space<semaphore_mem>> -> memref<!tpu.dma_semaphore, #tpu.memory_space<semaphore_mem>>
    tpu.wait_indirect_dma semaphore(%dma_wait3A_201 : memref<!tpu.dma_semaphore, #tpu.memory_space<semaphore_mem>>) src(%dma_wait3A_193 : memref<128x64xf32, #tpu.memory_space<vmem>>) dst(%dma_wait3A_199 : memref<10240x64xf32, #tpu.memory_space<vmem_shared>>)
    %dma_wait3A_202 = arith.constant 7 : i32
    %dma_wait3A_203 = arith.constant 79 : i32
    %dma_wait3A_204 = arith.constant 7 : i32
    %dma_wait3A_205 = arith.constant 0 : i32
    %dma_wait3A_206 = arith.constant 0 : i32
    %dma_wait3A_207 = tpu.memref_slice %arg8[%dma_wait3A_202, %dma_wait3A_205, %dma_wait3A_206] : memref<8x128x64xf32, #tpu.memory_space<vmem>> -> memref<1x128x64xf32, #tpu.memory_space<vmem>>
    %dma_wait3A_208 = tpu.memref_squeeze %dma_wait3A_207 : memref<1x128x64xf32, #tpu.memory_space<vmem>> -> memref<128x64xf32, #tpu.memory_space<vmem>>
    %dma_wait3A_209 = arith.constant 0 : i32
    %dma_wait3A_210 = tpu.memref_slice %arg7[%dma_wait3A_203, %dma_wait3A_209] : memref<80x128xi32, #tpu.memory_space<vmem>> -> memref<1x128xi32, #tpu.memory_space<vmem>>
    %dma_wait3A_211 = tpu.memref_squeeze %dma_wait3A_210 : memref<1x128xi32, #tpu.memory_space<vmem>> -> memref<128xi32, #tpu.memory_space<vmem>>
    %dma_wait3A_212 = arith.constant 0 : i32
    %dma_wait3A_213 = arith.constant 0 : i32
    %dma_wait3A_214 = tpu.memref_slice %arg11[%dma_wait3A_212, %dma_wait3A_213] : memref<10240x64xf32, #tpu.memory_space<vmem_shared>> -> memref<10240x64xf32, #tpu.memory_space<vmem_shared>>
    %dma_wait3A_215 = tpu.memref_slice %arg10[%dma_wait3A_204] : memref<8x!tpu.dma_semaphore, #tpu.memory_space<semaphore_mem>> -> memref<1x!tpu.dma_semaphore, #tpu.memory_space<semaphore_mem>>
    %dma_wait3A_216 = tpu.memref_squeeze %dma_wait3A_215 : memref<1x!tpu.dma_semaphore, #tpu.memory_space<semaphore_mem>> -> memref<!tpu.dma_semaphore, #tpu.memory_space<semaphore_mem>>
    tpu.wait_indirect_dma semaphore(%dma_wait3A_216 : memref<!tpu.dma_semaphore, #tpu.memory_space<semaphore_mem>>) src(%dma_wait3A_208 : memref<128x64xf32, #tpu.memory_space<vmem>>) dst(%dma_wait3A_214 : memref<10240x64xf32, #tpu.memory_space<vmem_shared>>)
    %barrier3A_217 = arith.constant 0 : index
    tpu.barrier barrier_id(%barrier3A_217)
    "tpu.region"() ({
      %run_scoped3A_218 = tpu.sem_alloc : memref<!tpu.dma_semaphore, #tpu.memory_space<semaphore_mem>>
      %dma_start3A_219 = arith.constant 0 : i32
      %dma_start3A_220 = tpu.memref_slice %arg5[%arg0, %mul3A_2, %dma_start3A_219] : memref<2x10240x64xf32, #tpu.memory_space<hbm>> -> memref<1x640x64xf32, #tpu.memory_space<hbm>>
      %dma_start3A_221 = tpu.memref_squeeze %dma_start3A_220 : memref<1x640x64xf32, #tpu.memory_space<hbm>> -> memref<640x64xf32, #tpu.memory_space<hbm>>
      %dma_start3A_222 = arith.constant 0 : i32
      %dma_start3A_223 = tpu.memref_slice %arg11[%mul3A_2, %dma_start3A_222] : memref<10240x64xf32, #tpu.memory_space<vmem_shared>> -> memref<640x64xf32, #tpu.memory_space<vmem_shared>>
      tpu.enqueue_dma source(%dma_start3A_223 : memref<640x64xf32, #tpu.memory_space<vmem_shared>>) target(%dma_start3A_221 : memref<640x64xf32, #tpu.memory_space<hbm>>) target_semaphore(%run_scoped3A_218 : memref<!tpu.dma_semaphore, #tpu.memory_space<semaphore_mem>>)
      %dma_wait3A_224 = arith.constant 0 : i32
      %dma_wait3A_225 = tpu.memref_slice %arg5[%arg0, %mul3A_2, %dma_wait3A_224] : memref<2x10240x64xf32, #tpu.memory_space<hbm>> -> memref<1x640x64xf32, #tpu.memory_space<hbm>>
      %dma_wait3A_226 = tpu.memref_squeeze %dma_wait3A_225 : memref<1x640x64xf32, #tpu.memory_space<hbm>> -> memref<640x64xf32, #tpu.memory_space<hbm>>
      %dma_wait3A_227 = arith.constant 0 : i32
      %dma_wait3A_228 = tpu.memref_slice %arg11[%mul3A_2, %dma_wait3A_227] : memref<10240x64xf32, #tpu.memory_space<vmem_shared>> -> memref<640x64xf32, #tpu.memory_space<vmem_shared>>
      tpu.wait_dma2 semaphore(%run_scoped3A_218 : memref<!tpu.dma_semaphore, #tpu.memory_space<semaphore_mem>>) src(%dma_wait3A_228 : memref<640x64xf32, #tpu.memory_space<vmem_shared>>) dst(%dma_wait3A_226 : memref<640x64xf32, #tpu.memory_space<hbm>>)
      tpu.yield
    }) : () -> ()
    return
  }
}

module attributes {stable_mosaic.version = 14 : i64} {
  func.func @_tc_prep_body(%arg0: memref<10000x128xf32, #tpu.memory_space<vmem>>, %arg1: memref<128x64xf32, #tpu.memory_space<vmem>>, %arg2: memref<2x10240x16xf32, #tpu.memory_space<vmem>>, %arg3: memref<10240x64xf32, #tpu.memory_space<vmem>>, %arg4: memref<10240x64xf32, #tpu.memory_space<vmem>>) attributes {dimension_semantics = [], scalar_prefetch = 0 : i64, scratch_operands = 0 : i64, tpu.core_type = #tpu.core_type<tc>} {
    %get3A = arith.constant 0 : index
    %get3A_0 = arith.constant 0 : index
    %get3A_1 = arith.constant 0 : index
    %get3A_2 = vector.load %arg2[%get3A, %get3A_0, %get3A_1] : memref<2x10240x16xf32, #tpu.memory_space<vmem>>, vector<1x10240x1xf32>
    %get3A_3 = vector.shape_cast %get3A_2 : vector<1x10240x1xf32> to vector<10240x1xf32>
    %get3A_4 = arith.constant 1 : index
    %get3A_5 = arith.constant 0 : index
    %get3A_6 = arith.constant 0 : index
    %get3A_7 = vector.load %arg2[%get3A_4, %get3A_5, %get3A_6] : memref<2x10240x16xf32, #tpu.memory_space<vmem>>, vector<1x10240x1xf32>
    %get3A_8 = vector.shape_cast %get3A_7 : vector<1x10240x1xf32> to vector<10240x1xf32>
    %add3A = arith.addf %get3A_3, %get3A_8 : vector<10240x1xf32>
    %add3A_9 = arith.constant 1.000000e+00 : f32
    %add3A_10 = vector.broadcast %add3A_9 : f32 to vector<10240x1xf32>
    %add3A_11 = arith.addf %add3A, %add3A_10 : vector<10240x1xf32>
    %max3A = arith.constant 1.000000e+00 : f32
    %max3A_12 = vector.broadcast %max3A : f32 to vector<10240x1xf32>
    %max3A_13 = arith.maximumf %add3A_11, %max3A_12 : vector<10240x1xf32>
    %rsqrt3A = math.rsqrt %max3A_13 : vector<10240x1xf32>
    %broadcast_in_dim3A = vector.shape_cast %rsqrt3A : vector<10240x1xf32> to vector<10240x1xf32>
    %broadcast_in_dim3A_14 = vector.broadcast %broadcast_in_dim3A : vector<10240x1xf32> to vector<10240x64xf32>
    %swap3A = arith.constant 0 : index
    %swap3A_15 = arith.constant 0 : index
    %swap3A_16 = vector.load %arg4[%swap3A, %swap3A_15] : memref<10240x64xf32, #tpu.memory_space<vmem>>, vector<10240x64xf32>
    tpu.vector_store %arg4[%swap3A, %swap3A_15], %broadcast_in_dim3A_14 {strides = array<i32>} : memref<10240x64xf32, #tpu.memory_space<vmem>>, vector<10240x64xf32>,
    %get3A_17 = arith.constant 0 : index
    %get3A_18 = arith.constant 0 : index
    %get3A_19 = vector.load %arg0[%get3A_17, %get3A_18] : memref<10000x128xf32, #tpu.memory_space<vmem>>, vector<10000x128xf32>
    %get3A_20 = arith.constant 0 : index
    %get3A_21 = arith.constant 0 : index
    %get3A_22 = vector.load %arg1[%get3A_20, %get3A_21] : memref<128x64xf32, #tpu.memory_space<vmem>>, vector<128x64xf32>
    %dot_general3A = arith.constant dense<0.000000e+00> : vector<10000x64xf32>
    %dot_general3A_23 = tpu.matmul %get3A_19, %get3A_22, %dot_general3A {dimension_numbers = #tpu.dot_dimension_numbers<[1], [0], [0], [1], [0, 0, 1, 1], [], []>, transpose_lhs_hint = false} : vector<10000x128xf32>, vector<128x64xf32>, vector<10000x64xf32> -> vector<10000x64xf32>
    %slice3A = vector.extract_strided_slice %broadcast_in_dim3A_14 {offsets = [0, 0], sizes = [10000, 64], strides = [1, 1]} : vector<10240x64xf32> to vector<10000x64xf32>
    %mul3A = arith.mulf %dot_general3A_23, %slice3A : vector<10000x64xf32>
    %swap3A_24 = arith.constant 0 : index
    %swap3A_25 = arith.constant 0 : index
    %swap3A_26 = vector.load %arg3[%swap3A_24, %swap3A_25] : memref<10240x64xf32, #tpu.memory_space<vmem>>, vector<10000x64xf32>
    tpu.vector_store %arg3[%swap3A_24, %swap3A_25], %mul3A {strides = array<i32>} : memref<10240x64xf32, #tpu.memory_space<vmem>>, vector<10000x64xf32>,
    %broadcast_in_dim3A_27 = arith.constant 0.000000e+00 : f32
    %broadcast_in_dim3A_28 = vector.broadcast %broadcast_in_dim3A_27 : f32 to vector<240x64xf32>
    %swap3A_29 = arith.constant 10000 : index
    %swap3A_30 = arith.constant 0 : index
    %swap3A_31 = vector.load %arg3[%swap3A_29, %swap3A_30] : memref<10240x64xf32, #tpu.memory_space<vmem>>, vector<240x64xf32>
    tpu.vector_store %arg3[%swap3A_29, %swap3A_30], %broadcast_in_dim3A_28 {strides = array<i32>} : memref<10240x64xf32, #tpu.memory_space<vmem>>, vector<240x64xf32>,
    return
  }
}

module attributes {stable_mosaic.version = 14 : i64} {
  func.func @_tc_mid_body(%arg0: memref<2x10240x64xf32, #tpu.memory_space<vmem>>, %arg1: memref<10240x64xf32, #tpu.memory_space<vmem>>, %arg2: memref<10240x64xf32, #tpu.memory_space<vmem>>, %arg3: memref<1x64xf32, #tpu.memory_space<vmem>>, %arg4: memref<1x64xf32, #tpu.memory_space<vmem>>, %arg5: memref<1x64xf32, #tpu.memory_space<vmem>>, %arg6: memref<64x64xf32, #tpu.memory_space<vmem>>, %arg7: memref<10240x64xf32, #tpu.memory_space<vmem>>) attributes {dimension_semantics = [], scalar_prefetch = 0 : i64, scratch_operands = 0 : i64, tpu.core_type = #tpu.core_type<tc>} {
    %get3A = arith.constant 0 : index
    %get3A_0 = arith.constant 0 : index
    %get3A_1 = vector.load %arg2[%get3A, %get3A_0] : memref<10240x64xf32, #tpu.memory_space<vmem>>, vector<10240x64xf32>
    %get3A_2 = arith.constant 0 : index
    %get3A_3 = arith.constant 0 : index
    %get3A_4 = arith.constant 0 : index
    %get3A_5 = vector.load %arg0[%get3A_2, %get3A_3, %get3A_4] : memref<2x10240x64xf32, #tpu.memory_space<vmem>>, vector<2x10240x64xf32>
    %get3A_6 = arith.constant 0 : index
    %get3A_7 = arith.constant 0 : index
    %get3A_8 = vector.load %arg1[%get3A_6, %get3A_7] : memref<10240x64xf32, #tpu.memory_space<vmem>>, vector<10240x64xf32>
    %get3A_9 = arith.constant 0 : index
    %get3A_10 = arith.constant 0 : index
    %get3A_11 = vector.load %arg3[%get3A_9, %get3A_10] : memref<1x64xf32, #tpu.memory_space<vmem>>, vector<1x64xf32>
    %get3A_12 = arith.constant 0 : index
    %get3A_13 = arith.constant 0 : index
    %get3A_14 = vector.load %arg4[%get3A_12, %get3A_13] : memref<1x64xf32, #tpu.memory_space<vmem>>, vector<1x64xf32>
    %get3A_15 = arith.constant 0 : index
    %get3A_16 = arith.constant 0 : index
    %get3A_17 = vector.load %arg5[%get3A_15, %get3A_16] : memref<1x64xf32, #tpu.memory_space<vmem>>, vector<1x64xf32>
    %slice3A = vector.extract_strided_slice %get3A_5 {offsets = [0, 0, 0], sizes = [1, 10240, 64], strides = [1, 1, 1]} : vector<2x10240x64xf32> to vector<1x10240x64xf32>
    %squeeze3A = vector.shape_cast %slice3A : vector<1x10240x64xf32> to vector<10240x64xf32>
    %slice3A_18 = vector.extract_strided_slice %get3A_5 {offsets = [1, 0, 0], sizes = [1, 10240, 64], strides = [1, 1, 1]} : vector<2x10240x64xf32> to vector<1x10240x64xf32>
    %squeeze3A_19 = vector.shape_cast %slice3A_18 : vector<1x10240x64xf32> to vector<10240x64xf32>
    %add3A = arith.addf %squeeze3A, %squeeze3A_19 : vector<10240x64xf32>
    %add3A_20 = arith.addf %add3A, %get3A_8 : vector<10240x64xf32>
    %mul3A = arith.mulf %add3A_20, %get3A_1 : vector<10240x64xf32>
    %add3A_21 = vector.broadcast %get3A_11 : vector<1x64xf32> to vector<10240x64xf32>
    %add3A_22 = arith.addf %mul3A, %add3A_21 : vector<10240x64xf32>
    %iota3A = tpu.iota {dimensions = array<i32: 0>} : vector<10240x1xi32>
    %lt3A = arith.constant 10000 : i32
    %lt3A_23 = vector.broadcast %lt3A : i32 to vector<10240x1xi32>
    %lt3A_24 = arith.cmpi slt, %iota3A, %lt3A_23 : vector<10240x1xi32>
    %jit3A = arith.constant 0.000000e+00 : f32
    %broadcast_in_dim3A = vector.shape_cast %lt3A_24 : vector<10240x1xi1> to vector<10240x1xi1>
    %broadcast_in_dim3A_25 = vector.broadcast %broadcast_in_dim3A : vector<10240x1xi1> to vector<10240x64xi1>
    %broadcast_in_dim3A_26 = vector.broadcast %jit3A : f32 to vector<10240x64xf32>
    %select_n3A = arith.select %broadcast_in_dim3A_25, %add3A_22, %broadcast_in_dim3A_26 : vector<10240x64xi1>, vector<10240x64xf32>
    %reduce_sum3A = arith.constant dense<0.000000e+00> : vector<64xf32>
    %reduce_sum3A_27 = vector.multi_reduction <add>, %select_n3A, %reduce_sum3A [0] : vector<10240x64xf32> to vector<64xf32>
    %broadcast_in_dim3A_28 = vector.shape_cast %reduce_sum3A_27 : vector<64xf32> to vector<1x64xf32>
    %mul3A_29 = arith.constant 9.99999974E-5 : f32
    %mul3A_30 = vector.broadcast %mul3A_29 : f32 to vector<1x64xf32>
    %mul3A_31 = arith.mulf %broadcast_in_dim3A_28, %mul3A_30 : vector<1x64xf32>
    %sub3A = vector.broadcast %mul3A_31 : vector<1x64xf32> to vector<10240x64xf32>
    %sub3A_32 = arith.subf %add3A_22, %sub3A : vector<10240x64xf32>
    %jit3A_33 = arith.constant 0.000000e+00 : f32
    %broadcast_in_dim3A_34 = vector.shape_cast %lt3A_24 : vector<10240x1xi1> to vector<10240x1xi1>
    %broadcast_in_dim3A_35 = vector.broadcast %broadcast_in_dim3A_34 : vector<10240x1xi1> to vector<10240x64xi1>
    %broadcast_in_dim3A_36 = vector.broadcast %jit3A_33 : f32 to vector<10240x64xf32>
    %select_n3A_37 = arith.select %broadcast_in_dim3A_35, %sub3A_32, %broadcast_in_dim3A_36 : vector<10240x64xi1>, vector<10240x64xf32>
    %mul3A_38 = arith.mulf %select_n3A_37, %select_n3A_37 : vector<10240x64xf32>
    %reduce_sum3A_39 = arith.constant dense<0.000000e+00> : vector<64xf32>
    %reduce_sum3A_40 = vector.multi_reduction <add>, %mul3A_38, %reduce_sum3A_39 [0] : vector<10240x64xf32> to vector<64xf32>
    %broadcast_in_dim3A_41 = vector.shape_cast %reduce_sum3A_40 : vector<64xf32> to vector<1x64xf32>
    %mul3A_42 = arith.constant 9.99999974E-5 : f32
    %mul3A_43 = vector.broadcast %mul3A_42 : f32 to vector<1x64xf32>
    %mul3A_44 = arith.mulf %broadcast_in_dim3A_41, %mul3A_43 : vector<1x64xf32>
    %add3A_45 = arith.constant 9.99999974E-6 : f32
    %add3A_46 = vector.broadcast %add3A_45 : f32 to vector<1x64xf32>
    %add3A_47 = arith.addf %mul3A_44, %add3A_46 : vector<1x64xf32>
    %rsqrt3A = math.rsqrt %add3A_47 : vector<1x64xf32>
    %mul3A_48 = vector.broadcast %rsqrt3A : vector<1x64xf32> to vector<10240x64xf32>
    %mul3A_49 = arith.mulf %select_n3A_37, %mul3A_48 : vector<10240x64xf32>
    %mul3A_50 = vector.broadcast %get3A_14 : vector<1x64xf32> to vector<10240x64xf32>
    %mul3A_51 = arith.mulf %mul3A_49, %mul3A_50 : vector<10240x64xf32>
    %jit3A_52 = arith.constant 0.000000e+00 : f32
    %broadcast_in_dim3A_53 = vector.shape_cast %lt3A_24 : vector<10240x1xi1> to vector<10240x1xi1>
    %broadcast_in_dim3A_54 = vector.broadcast %broadcast_in_dim3A_53 : vector<10240x1xi1> to vector<10240x64xi1>
    %broadcast_in_dim3A_55 = vector.shape_cast %get3A_17 : vector<1x64xf32> to vector<1x64xf32>
    %broadcast_in_dim3A_56 = vector.broadcast %broadcast_in_dim3A_55 : vector<1x64xf32> to vector<10240x64xf32>
    %broadcast_in_dim3A_57 = vector.broadcast %jit3A_52 : f32 to vector<10240x64xf32>
    %select_n3A_58 = arith.select %broadcast_in_dim3A_54, %broadcast_in_dim3A_56, %broadcast_in_dim3A_57 : vector<10240x64xi1>, vector<10240x64xf32>
    %add3A_59 = arith.addf %mul3A_51, %select_n3A_58 : vector<10240x64xf32>
    %max3A = arith.constant 0.000000e+00 : f32
    %max3A_60 = vector.broadcast %max3A : f32 to vector<10240x64xf32>
    %max3A_61 = arith.maximumf %add3A_59, %max3A_60 : vector<10240x64xf32>
    %get3A_62 = arith.constant 0 : index
    %get3A_63 = arith.constant 0 : index
    %get3A_64 = vector.load %arg6[%get3A_62, %get3A_63] : memref<64x64xf32, #tpu.memory_space<vmem>>, vector<64x64xf32>
    %dot_general3A = arith.constant dense<0.000000e+00> : vector<10240x64xf32>
    %dot_general3A_65 = tpu.matmul %max3A_61, %get3A_64, %dot_general3A {dimension_numbers = #tpu.dot_dimension_numbers<[1], [0], [0], [1], [0, 0, 1, 1], [], []>, transpose_lhs_hint = false} : vector<10240x64xf32>, vector<64x64xf32>, vector<10240x64xf32> -> vector<10240x64xf32>
    %mul3A_66 = arith.mulf %dot_general3A_65, %get3A_1 : vector<10240x64xf32>
    %swap3A = arith.constant 0 : index
    %swap3A_67 = arith.constant 0 : index
    %swap3A_68 = vector.load %arg7[%swap3A, %swap3A_67] : memref<10240x64xf32, #tpu.memory_space<vmem>>, vector<10240x64xf32>
    tpu.vector_store %arg7[%swap3A, %swap3A_67], %mul3A_66 {strides = array<i32>} : memref<10240x64xf32, #tpu.memory_space<vmem>>, vector<10240x64xf32>,
    return
  }
}

module attributes {stable_mosaic.version = 14 : i64} {
  func.func @_tc_final_body(%arg0: memref<2x10240x64xf32, #tpu.memory_space<vmem>>, %arg1: memref<10240x64xf32, #tpu.memory_space<vmem>>, %arg2: memref<10240x64xf32, #tpu.memory_space<vmem>>, %arg3: memref<1x64xf32, #tpu.memory_space<vmem>>, %arg4: memref<1x64xf32, #tpu.memory_space<vmem>>, %arg5: memref<1x64xf32, #tpu.memory_space<vmem>>, %arg6: memref<1x10240xi32, #tpu.memory_space<vmem>>, %arg7: memref<64x32xf32, #tpu.memory_space<vmem>>, %arg8: memref<1x32xf32, #tpu.memory_space<vmem>>, %arg9: memref<32x1xf32, #tpu.memory_space<vmem>>, %arg10: memref<1x1xf32, #tpu.memory_space<vmem>>, %arg11: memref<64x1xf32, #tpu.memory_space<vmem>>) attributes {dimension_semantics = [], scalar_prefetch = 0 : i64, scratch_operands = 0 : i64, tpu.core_type = #tpu.core_type<tc>} {
    %get3A = arith.constant 0 : index
    %get3A_0 = arith.constant 0 : index
    %get3A_1 = arith.constant 0 : index
    %get3A_2 = vector.load %arg0[%get3A, %get3A_0, %get3A_1] : memref<2x10240x64xf32, #tpu.memory_space<vmem>>, vector<2x10240x64xf32>
    %get3A_3 = arith.constant 0 : index
    %get3A_4 = arith.constant 0 : index
    %get3A_5 = vector.load %arg1[%get3A_3, %get3A_4] : memref<10240x64xf32, #tpu.memory_space<vmem>>, vector<10240x64xf32>
    %get3A_6 = arith.constant 0 : index
    %get3A_7 = arith.constant 0 : index
    %get3A_8 = vector.load %arg2[%get3A_6, %get3A_7] : memref<10240x64xf32, #tpu.memory_space<vmem>>, vector<10240x64xf32>
    %get3A_9 = arith.constant 0 : index
    %get3A_10 = arith.constant 0 : index
    %get3A_11 = vector.load %arg3[%get3A_9, %get3A_10] : memref<1x64xf32, #tpu.memory_space<vmem>>, vector<1x64xf32>
    %get3A_12 = arith.constant 0 : index
    %get3A_13 = arith.constant 0 : index
    %get3A_14 = vector.load %arg4[%get3A_12, %get3A_13] : memref<1x64xf32, #tpu.memory_space<vmem>>, vector<1x64xf32>
    %get3A_15 = arith.constant 0 : index
    %get3A_16 = arith.constant 0 : index
    %get3A_17 = vector.load %arg5[%get3A_15, %get3A_16] : memref<1x64xf32, #tpu.memory_space<vmem>>, vector<1x64xf32>
    %slice3A = vector.extract_strided_slice %get3A_2 {offsets = [0, 0, 0], sizes = [1, 10240, 64], strides = [1, 1, 1]} : vector<2x10240x64xf32> to vector<1x10240x64xf32>
    %squeeze3A = vector.shape_cast %slice3A : vector<1x10240x64xf32> to vector<10240x64xf32>
    %slice3A_18 = vector.extract_strided_slice %get3A_2 {offsets = [1, 0, 0], sizes = [1, 10240, 64], strides = [1, 1, 1]} : vector<2x10240x64xf32> to vector<1x10240x64xf32>
    %squeeze3A_19 = vector.shape_cast %slice3A_18 : vector<1x10240x64xf32> to vector<10240x64xf32>
    %add3A = arith.addf %squeeze3A, %squeeze3A_19 : vector<10240x64xf32>
    %add3A_20 = arith.addf %add3A, %get3A_5 : vector<10240x64xf32>
    %mul3A = arith.mulf %add3A_20, %get3A_8 : vector<10240x64xf32>
    %add3A_21 = vector.broadcast %get3A_11 : vector<1x64xf32> to vector<10240x64xf32>
    %add3A_22 = arith.addf %mul3A, %add3A_21 : vector<10240x64xf32>
    %iota3A = tpu.iota {dimensions = array<i32: 0>} : vector<10240x1xi32>
    %lt3A = arith.constant 10000 : i32
    %lt3A_23 = vector.broadcast %lt3A : i32 to vector<10240x1xi32>
    %lt3A_24 = arith.cmpi slt, %iota3A, %lt3A_23 : vector<10240x1xi32>
    %jit3A = arith.constant 0.000000e+00 : f32
    %broadcast_in_dim3A = vector.shape_cast %lt3A_24 : vector<10240x1xi1> to vector<10240x1xi1>
    %broadcast_in_dim3A_25 = vector.broadcast %broadcast_in_dim3A : vector<10240x1xi1> to vector<10240x64xi1>
    %broadcast_in_dim3A_26 = vector.broadcast %jit3A : f32 to vector<10240x64xf32>
    %select_n3A = arith.select %broadcast_in_dim3A_25, %add3A_22, %broadcast_in_dim3A_26 : vector<10240x64xi1>, vector<10240x64xf32>
    %reduce_sum3A = arith.constant dense<0.000000e+00> : vector<64xf32>
    %reduce_sum3A_27 = vector.multi_reduction <add>, %select_n3A, %reduce_sum3A [0] : vector<10240x64xf32> to vector<64xf32>
    %broadcast_in_dim3A_28 = vector.shape_cast %reduce_sum3A_27 : vector<64xf32> to vector<1x64xf32>
    %mul3A_29 = arith.constant 9.99999974E-5 : f32
    %mul3A_30 = vector.broadcast %mul3A_29 : f32 to vector<1x64xf32>
    %mul3A_31 = arith.mulf %broadcast_in_dim3A_28, %mul3A_30 : vector<1x64xf32>
    %sub3A = vector.broadcast %mul3A_31 : vector<1x64xf32> to vector<10240x64xf32>
    %sub3A_32 = arith.subf %add3A_22, %sub3A : vector<10240x64xf32>
    %jit3A_33 = arith.constant 0.000000e+00 : f32
    %broadcast_in_dim3A_34 = vector.shape_cast %lt3A_24 : vector<10240x1xi1> to vector<10240x1xi1>
    %broadcast_in_dim3A_35 = vector.broadcast %broadcast_in_dim3A_34 : vector<10240x1xi1> to vector<10240x64xi1>
    %broadcast_in_dim3A_36 = vector.broadcast %jit3A_33 : f32 to vector<10240x64xf32>
    %select_n3A_37 = arith.select %broadcast_in_dim3A_35, %sub3A_32, %broadcast_in_dim3A_36 : vector<10240x64xi1>, vector<10240x64xf32>
    %mul3A_38 = arith.mulf %select_n3A_37, %select_n3A_37 : vector<10240x64xf32>
    %reduce_sum3A_39 = arith.constant dense<0.000000e+00> : vector<64xf32>
    %reduce_sum3A_40 = vector.multi_reduction <add>, %mul3A_38, %reduce_sum3A_39 [0] : vector<10240x64xf32> to vector<64xf32>
    %broadcast_in_dim3A_41 = vector.shape_cast %reduce_sum3A_40 : vector<64xf32> to vector<1x64xf32>
    %mul3A_42 = arith.constant 9.99999974E-5 : f32
    %mul3A_43 = vector.broadcast %mul3A_42 : f32 to vector<1x64xf32>
    %mul3A_44 = arith.mulf %broadcast_in_dim3A_41, %mul3A_43 : vector<1x64xf32>
    %add3A_45 = arith.constant 9.99999974E-6 : f32
    %add3A_46 = vector.broadcast %add3A_45 : f32 to vector<1x64xf32>
    %add3A_47 = arith.addf %mul3A_44, %add3A_46 : vector<1x64xf32>
    %rsqrt3A = math.rsqrt %add3A_47 : vector<1x64xf32>
    %mul3A_48 = vector.broadcast %rsqrt3A : vector<1x64xf32> to vector<10240x64xf32>
    %mul3A_49 = arith.mulf %select_n3A_37, %mul3A_48 : vector<10240x64xf32>
    %mul3A_50 = vector.broadcast %get3A_14 : vector<1x64xf32> to vector<10240x64xf32>
    %mul3A_51 = arith.mulf %mul3A_49, %mul3A_50 : vector<10240x64xf32>
    %jit3A_52 = arith.constant 0.000000e+00 : f32
    %broadcast_in_dim3A_53 = vector.shape_cast %lt3A_24 : vector<10240x1xi1> to vector<10240x1xi1>
    %broadcast_in_dim3A_54 = vector.broadcast %broadcast_in_dim3A_53 : vector<10240x1xi1> to vector<10240x64xi1>
    %broadcast_in_dim3A_55 = vector.shape_cast %get3A_17 : vector<1x64xf32> to vector<1x64xf32>
    %broadcast_in_dim3A_56 = vector.broadcast %broadcast_in_dim3A_55 : vector<1x64xf32> to vector<10240x64xf32>
    %broadcast_in_dim3A_57 = vector.broadcast %jit3A_52 : f32 to vector<10240x64xf32>
    %select_n3A_58 = arith.select %broadcast_in_dim3A_54, %broadcast_in_dim3A_56, %broadcast_in_dim3A_57 : vector<10240x64xi1>, vector<10240x64xf32>
    %add3A_59 = arith.addf %mul3A_51, %select_n3A_58 : vector<10240x64xf32>
    %max3A = arith.constant 0.000000e+00 : f32
    %max3A_60 = vector.broadcast %max3A : f32 to vector<10240x64xf32>
    %max3A_61 = arith.maximumf %add3A_59, %max3A_60 : vector<10240x64xf32>
    %iota3A_62 = tpu.iota {dimensions = array<i32: 0>} : vector<64x10240xi32>
    %get3A_63 = arith.constant 0 : index
    %get3A_64 = arith.constant 0 : index
    %get3A_65 = vector.load %arg6[%get3A_63, %get3A_64] : memref<1x10240xi32, #tpu.memory_space<vmem>>, vector<1x10240xi32>
    %eq3A = vector.broadcast %get3A_65 : vector<1x10240xi32> to vector<64x10240xi32>
    %eq3A_66 = arith.cmpi eq, %iota3A_62, %eq3A : vector<64x10240xi32>
    %convert_element_type3A = arith.extui %eq3A_66 : vector<64x10240xi1> to vector<64x10240xi32>
    %convert_element_type3A_67 = arith.sitofp %convert_element_type3A : vector<64x10240xi32> to vector<64x10240xf32>
    %dot_general3A = arith.constant dense<0.000000e+00> : vector<64x64xf32>
    %dot_general3A_68 = tpu.matmul %convert_element_type3A_67, %max3A_61, %dot_general3A {dimension_numbers = #tpu.dot_dimension_numbers<[1], [0], [0], [1], [0, 0, 1, 1], [], []>, transpose_lhs_hint = false} : vector<64x10240xf32>, vector<10240x64xf32>, vector<64x64xf32> -> vector<64x64xf32>
    %reduce_sum3A_69 = arith.constant dense<0.000000e+00> : vector<64xf32>
    %reduce_sum3A_70 = vector.multi_reduction <add>, %convert_element_type3A_67, %reduce_sum3A_69 [1] : vector<64x10240xf32> to vector<64xf32>
    %broadcast_in_dim3A_71 = vector.shape_cast %reduce_sum3A_70 : vector<64xf32> to vector<64x1xf32>
    %max3A_72 = arith.constant 1.000000e+00 : f32
    %max3A_73 = vector.broadcast %max3A_72 : f32 to vector<64x1xf32>
    %max3A_74 = arith.maximumf %broadcast_in_dim3A_71, %max3A_73 : vector<64x1xf32>
    %div3A = vector.broadcast %max3A_74 : vector<64x1xf32> to vector<64x64xf32>
    %div3A_75 = arith.divf %dot_general3A_68, %div3A : vector<64x64xf32>
    %get3A_76 = arith.constant 0 : index
    %get3A_77 = arith.constant 0 : index
    %get3A_78 = vector.load %arg7[%get3A_76, %get3A_77] : memref<64x32xf32, #tpu.memory_space<vmem>>, vector<64x32xf32>
    %dot_general3A_79 = arith.constant dense<0.000000e+00> : vector<64x32xf32>
    %dot_general3A_80 = tpu.matmul %div3A_75, %get3A_78, %dot_general3A_79 {dimension_numbers = #tpu.dot_dimension_numbers<[1], [0], [0], [1], [0, 0, 1, 1], [], []>, transpose_lhs_hint = false} : vector<64x64xf32>, vector<64x32xf32>, vector<64x32xf32> -> vector<64x32xf32>
    %get3A_81 = arith.constant 0 : index
    %get3A_82 = arith.constant 0 : index
    %get3A_83 = vector.load %arg8[%get3A_81, %get3A_82] : memref<1x32xf32, #tpu.memory_space<vmem>>, vector<1x32xf32>
    %add3A_84 = vector.broadcast %get3A_83 : vector<1x32xf32> to vector<64x32xf32>
    %add3A_85 = arith.addf %dot_general3A_80, %add3A_84 : vector<64x32xf32>
    %max3A_86 = arith.constant 0.000000e+00 : f32
    %max3A_87 = vector.broadcast %max3A_86 : f32 to vector<64x32xf32>
    %max3A_88 = arith.maximumf %add3A_85, %max3A_87 : vector<64x32xf32>
    %get3A_89 = arith.constant 0 : index
    %get3A_90 = arith.constant 0 : index
    %get3A_91 = vector.load %arg9[%get3A_89, %get3A_90] : memref<32x1xf32, #tpu.memory_space<vmem>>, vector<32x1xf32>
    %dot_general3A_92 = arith.constant dense<0.000000e+00> : vector<64x1xf32>
    %dot_general3A_93 = tpu.matmul %max3A_88, %get3A_91, %dot_general3A_92 {dimension_numbers = #tpu.dot_dimension_numbers<[1], [0], [0], [1], [0, 0, 1, 1], [], []>, transpose_lhs_hint = false} : vector<64x32xf32>, vector<32x1xf32>, vector<64x1xf32> -> vector<64x1xf32>
    %get3A_94 = arith.constant 0 : index
    %get3A_95 = arith.constant 0 : index
    %get3A_96 = vector.load %arg10[%get3A_94, %get3A_95] : memref<1x1xf32, #tpu.memory_space<vmem>>, vector<1x1xf32>
    %add3A_97 = vector.broadcast %get3A_96 : vector<1x1xf32> to vector<64x1xf32>
    %add3A_98 = arith.addf %dot_general3A_93, %add3A_97 : vector<64x1xf32>
    %swap3A = arith.constant 0 : index
    %swap3A_99 = arith.constant 0 : index
    %swap3A_100 = vector.load %arg11[%swap3A, %swap3A_99] : memref<64x1xf32, #tpu.memory_space<vmem>>, vector<64x1xf32>
    tpu.vector_store %arg11[%swap3A, %swap3A_99], %add3A_98 {strides = array<i32>} : memref<64x1xf32, #tpu.memory_space<vmem>>, vector<64x1xf32>,
    return
  }
}

</mosaic_0001>

<sc_bundles>
// kernel: kernel.11.cloned.1.call-start
scs
__scs_entry_jumppad:
0x0: {  	(pc) =	sbr.rel $0x88, $3  }
0x1: {  	(tag) =	ssettag $0x0;
	lr =	simm.s32 $0x1  }
0x2: {  	[smem:$0x3F92] =	sst lr;
	_ =	strace $0xD0000000  }
0x3: {  	_ = 	snop  }
0x4: {  	_ = 	snop  }
0x5: {  	_ = 	snop  }
0x6: {  	_ = 	snop  }
0x7: {  	_ = 	snop  }
__scs_overlays_trampoline_lowered:
0x8: {  	[smem:$0x3FA1] =	sst s0  }
0x9: {  	[smem:$0x3FA2] =	sst s1  }
0xa: {  	[smem:$0x3FA3] =	sst s2  }
0xb: {  	[smem:$0x3FA4] =	sst s3  }
0xc: {  	[smem:$0x3FA5] =	sst s4  }
0xd: {  	[smem:$0x3FA6] =	sst s5  }
0xe: {  	[smem:$0x3FA7] =	sst s6  }
0xf: {  	[smem:$0x3FA8] =	sst s7  }
0x10: {  	[smem:$0x3FA9] =	sst s8  }
0x11: {  	[smem:$0x3FAA] =	sst s9;
	s0 =	simm.s32 @!p0 $0x0  }
0x12: {  	s1 =	sld [smem:$0x3F90];
	s0 =	simm.s32 @p0 $0x1  }
0x13: {  	[smem:$0x3FAB] =	sst s0;
	s0 =	simm.s32 @!p1 $0x0  }
0x14: {  	s2 =	sld [smem:$0x3F8F];
	s0 =	simm.s32 @p1 $0x1  }
0x15: {  	[smem:$0x3FAC] =	sst s0;
	s0 =	simm.s32 @!p2 $0x0  }
0x16: {  	s3 =	sld [smem:$0x3FDB];
	s0 =	simm.s32 @p2 $0x1  }
0x17: {  	s4 =	simm.s32 $0x1BF5;
	[smem:$0x3FAE] =	sst s0  }
0x18: {  	s0 =	sld [smem:$0x3F91];
	_ =	swait.ge [sflag:s4], $0x0  }
0x19: {  	s7 =	sld [smem:$0x3F92]  }
0x1a: {  	s8 =	sadd.s32 $0xFFFFE003, lr  }
0x1b: {  	s9 =	sadd.s32 $0xFFFFFEF7, lr;
	s5 =	simm.s32 $0xFFFFFFFF;
	p2 =	slt.u32 s8, $0xFFFFF086  }
0x1c: {  	p1 =	slt.u32 s9, $0xF7A;
	s5 =	simm.s32 @!p2 $0x0  }
0x1d: {  	s5 =	simm.s32 @p1 $0x1;
	p0 =	seq.s32 s7, s2  }
0x1e: {  	s7 =	smul.u32 @!p0 $0xF7A, s2;
	p2 =	seq.s32 @!p0 s5, $0x0  }
0x1f: {  	s9 =	smul.u32 $0xF7A, s1;
	s8 =	simm.s32 @!p0 $0x1BF5;
	p2 =	por !p2, p0  }
0x20: {  	[sflag:s8] =	ssyncset.s32 @!p0 $0xFFFFF086;
	s6 =	sadd.s32 @!p0 s3, s7;
	s7 =	simm.s32 @!p0 $0x108  }
0x21: {  	s3 =	sadd.s32 s3, s9;
	s6 =	sadd.s32 @!p0 $0x88, s6;
	s7 =	simm.s32 @p2 $0x1082  }
0x22: {  	[simem:s7], [sflag:s8] =	dma.local @!p0 [hbm:s6], $0xF7A  }
0x23: {  	s9 =	sor.u32 $0xD0000000, s2;
	s6 =	simm.s32 $0x108;
	_ =	swait.ge @!p0 [sflag:s8], $0x0  }
0x24: {  	s3 =	sadd.s32 $0x88, s3;
	s6 =	simm.s32 @!p1 $0x1082;
	[sflag:s4] =	ssyncset.s32 $0xFFFFF086  }
0x25: {  	[simem:s6], [sflag:s4] =	dma.local [hbm:s3], $0xF7A  }
0x26: {  	[smem:$0x3F92] =	sst s1;
	(tag) =	ssettag s2;
	_ =	strace s9  }
0x27: {  	s1 =	sld [smem:$0x3FA2]  }
0x28: {  	s2 =	sld [smem:$0x3FA3]  }
0x29: {  	s4 =	sld [smem:$0x3FA5]  }
0x2a: {  	p0 =	seq.s32 s5, $0x0;
	s5 =	sld [smem:$0x3FA6]  }
0x2b: {  	s6 =	sld [smem:$0x3FA7]  }
0x2c: {  	s7 =	sld [smem:$0x3FA8]  }
0x2d: {  	s3 =	simm.s32 $0x108;
	s8 =	sld [smem:$0x3FA9]  }
0x2e: {  	s3 =	simm.s32 @!p0 $0x1082;
	s9 =	sld [smem:$0x3FAA]  }
0x2f: {  	lr =	sadd.s32 s0, s3;
	s0 =	sld [smem:$0x3FA1]  }
0x30: {  	s3 =	sld [smem:$0x3FA4]  }
0x31: {  	[smem:$0x3FAD] =	sst s10  }
0x32: {  	s10 =	sld [smem:$0x3FAB];
	_ =	sdelay $0x3  }
0x33: {  	p0 =	seq.s32 s10, $0x1;
	s10 =	sld [smem:$0x3FAD];
	_ =	sdelay $0x3  }
0x34: {  	[smem:$0x3FAD] =	sst s10  }
0x35: {  	s10 =	sld [smem:$0x3FAC];
	_ =	sdelay $0x3  }
0x36: {  	p1 =	seq.s32 s10, $0x1;
	s10 =	sld [smem:$0x3FAD];
	_ =	sdelay $0x3  }
0x37: {  	[smem:$0x3FAD] =	sst s10  }
0x38: {  	s10 =	sld [smem:$0x3FAE]  }
0x39: {  	_ = 	snop;
	(pc) =	sbr.ind lr, $3  }
0x3a: {  	_ = 	snop  }
0x3b: {  	_ = 	snop  }
0x3c: {  	p2 =	seq.s32 s10, $0x1;
	s10 =	sld [smem:$0x3FAD]  }
0x3d: {  	_ =	shalt  }
0x3e: {  	_ =	shalt  }
0x3f: {  	_ =	shalt  }
0x40: {  	_ =	shalt  }
0x41: {  	_ =	shalt  }
0x42: {  	_ =	shalt  }
0x43: {  	_ =	shalt  }
0x44: {  	_ =	shalt  }
0x45: {  	_ =	shalt  }
0x46: {  	_ =	shalt  }
0x47: {  	_ =	shalt  }
0x48: {  	_ =	shalt  }
0x49: {  	_ =	shalt  }
0x4a: {  	_ =	shalt  }
0x4b: {  	_ =	shalt  }
0x4c: {  	_ =	shalt  }
0x4d: {  	_ =	shalt  }
0x4e: {  	_ =	shalt  }
0x4f: {  	_ =	shalt  }
0x50: {  	_ =	shalt  }
0x51: {  	_ =	shalt  }
0x52: {  	_ =	shalt  }
0x53: {  	_ =	shalt  }
0x54: {  	_ =	shalt  }
0x55: {  	_ =	shalt  }
0x56: {  	_ =	shalt  }
0x57: {  	_ =	shalt  }
0x58: {  	_ =	shalt  }
0x59: {  	_ =	shalt  }
0x5a: {  	_ =	shalt  }
0x5b: {  	_ =	shalt  }
0x5c: {  	_ =	shalt  }
0x5d: {  	_ =	shalt  }
0x5e: {  	_ =	shalt  }
0x5f: {  	_ =	shalt  }
0x60: {  	_ =	shalt  }
0x61: {  	_ =	shalt  }
0x62: {  	_ =	shalt  }
0x63: {  	_ =	shalt  }
0x64: {  	_ =	shalt  }
0x65: {  	_ =	shalt  }
0x66: {  	_ =	shalt  }
0x67: {  	_ =	shalt  }
0x68: {  	_ =	shalt  }
0x69: {  	_ =	shalt  }
0x6a: {  	_ =	shalt  }
0x6b: {  	_ =	shalt  }
0x6c: {  	_ =	shalt  }
0x6d: {  	_ =	shalt  }
0x6e: {  	_ =	shalt  }
0x6f: {  	_ =	shalt  }
0x70: {  	_ =	shalt  }
0x71: {  	_ =	shalt  }
0x72: {  	_ =	shalt  }
0x73: {  	_ =	shalt  }
0x74: {  	_ =	shalt  }
0x75: {  	_ =	shalt  }
0x76: {  	_ =	shalt  }
0x77: {  	_ =	shalt  }
0x78: {  	_ =	shalt  }
0x79: {  	_ =	shalt  }
0x7a: {  	_ =	shalt  }
0x7b: {  	_ =	shalt  }
0x7c: {  	_ =	shalt  }
0x7d: {  	_ =	shalt  }
0x7e: {  	_ =	shalt  }
0x7f: {  	_ =	shalt  }
0x80: {  	_ =	shalt  }
0x81: {  	_ =	shalt  }
0x82: {  	_ =	shalt  }
0x83: {  	_ =	shalt  }
0x84: {  	_ =	shalt  }
0x85: {  	_ =	shalt  }
0x86: {  	_ =	shalt  }
0x87: {  	_ =	shalt  }
.Lfunc_end0:
.L_simem_size_0:
called_computation.1_lowered:
.L_overlay_start_0:
0x88: {  	s2 =	sld [smem:$0x3FD9]  }
0x89: {  	s3 =	sld [smem:$0x3FFE];
	_ =	sdelay $0x1  }
0x8a: {  	s1 =	srdreg.scid  }
0x8b: {  	s0 =	sand.u32 $0x1, s1  }
0x8c: {  	s16 =	sshll.u32 s0, $0xA;
	s2 =	sadd.s32 s3, s2  }
0x8d: {  	s2 =	sadd.s32 s2, s16  }
0x8e: {  	[smem:$0x3FB9] =	sst s2  }
0x8f: {  	_ = 	snop  }
0x90: {  	(tm) =	ssettm $0x1  }
0x91: {  	s17 =	sld [smem:$0x3FFB];
	_ =	sdelay $0x3  }
0x92: {  	_ =	strace s17  }
0x93: {  	s2 =	sld [smem:$0x3FFC];
	_ =	sdelay $0x3  }
0x94: {  	_ =	strace s2  }
0x95: {  	s2 =	sld [smem:$0x3FFD];
	_ =	sdelay $0x3  }
0x96: {  	_ =	strace s2  }
0x97: {  	_ =	strace $0x8FFFFFFF  }
0x98: {  	s18 =	sld [smem:$0x3FDB];
	_ =	sdelay $0x1  }
0x99: {  	s19 =	simm.s32 $_scs_section_size  }
0x9a: {  	s4 =	simm.s32 $_size__tile_overlayer_lowered;
	s5 =	simm.s32 $_tile_overlayer_lowered  }
0x9b: {  	s22 =	simm.s32 $0x1BFF;
	s21 =	sshll.u32 s5, $0x1;
	s2 =	sadd.s32 s19, s18  }
0x9c: {  	s6 =	simm.s32 $0x0;
	s20 =	sshll.u32 s4, $0x1;
	s4 =	sadd.s32 s21, s2  }
0x9d: {  	[timem:s6], [sflag:s22] =	dma.local [hbm:s4], s20  }
0x9e: {  	_ =	swait.ge [sflag:s22], s20  }
0x9f: {  	s3 =	ssub.s32 $0x0, s20;
	[sflag:s22] =	ssyncset.done $0x0  }
0xa0: {  	[sflag:s22] =	ssyncadd.s32 s3;
	_ =	sdelay $0x1  }
0xa1: {  	s23 =	simm.s32 $0x1B8B  }
0xa2: {  	_ =	swait.ge [sflag:s23], $0x1  }
0xa3: {  	[sflag:s23] =	ssyncset.done $0x0  }
0xa4: {  	s25 =	simm.s32 $0x1B8E;
	s24 =	sld [smem:$0x3FFE];
	[sflag:s23] =	ssyncadd.s32 $0xFFFFFFFF  }
0xa5: {  	s26 =	simm.s32 $execute0_lowered;
	[smem:$0x3FD2] =	sst s25  }
0xa6: {  	s4 =	sshll.u32 s26, $0x1;
	_ =	strace $0x80000049;
	[dreg:$0x1] =	wrdreg $0xFFFFFFFF  }
0xa7: {  	s28 =	simm.s32 $_size_execute0_lowered;
	s2 =	sadd.s32 s2, s4;
	[dreg:$0x0] =	wrdreg $0x0  }
0xa8: {  	s4 =	sshll.u32 s28, $0x1;
	[dreg:$0x2] =	wrdreg s2  }
0xa9: {  	[dreg:$0x3] =	wrdreg s4  }
0xaa: {  	[dreg:$0x4] =	wrdreg $0xC0  }
0xab: {  	_ =	task [dreg:s6], $0x5FFFF  }
0xac: {  	[dreg:$0x1] =	wrdreg $0xFFFFFFFF  }
0xad: {  	[dreg:$0x0] =	wrdreg $0x60  }
0xae: {  	[dreg:$0x2] =	wrdreg s24  }
0xaf: {  	[dreg:$0x3] =	wrdreg $0x150000  }
0xb0: {  	[dreg:$0x4] =	wrdreg $0x9  }
0xb1: {  	_ =	task.clear_ibuf [dreg:s6], $0x5FFFF;
	_ =	strace $0x90000049  }
0xb2: {  	s29 =	simm.s32 $0x9;
	_ =	strace $0x8000004B  }
0xb3: {  	_ =	swait.ge [sflag:s29], $0x1  }
0xb4: {  	[sflag:s29] =	ssyncadd.s32 $0xFFFFFFFF  }
0xb5: {  	_ =	strace $0x9000004B  }
0xb6: {  	_ =	sfence  }
0xb7: {  	s30 =	sld [smem:$0x0];
	_ =	sdelay $0x2  }
0xb8: {  	s31 =	sshll.u32 s1, $0xD;
	s1 =	sshrl.u32 s1, $0x2  }
0xb9: {  	s3 =	sand.u32 $0x4000, s31;
	s1 =	sadd.s32 s1, s30  }
0xba: {  	s0 =	sor.u32 s3, s0;
	s1 =	sshll.u32 s1, $0x11  }
0xbb: {  	s0 =	sor.u32 s1, s0  }
0xbc: {  	s0 =	sadd.s32 $0x8F2B, s0  }
0xbd: {  	[sflag:s0] =	ssyncadd.remote.s32 $0x1  }
0xbe: {  	_ =	sfence.sel $0xFFFF  }
0xbf: {  	[dreg:$0x0] =	wrdreg $0xFFFFFFFF;
	(pc) =	sbr.abs _section_cstart, $3  }
0xc0: {  	[dreg:$0x1] =	wrdreg $0xFFFFFFFF  }
0xc1: {  	_ =	task.clear_ibuf [dreg:s6], $0x2FFFF;
	_ =	strace $0x9FFFFFFF  }
0xc2: {  	(tm) =	ssettm $0x7FFFFFFF  }
0xc3: {  	_ =	shalt  }
tec
execute0_lowered:
.L_overlay_start_1:
0x0: {  	(tag) =	ssettag $0x1  }
0x1: {  	s0 =	srdreg.scid  }
0x2: {  	s8 =	stileid.u32;
	s3 =	rddreg [dreg:$0x0]  }
0x3: {  	s2 =	rddreg [dreg:$0x1];
	s4 =	simm.s32 $0x0;
	s12 =	simm.s32 $0x11  }
0x4: {  	s14 =	simm.s32 $0x80;
	s15 =	simm.s32 $0x5000;
	s16 =	simm.s32 $0x7000  }
0x5: {  	s18 =	simm.s32 $0x9000;
	s20 =	simm.s32 $0xB000;
	s22 =	simm.s32 $0xD000  }
0x6: {  	s28 =	simm.s32 $0x13000;
	s29 =	simm.s32 $0x2;
	s30 =	simm.s32 $0x3  }
0x7: {  	s31 =	simm.s32 $0x4;
	s13 =	simm.s32 $0x7;
	s17 =	simm.s32 $0x8  }
0x8: {  	s19 =	simm.s32 $0x9;
	s21 =	simm.s32 $0xA;
	s0 =	sand.u32 $0x1, s0  }
0x9: {  	s1 =	sshll.u32 s8, $0x1;
	s5 =	smul.u32 $0xA000, s8;
	[smem:$0x7FF] =	sst s4  }
0xa: {  	s4 =	sadd.s32 $0x16E00, s3;
	s24 =	sshll.u32 s8, $0x6;
	s8 =	simm.s32 $0xE  }
0xb: {  	s1 =	sor.u32 s0, s1;
	s6 =	smul.u32 $0xA0000, s0;
	_ =	strace $0x8000004A  }
0xc: {  	s0 =	ssub.s32 $0x2, s0;
	s9 =	sor.u32 $0x1C11, s24;
	s24 =	simm.s32 $0xF000  }
0xd: {  	s1 =	smul.u32 $0x2800, s1;
	s7 =	sshrl.u32 s5, $0x3;
	s23 =	sshrl.u32 s0, $0x1  }
0xe: {  	[dreg:$0x4] =	wrdreg s9;
	s6 =	sadd.s32 s5, s6;
	s7 =	sadd.s32 s7, s3  }
0xf: {  	s0 =	ssub.s32 s0, s23;
	s5 =	sadd.s32 s5, s2;
	s23 =	simm.s32 $0xB  }
0x10: {  	s1 =	sshrl.u32 s1, $0x3;
	s6 =	sshrl.u32 s6, $0x3;
	s7 =	sadd.s32 $0x2AE00, s7  }
0x11: {  	s0 =	smax.u32 s0, $0x1;
	s10 =	sshrl.u32 s5, $0x3;
	[dreg:$0x3] =	wrdreg s7  }
0x12: {  	s5 =	simm.s32 $0xC;
	s1 =	sadd.s32 s1, s3;
	[dreg:$0x8] =	wrdreg s0  }
.Ltmp0:
0x13: {  	[dreg:$0x9] =	wrdreg s10;
	s25 =	sadd.s32 $0x2E00, s1;
	(pc) =	sbr.rel .LBB2_1-.Ltmp0, $4  }
0x14: {  	s3 =	sadd.s32 s6, s3;
	s1 =	sadd.s32 $0xCE00, s1;
	[dreg:$0x5] =	wrdreg s25  }
0x15: {  	s0 =	simm.s32 $0x6;
	s26 =	sadd.s32 $0x3EE00, s3;
	[dreg:$0x6] =	wrdreg s1  }
0x16: {  	s7 =	simm.s32 $0xD;
	s3 =	simm.s32 $0x0;
	[dreg:$0x7] =	wrdreg s26  }
0x17: {  	s25 =	simm.s32 $0x11000;
	s26 =	simm.s32 $0x1;
	s1 =	simm.s32 $0x5  }
.LBB2_6:
0x18: {  	_ =	swait.ge [sflag:s19], $0x2000  }
0x19: {  	[sflag:s19] =	ssyncset.done $0x0  }
0x1a: {  	[sflag:s19] =	ssyncadd.s32 $0xFFFFE000  }
0x1b: {  	_ =	swait.ge [sflag:s21], $0x2000  }
0x1c: {  	[sflag:s21] =	ssyncset.done $0x0  }
0x1d: {  	[sflag:s21] =	ssyncadd.s32 $0xFFFFE000  }
0x1e: {  	_ =	swait.ge [sflag:s23], $0x2000  }
0x1f: {  	[sflag:s23] =	ssyncset.done $0x0  }
0x20: {  	[sflag:s23] =	ssyncadd.s32 $0xFFFFE000  }
0x21: {  	_ =	swait.ge [sflag:s5], $0x2000  }
0x22: {  	[sflag:s5] =	ssyncset.done $0x0  }
0x23: {  	[sflag:s5] =	ssyncadd.s32 $0xFFFFE000  }
0x24: {  	_ =	swait.ge [sflag:s7], $0x2000  }
0x25: {  	[sflag:s7] =	ssyncset.done $0x0  }
0x26: {  	[sflag:s7] =	ssyncadd.s32 $0xFFFFE000  }
0x27: {  	_ =	swait.ge [sflag:s8], $0x2000  }
0x28: {  	[sflag:s8] =	ssyncset.done $0x0  }
0x29: {  	s6 =	simm.s32 $0xF;
	[sflag:s8] =	ssyncadd.s32 $0xFFFFE000  }
0x2a: {  	_ =	swait.ge [sflag:s6], $0x2000  }
0x2b: {  	[sflag:s6] =	ssyncset.done $0x0  }
0x2c: {  	s10 =	simm.s32 $0x10;
	[sflag:s6] =	ssyncadd.s32 $0xFFFFE000  }
0x2d: {  	_ =	swait.ge [sflag:s10], $0x2000  }
0x2e: {  	[sflag:s10] =	ssyncset.done $0x0  }
0x2f: {  	[sflag:s10] =	ssyncadd.s32 $0xFFFFE000  }
0x30: {  	[bflag:$0x0] =	sbarrier.arrive $0xFFFF  }
0x31: {  	s9 =	rddreg [dreg:$0x4]  }
0x32: {  	s11 =	rddreg [dreg:$0x7]  }
0x33: {  	s10 =	rddreg [dreg:$0x9]  }
0x34: {  	[hbm:s11], [sflag:s9] =	dma.local [spmem:s10], $0x1400  }
0x35: {  	_ =	swait.ge [sflag:s12], $0x1400  }
0x36: {  	s3 =	sadd.s32 $0x1, s3;
	s11 =	rddreg [dreg:$0x8]  }
0x37: {  	p0 =	sne.s32 s3, s11  }
.Ltmp1:
0x38: {  	_ = 	snop;
	(pc) =	sbr.rel @!p0 .LBB2_7-.Ltmp1, $3  }
0x39: {  	_ =	sdelay $0x1  }
0x3a: {  	[sflag:s12] =	ssyncset.done $0x0  }
0x3b: {  	[sflag:s12] =	ssyncadd.s32 $0xFFFFEC00  }
.LBB2_1:
0x3c: {  	s6 =	rddreg [dreg:$0x3]  }
0x3d: {  	[spmem:s10], [sflag:s9] =	dma.local [hbm:s6], $0x1400  }
0x3e: {  	_ =	swait.ge [sflag:s12], $0x1400  }
0x3f: {  	[sflag:s12] =	ssyncset.done $0x0  }
0x40: {  	[sflag:s12] =	ssyncadd.s32 $0xFFFFEC00  }
0x41: {  	[bflag:$0x0] =	sbarrier.arrive $0xFFFF  }
0x42: {  	s6 =	simm.s32 $0x0;
	s11 =	rddreg [dreg:$0x5]  }
0x43: {  	[tilespmem:s6], [sflag:$0x11] =	stream.linear.gather [hbm4b:s11+s6], $0x2800, $0x38;
	[tilespmem:$0x1F000] =	vst v63  }
0x44: {  	_ =	swait.ge [sflag:s12], $0x2800  }
0x45: {  	[sflag:s12] =	ssyncset.done $0x0  }
0x46: {  	s11 =	simm.s32 $0x2800;
	s10 =	rddreg [dreg:$0x6];
	[sflag:s12] =	ssyncadd.s32 $0xFFFFD800  }
0x47: {  	[tilespmem:s11], [sflag:$0x11] =	stream.linear.gather [hbm4b:s10+s6], $0x2800, $0x38;
	[tilespmem:$0x1F000] =	vst v63  }
0x48: {  	_ =	swait.ge [sflag:s12], $0x2800  }
0x49: {  	[sflag:s12] =	ssyncset.done $0x0  }
0x4a: {  	[sflag:s12] =	ssyncadd.s32 $0xFFFFD800  }
0x4b: {  	[tilespmem:s15], [sflag:$0x1] =	stream.indirect.gather [hbm4b:s4+s14], $0x40, s6, s14, $0xb8;
	[tilespmem:$0x1F000] =	vst v63  }
0x4c: {  	_ = 	snop  }
0x4d: {  	[tilespmem:s16], [sflag:$0x2] =	stream.indirect.gather [hbm4b:s4+s14], $0x40, s14, s14, $0xb8;
	[tilespmem:$0x1F000] =	vst v63  }
0x4e: {  	s11 =	simm.s32 $0x100  }
0x4f: {  	[tilespmem:s18], [sflag:$0x3] =	stream.indirect.gather [hbm4b:s4+s14], $0x40, s11, s14, $0xb8;
	[tilespmem:$0x1F000] =	vst v63  }
0x50: {  	s9 =	simm.s32 $0x180  }
0x51: {  	[tilespmem:s20], [sflag:$0x4] =	stream.indirect.gather [hbm4b:s4+s14], $0x40, s9, s14, $0xb8;
	[tilespmem:$0x1F000] =	vst v63  }
.Ltmp2:
0x52: {  	_ = 	snop;
	(pc) =	sbr.rel .LBB2_2-.Ltmp2, $4  }
0x53: {  	s10 =	simm.s32 $0x200  }
0x54: {  	[tilespmem:s22], [sflag:$0x5] =	stream.indirect.gather [hbm4b:s4+s14], $0x40, s10, s14, $0xb8;
	[tilespmem:$0x1F000] =	vst v63  }
0x55: {  	s11 =	simm.s32 $0x280;
	s9 =	simm.s32 $0x0  }
0x56: {  	[tilespmem:s24], [sflag:$0x6] =	stream.indirect.gather [hbm4b:s4+s14], $0x40, s11, s14, $0xb8;
	[tilespmem:$0x1F000] =	vst v63  }
.LBB2_4:
0x57: {  	_ =	swait.ge [sflag:s30], $0x2000  }
0x58: {  	[sflag:s30] =	ssyncset.done $0x0  }
0x59: {  	[sflag:s30] =	ssyncadd.s32 $0xFFFFE000  }
0x5a: {  	[spmem:s2] =	stream.indirect.scatter.add.f32 [tilespmem:s18], [sflag:$0xB], $0x40, s6, s14, $0xb8;
	[tilespmem:$0x1F000] =	vst v63  }
0x5b: {  	_ =	swait.ge [sflag:s31], $0x2000  }
0x5c: {  	[sflag:s31] =	ssyncset.done $0x0  }
0x5d: {  	s11 =	sadd.s32 $0x2980, s10;
	[sflag:s31] =	ssyncadd.s32 $0xFFFFE000  }
0x5e: {  	[spmem:s2] =	stream.indirect.scatter.add.f32 [tilespmem:s20], [sflag:$0xC], $0x40, s11, s14, $0xb8;
	[tilespmem:$0x1F000] =	vst v63  }
0x5f: {  	_ =	swait.ge [sflag:s1], $0x2000  }
0x60: {  	[sflag:s1] =	ssyncset.done $0x0  }
0x61: {  	s11 =	sadd.s32 $0x2A00, s10;
	[sflag:s1] =	ssyncadd.s32 $0xFFFFE000  }
0x62: {  	[spmem:s2] =	stream.indirect.scatter.add.f32 [tilespmem:s22], [sflag:$0xD], $0x40, s11, s14, $0xb8;
	[tilespmem:$0x1F000] =	vst v63  }
0x63: {  	_ =	swait.ge [sflag:s0], $0x2000  }
0x64: {  	[sflag:s0] =	ssyncset.done $0x0  }
0x65: {  	s11 =	sadd.s32 $0x2A80, s10;
	[sflag:s0] =	ssyncadd.s32 $0xFFFFE000  }
0x66: {  	[spmem:s2] =	stream.indirect.scatter.add.f32 [tilespmem:s24], [sflag:$0xE], $0x40, s11, s14, $0xb8;
	[tilespmem:$0x1F000] =	vst v63  }
0x67: {  	_ =	swait.ge [sflag:s13], $0x2000  }
0x68: {  	[sflag:s13] =	ssyncset.done $0x0  }
0x69: {  	s11 =	sadd.s32 $0x2B00, s10;
	[sflag:s13] =	ssyncadd.s32 $0xFFFFE000  }
0x6a: {  	[spmem:s2] =	stream.indirect.scatter.add.f32 [tilespmem:s25], [sflag:$0xF], $0x40, s11, s14, $0xb8;
	[tilespmem:$0x1F000] =	vst v63  }
.LBB2_5:
0x6b: {  	s9 =	sadd.s32 $0x1000, s9  }
0x6c: {  	p0 =	sne.s32 s9, $0xA000  }
.Ltmp3:
0x6d: {  	_ = 	snop;
	(pc) =	sbr.rel @!p0 .LBB2_6-.Ltmp3, $4  }
0x6e: {  	_ =	swait.ge [sflag:s17], $0x2000  }
0x6f: {  	[sflag:s17] =	ssyncset.done $0x0  }
0x70: {  	s6 =	sadd.s32 $0x2B80, s10;
	[sflag:s17] =	ssyncadd.s32 $0xFFFFE000  }
0x71: {  	[spmem:s2] =	stream.indirect.scatter.add.f32 [tilespmem:s28], [sflag:$0x10], $0x40, s6, s14, $0xb8;
	[tilespmem:$0x1F000] =	vst v63  }
.LBB2_2:
0x72: {  	p0 =	seq.s32 s9, $0x0  }
0x73: {  	s6 =	simm.s32 @!p0 $0xF  }
0x74: {  	_ =	swait.ge @!p0 [sflag:s6], $0x2000  }
0x75: {  	s10 =	sshra.s32 s9, $0x2;
	[sflag:s6] =	ssyncset.done @!p0 $0x0  }
0x76: {  	s11 =	sadd.s32 $0x300, s10;
	[sflag:s6] =	ssyncadd.s32 @!p0 $0xFFFFE000  }
0x77: {  	[tilespmem:s25], [sflag:$0x7] =	stream.indirect.gather [hbm4b:s4+s14], $0x40, s11, s14, $0xb8;
	[tilespmem:$0x1F000] =	vst v63  }
0x78: {  	_ =	swait.ge [sflag:s26], $0x2000  }
0x79: {  	[sflag:s26] =	ssyncset.done $0x0  }
0x7a: {  	s6 =	simm.s32 @!p0 $0x10;
	s11 =	sadd.s32 $0x2800, s10;
	[sflag:s26] =	ssyncadd.s32 $0xFFFFE000  }
0x7b: {  	[spmem:s2] =	stream.indirect.scatter.add.f32 [tilespmem:s15], [sflag:$0x9], $0x40, s11, s14, $0xb8;
	[tilespmem:$0x1F000] =	vst v63  }
0x7c: {  	_ =	swait.ge @!p0 [sflag:s6], $0x2000  }
0x7d: {  	[sflag:s6] =	ssyncset.done @!p0 $0x0  }
0x7e: {  	s11 =	sadd.s32 $0x380, s10;
	[sflag:s6] =	ssyncadd.s32 @!p0 $0xFFFFE000;
	p0 =	seq.s32 s9, $0x9000  }
0x7f: {  	[tilespmem:s28], [sflag:$0x8] =	stream.indirect.gather [hbm4b:s4+s14], $0x40, s11, s14, $0xb8;
	[tilespmem:$0x1F000] =	vst v63  }
.Ltmp4:
0x80: {  	_ = 	snop;
	(pc) =	sbr.rel @p0 .LBB2_4-.Ltmp4, $4  }
0x81: {  	_ =	swait.ge [sflag:s29], $0x2000  }
0x82: {  	[sflag:s29] =	ssyncset.done $0x0  }
0x83: {  	s6 =	sadd.s32 $0x2900, s10;
	s11 =	sadd.s32 $0x2880, s10;
	[sflag:s29] =	ssyncadd.s32 $0xFFFFE000  }
0x84: {  	[spmem:s2] =	stream.indirect.scatter.add.f32 [tilespmem:s16], [sflag:$0xA], $0x40, s11, s14, $0xb8;
	[tilespmem:$0x1F000] =	vst v63  }
0x85: {  	_ =	swait.ge [sflag:s19], $0x2000  }
0x86: {  	[sflag:s19] =	ssyncset.done $0x0  }
0x87: {  	s11 =	sadd.s32 $0x400, s10;
	[sflag:s19] =	ssyncadd.s32 $0xFFFFE000  }
0x88: {  	[tilespmem:s15], [sflag:$0x1] =	stream.indirect.gather [hbm4b:s4+s14], $0x40, s11, s14, $0xb8;
	[tilespmem:$0x1F000] =	vst v63  }
0x89: {  	_ =	swait.ge [sflag:s30], $0x2000  }
0x8a: {  	[sflag:s30] =	ssyncset.done $0x0  }
0x8b: {  	[sflag:s30] =	ssyncadd.s32 $0xFFFFE000  }
0x8c: {  	[spmem:s2] =	stream.indirect.scatter.add.f32 [tilespmem:s18], [sflag:$0xB], $0x40, s6, s14, $0xb8;
	[tilespmem:$0x1F000] =	vst v63  }
0x8d: {  	_ =	swait.ge [sflag:s21], $0x2000  }
0x8e: {  	[sflag:s21] =	ssyncset.done $0x0  }
0x8f: {  	s11 =	sadd.s32 $0x480, s10;
	[sflag:s21] =	ssyncadd.s32 $0xFFFFE000  }
0x90: {  	[tilespmem:s16], [sflag:$0x2] =	stream.indirect.gather [hbm4b:s4+s14], $0x40, s11, s14, $0xb8;
	[tilespmem:$0x1F000] =	vst v63  }
0x91: {  	_ =	swait.ge [sflag:s31], $0x2000  }
0x92: {  	[sflag:s31] =	ssyncset.done $0x0  }
0x93: {  	s11 =	sadd.s32 $0x2980, s10;
	[sflag:s31] =	ssyncadd.s32 $0xFFFFE000  }
0x94: {  	[spmem:s2] =	stream.indirect.scatter.add.f32 [tilespmem:s20], [sflag:$0xC], $0x40, s11, s14, $0xb8;
	[tilespmem:$0x1F000] =	vst v63  }
0x95: {  	_ =	swait.ge [sflag:s23], $0x2000  }
0x96: {  	[sflag:s23] =	ssyncset.done $0x0  }
0x97: {  	s11 =	sadd.s32 $0x500, s10;
	[sflag:s23] =	ssyncadd.s32 $0xFFFFE000  }
0x98: {  	[tilespmem:s18], [sflag:$0x3] =	stream.indirect.gather [hbm4b:s4+s14], $0x40, s11, s14, $0xb8;
	[tilespmem:$0x1F000] =	vst v63  }
0x99: {  	_ =	swait.ge [sflag:s1], $0x2000  }
0x9a: {  	[sflag:s1] =	ssyncset.done $0x0  }
0x9b: {  	s11 =	sadd.s32 $0x2A00, s10;
	[sflag:s1] =	ssyncadd.s32 $0xFFFFE000  }
0x9c: {  	[spmem:s2] =	stream.indirect.scatter.add.f32 [tilespmem:s22], [sflag:$0xD], $0x40, s11, s14, $0xb8;
	[tilespmem:$0x1F000] =	vst v63  }
0x9d: {  	_ =	swait.ge [sflag:s5], $0x2000  }
0x9e: {  	[sflag:s5] =	ssyncset.done $0x0  }
0x9f: {  	s11 =	sadd.s32 $0x580, s10;
	[sflag:s5] =	ssyncadd.s32 $0xFFFFE000  }
0xa0: {  	[tilespmem:s20], [sflag:$0x4] =	stream.indirect.gather [hbm4b:s4+s14], $0x40, s11, s14, $0xb8;
	[tilespmem:$0x1F000] =	vst v63  }
0xa1: {  	_ =	swait.ge [sflag:s0], $0x2000  }
0xa2: {  	[sflag:s0] =	ssyncset.done $0x0  }
0xa3: {  	s11 =	sadd.s32 $0x2A80, s10;
	[sflag:s0] =	ssyncadd.s32 $0xFFFFE000  }
0xa4: {  	[spmem:s2] =	stream.indirect.scatter.add.f32 [tilespmem:s24], [sflag:$0xE], $0x40, s11, s14, $0xb8;
	[tilespmem:$0x1F000] =	vst v63  }
0xa5: {  	_ =	swait.ge [sflag:s7], $0x2000  }
0xa6: {  	[sflag:s7] =	ssyncset.done $0x0  }
0xa7: {  	s11 =	sadd.s32 $0x600, s10;
	[sflag:s7] =	ssyncadd.s32 $0xFFFFE000  }
0xa8: {  	[tilespmem:s22], [sflag:$0x5] =	stream.indirect.gather [hbm4b:s4+s14], $0x40, s11, s14, $0xb8;
	[tilespmem:$0x1F000] =	vst v63  }
0xa9: {  	_ =	swait.ge [sflag:s13], $0x2000  }
0xaa: {  	[sflag:s13] =	ssyncset.done $0x0  }
0xab: {  	s11 =	sadd.s32 $0x2B00, s10;
	[sflag:s13] =	ssyncadd.s32 $0xFFFFE000  }
0xac: {  	[spmem:s2] =	stream.indirect.scatter.add.f32 [tilespmem:s25], [sflag:$0xF], $0x40, s11, s14, $0xb8;
	[tilespmem:$0x1F000] =	vst v63  }
.Ltmp5:
0xad: {  	_ = 	snop;
	(pc) =	sbr.rel .LBB2_5-.Ltmp5, $4  }
0xae: {  	_ =	swait.ge [sflag:s8], $0x2000  }
0xaf: {  	[sflag:s8] =	ssyncset.done $0x0  }
0xb0: {  	s11 =	sadd.s32 $0x680, s10;
	[sflag:s8] =	ssyncadd.s32 $0xFFFFE000  }
0xb1: {  	[tilespmem:s24], [sflag:$0x6] =	stream.indirect.gather [hbm4b:s4+s14], $0x40, s11, s14, $0xb8;
	[tilespmem:$0x1F000] =	vst v63  }
.LBB2_7:
0xb2: {  	_ =	sfence.sel $0x180000  }
0xb3: {  	[bflag:$0x0] =	sbarrier.arrive $0xFFFF  }
0xb4: {  	_ =	strace $0x9000004A  }
0xb5: {  	s0 =	stileid.u32;
	[bflag:$0x2] =	sbarrier.arrive $0xFFFF  }
0xb6: {  	p0 =	sne.s32 s0, $0x0;
	s0 =	rddreg [dreg:$0x2]  }
0xb7: {  	s0 =	sadd.s32 @!p0 $0x100000, s0  }
0xb8: {  	[sflag:s0] =	ssyncadd.tile.s32 @!p0 $0x1;
	_ =	shalt  }
.Lfunc_end2:
_tile_overlayer_lowered:
.L_overlay_start_2:
0xb9: {  	(tag) =	ssettag $0x2  }
0xba: {  	s0 =	rddreg [dreg:$0x0];
	s2 =	stileid.u32  }
0xbb: {  	s1 =	rddreg [dreg:$0x1];
	p0 =	sne.s32 s2, $0x0  }
0xbc: {  	s3 =	rddreg [dreg:$0x2];
	[bflag:$0x3] =	sbarrier.arrive $0xFFFF;
	s2 =	simm.s32 @!p0 $0x1C11  }
0xbd: {  	[timem:s3], [sflag:s2] =	dma.local @!p0 [hbm:s0], s1  }
0xbe: {  	s0 =	simm.s32 @!p0 $0x11  }
0xbf: {  	_ =	swait.ge @!p0 [sflag:s0], s1  }
0xc0: {  	s1 =	ssub.s32 @!p0 $0x0, s1;
	[sflag:s0] =	ssyncset.done @!p0 $0x0  }
0xc1: {  	[sflag:s0] =	ssyncadd.s32 @!p0 s1  }
0xc2: {  	[bflag:$0x3] =	sbarrier.arrive $0xFFFF  }
0xc3: {  	_ =	shalt  }

// kernel: kernel.14.cloned.1.call-start
scs
__scs_entry_jumppad:
0x0: {  	(pc) =	sbr.rel $0x88, $3  }
0x1: {  	(tag) =	ssettag $0x0;
	lr =	simm.s32 $0x1  }
0x2: {  	[smem:$0x3F92] =	sst lr;
	_ =	strace $0xD0000000  }
0x3: {  	_ = 	snop  }
0x4: {  	_ = 	snop  }
0x5: {  	_ = 	snop  }
0x6: {  	_ = 	snop  }
0x7: {  	_ = 	snop  }
__scs_overlays_trampoline_lowered:
0x8: {  	[smem:$0x3FA1] =	sst s0  }
0x9: {  	[smem:$0x3FA2] =	sst s1  }
0xa: {  	[smem:$0x3FA3] =	sst s2  }
0xb: {  	[smem:$0x3FA4] =	sst s3  }
0xc: {  	[smem:$0x3FA5] =	sst s4  }
0xd: {  	[smem:$0x3FA6] =	sst s5  }
0xe: {  	[smem:$0x3FA7] =	sst s6  }
0xf: {  	[smem:$0x3FA8] =	sst s7  }
0x10: {  	[smem:$0x3FA9] =	sst s8  }
0x11: {  	[smem:$0x3FAA] =	sst s9;
	s0 =	simm.s32 @!p0 $0x0  }
0x12: {  	s1 =	sld [smem:$0x3F90];
	s0 =	simm.s32 @p0 $0x1  }
0x13: {  	[smem:$0x3FAB] =	sst s0;
	s0 =	simm.s32 @!p1 $0x0  }
0x14: {  	s2 =	sld [smem:$0x3F8F];
	s0 =	simm.s32 @p1 $0x1  }
0x15: {  	[smem:$0x3FAC] =	sst s0;
	s0 =	simm.s32 @!p2 $0x0  }
0x16: {  	s3 =	sld [smem:$0x3FDB];
	s0 =	simm.s32 @p2 $0x1  }
0x17: {  	s4 =	simm.s32 $0x1BF5;
	[smem:$0x3FAE] =	sst s0  }
0x18: {  	s0 =	sld [smem:$0x3F91];
	_ =	swait.ge [sflag:s4], $0x0  }
0x19: {  	s7 =	sld [smem:$0x3F92]  }
0x1a: {  	s8 =	sadd.s32 $0xFFFFE003, lr  }
0x1b: {  	s9 =	sadd.s32 $0xFFFFFEF7, lr;
	s5 =	simm.s32 $0xFFFFFFFF;
	p2 =	slt.u32 s8, $0xFFFFF086  }
0x1c: {  	p1 =	slt.u32 s9, $0xF7A;
	s5 =	simm.s32 @!p2 $0x0  }
0x1d: {  	s5 =	simm.s32 @p1 $0x1;
	p0 =	seq.s32 s7, s2  }
0x1e: {  	s7 =	smul.u32 @!p0 $0xF7A, s2;
	p2 =	seq.s32 @!p0 s5, $0x0  }
0x1f: {  	s9 =	smul.u32 $0xF7A, s1;
	s8 =	simm.s32 @!p0 $0x1BF5;
	p2 =	por !p2, p0  }
0x20: {  	[sflag:s8] =	ssyncset.s32 @!p0 $0xFFFFF086;
	s6 =	sadd.s32 @!p0 s3, s7;
	s7 =	simm.s32 @!p0 $0x108  }
0x21: {  	s3 =	sadd.s32 s3, s9;
	s6 =	sadd.s32 @!p0 $0x88, s6;
	s7 =	simm.s32 @p2 $0x1082  }
0x22: {  	[simem:s7], [sflag:s8] =	dma.local @!p0 [hbm:s6], $0xF7A  }
0x23: {  	s9 =	sor.u32 $0xD0000000, s2;
	s6 =	simm.s32 $0x108;
	_ =	swait.ge @!p0 [sflag:s8], $0x0  }
0x24: {  	s3 =	sadd.s32 $0x88, s3;
	s6 =	simm.s32 @!p1 $0x1082;
	[sflag:s4] =	ssyncset.s32 $0xFFFFF086  }
0x25: {  	[simem:s6], [sflag:s4] =	dma.local [hbm:s3], $0xF7A  }
0x26: {  	[smem:$0x3F92] =	sst s1;
	(tag) =	ssettag s2;
	_ =	strace s9  }
0x27: {  	s1 =	sld [smem:$0x3FA2]  }
0x28: {  	s2 =	sld [smem:$0x3FA3]  }
0x29: {  	s4 =	sld [smem:$0x3FA5]  }
0x2a: {  	p0 =	seq.s32 s5, $0x0;
	s5 =	sld [smem:$0x3FA6]  }
0x2b: {  	s6 =	sld [smem:$0x3FA7]  }
0x2c: {  	s7 =	sld [smem:$0x3FA8]  }
0x2d: {  	s3 =	simm.s32 $0x108;
	s8 =	sld [smem:$0x3FA9]  }
0x2e: {  	s3 =	simm.s32 @!p0 $0x1082;
	s9 =	sld [smem:$0x3FAA]  }
0x2f: {  	lr =	sadd.s32 s0, s3;
	s0 =	sld [smem:$0x3FA1]  }
0x30: {  	s3 =	sld [smem:$0x3FA4]  }
0x31: {  	[smem:$0x3FAD] =	sst s10  }
0x32: {  	s10 =	sld [smem:$0x3FAB];
	_ =	sdelay $0x3  }
0x33: {  	p0 =	seq.s32 s10, $0x1;
	s10 =	sld [smem:$0x3FAD];
	_ =	sdelay $0x3  }
0x34: {  	[smem:$0x3FAD] =	sst s10  }
0x35: {  	s10 =	sld [smem:$0x3FAC];
	_ =	sdelay $0x3  }
0x36: {  	p1 =	seq.s32 s10, $0x1;
	s10 =	sld [smem:$0x3FAD];
	_ =	sdelay $0x3  }
0x37: {  	[smem:$0x3FAD] =	sst s10  }
0x38: {  	s10 =	sld [smem:$0x3FAE]  }
0x39: {  	_ = 	snop;
	(pc) =	sbr.ind lr, $3  }
0x3a: {  	_ = 	snop  }
0x3b: {  	_ = 	snop  }
0x3c: {  	p2 =	seq.s32 s10, $0x1;
	s10 =	sld [smem:$0x3FAD]  }
0x3d: {  	_ =	shalt  }
0x3e: {  	_ =	shalt  }
0x3f: {  	_ =	shalt  }
0x40: {  	_ =	shalt  }
0x41: {  	_ =	shalt  }
0x42: {  	_ =	shalt  }
0x43: {  	_ =	shalt  }
0x44: {  	_ =	shalt  }
0x45: {  	_ =	shalt  }
0x46: {  	_ =	shalt  }
0x47: {  	_ =	shalt  }
0x48: {  	_ =	shalt  }
0x49: {  	_ =	shalt  }
0x4a: {  	_ =	shalt  }
0x4b: {  	_ =	shalt  }
0x4c: {  	_ =	shalt  }
0x4d: {  	_ =	shalt  }
0x4e: {  	_ =	shalt  }
0x4f: {  	_ =	shalt  }
0x50: {  	_ =	shalt  }
0x51: {  	_ =	shalt  }
0x52: {  	_ =	shalt  }
0x53: {  	_ =	shalt  }
0x54: {  	_ =	shalt  }
0x55: {  	_ =	shalt  }
0x56: {  	_ =	shalt  }
0x57: {  	_ =	shalt  }
0x58: {  	_ =	shalt  }
0x59: {  	_ =	shalt  }
0x5a: {  	_ =	shalt  }
0x5b: {  	_ =	shalt  }
0x5c: {  	_ =	shalt  }
0x5d: {  	_ =	shalt  }
0x5e: {  	_ =	shalt  }
0x5f: {  	_ =	shalt  }
0x60: {  	_ =	shalt  }
0x61: {  	_ =	shalt  }
0x62: {  	_ =	shalt  }
0x63: {  	_ =	shalt  }
0x64: {  	_ =	shalt  }
0x65: {  	_ =	shalt  }
0x66: {  	_ =	shalt  }
0x67: {  	_ =	shalt  }
0x68: {  	_ =	shalt  }
0x69: {  	_ =	shalt  }
0x6a: {  	_ =	shalt  }
0x6b: {  	_ =	shalt  }
0x6c: {  	_ =	shalt  }
0x6d: {  	_ =	shalt  }
0x6e: {  	_ =	shalt  }
0x6f: {  	_ =	shalt  }
0x70: {  	_ =	shalt  }
0x71: {  	_ =	shalt  }
0x72: {  	_ =	shalt  }
0x73: {  	_ =	shalt  }
0x74: {  	_ =	shalt  }
0x75: {  	_ =	shalt  }
0x76: {  	_ =	shalt  }
0x77: {  	_ =	shalt  }
0x78: {  	_ =	shalt  }
0x79: {  	_ =	shalt  }
0x7a: {  	_ =	shalt  }
0x7b: {  	_ =	shalt  }
0x7c: {  	_ =	shalt  }
0x7d: {  	_ =	shalt  }
0x7e: {  	_ =	shalt  }
0x7f: {  	_ =	shalt  }
0x80: {  	_ =	shalt  }
0x81: {  	_ =	shalt  }
0x82: {  	_ =	shalt  }
0x83: {  	_ =	shalt  }
0x84: {  	_ =	shalt  }
0x85: {  	_ =	shalt  }
0x86: {  	_ =	shalt  }
0x87: {  	_ =	shalt  }
.Lfunc_end0:
.L_simem_size_0:
called_computation.2_lowered:
.L_overlay_start_0:
0x88: {  	s2 =	sld [smem:$0x3FD9]  }
0x89: {  	s3 =	sld [smem:$0x3FFE];
	_ =	sdelay $0x1  }
0x8a: {  	s1 =	srdreg.scid  }
0x8b: {  	s0 =	sand.u32 $0x1, s1  }
0x8c: {  	s16 =	sshll.u32 s0, $0xA;
	s2 =	sadd.s32 s3, s2  }
0x8d: {  	s2 =	sadd.s32 s2, s16  }
0x8e: {  	[smem:$0x3FB9] =	sst s2  }
0x8f: {  	_ = 	snop  }
0x90: {  	(tm) =	ssettm $0x1  }
0x91: {  	s17 =	sld [smem:$0x3FFB];
	_ =	sdelay $0x3  }
0x92: {  	_ =	strace s17  }
0x93: {  	s2 =	sld [smem:$0x3FFC];
	_ =	sdelay $0x3  }
0x94: {  	_ =	strace s2  }
0x95: {  	s2 =	sld [smem:$0x3FFD];
	_ =	sdelay $0x3  }
0x96: {  	_ =	strace s2  }
0x97: {  	_ =	strace $0x8FFFFFFF  }
0x98: {  	s18 =	sld [smem:$0x3FDB];
	_ =	sdelay $0x1  }
0x99: {  	s19 =	simm.s32 $_scs_section_size  }
0x9a: {  	s4 =	simm.s32 $_size__tile_overlayer_lowered;
	s5 =	simm.s32 $_tile_overlayer_lowered  }
0x9b: {  	s22 =	simm.s32 $0x1BFF;
	s21 =	sshll.u32 s5, $0x1;
	s2 =	sadd.s32 s19, s18  }
0x9c: {  	s6 =	simm.s32 $0x0;
	s20 =	sshll.u32 s4, $0x1;
	s4 =	sadd.s32 s21, s2  }
0x9d: {  	[timem:s6], [sflag:s22] =	dma.local [hbm:s4], s20  }
0x9e: {  	_ =	swait.ge [sflag:s22], s20  }
0x9f: {  	s3 =	ssub.s32 $0x0, s20;
	[sflag:s22] =	ssyncset.done $0x0  }
0xa0: {  	[sflag:s22] =	ssyncadd.s32 s3;
	_ =	sdelay $0x1  }
0xa1: {  	s23 =	simm.s32 $0x1B8B  }
0xa2: {  	_ =	swait.ge [sflag:s23], $0x1  }
0xa3: {  	[sflag:s23] =	ssyncset.done $0x0  }
0xa4: {  	s25 =	simm.s32 $0x1B8E;
	s24 =	sld [smem:$0x3FFE];
	[sflag:s23] =	ssyncadd.s32 $0xFFFFFFFF  }
0xa5: {  	s26 =	simm.s32 $execute0_lowered;
	[smem:$0x3FD2] =	sst s25  }
0xa6: {  	s4 =	sshll.u32 s26, $0x1;
	_ =	strace $0x8000004C;
	[dreg:$0x1] =	wrdreg $0xFFFFFFFF  }
0xa7: {  	s28 =	simm.s32 $_size_execute0_lowered;
	s2 =	sadd.s32 s2, s4;
	[dreg:$0x0] =	wrdreg $0x0  }
0xa8: {  	s4 =	sshll.u32 s28, $0x1;
	[dreg:$0x2] =	wrdreg s2  }
0xa9: {  	[dreg:$0x3] =	wrdreg s4  }
0xaa: {  	[dreg:$0x4] =	wrdreg $0xC0  }
0xab: {  	_ =	task [dreg:s6], $0x5FFFF  }
0xac: {  	[dreg:$0x1] =	wrdreg $0xFFFFFFFF  }
0xad: {  	[dreg:$0x0] =	wrdreg $0x60  }
0xae: {  	[dreg:$0x2] =	wrdreg s24  }
0xaf: {  	[dreg:$0x3] =	wrdreg $0x150000  }
0xb0: {  	[dreg:$0x4] =	wrdreg $0x9  }
0xb1: {  	_ =	task.clear_ibuf [dreg:s6], $0x5FFFF;
	_ =	strace $0x9000004C  }
0xb2: {  	s29 =	simm.s32 $0x9;
	_ =	strace $0x8000004E  }
0xb3: {  	_ =	swait.ge [sflag:s29], $0x1  }
0xb4: {  	[sflag:s29] =	ssyncadd.s32 $0xFFFFFFFF  }
0xb5: {  	_ =	strace $0x9000004E  }
0xb6: {  	_ =	sfence  }
0xb7: {  	s30 =	sld [smem:$0x0];
	_ =	sdelay $0x2  }
0xb8: {  	s31 =	sshll.u32 s1, $0xD;
	s1 =	sshrl.u32 s1, $0x2  }
0xb9: {  	s3 =	sand.u32 $0x4000, s31;
	s1 =	sadd.s32 s1, s30  }
0xba: {  	s0 =	sor.u32 s3, s0;
	s1 =	sshll.u32 s1, $0x11  }
0xbb: {  	s0 =	sor.u32 s1, s0  }
0xbc: {  	s0 =	sadd.s32 $0x8F2B, s0  }
0xbd: {  	[sflag:s0] =	ssyncadd.remote.s32 $0x1  }
0xbe: {  	_ =	sfence.sel $0xFFFF  }
0xbf: {  	[dreg:$0x0] =	wrdreg $0xFFFFFFFF;
	(pc) =	sbr.abs _section_cstart, $3  }
0xc0: {  	[dreg:$0x1] =	wrdreg $0xFFFFFFFF  }
0xc1: {  	_ =	task.clear_ibuf [dreg:s6], $0x2FFFF;
	_ =	strace $0x9FFFFFFF  }
0xc2: {  	(tm) =	ssettm $0x7FFFFFFF  }
0xc3: {  	_ =	shalt  }
tec
execute0_lowered:
.L_overlay_start_1:
0x0: {  	(tag) =	ssettag $0x1  }
0x1: {  	s0 =	srdreg.scid  }
0x2: {  	s8 =	stileid.u32;
	s3 =	rddreg [dreg:$0x0]  }
0x3: {  	s2 =	rddreg [dreg:$0x1];
	s4 =	simm.s32 $0x0;
	s12 =	simm.s32 $0x11  }
0x4: {  	s14 =	simm.s32 $0x80;
	s15 =	simm.s32 $0x5000;
	s16 =	simm.s32 $0x7000  }
0x5: {  	s18 =	simm.s32 $0x9000;
	s20 =	simm.s32 $0xB000;
	s22 =	simm.s32 $0xD000  }
0x6: {  	s28 =	simm.s32 $0x13000;
	s29 =	simm.s32 $0x2;
	s30 =	simm.s32 $0x3  }
0x7: {  	s31 =	simm.s32 $0x4;
	s13 =	simm.s32 $0x7;
	s17 =	simm.s32 $0x8  }
0x8: {  	s19 =	simm.s32 $0x9;
	s21 =	simm.s32 $0xA;
	s0 =	sand.u32 $0x1, s0  }
0x9: {  	s1 =	sshll.u32 s8, $0x1;
	s5 =	smul.u32 $0xA000, s8;
	[smem:$0x7FF] =	sst s4  }
0xa: {  	s4 =	sadd.s32 $0x16E00, s3;
	s24 =	sshll.u32 s8, $0x6;
	s8 =	simm.s32 $0xE  }
0xb: {  	s1 =	sor.u32 s0, s1;
	s6 =	smul.u32 $0xA0000, s0;
	_ =	strace $0x8000004D  }
0xc: {  	s0 =	ssub.s32 $0x2, s0;
	s9 =	sor.u32 $0x1C11, s24;
	s24 =	simm.s32 $0xF000  }
0xd: {  	s1 =	smul.u32 $0x2800, s1;
	s7 =	sshrl.u32 s5, $0x3;
	s23 =	sshrl.u32 s0, $0x1  }
0xe: {  	[dreg:$0x4] =	wrdreg s9;
	s6 =	sadd.s32 s5, s6;
	s7 =	sadd.s32 s7, s3  }
0xf: {  	s0 =	ssub.s32 s0, s23;
	s5 =	sadd.s32 s5, s2;
	s23 =	simm.s32 $0xB  }
0x10: {  	s1 =	sshrl.u32 s1, $0x3;
	s6 =	sshrl.u32 s6, $0x3;
	s7 =	sadd.s32 $0x2AE00, s7  }
0x11: {  	s0 =	smax.u32 s0, $0x1;
	s10 =	sshrl.u32 s5, $0x3;
	[dreg:$0x3] =	wrdreg s7  }
0x12: {  	s5 =	simm.s32 $0xC;
	s1 =	sadd.s32 s1, s3;
	[dreg:$0x8] =	wrdreg s0  }
.Ltmp0:
0x13: {  	[dreg:$0x9] =	wrdreg s10;
	s25 =	sadd.s32 $0x2E00, s1;
	(pc) =	sbr.rel .LBB2_1-.Ltmp0, $4  }
0x14: {  	s3 =	sadd.s32 s6, s3;
	s1 =	sadd.s32 $0xCE00, s1;
	[dreg:$0x5] =	wrdreg s25  }
0x15: {  	s0 =	simm.s32 $0x6;
	s26 =	sadd.s32 $0x3EE00, s3;
	[dreg:$0x6] =	wrdreg s1  }
0x16: {  	s7 =	simm.s32 $0xD;
	s3 =	simm.s32 $0x0;
	[dreg:$0x7] =	wrdreg s26  }
0x17: {  	s25 =	simm.s32 $0x11000;
	s26 =	simm.s32 $0x1;
	s1 =	simm.s32 $0x5  }
.LBB2_6:
0x18: {  	_ =	swait.ge [sflag:s19], $0x2000  }
0x19: {  	[sflag:s19] =	ssyncset.done $0x0  }
0x1a: {  	[sflag:s19] =	ssyncadd.s32 $0xFFFFE000  }
0x1b: {  	_ =	swait.ge [sflag:s21], $0x2000  }
0x1c: {  	[sflag:s21] =	ssyncset.done $0x0  }
0x1d: {  	[sflag:s21] =	ssyncadd.s32 $0xFFFFE000  }
0x1e: {  	_ =	swait.ge [sflag:s23], $0x2000  }
0x1f: {  	[sflag:s23] =	ssyncset.done $0x0  }
0x20: {  	[sflag:s23] =	ssyncadd.s32 $0xFFFFE000  }
0x21: {  	_ =	swait.ge [sflag:s5], $0x2000  }
0x22: {  	[sflag:s5] =	ssyncset.done $0x0  }
0x23: {  	[sflag:s5] =	ssyncadd.s32 $0xFFFFE000  }
0x24: {  	_ =	swait.ge [sflag:s7], $0x2000  }
0x25: {  	[sflag:s7] =	ssyncset.done $0x0  }
0x26: {  	[sflag:s7] =	ssyncadd.s32 $0xFFFFE000  }
0x27: {  	_ =	swait.ge [sflag:s8], $0x2000  }
0x28: {  	[sflag:s8] =	ssyncset.done $0x0  }
0x29: {  	s6 =	simm.s32 $0xF;
	[sflag:s8] =	ssyncadd.s32 $0xFFFFE000  }
0x2a: {  	_ =	swait.ge [sflag:s6], $0x2000  }
0x2b: {  	[sflag:s6] =	ssyncset.done $0x0  }
0x2c: {  	s10 =	simm.s32 $0x10;
	[sflag:s6] =	ssyncadd.s32 $0xFFFFE000  }
0x2d: {  	_ =	swait.ge [sflag:s10], $0x2000  }
0x2e: {  	[sflag:s10] =	ssyncset.done $0x0  }
0x2f: {  	[sflag:s10] =	ssyncadd.s32 $0xFFFFE000  }
0x30: {  	[bflag:$0x0] =	sbarrier.arrive $0xFFFF  }
0x31: {  	s9 =	rddreg [dreg:$0x4]  }
0x32: {  	s11 =	rddreg [dreg:$0x7]  }
0x33: {  	s10 =	rddreg [dreg:$0x9]  }
0x34: {  	[hbm:s11], [sflag:s9] =	dma.local [spmem:s10], $0x1400  }
0x35: {  	_ =	swait.ge [sflag:s12], $0x1400  }
0x36: {  	s3 =	sadd.s32 $0x1, s3;
	s11 =	rddreg [dreg:$0x8]  }
0x37: {  	p0 =	sne.s32 s3, s11  }
.Ltmp1:
0x38: {  	_ = 	snop;
	(pc) =	sbr.rel @!p0 .LBB2_7-.Ltmp1, $3  }
0x39: {  	_ =	sdelay $0x1  }
0x3a: {  	[sflag:s12] =	ssyncset.done $0x0  }
0x3b: {  	[sflag:s12] =	ssyncadd.s32 $0xFFFFEC00  }
.LBB2_1:
0x3c: {  	s6 =	rddreg [dreg:$0x3]  }
0x3d: {  	[spmem:s10], [sflag:s9] =	dma.local [hbm:s6], $0x1400  }
0x3e: {  	_ =	swait.ge [sflag:s12], $0x1400  }
0x3f: {  	[sflag:s12] =	ssyncset.done $0x0  }
0x40: {  	[sflag:s12] =	ssyncadd.s32 $0xFFFFEC00  }
0x41: {  	[bflag:$0x0] =	sbarrier.arrive $0xFFFF  }
0x42: {  	s6 =	simm.s32 $0x0;
	s11 =	rddreg [dreg:$0x5]  }
0x43: {  	[tilespmem:s6], [sflag:$0x11] =	stream.linear.gather [hbm4b:s11+s6], $0x2800, $0x38;
	[tilespmem:$0x1F000] =	vst v63  }
0x44: {  	_ =	swait.ge [sflag:s12], $0x2800  }
0x45: {  	[sflag:s12] =	ssyncset.done $0x0  }
0x46: {  	s11 =	simm.s32 $0x2800;
	s10 =	rddreg [dreg:$0x6];
	[sflag:s12] =	ssyncadd.s32 $0xFFFFD800  }
0x47: {  	[tilespmem:s11], [sflag:$0x11] =	stream.linear.gather [hbm4b:s10+s6], $0x2800, $0x38;
	[tilespmem:$0x1F000] =	vst v63  }
0x48: {  	_ =	swait.ge [sflag:s12], $0x2800  }
0x49: {  	[sflag:s12] =	ssyncset.done $0x0  }
0x4a: {  	[sflag:s12] =	ssyncadd.s32 $0xFFFFD800  }
0x4b: {  	[tilespmem:s15], [sflag:$0x1] =	stream.indirect.gather [hbm4b:s4+s14], $0x40, s6, s14, $0xb8;
	[tilespmem:$0x1F000] =	vst v63  }
0x4c: {  	_ = 	snop  }
0x4d: {  	[tilespmem:s16], [sflag:$0x2] =	stream.indirect.gather [hbm4b:s4+s14], $0x40, s14, s14, $0xb8;
	[tilespmem:$0x1F000] =	vst v63  }
0x4e: {  	s11 =	simm.s32 $0x100  }
0x4f: {  	[tilespmem:s18], [sflag:$0x3] =	stream.indirect.gather [hbm4b:s4+s14], $0x40, s11, s14, $0xb8;
	[tilespmem:$0x1F000] =	vst v63  }
0x50: {  	s9 =	simm.s32 $0x180  }
0x51: {  	[tilespmem:s20], [sflag:$0x4] =	stream.indirect.gather [hbm4b:s4+s14], $0x40, s9, s14, $0xb8;
	[tilespmem:$0x1F000] =	vst v63  }
.Ltmp2:
0x52: {  	_ = 	snop;
	(pc) =	sbr.rel .LBB2_2-.Ltmp2, $4  }
0x53: {  	s10 =	simm.s32 $0x200  }
0x54: {  	[tilespmem:s22], [sflag:$0x5] =	stream.indirect.gather [hbm4b:s4+s14], $0x40, s10, s14, $0xb8;
	[tilespmem:$0x1F000] =	vst v63  }
0x55: {  	s11 =	simm.s32 $0x280;
	s9 =	simm.s32 $0x0  }
0x56: {  	[tilespmem:s24], [sflag:$0x6] =	stream.indirect.gather [hbm4b:s4+s14], $0x40, s11, s14, $0xb8;
	[tilespmem:$0x1F000] =	vst v63  }
.LBB2_4:
0x57: {  	_ =	swait.ge [sflag:s30], $0x2000  }
0x58: {  	[sflag:s30] =	ssyncset.done $0x0  }
0x59: {  	[sflag:s30] =	ssyncadd.s32 $0xFFFFE000  }
0x5a: {  	[spmem:s2] =	stream.indirect.scatter.add.f32 [tilespmem:s18], [sflag:$0xB], $0x40, s6, s14, $0xb8;
	[tilespmem:$0x1F000] =	vst v63  }
0x5b: {  	_ =	swait.ge [sflag:s31], $0x2000  }
0x5c: {  	[sflag:s31] =	ssyncset.done $0x0  }
0x5d: {  	s11 =	sadd.s32 $0x2980, s10;
	[sflag:s31] =	ssyncadd.s32 $0xFFFFE000  }
0x5e: {  	[spmem:s2] =	stream.indirect.scatter.add.f32 [tilespmem:s20], [sflag:$0xC], $0x40, s11, s14, $0xb8;
	[tilespmem:$0x1F000] =	vst v63  }
0x5f: {  	_ =	swait.ge [sflag:s1], $0x2000  }
0x60: {  	[sflag:s1] =	ssyncset.done $0x0  }
0x61: {  	s11 =	sadd.s32 $0x2A00, s10;
	[sflag:s1] =	ssyncadd.s32 $0xFFFFE000  }
0x62: {  	[spmem:s2] =	stream.indirect.scatter.add.f32 [tilespmem:s22], [sflag:$0xD], $0x40, s11, s14, $0xb8;
	[tilespmem:$0x1F000] =	vst v63  }
0x63: {  	_ =	swait.ge [sflag:s0], $0x2000  }
0x64: {  	[sflag:s0] =	ssyncset.done $0x0  }
0x65: {  	s11 =	sadd.s32 $0x2A80, s10;
	[sflag:s0] =	ssyncadd.s32 $0xFFFFE000  }
0x66: {  	[spmem:s2] =	stream.indirect.scatter.add.f32 [tilespmem:s24], [sflag:$0xE], $0x40, s11, s14, $0xb8;
	[tilespmem:$0x1F000] =	vst v63  }
0x67: {  	_ =	swait.ge [sflag:s13], $0x2000  }
0x68: {  	[sflag:s13] =	ssyncset.done $0x0  }
0x69: {  	s11 =	sadd.s32 $0x2B00, s10;
	[sflag:s13] =	ssyncadd.s32 $0xFFFFE000  }
0x6a: {  	[spmem:s2] =	stream.indirect.scatter.add.f32 [tilespmem:s25], [sflag:$0xF], $0x40, s11, s14, $0xb8;
	[tilespmem:$0x1F000] =	vst v63  }
.LBB2_5:
0x6b: {  	s9 =	sadd.s32 $0x1000, s9  }
0x6c: {  	p0 =	sne.s32 s9, $0xA000  }
.Ltmp3:
0x6d: {  	_ = 	snop;
	(pc) =	sbr.rel @!p0 .LBB2_6-.Ltmp3, $4  }
0x6e: {  	_ =	swait.ge [sflag:s17], $0x2000  }
0x6f: {  	[sflag:s17] =	ssyncset.done $0x0  }
0x70: {  	s6 =	sadd.s32 $0x2B80, s10;
	[sflag:s17] =	ssyncadd.s32 $0xFFFFE000  }
0x71: {  	[spmem:s2] =	stream.indirect.scatter.add.f32 [tilespmem:s28], [sflag:$0x10], $0x40, s6, s14, $0xb8;
	[tilespmem:$0x1F000] =	vst v63  }
.LBB2_2:
0x72: {  	p0 =	seq.s32 s9, $0x0  }
0x73: {  	s6 =	simm.s32 @!p0 $0xF  }
0x74: {  	_ =	swait.ge @!p0 [sflag:s6], $0x2000  }
0x75: {  	s10 =	sshra.s32 s9, $0x2;
	[sflag:s6] =	ssyncset.done @!p0 $0x0  }
0x76: {  	s11 =	sadd.s32 $0x300, s10;
	[sflag:s6] =	ssyncadd.s32 @!p0 $0xFFFFE000  }
0x77: {  	[tilespmem:s25], [sflag:$0x7] =	stream.indirect.gather [hbm4b:s4+s14], $0x40, s11, s14, $0xb8;
	[tilespmem:$0x1F000] =	vst v63  }
0x78: {  	_ =	swait.ge [sflag:s26], $0x2000  }
0x79: {  	[sflag:s26] =	ssyncset.done $0x0  }
0x7a: {  	s6 =	simm.s32 @!p0 $0x10;
	s11 =	sadd.s32 $0x2800, s10;
	[sflag:s26] =	ssyncadd.s32 $0xFFFFE000  }
0x7b: {  	[spmem:s2] =	stream.indirect.scatter.add.f32 [tilespmem:s15], [sflag:$0x9], $0x40, s11, s14, $0xb8;
	[tilespmem:$0x1F000] =	vst v63  }
0x7c: {  	_ =	swait.ge @!p0 [sflag:s6], $0x2000  }
0x7d: {  	[sflag:s6] =	ssyncset.done @!p0 $0x0  }
0x7e: {  	s11 =	sadd.s32 $0x380, s10;
	[sflag:s6] =	ssyncadd.s32 @!p0 $0xFFFFE000;
	p0 =	seq.s32 s9, $0x9000  }
0x7f: {  	[tilespmem:s28], [sflag:$0x8] =	stream.indirect.gather [hbm4b:s4+s14], $0x40, s11, s14, $0xb8;
	[tilespmem:$0x1F000] =	vst v63  }
.Ltmp4:
0x80: {  	_ = 	snop;
	(pc) =	sbr.rel @p0 .LBB2_4-.Ltmp4, $4  }
0x81: {  	_ =	swait.ge [sflag:s29], $0x2000  }
0x82: {  	[sflag:s29] =	ssyncset.done $0x0  }
0x83: {  	s6 =	sadd.s32 $0x2900, s10;
	s11 =	sadd.s32 $0x2880, s10;
	[sflag:s29] =	ssyncadd.s32 $0xFFFFE000  }
0x84: {  	[spmem:s2] =	stream.indirect.scatter.add.f32 [tilespmem:s16], [sflag:$0xA], $0x40, s11, s14, $0xb8;
	[tilespmem:$0x1F000] =	vst v63  }
0x85: {  	_ =	swait.ge [sflag:s19], $0x2000  }
0x86: {  	[sflag:s19] =	ssyncset.done $0x0  }
0x87: {  	s11 =	sadd.s32 $0x400, s10;
	[sflag:s19] =	ssyncadd.s32 $0xFFFFE000  }
0x88: {  	[tilespmem:s15], [sflag:$0x1] =	stream.indirect.gather [hbm4b:s4+s14], $0x40, s11, s14, $0xb8;
	[tilespmem:$0x1F000] =	vst v63  }
0x89: {  	_ =	swait.ge [sflag:s30], $0x2000  }
0x8a: {  	[sflag:s30] =	ssyncset.done $0x0  }
0x8b: {  	[sflag:s30] =	ssyncadd.s32 $0xFFFFE000  }
0x8c: {  	[spmem:s2] =	stream.indirect.scatter.add.f32 [tilespmem:s18], [sflag:$0xB], $0x40, s6, s14, $0xb8;
	[tilespmem:$0x1F000] =	vst v63  }
0x8d: {  	_ =	swait.ge [sflag:s21], $0x2000  }
0x8e: {  	[sflag:s21] =	ssyncset.done $0x0  }
0x8f: {  	s11 =	sadd.s32 $0x480, s10;
	[sflag:s21] =	ssyncadd.s32 $0xFFFFE000  }
0x90: {  	[tilespmem:s16], [sflag:$0x2] =	stream.indirect.gather [hbm4b:s4+s14], $0x40, s11, s14, $0xb8;
	[tilespmem:$0x1F000] =	vst v63  }
0x91: {  	_ =	swait.ge [sflag:s31], $0x2000  }
0x92: {  	[sflag:s31] =	ssyncset.done $0x0  }
0x93: {  	s11 =	sadd.s32 $0x2980, s10;
	[sflag:s31] =	ssyncadd.s32 $0xFFFFE000  }
0x94: {  	[spmem:s2] =	stream.indirect.scatter.add.f32 [tilespmem:s20], [sflag:$0xC], $0x40, s11, s14, $0xb8;
	[tilespmem:$0x1F000] =	vst v63  }
0x95: {  	_ =	swait.ge [sflag:s23], $0x2000  }
0x96: {  	[sflag:s23] =	ssyncset.done $0x0  }
0x97: {  	s11 =	sadd.s32 $0x500, s10;
	[sflag:s23] =	ssyncadd.s32 $0xFFFFE000  }
0x98: {  	[tilespmem:s18], [sflag:$0x3] =	stream.indirect.gather [hbm4b:s4+s14], $0x40, s11, s14, $0xb8;
	[tilespmem:$0x1F000] =	vst v63  }
0x99: {  	_ =	swait.ge [sflag:s1], $0x2000  }
0x9a: {  	[sflag:s1] =	ssyncset.done $0x0  }
0x9b: {  	s11 =	sadd.s32 $0x2A00, s10;
	[sflag:s1] =	ssyncadd.s32 $0xFFFFE000  }
0x9c: {  	[spmem:s2] =	stream.indirect.scatter.add.f32 [tilespmem:s22], [sflag:$0xD], $0x40, s11, s14, $0xb8;
	[tilespmem:$0x1F000] =	vst v63  }
0x9d: {  	_ =	swait.ge [sflag:s5], $0x2000  }
0x9e: {  	[sflag:s5] =	ssyncset.done $0x0  }
0x9f: {  	s11 =	sadd.s32 $0x580, s10;
	[sflag:s5] =	ssyncadd.s32 $0xFFFFE000  }
0xa0: {  	[tilespmem:s20], [sflag:$0x4] =	stream.indirect.gather [hbm4b:s4+s14], $0x40, s11, s14, $0xb8;
	[tilespmem:$0x1F000] =	vst v63  }
0xa1: {  	_ =	swait.ge [sflag:s0], $0x2000  }
0xa2: {  	[sflag:s0] =	ssyncset.done $0x0  }
0xa3: {  	s11 =	sadd.s32 $0x2A80, s10;
	[sflag:s0] =	ssyncadd.s32 $0xFFFFE000  }
0xa4: {  	[spmem:s2] =	stream.indirect.scatter.add.f32 [tilespmem:s24], [sflag:$0xE], $0x40, s11, s14, $0xb8;
	[tilespmem:$0x1F000] =	vst v63  }
0xa5: {  	_ =	swait.ge [sflag:s7], $0x2000  }
0xa6: {  	[sflag:s7] =	ssyncset.done $0x0  }
0xa7: {  	s11 =	sadd.s32 $0x600, s10;
	[sflag:s7] =	ssyncadd.s32 $0xFFFFE000  }
0xa8: {  	[tilespmem:s22], [sflag:$0x5] =	stream.indirect.gather [hbm4b:s4+s14], $0x40, s11, s14, $0xb8;
	[tilespmem:$0x1F000] =	vst v63  }
0xa9: {  	_ =	swait.ge [sflag:s13], $0x2000  }
0xaa: {  	[sflag:s13] =	ssyncset.done $0x0  }
0xab: {  	s11 =	sadd.s32 $0x2B00, s10;
	[sflag:s13] =	ssyncadd.s32 $0xFFFFE000  }
0xac: {  	[spmem:s2] =	stream.indirect.scatter.add.f32 [tilespmem:s25], [sflag:$0xF], $0x40, s11, s14, $0xb8;
	[tilespmem:$0x1F000] =	vst v63  }
.Ltmp5:
0xad: {  	_ = 	snop;
	(pc) =	sbr.rel .LBB2_5-.Ltmp5, $4  }
0xae: {  	_ =	swait.ge [sflag:s8], $0x2000  }
0xaf: {  	[sflag:s8] =	ssyncset.done $0x0  }
0xb0: {  	s11 =	sadd.s32 $0x680, s10;
	[sflag:s8] =	ssyncadd.s32 $0xFFFFE000  }
0xb1: {  	[tilespmem:s24], [sflag:$0x6] =	stream.indirect.gather [hbm4b:s4+s14], $0x40, s11, s14, $0xb8;
	[tilespmem:$0x1F000] =	vst v63  }
.LBB2_7:
0xb2: {  	_ =	sfence.sel $0x180000  }
0xb3: {  	[bflag:$0x0] =	sbarrier.arrive $0xFFFF  }
0xb4: {  	_ =	strace $0x9000004D  }
0xb5: {  	s0 =	stileid.u32;
	[bflag:$0x2] =	sbarrier.arrive $0xFFFF  }
0xb6: {  	p0 =	sne.s32 s0, $0x0;
	s0 =	rddreg [dreg:$0x2]  }
0xb7: {  	s0 =	sadd.s32 @!p0 $0x100000, s0  }
0xb8: {  	[sflag:s0] =	ssyncadd.tile.s32 @!p0 $0x1;
	_ =	shalt  }
.Lfunc_end2:
_tile_overlayer_lowered:
.L_overlay_start_2:
0xb9: {  	(tag) =	ssettag $0x2  }
0xba: {  	s0 =	rddreg [dreg:$0x0];
	s2 =	stileid.u32  }
0xbb: {  	s1 =	rddreg [dreg:$0x1];
	p0 =	sne.s32 s2, $0x0  }
0xbc: {  	s3 =	rddreg [dreg:$0x2];
	[bflag:$0x3] =	sbarrier.arrive $0xFFFF;
	s2 =	simm.s32 @!p0 $0x1C11  }
0xbd: {  	[timem:s3], [sflag:s2] =	dma.local @!p0 [hbm:s0], s1  }
0xbe: {  	s0 =	simm.s32 @!p0 $0x11  }
0xbf: {  	_ =	swait.ge @!p0 [sflag:s0], s1  }
0xc0: {  	s1 =	ssub.s32 @!p0 $0x0, s1;
	[sflag:s0] =	ssyncset.done @!p0 $0x0  }
0xc1: {  	[sflag:s0] =	ssyncadd.s32 @!p0 s1  }
0xc2: {  	[bflag:$0x3] =	sbarrier.arrive $0xFFFF  }
0xc3: {  	_ =	shalt  }

// kernel: kernel.8.cloned.1.call-start
scs
__scs_entry_jumppad:
0x0: {  	(pc) =	sbr.rel $0x88, $3  }
0x1: {  	(tag) =	ssettag $0x0;
	lr =	simm.s32 $0x1  }
0x2: {  	[smem:$0x3F92] =	sst lr;
	_ =	strace $0xD0000000  }
0x3: {  	_ = 	snop  }
0x4: {  	_ = 	snop  }
0x5: {  	_ = 	snop  }
0x6: {  	_ = 	snop  }
0x7: {  	_ = 	snop  }
__scs_overlays_trampoline_lowered:
0x8: {  	[smem:$0x3FA1] =	sst s0  }
0x9: {  	[smem:$0x3FA2] =	sst s1  }
0xa: {  	[smem:$0x3FA3] =	sst s2  }
0xb: {  	[smem:$0x3FA4] =	sst s3  }
0xc: {  	[smem:$0x3FA5] =	sst s4  }
0xd: {  	[smem:$0x3FA6] =	sst s5  }
0xe: {  	[smem:$0x3FA7] =	sst s6  }
0xf: {  	[smem:$0x3FA8] =	sst s7  }
0x10: {  	[smem:$0x3FA9] =	sst s8  }
0x11: {  	[smem:$0x3FAA] =	sst s9;
	s0 =	simm.s32 @!p0 $0x0  }
0x12: {  	s1 =	sld [smem:$0x3F90];
	s0 =	simm.s32 @p0 $0x1  }
0x13: {  	[smem:$0x3FAB] =	sst s0;
	s0 =	simm.s32 @!p1 $0x0  }
0x14: {  	s2 =	sld [smem:$0x3F8F];
	s0 =	simm.s32 @p1 $0x1  }
0x15: {  	[smem:$0x3FAC] =	sst s0;
	s0 =	simm.s32 @!p2 $0x0  }
0x16: {  	s3 =	sld [smem:$0x3FDB];
	s0 =	simm.s32 @p2 $0x1  }
0x17: {  	s4 =	simm.s32 $0x1BF5;
	[smem:$0x3FAE] =	sst s0  }
0x18: {  	s0 =	sld [smem:$0x3F91];
	_ =	swait.ge [sflag:s4], $0x0  }
0x19: {  	s7 =	sld [smem:$0x3F92]  }
0x1a: {  	s8 =	sadd.s32 $0xFFFFE003, lr  }
0x1b: {  	s9 =	sadd.s32 $0xFFFFFEF7, lr;
	s5 =	simm.s32 $0xFFFFFFFF;
	p2 =	slt.u32 s8, $0xFFFFF086  }
0x1c: {  	p1 =	slt.u32 s9, $0xF7A;
	s5 =	simm.s32 @!p2 $0x0  }
0x1d: {  	s5 =	simm.s32 @p1 $0x1;
	p0 =	seq.s32 s7, s2  }
0x1e: {  	s7 =	smul.u32 @!p0 $0xF7A, s2;
	p2 =	seq.s32 @!p0 s5, $0x0  }
0x1f: {  	s9 =	smul.u32 $0xF7A, s1;
	s8 =	simm.s32 @!p0 $0x1BF5;
	p2 =	por !p2, p0  }
0x20: {  	[sflag:s8] =	ssyncset.s32 @!p0 $0xFFFFF086;
	s6 =	sadd.s32 @!p0 s3, s7;
	s7 =	simm.s32 @!p0 $0x108  }
0x21: {  	s3 =	sadd.s32 s3, s9;
	s6 =	sadd.s32 @!p0 $0x88, s6;
	s7 =	simm.s32 @p2 $0x1082  }
0x22: {  	[simem:s7], [sflag:s8] =	dma.local @!p0 [hbm:s6], $0xF7A  }
0x23: {  	s9 =	sor.u32 $0xD0000000, s2;
	s6 =	simm.s32 $0x108;
	_ =	swait.ge @!p0 [sflag:s8], $0x0  }
0x24: {  	s3 =	sadd.s32 $0x88, s3;
	s6 =	simm.s32 @!p1 $0x1082;
	[sflag:s4] =	ssyncset.s32 $0xFFFFF086  }
0x25: {  	[simem:s6], [sflag:s4] =	dma.local [hbm:s3], $0xF7A  }
0x26: {  	[smem:$0x3F92] =	sst s1;
	(tag) =	ssettag s2;
	_ =	strace s9  }
0x27: {  	s1 =	sld [smem:$0x3FA2]  }
0x28: {  	s2 =	sld [smem:$0x3FA3]  }
0x29: {  	s4 =	sld [smem:$0x3FA5]  }
0x2a: {  	p0 =	seq.s32 s5, $0x0;
	s5 =	sld [smem:$0x3FA6]  }
0x2b: {  	s6 =	sld [smem:$0x3FA7]  }
0x2c: {  	s7 =	sld [smem:$0x3FA8]  }
0x2d: {  	s3 =	simm.s32 $0x108;
	s8 =	sld [smem:$0x3FA9]  }
0x2e: {  	s3 =	simm.s32 @!p0 $0x1082;
	s9 =	sld [smem:$0x3FAA]  }
0x2f: {  	lr =	sadd.s32 s0, s3;
	s0 =	sld [smem:$0x3FA1]  }
0x30: {  	s3 =	sld [smem:$0x3FA4]  }
0x31: {  	[smem:$0x3FAD] =	sst s10  }
0x32: {  	s10 =	sld [smem:$0x3FAB];
	_ =	sdelay $0x3  }
0x33: {  	p0 =	seq.s32 s10, $0x1;
	s10 =	sld [smem:$0x3FAD];
	_ =	sdelay $0x3  }
0x34: {  	[smem:$0x3FAD] =	sst s10  }
0x35: {  	s10 =	sld [smem:$0x3FAC];
	_ =	sdelay $0x3  }
0x36: {  	p1 =	seq.s32 s10, $0x1;
	s10 =	sld [smem:$0x3FAD];
	_ =	sdelay $0x3  }
0x37: {  	[smem:$0x3FAD] =	sst s10  }
0x38: {  	s10 =	sld [smem:$0x3FAE]  }
0x39: {  	_ = 	snop;
	(pc) =	sbr.ind lr, $3  }
0x3a: {  	_ = 	snop  }
0x3b: {  	_ = 	snop  }
0x3c: {  	p2 =	seq.s32 s10, $0x1;
	s10 =	sld [smem:$0x3FAD]  }
0x3d: {  	_ =	shalt  }
0x3e: {  	_ =	shalt  }
0x3f: {  	_ =	shalt  }
0x40: {  	_ =	shalt  }
0x41: {  	_ =	shalt  }
0x42: {  	_ =	shalt  }
0x43: {  	_ =	shalt  }
0x44: {  	_ =	shalt  }
0x45: {  	_ =	shalt  }
0x46: {  	_ =	shalt  }
0x47: {  	_ =	shalt  }
0x48: {  	_ =	shalt  }
0x49: {  	_ =	shalt  }
0x4a: {  	_ =	shalt  }
0x4b: {  	_ =	shalt  }
0x4c: {  	_ =	shalt  }
0x4d: {  	_ =	shalt  }
0x4e: {  	_ =	shalt  }
0x4f: {  	_ =	shalt  }
0x50: {  	_ =	shalt  }
0x51: {  	_ =	shalt  }
0x52: {  	_ =	shalt  }
0x53: {  	_ =	shalt  }
0x54: {  	_ =	shalt  }
0x55: {  	_ =	shalt  }
0x56: {  	_ =	shalt  }
0x57: {  	_ =	shalt  }
0x58: {  	_ =	shalt  }
0x59: {  	_ =	shalt  }
0x5a: {  	_ =	shalt  }
0x5b: {  	_ =	shalt  }
0x5c: {  	_ =	shalt  }
0x5d: {  	_ =	shalt  }
0x5e: {  	_ =	shalt  }
0x5f: {  	_ =	shalt  }
0x60: {  	_ =	shalt  }
0x61: {  	_ =	shalt  }
0x62: {  	_ =	shalt  }
0x63: {  	_ =	shalt  }
0x64: {  	_ =	shalt  }
0x65: {  	_ =	shalt  }
0x66: {  	_ =	shalt  }
0x67: {  	_ =	shalt  }
0x68: {  	_ =	shalt  }
0x69: {  	_ =	shalt  }
0x6a: {  	_ =	shalt  }
0x6b: {  	_ =	shalt  }
0x6c: {  	_ =	shalt  }
0x6d: {  	_ =	shalt  }
0x6e: {  	_ =	shalt  }
0x6f: {  	_ =	shalt  }
0x70: {  	_ =	shalt  }
0x71: {  	_ =	shalt  }
0x72: {  	_ =	shalt  }
0x73: {  	_ =	shalt  }
0x74: {  	_ =	shalt  }
0x75: {  	_ =	shalt  }
0x76: {  	_ =	shalt  }
0x77: {  	_ =	shalt  }
0x78: {  	_ =	shalt  }
0x79: {  	_ =	shalt  }
0x7a: {  	_ =	shalt  }
0x7b: {  	_ =	shalt  }
0x7c: {  	_ =	shalt  }
0x7d: {  	_ =	shalt  }
0x7e: {  	_ =	shalt  }
0x7f: {  	_ =	shalt  }
0x80: {  	_ =	shalt  }
0x81: {  	_ =	shalt  }
0x82: {  	_ =	shalt  }
0x83: {  	_ =	shalt  }
0x84: {  	_ =	shalt  }
0x85: {  	_ =	shalt  }
0x86: {  	_ =	shalt  }
0x87: {  	_ =	shalt  }
.Lfunc_end0:
.L_simem_size_0:
called_computation_lowered:
.L_overlay_start_0:
0x88: {  	s2 =	sld [smem:$0x3FD9]  }
0x89: {  	s3 =	sld [smem:$0x3FFE];
	_ =	sdelay $0x1  }
0x8a: {  	s1 =	srdreg.scid  }
0x8b: {  	s0 =	sand.u32 $0x1, s1  }
0x8c: {  	s16 =	sshll.u32 s0, $0xA;
	s2 =	sadd.s32 s3, s2  }
0x8d: {  	s2 =	sadd.s32 s2, s16  }
0x8e: {  	[smem:$0x3FB9] =	sst s2  }
0x8f: {  	_ = 	snop  }
0x90: {  	(tm) =	ssettm $0x1  }
0x91: {  	s17 =	sld [smem:$0x3FFB];
	_ =	sdelay $0x3  }
0x92: {  	_ =	strace s17  }
0x93: {  	s2 =	sld [smem:$0x3FFC];
	_ =	sdelay $0x3  }
0x94: {  	_ =	strace s2  }
0x95: {  	s2 =	sld [smem:$0x3FFD];
	_ =	sdelay $0x3  }
0x96: {  	_ =	strace s2  }
0x97: {  	_ =	strace $0x8FFFFFFF  }
0x98: {  	s18 =	sld [smem:$0x3FDB];
	_ =	sdelay $0x1  }
0x99: {  	s19 =	simm.s32 $_scs_section_size  }
0x9a: {  	s4 =	simm.s32 $_size__tile_overlayer_lowered;
	s5 =	simm.s32 $_tile_overlayer_lowered  }
0x9b: {  	s22 =	simm.s32 $0x1BFF;
	s21 =	sshll.u32 s5, $0x1;
	s2 =	sadd.s32 s19, s18  }
0x9c: {  	s6 =	simm.s32 $0x0;
	s20 =	sshll.u32 s4, $0x1;
	s4 =	sadd.s32 s21, s2  }
0x9d: {  	[timem:s6], [sflag:s22] =	dma.local [hbm:s4], s20  }
0x9e: {  	_ =	swait.ge [sflag:s22], s20  }
0x9f: {  	s3 =	ssub.s32 $0x0, s20;
	[sflag:s22] =	ssyncset.done $0x0  }
0xa0: {  	[sflag:s22] =	ssyncadd.s32 s3;
	_ =	sdelay $0x1  }
0xa1: {  	s23 =	simm.s32 $0x1B8B  }
0xa2: {  	_ =	swait.ge [sflag:s23], $0x1  }
0xa3: {  	[sflag:s23] =	ssyncset.done $0x0  }
0xa4: {  	s25 =	simm.s32 $0x1B8E;
	s24 =	sld [smem:$0x3FFE];
	[sflag:s23] =	ssyncadd.s32 $0xFFFFFFFF  }
0xa5: {  	s26 =	simm.s32 $execute0_lowered;
	[smem:$0x3FD2] =	sst s25  }
0xa6: {  	s4 =	sshll.u32 s26, $0x1;
	_ =	strace $0x80000046;
	[dreg:$0x1] =	wrdreg $0xFFFFFFFF  }
0xa7: {  	s28 =	simm.s32 $_size_execute0_lowered;
	s2 =	sadd.s32 s2, s4;
	[dreg:$0x0] =	wrdreg $0x0  }
0xa8: {  	s4 =	sshll.u32 s28, $0x1;
	[dreg:$0x2] =	wrdreg s2  }
0xa9: {  	[dreg:$0x3] =	wrdreg s4  }
0xaa: {  	[dreg:$0x4] =	wrdreg $0xC0  }
0xab: {  	_ =	task [dreg:s6], $0x5FFFF  }
0xac: {  	[dreg:$0x1] =	wrdreg $0xFFFFFFFF  }
0xad: {  	[dreg:$0x0] =	wrdreg $0x60  }
0xae: {  	[dreg:$0x2] =	wrdreg s24  }
0xaf: {  	[dreg:$0x3] =	wrdreg $0x30000  }
0xb0: {  	[dreg:$0x4] =	wrdreg $0x9  }
0xb1: {  	_ =	task.clear_ibuf [dreg:s6], $0x5FFFF;
	_ =	strace $0x90000046  }
0xb2: {  	s29 =	simm.s32 $0x9;
	_ =	strace $0x80000048  }
0xb3: {  	_ =	swait.ge [sflag:s29], $0x1  }
0xb4: {  	[sflag:s29] =	ssyncadd.s32 $0xFFFFFFFF  }
0xb5: {  	_ =	strace $0x90000048  }
0xb6: {  	_ =	sfence  }
0xb7: {  	s30 =	sld [smem:$0x0];
	_ =	sdelay $0x2  }
0xb8: {  	s31 =	sshll.u32 s1, $0xD;
	s1 =	sshrl.u32 s1, $0x2  }
0xb9: {  	s3 =	sand.u32 $0x4000, s31;
	s1 =	sadd.s32 s1, s30  }
0xba: {  	s0 =	sor.u32 s3, s0;
	s1 =	sshll.u32 s1, $0x11  }
0xbb: {  	s0 =	sor.u32 s1, s0  }
0xbc: {  	s0 =	sadd.s32 $0x8F2B, s0  }
0xbd: {  	[sflag:s0] =	ssyncadd.remote.s32 $0x1  }
0xbe: {  	_ =	sfence.sel $0xFFFF  }
0xbf: {  	[dreg:$0x0] =	wrdreg $0xFFFFFFFF;
	(pc) =	sbr.abs _section_cstart, $3  }
0xc0: {  	[dreg:$0x1] =	wrdreg $0xFFFFFFFF  }
0xc1: {  	_ =	task.clear_ibuf [dreg:s6], $0x2FFFF;
	_ =	strace $0x9FFFFFFF  }
0xc2: {  	(tm) =	ssettm $0x7FFFFFFF  }
0xc3: {  	_ =	shalt  }
tec
execute0_lowered:
.L_overlay_start_1:
0x0: {  	(tag) =	ssettag $0x1  }
0x1: {  	s5 =	rddreg [dreg:$0x0]  }
0x2: {  	s2 =	rddreg [dreg:$0x1]  }
0x3: {  	s0 =	rddreg [dreg:$0x2];
	s3 =	simm.s32 $0x0  }
0x4: {  	s1 =	stileid.u32;
	s4 =	srdreg.scid;
	s13 =	simm.s32 $0x80  }
0x5: {  	s14 =	simm.s32 $0x100;
	s15 =	simm.s32 $0x180;
	s16 =	simm.s32 $0x1  }
0x6: {  	s17 =	simm.s32 $0x2;
	s18 =	simm.s32 $0x3;
	s19 =	simm.s32 $0x4  }
0x7: {  	s20 =	simm.s32 $0x0;
	[smem:$0x7FF] =	sst s3;
	s6 =	smul.u32 $0x2800, s1  }
0x8: {  	s7 =	sand.u32 $0x1, s4;
	s29 =	sshll.u32 s1, $0x1;
	s4 =	sadd.s32 $0x1BE00, s5  }
0x9: {  	s31 =	sshll.u32 s1, $0x6;
	_ =	strace $0x80000047;
	s8 =	smul.u32 $0x28000, s7  }
0xa: {  	s9 =	sor.u32 s7, s29;
	s7 =	ssub.s32 $0x2, s7;
	s10 =	sshrl.u32 s6, $0x3  }
0xb: {  	s9 =	smul.u32 $0x2800, s9;
	s11 =	sshrl.u32 s7, $0x1;
	s12 =	sadd.s32 s6, s2  }
0xc: {  	s10 =	sadd.s32 s10, s5;
	s8 =	sadd.s32 s6, s8;
	s11 =	ssub.s32 s7, s11  }
0xd: {  	s12 =	sshrl.u32 s12, $0x3;
	s8 =	sshrl.u32 s8, $0x3;
	s9 =	sshrl.u32 s9, $0x3  }
0xe: {  	s8 =	sadd.s32 s8, s5;
	s30 =	sadd.s32 s5, s9;
	s5 =	sadd.s32 $0x16E00, s10  }
0xf: {  	s9 =	simm.s32 $0x2800;
	s10 =	simm.s32 $0x5;
	s6 =	sadd.s32 $0xCE00, s30  }
0x10: {  	s7 =	sadd.s32 $0x1C000, s8;
	s8 =	smax.u32 s11, $0x1;
	s11 =	sor.u32 $0x1C05, s31  }
.LBB2_1:
0x11: {  	[tilespmem:s9], [sflag:$0x5] =	stream.linear.gather [hbm4b:s4+s3], $0x800, $0x38;
	[tilespmem:$0x5800] =	vst v63  }
0x12: {  	_ =	swait.ge [sflag:s10], $0x800  }
0x13: {  	[sflag:s10] =	ssyncset.done $0x0  }
0x14: {  	[sflag:s10] =	ssyncadd.s32 $0xFFFFF800  }
0x15: {  	[spmem:s12], [sflag:s11] =	dma.local [hbm:s5], $0x500  }
0x16: {  	_ =	swait.ge [sflag:s10], $0x500  }
0x17: {  	[sflag:s10] =	ssyncset.done $0x0  }
0x18: {  	[sflag:s10] =	ssyncadd.s32 $0xFFFFFB00  }
0x19: {  	[bflag:$0x0] =	sbarrier.arrive $0xFFFF  }
0x1a: {  	[tilespmem:s3], [sflag:$0x5] =	stream.linear.gather [hbm4b:s6+s3], $0x2800, $0x38;
	[tilespmem:$0x5800] =	vst v63  }
0x1b: {  	_ =	swait.ge [sflag:s10], $0x2800  }
0x1c: {  	[sflag:s10] =	ssyncset.done $0x0  }
0x1d: {  	[sflag:s10] =	ssyncadd.s32 $0xFFFFD800  }
0x1e: {  	[spmem:s2] =	stream.indirect.scatter.add.f32 [tilespmem:s9], [sflag:$0x1], $0x10, s3, s13, $0xb8;
	[tilespmem:$0x5800] =	vst v63  }
0x1f: {  	_ = 	snop  }
0x20: {  	[spmem:s2] =	stream.indirect.scatter.add.f32 [tilespmem:s9], [sflag:$0x2], $0x10, s13, s13, $0xb8;
	[tilespmem:$0x5800] =	vst v63  }
0x21: {  	_ = 	snop  }
0x22: {  	[spmem:s2] =	stream.indirect.scatter.add.f32 [tilespmem:s9], [sflag:$0x3], $0x10, s14, s13, $0xb8;
	[tilespmem:$0x5800] =	vst v63  }
0x23: {  	_ = 	snop  }
0x24: {  	[spmem:s2] =	stream.indirect.scatter.add.f32 [tilespmem:s9], [sflag:$0x4], $0x10, s15, s13, $0xb8;
	[tilespmem:$0x5800] =	vst v63  }
0x25: {  	_ =	swait.ge [sflag:s16], $0x800  }
0x26: {  	[sflag:s16] =	ssyncset.done $0x0  }
0x27: {  	s21 =	simm.s32 $0x200;
	[sflag:s16] =	ssyncadd.s32 $0xFFFFF800  }
0x28: {  	[spmem:s2] =	stream.indirect.scatter.add.f32 [tilespmem:s9], [sflag:$0x1], $0x10, s21, s13, $0xb8;
	[tilespmem:$0x5800] =	vst v63  }
0x29: {  	_ =	swait.ge [sflag:s17], $0x800  }
0x2a: {  	[sflag:s17] =	ssyncset.done $0x0  }
0x2b: {  	s30 =	simm.s32 $0x280;
	[sflag:s17] =	ssyncadd.s32 $0xFFFFF800  }
0x2c: {  	[spmem:s2] =	stream.indirect.scatter.add.f32 [tilespmem:s9], [sflag:$0x2], $0x10, s30, s13, $0xb8;
	[tilespmem:$0x5800] =	vst v63  }
0x2d: {  	_ =	swait.ge [sflag:s18], $0x800  }
0x2e: {  	[sflag:s18] =	ssyncset.done $0x0  }
0x2f: {  	s31 =	simm.s32 $0x300;
	[sflag:s18] =	ssyncadd.s32 $0xFFFFF800  }
0x30: {  	[spmem:s2] =	stream.indirect.scatter.add.f32 [tilespmem:s9], [sflag:$0x3], $0x10, s31, s13, $0xb8;
	[tilespmem:$0x5800] =	vst v63  }
0x31: {  	_ =	swait.ge [sflag:s19], $0x800  }
0x32: {  	[sflag:s19] =	ssyncset.done $0x0  }
0x33: {  	s22 =	simm.s32 $0x380;
	s21 =	simm.s32 $0xFFFF7000;
	[sflag:s19] =	ssyncadd.s32 $0xFFFFF800  }
.LBB2_2:
0x34: {  	[spmem:s2] =	stream.indirect.scatter.add.f32 [tilespmem:s9], [sflag:$0x4], $0x10, s22, s13, $0xb8;
	[tilespmem:$0x5800] =	vst v63  }
0x35: {  	s22 =	smov.u32 s21  }
0x36: {  	p0 =	sne.s32 s21, $0xFFFFF800;
	s21 =	sadd.s32 $0x800, s21;
	_ =	swait.ge [sflag:s16], $0x800  }
0x37: {  	s22 =	sshra.s32 s22, $0x2;
	[sflag:s16] =	ssyncset.done $0x0  }
0x38: {  	s23 =	sadd.s32 $0x2800, s22;
	[sflag:s16] =	ssyncadd.s32 $0xFFFFF800  }
0x39: {  	[spmem:s2] =	stream.indirect.scatter.add.f32 [tilespmem:s9], [sflag:$0x1], $0x10, s23, s13, $0xb8;
	[tilespmem:$0x5800] =	vst v63  }
0x3a: {  	_ =	swait.ge [sflag:s17], $0x800  }
0x3b: {  	[sflag:s17] =	ssyncset.done $0x0  }
0x3c: {  	s23 =	sadd.s32 $0x2880, s22;
	[sflag:s17] =	ssyncadd.s32 $0xFFFFF800  }
0x3d: {  	[spmem:s2] =	stream.indirect.scatter.add.f32 [tilespmem:s9], [sflag:$0x2], $0x10, s23, s13, $0xb8;
	[tilespmem:$0x5800] =	vst v63  }
0x3e: {  	_ =	swait.ge [sflag:s18], $0x800  }
0x3f: {  	[sflag:s18] =	ssyncset.done $0x0  }
.Ltmp0:
0x40: {  	s23 =	sadd.s32 $0x2900, s22;
	[sflag:s18] =	ssyncadd.s32 $0xFFFFF800;
	(pc) =	sbr.rel @p0 .LBB2_2-.Ltmp0, $4  }
0x41: {  	[spmem:s2] =	stream.indirect.scatter.add.f32 [tilespmem:s9], [sflag:$0x3], $0x10, s23, s13, $0xb8;
	[tilespmem:$0x5800] =	vst v63  }
0x42: {  	_ =	swait.ge [sflag:s19], $0x800  }
0x43: {  	[sflag:s19] =	ssyncset.done $0x0  }
0x44: {  	s22 =	sadd.s32 $0x2980, s22;
	[sflag:s19] =	ssyncadd.s32 $0xFFFFF800  }
0x45: {  	[spmem:s2] =	stream.indirect.scatter.add.f32 [tilespmem:s9], [sflag:$0x4], $0x10, s22, s13, $0xb8;
	[tilespmem:$0x5800] =	vst v63  }
0x46: {  	_ =	swait.ge [sflag:s16], $0x800  }
0x47: {  	[sflag:s16] =	ssyncset.done $0x0  }
0x48: {  	[sflag:s16] =	ssyncadd.s32 $0xFFFFF800  }
0x49: {  	_ =	swait.ge [sflag:s17], $0x800  }
0x4a: {  	[sflag:s17] =	ssyncset.done $0x0  }
0x4b: {  	[sflag:s17] =	ssyncadd.s32 $0xFFFFF800  }
0x4c: {  	_ =	swait.ge [sflag:s18], $0x800  }
0x4d: {  	[sflag:s18] =	ssyncset.done $0x0  }
0x4e: {  	[sflag:s18] =	ssyncadd.s32 $0xFFFFF800  }
0x4f: {  	_ =	swait.ge [sflag:s19], $0x800  }
0x50: {  	s20 =	sadd.s32 $0x1, s20;
	[sflag:s19] =	ssyncset.done $0x0  }
0x51: {  	p0 =	sne.s32 s20, s8;
	[sflag:s19] =	ssyncadd.s32 $0xFFFFF800  }
.Ltmp1:
0x52: {  	[bflag:$0x0] =	sbarrier.arrive $0xFFFF;
	(pc) =	sbr.rel @p0 .LBB2_1-.Ltmp1, $4  }
0x53: {  	[hbm:s7], [sflag:s11] =	dma.local [spmem:s12], $0x500  }
0x54: {  	_ =	swait.ge [sflag:s10], $0x500  }
0x55: {  	[sflag:s10] =	ssyncset.done $0x0  }
0x56: {  	[sflag:s10] =	ssyncadd.s32 $0xFFFFFB00  }
0x57: {  	_ =	sfence.sel $0x180000  }
0x58: {  	[bflag:$0x0] =	sbarrier.arrive $0xFFFF  }
0x59: {  	p0 =	sne.s32 s1, $0x0;
	_ =	strace $0x90000047  }
0x5a: {  	s0 =	sadd.s32 @!p0 $0x100000, s0;
	[bflag:$0x2] =	sbarrier.arrive $0xFFFF  }
0x5b: {  	[sflag:s0] =	ssyncadd.tile.s32 @!p0 $0x1;
	_ =	shalt  }
.Lfunc_end2:
_tile_overlayer_lowered:
.L_overlay_start_2:
0x5c: {  	(tag) =	ssettag $0x2  }
0x5d: {  	s0 =	rddreg [dreg:$0x0];
	s2 =	stileid.u32  }
0x5e: {  	s1 =	rddreg [dreg:$0x1];
	p0 =	sne.s32 s2, $0x0  }
0x5f: {  	s3 =	rddreg [dreg:$0x2];
	[bflag:$0x3] =	sbarrier.arrive $0xFFFF;
	s2 =	simm.s32 @!p0 $0x1C05  }
0x60: {  	[timem:s3], [sflag:s2] =	dma.local @!p0 [hbm:s0], s1  }
0x61: {  	s0 =	simm.s32 @!p0 $0x5  }
0x62: {  	_ =	swait.ge @!p0 [sflag:s0], s1  }
0x63: {  	s1 =	ssub.s32 @!p0 $0x0, s1;
	[sflag:s0] =	ssyncset.done @!p0 $0x0  }
0x64: {  	[sflag:s0] =	ssyncadd.s32 @!p0 s1  }
0x65: {  	[bflag:$0x3] =	sbarrier.arrive $0xFFFF  }
0x66: {  	_ =	shalt  }

</sc_bundles>
